<compile_context>
chip_gen: v7x
topology: tpu7x:2x2x1
jax: 0.10.2.dev20260603
libtpu: 0.0.44.dev20260713+nightly
codegen_flags: <defaults>
</compile_context>

<pallas_src>
import functools
import math

import jax
import jax.numpy as jnp
from jax import lax
from jax.experimental import pallas as pl
from jax.experimental.pallas import tpu as pltpu
from jax.experimental.pallas import tpu_sc as plsc

NC, NS, LANES = 2, 16, 16
NW = NC * NS
CH = 128
ZR = 32


def _rpad(r, sck):
    q = CH * NW * sck
    return ((r + q - 1) // q) * q


def _nacc(n):
    q = NS * ZR
    return ((n + 1 + q - 1) // q) * q


def _blockdiag(w, rep):
    cin, cout = w.shape
    eye = jnp.eye(rep, dtype=w.dtype)
    return (eye[:, None, :, None] * w[None, :, None, :]).reshape(
        rep * cin, rep * cout
    )



def _tc_matmul(x, w, b2d):
    def body(x_ref, w_ref, b_ref, o_ref):
        o_ref[...] = (
            jnp.dot(x_ref[...], w_ref[...], preferred_element_type=jnp.float32)
            + b_ref[...]
        )
    return pl.pallas_call(
        body,
        out_shape=jax.ShapeDtypeStruct((x.shape[0], w.shape[1]), jnp.float32),
    )(x, w, b2d)


def _tc_combine_matmul(parts, b_in2d, w, b2d):
    def body(p_ref, bi_ref, w_ref, b_ref, o_ref):
        h = jnp.maximum(p_ref[0] + p_ref[1] + bi_ref[...], 0.0)
        o_ref[...] = (
            jnp.dot(h, w_ref[...], preferred_element_type=jnp.float32) + b_ref[...]
        )
    return pl.pallas_call(
        body,
        out_shape=jax.ShapeDtypeStruct((parts.shape[1], w.shape[1]), jnp.float32),
    )(parts, b_in2d, w, b2d)


def _tc_edge_matmul(gp, wbd, ep, rp_rows):
    kc, cw, _ = wbd.shape

    def body(g_ref, w_ref, o_ref):
        o_ref[...] = jnp.dot(
            g_ref[...], w_ref[0], preferred_element_type=jnp.float32
        )

    return pl.pallas_call(
        body,
        grid=(kc,),
        in_specs=[
            pl.BlockSpec((ep, cw), lambda k: (k, 0)),
            pl.BlockSpec((1, cw, 128), lambda k: (k, 0, 0)),
        ],
        out_specs=pl.BlockSpec((ep, 128), lambda k: (k, 0)),
        out_shape=jax.ShapeDtypeStruct((rp_rows, 128), jnp.float32),
    )(gp, wbd)


def _tc_final_combine(parts_r, btile):
    def body(p_ref, b_ref, o_ref):
        o_ref[...] = p_ref[0] + p_ref[1] + b_ref[...]
    return pl.pallas_call(
        body,
        out_shape=jax.ShapeDtypeStruct(parts_r.shape[1:], jnp.float32),
    )(parts_r, btile)



def _sc_gather(children, src_flat, prune, n_chunks_w, sck, stage=False):
    r_pad = src_flat.shape[0]
    rows8n = children.shape[0]
    c = children.shape[1]
    m = prune.shape[0]
    mesh = plsc.VectorSubcoreMesh(core_axis_name="c", subcore_axis_name="s")
    st_rows = stage if stage else 0
    shared_types = (
        [pltpu.VMEM_SHARED((st_rows, c), jnp.float32)] if stage else []
    )

    @functools.partial(
        pl.kernel,
        out_type=jax.ShapeDtypeStruct((r_pad, c), jnp.float32),
        mesh=mesh,
        scratch_types=[
            pltpu.VMEM((m,), jnp.int32),
            pltpu.VMEM((sck * CH,), jnp.int32),
            pltpu.VMEM((sck, CH), jnp.int32),
            pltpu.VMEM((sck * CH, c), jnp.float32),
        ] + shared_types + [pltpu.SemaphoreType.DMA] * sck,
        compiler_params=pltpu.CompilerParams(needs_layout_passes=False, use_tc_tiling_on_sc=False),
    )
    def kfn(ch_hbm, src_hbm, prune_hbm, g_hbm, prune_v, src_v, cidx_v, rows_v,
            *shared_and_sems):
        if stage:
            table = shared_and_sems[0]
            sems = shared_and_sems[1:]
        else:
            table = ch_hbm
            sems = shared_and_sems
        cid = lax.axis_index("c")
        sid = lax.axis_index("s")
        wid = sid * NC + cid
        r0w = wid * n_chunks_w * CH
        pltpu.sync_copy(prune_hbm, prune_v)
        if stage:
            nst = st_rows // NS
            pltpu.sync_copy(
                ch_hbm.at[pl.ds(sid * nst, nst)], table.at[pl.ds(sid * nst, nst)]
            )
            plsc.subcore_barrier()

        def body(i, carry):
            base = r0w + i * (sck * CH)
            pltpu.sync_copy(src_hbm.at[pl.ds(base, sck * CH)], src_v)
            for j in range(sck):
                for l in range(CH // LANES):
                    idx = src_v[pl.ds(j * CH + l * LANES, LANES)]
                    cidx_v[j, pl.ds(l * LANES, LANES)] = plsc.load_gather(
                        prune_v, [idx]
                    )
            descs = [
                pltpu.async_copy(
                    table.at[cidx_v.at[j]],
                    rows_v.at[pl.ds(j * CH, CH)],
                    sems[j],
                )
                for j in range(sck)
            ]
            for d in descs:
                d.wait()
            pltpu.sync_copy(rows_v, g_hbm.at[pl.ds(base, sck * CH)])
            return carry

        lax.fori_loop(0, n_chunks_w // sck, body, 0)

    return kfn(children, src_flat, prune)


def _sc_scatter(m_rows, dst_chunks, n_out, n_chunks_w, sck):
    cp = m_rows.shape[1]
    n_acc = _nacc(n_out)
    nz = n_acc // NS
    nzc = nz // ZR
    mesh = plsc.VectorSubcoreMesh(core_axis_name="c", subcore_axis_name="s")

    @functools.partial(
        pl.kernel,
        out_type=jax.ShapeDtypeStruct((NC, n_acc, cp), jnp.float32),
        mesh=mesh,
        scratch_types=[
            pltpu.VMEM((sck * CH, cp), jnp.float32),
            pltpu.VMEM((sck, CH), jnp.int32),
            pltpu.VMEM((ZR, cp), jnp.float32),
            pltpu.VMEM_SHARED((n_acc, cp), jnp.float32),
        ] + [pltpu.SemaphoreType.DMA] * sck,
        compiler_params=pltpu.CompilerParams(needs_layout_passes=False, use_tc_tiling_on_sc=False),
    )
    def kfn(m_hbm, dst_hbm, out_hbm, rows_v, dst_v, zero_v, acc, *sems):
        cid = lax.axis_index("c")
        sid = lax.axis_index("s")
        wid = sid * NC + cid
        c0w = wid * n_chunks_w

        def zfill(i, carry):
            def zlane(j, carry2):
                zero_v[i, pl.ds(j * LANES, LANES)] = jnp.zeros(
                    (LANES,), jnp.float32
                )
                return carry2
            lax.fori_loop(0, cp // LANES, zlane, 0)
            return carry

        lax.fori_loop(0, ZR, zfill, 0)

        def zacc(i, carry):
            pltpu.sync_copy(zero_v, acc.at[pl.ds(sid * nz + i * ZR, ZR)])
            return carry

        lax.fori_loop(0, nzc, zacc, 0)
        plsc.subcore_barrier()

        def body(i, carry):
            base = c0w + i * sck
            pltpu.sync_copy(m_hbm.at[pl.ds(base * CH, sck * CH)], rows_v)
            pltpu.sync_copy(dst_hbm.at[pl.ds(base, sck)], dst_v)
            descs = [
                pltpu.async_copy(
                    rows_v.at[pl.ds(j * CH, CH)],
                    acc.at[dst_v.at[j]],
                    sems[j],
                    add=True,
                )
                for j in range(sck)
            ]
            for d in descs:
                d.wait()
            return carry

        lax.fori_loop(0, n_chunks_w // sck, body, 0)
        plsc.subcore_barrier()
        pltpu.sync_copy(
            acc.at[pl.ds(sid * nz, nz)], out_hbm.at[cid].at[pl.ds(sid * nz, nz)]
        )

    return kfn(m_rows, dst_chunks)



def _conv_level(children, prune, src, dst, w_blk, n_out, sck_g, sck_s,
                stage=0):
    kc, e = src.shape
    c = children.shape[1]
    cout = w_blk.shape[-1]
    sck_lcm = sck_g * sck_s // math.gcd(sck_g, sck_s)
    r = kc * e
    r_pad = _rpad(r, sck_lcm)
    n_chunks_w = r_pad // (CH * NW)
    nch = r_pad // CH

    srcf = jnp.pad(src.reshape(r), (0, r_pad - r))
    dstf = jnp.pad(dst.reshape(r), (0, r_pad - r), constant_values=n_out)

    g = _sc_gather(children, srcf, prune, n_chunks_w, sck_g, stage)

    pk = 128 // cout
    cw = pk * c
    wbd = jnp.stack([_blockdiag(w_blk[k], pk) for k in range(kc)])
    m_packed = _tc_edge_matmul(
        g.reshape(r_pad // pk, cw), wbd, e // pk, r_pad // pk
    )

    return _sc_scatter(
        m_packed.reshape(r_pad, cout), dstf.reshape(nch, CH), n_out,
        n_chunks_w, sck_s,
    )


def kernel(x, W_up1, b_up1, W_blk1, b_blk1, W_up2, b_up2, W_blk2, b_blk2,
           W_up3, b_up3, W_blk3, b_blk3, prune1_idx, prune2_idx, prune3_idx,
           src1, dst1, src2, dst2, src3, dst3):
    kup = W_up1.shape[0]

    def upw(w):
        return jnp.transpose(w, (1, 0, 2)).reshape(w.shape[1], -1)

    def upb(b):
        return jnp.tile(b, (kup,)).reshape(1, -1)

    n2, n1, n0 = prune1_idx.shape[0], prune2_idx.shape[0], prune3_idx.shape[0]

    ch1 = _tc_matmul(x, upw(W_up1), upb(b_up1))
    ch1 = ch1.reshape(-1, W_up1.shape[-1])
    p1 = _conv_level(ch1, prune1_idx, src1, dst1, W_blk1, n2, 4, 4,
                     stage=ch1.shape[0])

    ch2 = _tc_combine_matmul(
        p1, b_blk1.reshape(1, -1), upw(W_up2), upb(b_up2)
    )
    ch2 = ch2.reshape(-1, W_up2.shape[-1])
    p2 = _conv_level(ch2, prune2_idx, src2, dst2, W_blk2, n1, 1, 4,
                     stage=25088)

    n_acc1 = p2.shape[1]
    c2 = W_up3.shape[1]
    p2pk = p2.reshape(NC, n_acc1 // 2, 2 * c2)
    bi2 = jnp.tile(b_blk2, (2,)).reshape(1, -1)
    w3bd = _blockdiag(upw(W_up3), 2)
    b3t = jnp.tile(jnp.tile(b_up3, (kup,)), (2,)).reshape(1, -1)
    ch3 = _tc_combine_matmul(p2pk, bi2, w3bd, b3t)
    ch3 = ch3.reshape(-1, W_up3.shape[-1])

    cout = W_blk3.shape[-1]
    cpad = LANES
    w3p = jnp.pad(W_blk3, ((0, 0), (0, 0), (0, cpad - cout)))
    p3 = _conv_level(ch3, prune3_idx, src3, dst3, w3p, n0, 16, 16)

    n_acc0 = p3.shape[1]
    parts_r = p3.reshape(NC, n_acc0 * cpad // 128, 128)
    b3tile = jnp.tile(jnp.pad(b_blk3, (0, cpad - cout)), (128 // cpad,)).reshape(1, 128)
    outr = _tc_final_combine(parts_r, b3tile)
    return outr.reshape(n_acc0, cpad)[:n0, :cout]

# --- scband reference (transcript-rebuilt; emitter-appended) ---
"""Pipeline reference for scband-sparse-synthesis-transform-37666863186107 (READ-ONLY COPY).

The authoritative reference and input builder live on the scoring server;
editing this copy changes nothing except your own understanding.
"""

import jax, jax.numpy as jnp
import numpy as np

# Level sizes: latent N3P -> up/prune -> N2P -> N1P -> N0P (finest, original geometry)
N3P, N2P, N1P, N0P = 800, 3125, 12500, 50000
C3, C2, C1, COUT = 128, 64, 32, 3
KUP, KC = 8, 27  # generative transpose children per parent; 3^3 kernel offsets for stride-1 conv
E2, E1, E0 = 1600, 6400, 25600  # edges per kernel offset at each level


def _w(k, shape):
    fan = shape[0] * shape[1] if len(shape) == 3 else shape[0]
    return jax.random.normal(k, shape, jnp.float32) / np.sqrt(fan)


def setup_inputs(seed: int = 0):
    key = jax.random.key(seed)
    ks = jax.random.split(key, 32)
    inp = {}
    inp['x'] = jax.random.normal(ks[0], (N3P, C3), jnp.float32)
    inp['W_up1'] = _w(ks[1], (KUP, C3, C3)); inp['b_up1'] = 0.01 * jax.random.normal(ks[2], (C3,), jnp.float32)
    inp['W_blk1'] = _w(ks[3], (KC, C3, C3)); inp['b_blk1'] = 0.01 * jax.random.normal(ks[4], (C3,), jnp.float32)
    inp['W_up2'] = _w(ks[5], (KUP, C3, C2)); inp['b_up2'] = 0.01 * jax.random.normal(ks[6], (C2,), jnp.float32)
    inp['W_blk2'] = _w(ks[7], (KC, C2, C2)); inp['b_blk2'] = 0.01 * jax.random.normal(ks[8], (C2,), jnp.float32)
    inp['W_up3'] = _w(ks[9], (KUP, C2, C1)); inp['b_up3'] = 0.01 * jax.random.normal(ks[10], (C1,), jnp.float32)
    inp['W_blk3'] = _w(ks[11], (KC, C1, COUT)); inp['b_blk3'] = 0.01 * jax.random.normal(ks[12], (COUT,), jnp.float32)
    # Pruning maps (coordinate-hash isin match precomputed as gather indices into children, sorted & unique)
    inp['prune1_idx'] = jnp.sort(jax.random.permutation(ks[13], KUP * N3P)[:N2P]).astype(jnp.int32)
    inp['prune2_idx'] = jnp.sort(jax.random.permutation(ks[14], KUP * N2P)[:N1P]).astype(jnp.int32)
    inp['prune3_idx'] = jnp.sort(jax.random.permutation(ks[15], KUP * N1P)[:N0P]).astype(jnp.int32)
    # Stride-1 conv kernel maps: (src, dst) pairs per kernel offset
    inp['src1'] = jax.random.randint(ks[16], (KC, E2), 0, N2P, jnp.int32)
    inp['dst1'] = jax.random.randint(ks[17], (KC, E2), 0, N2P, jnp.int32)
    inp['src2'] = jax.random.randint(ks[18], (KC, E1), 0, N1P, jnp.int32)
    inp['dst2'] = jax.random.randint(ks[19], (KC, E1), 0, N1P, jnp.int32)
    inp['src3'] = jax.random.randint(ks[20], (KC, E0), 0, N0P, jnp.int32)
    inp['dst3'] = jax.random.randint(ks[21], (KC, E0), 0, N0P, jnp.int32)
    return inp


def _upsample(feats, W, b):
    # MinkowskiGenerativeConvolutionTranspose(k=3, s=2): each parent emits KUP children,
    # child k gets feats @ W[k] + b. Children laid out parent-major.
    ch = jnp.einsum('nc,kcd->nkd', feats, W) + b
    return ch.reshape(-1, W.shape[-1])


def _conv(feats, W, b, src, dst):
    # MinkowskiConvolution(k=3, s=1) via gather -> per-offset matmul -> scatter-add
    out = jnp.zeros((feats.shape[0], W.shape[-1]), feats.dtype) + b
    for k in range(W.shape[0]):
        out = out.at[dst[k]].add(feats[src[k]] @ W[k])
    return out


def reference(x, W_up1, b_up1, W_blk1, b_blk1, W_up2, b_up2, W_blk2, b_blk2, W_up3, b_up3, W_blk3, b_blk3, prune1_idx, prune2_idx, prune3_idx, src1, dst1, src2, dst2, src3, dst3):
    h = _upsample(x, W_up1, b_up1)[prune1_idx]          # up_1 + prune to points_2
    h = jax.nn.relu(_conv(h, W_blk1, b_blk1, src1, dst1))  # block_1
    h = _upsample(h, W_up2, b_up2)[prune2_idx]          # up_2 + prune to points_1
    h = jax.nn.relu(_conv(h, W_blk2, b_blk2, src2, dst2))  # block_2
    h = _upsample(h, W_up3, b_up3)[prune3_idx]          # up_3 + prune to coords
    h = _conv(h, W_blk3, b_blk3, src3, dst3)            # block_3 (no ReLU)
    return h

if __name__ == "__main__":
    import jax
    _d = setup_inputs()
    print(jax.jit(kernel)(*tuple(_d.values())))

</pallas_src>

<mosaic_0001>
#map = affine_map<(d0, d1) -> (0, 0)>
#map1 = affine_map<(d0, d1) -> (0, 0, 0)>
module attributes {stable_mosaic.version = 14 : i64} {
  func.func @kfn(%arg0: i32, %arg1: i32, %arg2: memref<49152x128xf32, #tpu.memory_space<hbm>>, %arg3: memref<384x128xi32, #tpu.memory_space<hbm>>, %arg4: memref<2x3584x128xf32, #tpu.memory_space<hbm>>, %arg5: memref<512x128xf32, #tpu.memory_space<vmem>>, %arg6: memref<4x128xi32, #tpu.memory_space<vmem>>, %arg7: memref<32x128xf32, #tpu.memory_space<vmem>>, %arg8: memref<3584x128xf32, #tpu.memory_space<vmem_shared>>, %arg9: memref<!tpu.dma_semaphore, #tpu.memory_space<semaphore_mem>>, %arg10: memref<!tpu.dma_semaphore, #tpu.memory_space<semaphore_mem>>, %arg11: memref<!tpu.dma_semaphore, #tpu.memory_space<semaphore_mem>>, %arg12: memref<!tpu.dma_semaphore, #tpu.memory_space<semaphore_mem>>) attributes {dimension_semantics = [#tpu.dimension_semantics<core_parallel>, #tpu.dimension_semantics<subcore_parallel>], iteration_bounds = array<i64: 2, 16>, scalar_prefetch = 0 : i64, scratch_operands = 8 : i64, tpu.core_type = #tpu.core_type<sc_vector_subcore>, window_params = [{transform_indices = #map}, {transform_indices = #map}, {transform_indices = #map1}]} {
    %mul3A = arith.constant 2 : i32
    %mul3A_0 = arith.muli %arg1, %mul3A : i32
    %add3A = arith.addi %mul3A_0, %arg0 : i32
    %mul3A_1 = arith.constant 12 : i32
    %mul3A_2 = arith.muli %add3A, %mul3A_1 : i32
    %scan3A = arith.constant 0 : i32
    %scan3A_3 = arith.constant 0 : i32
    %scan3A_4 = arith.constant 32 : i32
    %scan3A_5 = arith.addi %scan3A_3, %scan3A_4 : i32
    %scan3A_6 = arith.constant 1 : i32
    scf.for %scan3A_25 = %scan3A_3 to %scan3A_5 step %scan3A_6  : i32 {
      %scan3A_26 = arith.constant 0 : i32
      %scan3A_27 = arith.constant 0 : i32
      %scan3A_28 = arith.constant 8 : i32
      %scan3A_29 = arith.addi %scan3A_27, %scan3A_28 : i32
      %scan3A_30 = arith.constant 1 : i32
      scf.for %scan3A_32 = %scan3A_27 to %scan3A_29 step %scan3A_30  : i32 {
        %broadcast_in_dim3A = arith.constant 0.000000e+00 : f32
        %broadcast_in_dim3A_33 = vector.broadcast %broadcast_in_dim3A : f32 to vector<16xf32>
        %mul3A_34 = arith.constant 16 : i32
        %mul3A_35 = arith.muli %scan3A_32, %mul3A_34 : i32
        %swap3A = arith.index_cast %scan3A_25 : i32 to index
        %swap3A_36 = arith.index_cast %mul3A_35 : i32 to index
        %swap3A_37 = tpu.vector_load %arg7[%swap3A, %swap3A_36] {strides = array<i32>} : memref<32x128xf32, #tpu.memory_space<vmem>>, vector<16xf32>,
        tpu.vector_store %arg7[%swap3A, %swap3A_36], %broadcast_in_dim3A_33 {strides = array<i32>} : memref<32x128xf32, #tpu.memory_space<vmem>>, vector<16xf32>,
      }
      %scan3A_31 = arith.constant 8 : i32
    }
    %scan3A_7 = arith.constant 32 : i32
    %scan3A_8 = arith.constant 0 : i32
    %scan3A_9 = arith.constant 0 : i32
    %scan3A_10 = arith.constant 7 : i32
    %scan3A_11 = arith.addi %scan3A_9, %scan3A_10 : i32
    %scan3A_12 = arith.constant 1 : i32
    scf.for %scan3A_25 = %scan3A_9 to %scan3A_11 step %scan3A_12  : i32 {
      %mul3A_26 = arith.constant 224 : i32
      %mul3A_27 = arith.muli %arg1, %mul3A_26 : i32
      %mul3A_28 = arith.constant 32 : i32
      %mul3A_29 = arith.muli %scan3A_25, %mul3A_28 : i32
      %add3A_30 = arith.addi %mul3A_27, %mul3A_29 : i32
      "tpu.region"() ({
        %run_scoped3A = tpu.sem_alloc : memref<!tpu.dma_semaphore, #tpu.memory_space<semaphore_mem>>
        %dma_start3A = arith.constant 0 : i32
        %dma_start3A_31 = tpu.memref_slice %arg8[%add3A_30, %dma_start3A] : memref<3584x128xf32, #tpu.memory_space<vmem_shared>> -> memref<32x128xf32, #tpu.memory_space<vmem_shared>>
        %dma_start3A_32 = arith.constant 0 : i32
        %dma_start3A_33 = tpu.memref_slice %arg8[%add3A_30, %dma_start3A_32] : memref<3584x128xf32, #tpu.memory_space<vmem_shared>> -> memref<32x128xf32, #tpu.memory_space<vmem_shared>>
        tpu.enqueue_dma source(%arg7 : memref<32x128xf32, #tpu.memory_space<vmem>>) target(%dma_start3A_33 : memref<32x128xf32, #tpu.memory_space<vmem_shared>>) target_semaphore(%run_scoped3A : memref<!tpu.dma_semaphore, #tpu.memory_space<semaphore_mem>>)
        %dma_wait3A = arith.constant 0 : i32
        %dma_wait3A_34 = tpu.memref_slice %arg8[%add3A_30, %dma_wait3A] : memref<3584x128xf32, #tpu.memory_space<vmem_shared>> -> memref<32x128xf32, #tpu.memory_space<vmem_shared>>
        %dma_wait3A_35 = arith.constant 0 : i32
        %dma_wait3A_36 = tpu.memref_slice %arg8[%add3A_30, %dma_wait3A_35] : memref<3584x128xf32, #tpu.memory_space<vmem_shared>> -> memref<32x128xf32, #tpu.memory_space<vmem_shared>>
        tpu.wait_dma2 semaphore(%run_scoped3A : memref<!tpu.dma_semaphore, #tpu.memory_space<semaphore_mem>>) src(%arg7 : memref<32x128xf32, #tpu.memory_space<vmem>>) dst(%dma_wait3A_36 : memref<32x128xf32, #tpu.memory_space<vmem_shared>>)
        tpu.yield
      }) : () -> ()
    }
    %scan3A_13 = arith.constant 7 : i32
    %barrier3A = arith.constant 0 : index
    tpu.barrier barrier_id(%barrier3A)
    %scan3A_14 = arith.constant 0 : i32
    %scan3A_15 = arith.constant 0 : i32
    %scan3A_16 = arith.constant 3 : i32
    %scan3A_17 = arith.addi %scan3A_15, %scan3A_16 : i32
    %scan3A_18 = arith.constant 1 : i32
    scf.for %scan3A_25 = %scan3A_15 to %scan3A_17 step %scan3A_18  : i32 {
      %mul3A_26 = arith.constant 4 : i32
      %mul3A_27 = arith.muli %scan3A_25, %mul3A_26 : i32
      %add3A_28 = arith.addi %mul3A_2, %mul3A_27 : i32
      %mul3A_29 = arith.constant 128 : i32
      %mul3A_30 = arith.muli %add3A_28, %mul3A_29 : i32
      "tpu.region"() ({
        %run_scoped3A = tpu.sem_alloc : memref<!tpu.dma_semaphore, #tpu.memory_space<semaphore_mem>>
        %dma_start3A_109 = arith.constant 0 : i32
        %dma_start3A_110 = tpu.memref_slice %arg2[%mul3A_30, %dma_start3A_109] : memref<49152x128xf32, #tpu.memory_space<hbm>> -> memref<512x128xf32, #tpu.memory_space<hbm>>
        %dma_start3A_111 = arith.constant 0 : i32
        %dma_start3A_112 = tpu.memref_slice %arg2[%mul3A_30, %dma_start3A_111] : memref<49152x128xf32, #tpu.memory_space<hbm>> -> memref<512x128xf32, #tpu.memory_space<hbm>>
        tpu.enqueue_dma source(%dma_start3A_112 : memref<512x128xf32, #tpu.memory_space<hbm>>) target(%arg5 : memref<512x128xf32, #tpu.memory_space<vmem>>) target_semaphore(%run_scoped3A : memref<!tpu.dma_semaphore, #tpu.memory_space<semaphore_mem>>)
        %dma_wait3A_113 = arith.constant 0 : i32
        %dma_wait3A_114 = tpu.memref_slice %arg2[%mul3A_30, %dma_wait3A_113] : memref<49152x128xf32, #tpu.memory_space<hbm>> -> memref<512x128xf32, #tpu.memory_space<hbm>>
        %dma_wait3A_115 = arith.constant 0 : i32
        %dma_wait3A_116 = tpu.memref_slice %arg2[%mul3A_30, %dma_wait3A_115] : memref<49152x128xf32, #tpu.memory_space<hbm>> -> memref<512x128xf32, #tpu.memory_space<hbm>>
        tpu.wait_dma2 semaphore(%run_scoped3A : memref<!tpu.dma_semaphore, #tpu.memory_space<semaphore_mem>>) src(%dma_wait3A_116 : memref<512x128xf32, #tpu.memory_space<hbm>>) dst(%arg5 : memref<512x128xf32, #tpu.memory_space<vmem>>)
        tpu.yield
      }) : () -> ()
      "tpu.region"() ({
        %run_scoped3A = tpu.sem_alloc : memref<!tpu.dma_semaphore, #tpu.memory_space<semaphore_mem>>
        %dma_start3A_109 = arith.constant 0 : i32
        %dma_start3A_110 = tpu.memref_slice %arg3[%add3A_28, %dma_start3A_109] : memref<384x128xi32, #tpu.memory_space<hbm>> -> memref<4x128xi32, #tpu.memory_space<hbm>>
        %dma_start3A_111 = arith.constant 0 : i32
        %dma_start3A_112 = tpu.memref_slice %arg3[%add3A_28, %dma_start3A_111] : memref<384x128xi32, #tpu.memory_space<hbm>> -> memref<4x128xi32, #tpu.memory_space<hbm>>
        tpu.enqueue_dma source(%dma_start3A_112 : memref<4x128xi32, #tpu.memory_space<hbm>>) target(%arg6 : memref<4x128xi32, #tpu.memory_space<vmem>>) target_semaphore(%run_scoped3A : memref<!tpu.dma_semaphore, #tpu.memory_space<semaphore_mem>>)
        %dma_wait3A_113 = arith.constant 0 : i32
        %dma_wait3A_114 = tpu.memref_slice %arg3[%add3A_28, %dma_wait3A_113] : memref<384x128xi32, #tpu.memory_space<hbm>> -> memref<4x128xi32, #tpu.memory_space<hbm>>
        %dma_wait3A_115 = arith.constant 0 : i32
        %dma_wait3A_116 = tpu.memref_slice %arg3[%add3A_28, %dma_wait3A_115] : memref<384x128xi32, #tpu.memory_space<hbm>> -> memref<4x128xi32, #tpu.memory_space<hbm>>
        tpu.wait_dma2 semaphore(%run_scoped3A : memref<!tpu.dma_semaphore, #tpu.memory_space<semaphore_mem>>) src(%dma_wait3A_116 : memref<4x128xi32, #tpu.memory_space<hbm>>) dst(%arg6 : memref<4x128xi32, #tpu.memory_space<vmem>>)
        tpu.yield
      }) : () -> ()
      %dma_start3A = arith.constant 0 : i32
      %dma_start3A_31 = arith.constant 0 : i32
      %dma_start3A_32 = arith.constant 0 : i32
      %dma_start3A_33 = tpu.memref_slice %arg5[%dma_start3A_31, %dma_start3A_32] : memref<512x128xf32, #tpu.memory_space<vmem>> -> memref<128x128xf32, #tpu.memory_space<vmem>>
      %dma_start3A_34 = arith.constant 0 : i32
      %dma_start3A_35 = tpu.memref_slice %arg6[%dma_start3A, %dma_start3A_34] : memref<4x128xi32, #tpu.memory_space<vmem>> -> memref<1x128xi32, #tpu.memory_space<vmem>>
      %dma_start3A_36 = tpu.memref_squeeze %dma_start3A_35 : memref<1x128xi32, #tpu.memory_space<vmem>> -> memref<128xi32, #tpu.memory_space<vmem>>
      %dma_start3A_37 = arith.constant 0 : i32
      %dma_start3A_38 = arith.constant 0 : i32
      %dma_start3A_39 = tpu.memref_slice %arg8[%dma_start3A_37, %dma_start3A_38] : memref<3584x128xf32, #tpu.memory_space<vmem_shared>> -> memref<3584x128xf32, #tpu.memory_space<vmem_shared>>
      tpu.enqueue_indirect_dma source(%dma_start3A_33 : memref<128x128xf32, #tpu.memory_space<vmem>>) target(%dma_start3A_39 : memref<3584x128xf32, #tpu.memory_space<vmem_shared>>) offsets(%dma_start3A_36 : memref<128xi32, #tpu.memory_space<vmem>>) semaphore(%arg9 : memref<!tpu.dma_semaphore, #tpu.memory_space<semaphore_mem>>) {add = true}
      %dma_start3A_40 = arith.constant 1 : i32
      %dma_start3A_41 = arith.constant 128 : i32
      %dma_start3A_42 = arith.constant 0 : i32
      %dma_start3A_43 = tpu.memref_slice %arg5[%dma_start3A_41, %dma_start3A_42] : memref<512x128xf32, #tpu.memory_space<vmem>> -> memref<128x128xf32, #tpu.memory_space<vmem>>
      %dma_start3A_44 = arith.constant 0 : i32
      %dma_start3A_45 = tpu.memref_slice %arg6[%dma_start3A_40, %dma_start3A_44] : memref<4x128xi32, #tpu.memory_space<vmem>> -> memref<1x128xi32, #tpu.memory_space<vmem>>
      %dma_start3A_46 = tpu.memref_squeeze %dma_start3A_45 : memref<1x128xi32, #tpu.memory_space<vmem>> -> memref<128xi32, #tpu.memory_space<vmem>>
      %dma_start3A_47 = arith.constant 0 : i32
      %dma_start3A_48 = arith.constant 0 : i32
      %dma_start3A_49 = tpu.memref_slice %arg8[%dma_start3A_47, %dma_start3A_48] : memref<3584x128xf32, #tpu.memory_space<vmem_shared>> -> memref<3584x128xf32, #tpu.memory_space<vmem_shared>>
      tpu.enqueue_indirect_dma source(%dma_start3A_43 : memref<128x128xf32, #tpu.memory_space<vmem>>) target(%dma_start3A_49 : memref<3584x128xf32, #tpu.memory_space<vmem_shared>>) offsets(%dma_start3A_46 : memref<128xi32, #tpu.memory_space<vmem>>) semaphore(%arg10 : memref<!tpu.dma_semaphore, #tpu.memory_space<semaphore_mem>>) {add = true}
      %dma_start3A_50 = arith.constant 2 : i32
      %dma_start3A_51 = arith.constant 256 : i32
      %dma_start3A_52 = arith.constant 0 : i32
      %dma_start3A_53 = tpu.memref_slice %arg5[%dma_start3A_51, %dma_start3A_52] : memref<512x128xf32, #tpu.memory_space<vmem>> -> memref<128x128xf32, #tpu.memory_space<vmem>>
      %dma_start3A_54 = arith.constant 0 : i32
      %dma_start3A_55 = tpu.memref_slice %arg6[%dma_start3A_50, %dma_start3A_54] : memref<4x128xi32, #tpu.memory_space<vmem>> -> memref<1x128xi32, #tpu.memory_space<vmem>>
      %dma_start3A_56 = tpu.memref_squeeze %dma_start3A_55 : memref<1x128xi32, #tpu.memory_space<vmem>> -> memref<128xi32, #tpu.memory_space<vmem>>
      %dma_start3A_57 = arith.constant 0 : i32
      %dma_start3A_58 = arith.constant 0 : i32
      %dma_start3A_59 = tpu.memref_slice %arg8[%dma_start3A_57, %dma_start3A_58] : memref<3584x128xf32, #tpu.memory_space<vmem_shared>> -> memref<3584x128xf32, #tpu.memory_space<vmem_shared>>
      tpu.enqueue_indirect_dma source(%dma_start3A_53 : memref<128x128xf32, #tpu.memory_space<vmem>>) target(%dma_start3A_59 : memref<3584x128xf32, #tpu.memory_space<vmem_shared>>) offsets(%dma_start3A_56 : memref<128xi32, #tpu.memory_space<vmem>>) semaphore(%arg11 : memref<!tpu.dma_semaphore, #tpu.memory_space<semaphore_mem>>) {add = true}
      %dma_start3A_60 = arith.constant 3 : i32
      %dma_start3A_61 = arith.constant 384 : i32
      %dma_start3A_62 = arith.constant 0 : i32
      %dma_start3A_63 = tpu.memref_slice %arg5[%dma_start3A_61, %dma_start3A_62] : memref<512x128xf32, #tpu.memory_space<vmem>> -> memref<128x128xf32, #tpu.memory_space<vmem>>
      %dma_start3A_64 = arith.constant 0 : i32
      %dma_start3A_65 = tpu.memref_slice %arg6[%dma_start3A_60, %dma_start3A_64] : memref<4x128xi32, #tpu.memory_space<vmem>> -> memref<1x128xi32, #tpu.memory_space<vmem>>
      %dma_start3A_66 = tpu.memref_squeeze %dma_start3A_65 : memref<1x128xi32, #tpu.memory_space<vmem>> -> memref<128xi32, #tpu.memory_space<vmem>>
      %dma_start3A_67 = arith.constant 0 : i32
      %dma_start3A_68 = arith.constant 0 : i32
      %dma_start3A_69 = tpu.memref_slice %arg8[%dma_start3A_67, %dma_start3A_68] : memref<3584x128xf32, #tpu.memory_space<vmem_shared>> -> memref<3584x128xf32, #tpu.memory_space<vmem_shared>>
      tpu.enqueue_indirect_dma source(%dma_start3A_63 : memref<128x128xf32, #tpu.memory_space<vmem>>) target(%dma_start3A_69 : memref<3584x128xf32, #tpu.memory_space<vmem_shared>>) offsets(%dma_start3A_66 : memref<128xi32, #tpu.memory_space<vmem>>) semaphore(%arg12 : memref<!tpu.dma_semaphore, #tpu.memory_space<semaphore_mem>>) {add = true}
      %dma_wait3A = arith.constant 0 : i32
      %dma_wait3A_70 = arith.constant 0 : i32
      %dma_wait3A_71 = arith.constant 0 : i32
      %dma_wait3A_72 = tpu.memref_slice %arg5[%dma_wait3A_70, %dma_wait3A_71] : memref<512x128xf32, #tpu.memory_space<vmem>> -> memref<128x128xf32, #tpu.memory_space<vmem>>
      %dma_wait3A_73 = arith.constant 0 : i32
      %dma_wait3A_74 = tpu.memref_slice %arg6[%dma_wait3A, %dma_wait3A_73] : memref<4x128xi32, #tpu.memory_space<vmem>> -> memref<1x128xi32, #tpu.memory_space<vmem>>
      %dma_wait3A_75 = tpu.memref_squeeze %dma_wait3A_74 : memref<1x128xi32, #tpu.memory_space<vmem>> -> memref<128xi32, #tpu.memory_space<vmem>>
      %dma_wait3A_76 = arith.constant 0 : i32
      %dma_wait3A_77 = arith.constant 0 : i32
      %dma_wait3A_78 = tpu.memref_slice %arg8[%dma_wait3A_76, %dma_wait3A_77] : memref<3584x128xf32, #tpu.memory_space<vmem_shared>> -> memref<3584x128xf32, #tpu.memory_space<vmem_shared>>
      tpu.wait_indirect_dma semaphore(%arg9 : memref<!tpu.dma_semaphore, #tpu.memory_space<semaphore_mem>>) src(%dma_wait3A_72 : memref<128x128xf32, #tpu.memory_space<vmem>>) dst(%dma_wait3A_78 : memref<3584x128xf32, #tpu.memory_space<vmem_shared>>)
      %dma_wait3A_79 = arith.constant 1 : i32
      %dma_wait3A_80 = arith.constant 128 : i32
      %dma_wait3A_81 = arith.constant 0 : i32
      %dma_wait3A_82 = tpu.memref_slice %arg5[%dma_wait3A_80, %dma_wait3A_81] : memref<512x128xf32, #tpu.memory_space<vmem>> -> memref<128x128xf32, #tpu.memory_space<vmem>>
      %dma_wait3A_83 = arith.constant 0 : i32
      %dma_wait3A_84 = tpu.memref_slice %arg6[%dma_wait3A_79, %dma_wait3A_83] : memref<4x128xi32, #tpu.memory_space<vmem>> -> memref<1x128xi32, #tpu.memory_space<vmem>>
      %dma_wait3A_85 = tpu.memref_squeeze %dma_wait3A_84 : memref<1x128xi32, #tpu.memory_space<vmem>> -> memref<128xi32, #tpu.memory_space<vmem>>
      %dma_wait3A_86 = arith.constant 0 : i32
      %dma_wait3A_87 = arith.constant 0 : i32
      %dma_wait3A_88 = tpu.memref_slice %arg8[%dma_wait3A_86, %dma_wait3A_87] : memref<3584x128xf32, #tpu.memory_space<vmem_shared>> -> memref<3584x128xf32, #tpu.memory_space<vmem_shared>>
      tpu.wait_indirect_dma semaphore(%arg10 : memref<!tpu.dma_semaphore, #tpu.memory_space<semaphore_mem>>) src(%dma_wait3A_82 : memref<128x128xf32, #tpu.memory_space<vmem>>) dst(%dma_wait3A_88 : memref<3584x128xf32, #tpu.memory_space<vmem_shared>>)
      %dma_wait3A_89 = arith.constant 2 : i32
      %dma_wait3A_90 = arith.constant 256 : i32
      %dma_wait3A_91 = arith.constant 0 : i32
      %dma_wait3A_92 = tpu.memref_slice %arg5[%dma_wait3A_90, %dma_wait3A_91] : memref<512x128xf32, #tpu.memory_space<vmem>> -> memref<128x128xf32, #tpu.memory_space<vmem>>
      %dma_wait3A_93 = arith.constant 0 : i32
      %dma_wait3A_94 = tpu.memref_slice %arg6[%dma_wait3A_89, %dma_wait3A_93] : memref<4x128xi32, #tpu.memory_space<vmem>> -> memref<1x128xi32, #tpu.memory_space<vmem>>
      %dma_wait3A_95 = tpu.memref_squeeze %dma_wait3A_94 : memref<1x128xi32, #tpu.memory_space<vmem>> -> memref<128xi32, #tpu.memory_space<vmem>>
      %dma_wait3A_96 = arith.constant 0 : i32
      %dma_wait3A_97 = arith.constant 0 : i32
      %dma_wait3A_98 = tpu.memref_slice %arg8[%dma_wait3A_96, %dma_wait3A_97] : memref<3584x128xf32, #tpu.memory_space<vmem_shared>> -> memref<3584x128xf32, #tpu.memory_space<vmem_shared>>
      tpu.wait_indirect_dma semaphore(%arg11 : memref<!tpu.dma_semaphore, #tpu.memory_space<semaphore_mem>>) src(%dma_wait3A_92 : memref<128x128xf32, #tpu.memory_space<vmem>>) dst(%dma_wait3A_98 : memref<3584x128xf32, #tpu.memory_space<vmem_shared>>)
      %dma_wait3A_99 = arith.constant 3 : i32
      %dma_wait3A_100 = arith.constant 384 : i32
      %dma_wait3A_101 = arith.constant 0 : i32
      %dma_wait3A_102 = tpu.memref_slice %arg5[%dma_wait3A_100, %dma_wait3A_101] : memref<512x128xf32, #tpu.memory_space<vmem>> -> memref<128x128xf32, #tpu.memory_space<vmem>>
      %dma_wait3A_103 = arith.constant 0 : i32
      %dma_wait3A_104 = tpu.memref_slice %arg6[%dma_wait3A_99, %dma_wait3A_103] : memref<4x128xi32, #tpu.memory_space<vmem>> -> memref<1x128xi32, #tpu.memory_space<vmem>>
      %dma_wait3A_105 = tpu.memref_squeeze %dma_wait3A_104 : memref<1x128xi32, #tpu.memory_space<vmem>> -> memref<128xi32, #tpu.memory_space<vmem>>
      %dma_wait3A_106 = arith.constant 0 : i32
      %dma_wait3A_107 = arith.constant 0 : i32
      %dma_wait3A_108 = tpu.memref_slice %arg8[%dma_wait3A_106, %dma_wait3A_107] : memref<3584x128xf32, #tpu.memory_space<vmem_shared>> -> memref<3584x128xf32, #tpu.memory_space<vmem_shared>>
      tpu.wait_indirect_dma semaphore(%arg12 : memref<!tpu.dma_semaphore, #tpu.memory_space<semaphore_mem>>) src(%dma_wait3A_102 : memref<128x128xf32, #tpu.memory_space<vmem>>) dst(%dma_wait3A_108 : memref<3584x128xf32, #tpu.memory_space<vmem_shared>>)
    }
    %scan3A_19 = arith.constant 3 : i32
    %barrier3A_20 = arith.constant 0 : index
    tpu.barrier barrier_id(%barrier3A_20)
    %mul3A_21 = arith.constant 224 : i32
    %mul3A_22 = arith.muli %arg1, %mul3A_21 : i32
    %mul3A_23 = arith.constant 224 : i32
    %mul3A_24 = arith.muli %arg1, %mul3A_23 : i32
    "tpu.region"() ({
      %run_scoped3A = tpu.sem_alloc : memref<!tpu.dma_semaphore, #tpu.memory_space<semaphore_mem>>
      %dma_start3A = arith.constant 0 : i32
      %dma_start3A_25 = arith.constant 0 : i32
      %dma_start3A_26 = tpu.memref_slice %arg4[%arg0, %dma_start3A, %dma_start3A_25] : memref<2x3584x128xf32, #tpu.memory_space<hbm>> -> memref<1x3584x128xf32, #tpu.memory_space<hbm>>
      %dma_start3A_27 = tpu.memref_squeeze %dma_start3A_26 : memref<1x3584x128xf32, #tpu.memory_space<hbm>> -> memref<3584x128xf32, #tpu.memory_space<hbm>>
      %dma_start3A_28 = arith.constant 0 : i32
      %dma_start3A_29 = tpu.memref_slice %dma_start3A_27[%mul3A_24, %dma_start3A_28] : memref<3584x128xf32, #tpu.memory_space<hbm>> -> memref<224x128xf32, #tpu.memory_space<hbm>>
      %dma_start3A_30 = arith.constant 0 : i32
      %dma_start3A_31 = tpu.memref_slice %arg8[%mul3A_22, %dma_start3A_30] : memref<3584x128xf32, #tpu.memory_space<vmem_shared>> -> memref<224x128xf32, #tpu.memory_space<vmem_shared>>
      tpu.enqueue_dma source(%dma_start3A_31 : memref<224x128xf32, #tpu.memory_space<vmem_shared>>) target(%dma_start3A_29 : memref<224x128xf32, #tpu.memory_space<hbm>>) target_semaphore(%run_scoped3A : memref<!tpu.dma_semaphore, #tpu.memory_space<semaphore_mem>>)
      %dma_wait3A = arith.constant 0 : i32
      %dma_wait3A_32 = arith.constant 0 : i32
      %dma_wait3A_33 = tpu.memref_slice %arg4[%arg0, %dma_wait3A, %dma_wait3A_32] : memref<2x3584x128xf32, #tpu.memory_space<hbm>> -> memref<1x3584x128xf32, #tpu.memory_space<hbm>>
      %dma_wait3A_34 = tpu.memref_squeeze %dma_wait3A_33 : memref<1x3584x128xf32, #tpu.memory_space<hbm>> -> memref<3584x128xf32, #tpu.memory_space<hbm>>
      %dma_wait3A_35 = arith.constant 0 : i32
      %dma_wait3A_36 = tpu.memref_slice %dma_wait3A_34[%mul3A_24, %dma_wait3A_35] : memref<3584x128xf32, #tpu.memory_space<hbm>> -> memref<224x128xf32, #tpu.memory_space<hbm>>
      %dma_wait3A_37 = arith.constant 0 : i32
      %dma_wait3A_38 = tpu.memref_slice %arg8[%mul3A_22, %dma_wait3A_37] : memref<3584x128xf32, #tpu.memory_space<vmem_shared>> -> memref<224x128xf32, #tpu.memory_space<vmem_shared>>
      tpu.wait_dma2 semaphore(%run_scoped3A : memref<!tpu.dma_semaphore, #tpu.memory_space<semaphore_mem>>) src(%dma_wait3A_38 : memref<224x128xf32, #tpu.memory_space<vmem_shared>>) dst(%dma_wait3A_36 : memref<224x128xf32, #tpu.memory_space<hbm>>)
      tpu.yield
    }) : () -> ()
    return
  }
}

#map = affine_map<(d0, d1) -> (0, 0)>
#map1 = affine_map<(d0, d1) -> (0)>
module attributes {stable_mosaic.version = 14 : i64} {
  func.func @kfn(%arg0: i32, %arg1: i32, %arg2: memref<6400x128xf32, #tpu.memory_space<hbm>>, %arg3: memref<49152xi32, #tpu.memory_space<hbm>>, %arg4: memref<3125xi32, #tpu.memory_space<hbm>>, %arg5: memref<49152x128xf32, #tpu.memory_space<hbm>>, %arg6: memref<3125xi32, #tpu.memory_space<vmem>>, %arg7: memref<512xi32, #tpu.memory_space<vmem>>, %arg8: memref<4x128xi32, #tpu.memory_space<vmem>>, %arg9: memref<512x128xf32, #tpu.memory_space<vmem>>, %arg10: memref<6400x128xf32, #tpu.memory_space<vmem_shared>>, %arg11: memref<!tpu.dma_semaphore, #tpu.memory_space<semaphore_mem>>, %arg12: memref<!tpu.dma_semaphore, #tpu.memory_space<semaphore_mem>>, %arg13: memref<!tpu.dma_semaphore, #tpu.memory_space<semaphore_mem>>, %arg14: memref<!tpu.dma_semaphore, #tpu.memory_space<semaphore_mem>>) attributes {dimension_semantics = [#tpu.dimension_semantics<core_parallel>, #tpu.dimension_semantics<subcore_parallel>], iteration_bounds = array<i64: 2, 16>, scalar_prefetch = 0 : i64, scratch_operands = 9 : i64, tpu.core_type = #tpu.core_type<sc_vector_subcore>, window_params = [{transform_indices = #map}, {transform_indices = #map1}, {transform_indices = #map1}, {transform_indices = #map}]} {
    %mul3A = arith.constant 2 : i32
    %mul3A_0 = arith.muli %arg1, %mul3A : i32
    %add3A = arith.addi %mul3A_0, %arg0 : i32
    %mul3A_1 = arith.constant 12 : i32
    %mul3A_2 = arith.muli %add3A, %mul3A_1 : i32
    %mul3A_3 = arith.constant 128 : i32
    %mul3A_4 = arith.muli %mul3A_2, %mul3A_3 : i32
    "tpu.region"() ({
      %run_scoped3A = tpu.sem_alloc : memref<!tpu.dma_semaphore, #tpu.memory_space<semaphore_mem>>
      tpu.enqueue_dma source(%arg4 : memref<3125xi32, #tpu.memory_space<hbm>>) target(%arg6 : memref<3125xi32, #tpu.memory_space<vmem>>) target_semaphore(%run_scoped3A : memref<!tpu.dma_semaphore, #tpu.memory_space<semaphore_mem>>)
      tpu.wait_dma2 semaphore(%run_scoped3A : memref<!tpu.dma_semaphore, #tpu.memory_space<semaphore_mem>>) src(%arg4 : memref<3125xi32, #tpu.memory_space<hbm>>) dst(%arg6 : memref<3125xi32, #tpu.memory_space<vmem>>)
      tpu.yield
    }) : () -> ()
    %mul3A_5 = arith.constant 400 : i32
    %mul3A_6 = arith.muli %arg1, %mul3A_5 : i32
    %mul3A_7 = arith.constant 400 : i32
    %mul3A_8 = arith.muli %arg1, %mul3A_7 : i32
    "tpu.region"() ({
      %run_scoped3A = tpu.sem_alloc : memref<!tpu.dma_semaphore, #tpu.memory_space<semaphore_mem>>
      %dma_start3A = arith.constant 0 : i32
      %dma_start3A_14 = tpu.memref_slice %arg10[%mul3A_8, %dma_start3A] : memref<6400x128xf32, #tpu.memory_space<vmem_shared>> -> memref<400x128xf32, #tpu.memory_space<vmem_shared>>
      %dma_start3A_15 = arith.constant 0 : i32
      %dma_start3A_16 = tpu.memref_slice %arg2[%mul3A_6, %dma_start3A_15] : memref<6400x128xf32, #tpu.memory_space<hbm>> -> memref<400x128xf32, #tpu.memory_space<hbm>>
      tpu.enqueue_dma source(%dma_start3A_16 : memref<400x128xf32, #tpu.memory_space<hbm>>) target(%dma_start3A_14 : memref<400x128xf32, #tpu.memory_space<vmem_shared>>) target_semaphore(%run_scoped3A : memref<!tpu.dma_semaphore, #tpu.memory_space<semaphore_mem>>)
      %dma_wait3A = arith.constant 0 : i32
      %dma_wait3A_17 = tpu.memref_slice %arg10[%mul3A_8, %dma_wait3A] : memref<6400x128xf32, #tpu.memory_space<vmem_shared>> -> memref<400x128xf32, #tpu.memory_space<vmem_shared>>
      %dma_wait3A_18 = arith.constant 0 : i32
      %dma_wait3A_19 = tpu.memref_slice %arg2[%mul3A_6, %dma_wait3A_18] : memref<6400x128xf32, #tpu.memory_space<hbm>> -> memref<400x128xf32, #tpu.memory_space<hbm>>
      tpu.wait_dma2 semaphore(%run_scoped3A : memref<!tpu.dma_semaphore, #tpu.memory_space<semaphore_mem>>) src(%dma_wait3A_19 : memref<400x128xf32, #tpu.memory_space<hbm>>) dst(%dma_wait3A_17 : memref<400x128xf32, #tpu.memory_space<vmem_shared>>)
      tpu.yield
    }) : () -> ()
    %barrier3A = arith.constant 0 : index
    tpu.barrier barrier_id(%barrier3A)
    %scan3A = arith.constant 0 : i32
    %scan3A_9 = arith.constant 0 : i32
    %scan3A_10 = arith.constant 3 : i32
    %scan3A_11 = arith.addi %scan3A_9, %scan3A_10 : i32
    %scan3A_12 = arith.constant 1 : i32
    scf.for %scan3A_14 = %scan3A_9 to %scan3A_11 step %scan3A_12  : i32 {
      %mul3A_15 = arith.constant 512 : i32
      %mul3A_16 = arith.muli %scan3A_14, %mul3A_15 : i32
      %add3A_17 = arith.addi %mul3A_4, %mul3A_16 : i32
      "tpu.region"() ({
        %run_scoped3A = tpu.sem_alloc : memref<!tpu.dma_semaphore, #tpu.memory_space<semaphore_mem>>
        %dma_start3A_317 = tpu.memref_slice %arg3[%add3A_17] : memref<49152xi32, #tpu.memory_space<hbm>> -> memref<512xi32, #tpu.memory_space<hbm>>
        %dma_start3A_318 = tpu.memref_slice %arg3[%add3A_17] : memref<49152xi32, #tpu.memory_space<hbm>> -> memref<512xi32, #tpu.memory_space<hbm>>
        tpu.enqueue_dma source(%dma_start3A_318 : memref<512xi32, #tpu.memory_space<hbm>>) target(%arg7 : memref<512xi32, #tpu.memory_space<vmem>>) target_semaphore(%run_scoped3A : memref<!tpu.dma_semaphore, #tpu.memory_space<semaphore_mem>>)
        %dma_wait3A_319 = tpu.memref_slice %arg3[%add3A_17] : memref<49152xi32, #tpu.memory_space<hbm>> -> memref<512xi32, #tpu.memory_space<hbm>>
        %dma_wait3A_320 = tpu.memref_slice %arg3[%add3A_17] : memref<49152xi32, #tpu.memory_space<hbm>> -> memref<512xi32, #tpu.memory_space<hbm>>
        tpu.wait_dma2 semaphore(%run_scoped3A : memref<!tpu.dma_semaphore, #tpu.memory_space<semaphore_mem>>) src(%dma_wait3A_320 : memref<512xi32, #tpu.memory_space<hbm>>) dst(%arg7 : memref<512xi32, #tpu.memory_space<vmem>>)
        tpu.yield
      }) : () -> ()
      %get3A = arith.constant 0 : index
      %get3A_18 = tpu.vector_load %arg7[%get3A] {strides = array<i32>} : memref<512xi32, #tpu.memory_space<vmem>>, vector<16xi32>,
      %gather3A = tpu.vector_load_idx %arg6[%get3A_18] : memref<3125xi32, #tpu.memory_space<vmem>>[vector<16xi32>], vector<16xi32>,
      %swap3A = arith.constant 0 : i32
      %swap3A_19 = arith.index_cast %swap3A : i32 to index
      %swap3A_20 = arith.constant 0 : index
      %swap3A_21 = tpu.vector_load %arg8[%swap3A_19, %swap3A_20] {strides = array<i32>} : memref<4x128xi32, #tpu.memory_space<vmem>>, vector<16xi32>,
      tpu.vector_store %arg8[%swap3A_19, %swap3A_20], %gather3A {strides = array<i32>} : memref<4x128xi32, #tpu.memory_space<vmem>>, vector<16xi32>,
      %get3A_22 = arith.constant 16 : index
      %get3A_23 = tpu.vector_load %arg7[%get3A_22] {strides = array<i32>} : memref<512xi32, #tpu.memory_space<vmem>>, vector<16xi32>,
      %gather3A_24 = tpu.vector_load_idx %arg6[%get3A_23] : memref<3125xi32, #tpu.memory_space<vmem>>[vector<16xi32>], vector<16xi32>,
      %swap3A_25 = arith.constant 0 : i32
      %swap3A_26 = arith.index_cast %swap3A_25 : i32 to index
      %swap3A_27 = arith.constant 16 : index
      %swap3A_28 = tpu.vector_load %arg8[%swap3A_26, %swap3A_27] {strides = array<i32>} : memref<4x128xi32, #tpu.memory_space<vmem>>, vector<16xi32>,
      tpu.vector_store %arg8[%swap3A_26, %swap3A_27], %gather3A_24 {strides = array<i32>} : memref<4x128xi32, #tpu.memory_space<vmem>>, vector<16xi32>,
      %get3A_29 = arith.constant 32 : index
      %get3A_30 = tpu.vector_load %arg7[%get3A_29] {strides = array<i32>} : memref<512xi32, #tpu.memory_space<vmem>>, vector<16xi32>,
      %gather3A_31 = tpu.vector_load_idx %arg6[%get3A_30] : memref<3125xi32, #tpu.memory_space<vmem>>[vector<16xi32>], vector<16xi32>,
      %swap3A_32 = arith.constant 0 : i32
      %swap3A_33 = arith.index_cast %swap3A_32 : i32 to index
      %swap3A_34 = arith.constant 32 : index
      %swap3A_35 = tpu.vector_load %arg8[%swap3A_33, %swap3A_34] {strides = array<i32>} : memref<4x128xi32, #tpu.memory_space<vmem>>, vector<16xi32>,
      tpu.vector_store %arg8[%swap3A_33, %swap3A_34], %gather3A_31 {strides = array<i32>} : memref<4x128xi32, #tpu.memory_space<vmem>>, vector<16xi32>,
      %get3A_36 = arith.constant 48 : index
      %get3A_37 = tpu.vector_load %arg7[%get3A_36] {strides = array<i32>} : memref<512xi32, #tpu.memory_space<vmem>>, vector<16xi32>,
      %gather3A_38 = tpu.vector_load_idx %arg6[%get3A_37] : memref<3125xi32, #tpu.memory_space<vmem>>[vector<16xi32>], vector<16xi32>,
      %swap3A_39 = arith.constant 0 : i32
      %swap3A_40 = arith.index_cast %swap3A_39 : i32 to index
      %swap3A_41 = arith.constant 48 : index
      %swap3A_42 = tpu.vector_load %arg8[%swap3A_40, %swap3A_41] {strides = array<i32>} : memref<4x128xi32, #tpu.memory_space<vmem>>, vector<16xi32>,
      tpu.vector_store %arg8[%swap3A_40, %swap3A_41], %gather3A_38 {strides = array<i32>} : memref<4x128xi32, #tpu.memory_space<vmem>>, vector<16xi32>,
      %get3A_43 = arith.constant 64 : index
      %get3A_44 = tpu.vector_load %arg7[%get3A_43] {strides = array<i32>} : memref<512xi32, #tpu.memory_space<vmem>>, vector<16xi32>,
      %gather3A_45 = tpu.vector_load_idx %arg6[%get3A_44] : memref<3125xi32, #tpu.memory_space<vmem>>[vector<16xi32>], vector<16xi32>,
      %swap3A_46 = arith.constant 0 : i32
      %swap3A_47 = arith.index_cast %swap3A_46 : i32 to index
      %swap3A_48 = arith.constant 64 : index
      %swap3A_49 = tpu.vector_load %arg8[%swap3A_47, %swap3A_48] {strides = array<i32>} : memref<4x128xi32, #tpu.memory_space<vmem>>, vector<16xi32>,
      tpu.vector_store %arg8[%swap3A_47, %swap3A_48], %gather3A_45 {strides = array<i32>} : memref<4x128xi32, #tpu.memory_space<vmem>>, vector<16xi32>,
      %get3A_50 = arith.constant 80 : index
      %get3A_51 = tpu.vector_load %arg7[%get3A_50] {strides = array<i32>} : memref<512xi32, #tpu.memory_space<vmem>>, vector<16xi32>,
      %gather3A_52 = tpu.vector_load_idx %arg6[%get3A_51] : memref<3125xi32, #tpu.memory_space<vmem>>[vector<16xi32>], vector<16xi32>,
      %swap3A_53 = arith.constant 0 : i32
      %swap3A_54 = arith.index_cast %swap3A_53 : i32 to index
      %swap3A_55 = arith.constant 80 : index
      %swap3A_56 = tpu.vector_load %arg8[%swap3A_54, %swap3A_55] {strides = array<i32>} : memref<4x128xi32, #tpu.memory_space<vmem>>, vector<16xi32>,
      tpu.vector_store %arg8[%swap3A_54, %swap3A_55], %gather3A_52 {strides = array<i32>} : memref<4x128xi32, #tpu.memory_space<vmem>>, vector<16xi32>,
      %get3A_57 = arith.constant 96 : index
      %get3A_58 = tpu.vector_load %arg7[%get3A_57] {strides = array<i32>} : memref<512xi32, #tpu.memory_space<vmem>>, vector<16xi32>,
      %gather3A_59 = tpu.vector_load_idx %arg6[%get3A_58] : memref<3125xi32, #tpu.memory_space<vmem>>[vector<16xi32>], vector<16xi32>,
      %swap3A_60 = arith.constant 0 : i32
      %swap3A_61 = arith.index_cast %swap3A_60 : i32 to index
      %swap3A_62 = arith.constant 96 : index
      %swap3A_63 = tpu.vector_load %arg8[%swap3A_61, %swap3A_62] {strides = array<i32>} : memref<4x128xi32, #tpu.memory_space<vmem>>, vector<16xi32>,
      tpu.vector_store %arg8[%swap3A_61, %swap3A_62], %gather3A_59 {strides = array<i32>} : memref<4x128xi32, #tpu.memory_space<vmem>>, vector<16xi32>,
      %get3A_64 = arith.constant 112 : index
      %get3A_65 = tpu.vector_load %arg7[%get3A_64] {strides = array<i32>} : memref<512xi32, #tpu.memory_space<vmem>>, vector<16xi32>,
      %gather3A_66 = tpu.vector_load_idx %arg6[%get3A_65] : memref<3125xi32, #tpu.memory_space<vmem>>[vector<16xi32>], vector<16xi32>,
      %swap3A_67 = arith.constant 0 : i32
      %swap3A_68 = arith.index_cast %swap3A_67 : i32 to index
      %swap3A_69 = arith.constant 112 : index
      %swap3A_70 = tpu.vector_load %arg8[%swap3A_68, %swap3A_69] {strides = array<i32>} : memref<4x128xi32, #tpu.memory_space<vmem>>, vector<16xi32>,
      tpu.vector_store %arg8[%swap3A_68, %swap3A_69], %gather3A_66 {strides = array<i32>} : memref<4x128xi32, #tpu.memory_space<vmem>>, vector<16xi32>,
      %get3A_71 = arith.constant 128 : index
      %get3A_72 = tpu.vector_load %arg7[%get3A_71] {strides = array<i32>} : memref<512xi32, #tpu.memory_space<vmem>>, vector<16xi32>,
      %gather3A_73 = tpu.vector_load_idx %arg6[%get3A_72] : memref<3125xi32, #tpu.memory_space<vmem>>[vector<16xi32>], vector<16xi32>,
      %swap3A_74 = arith.constant 1 : i32
      %swap3A_75 = arith.index_cast %swap3A_74 : i32 to index
      %swap3A_76 = arith.constant 0 : index
      %swap3A_77 = tpu.vector_load %arg8[%swap3A_75, %swap3A_76] {strides = array<i32>} : memref<4x128xi32, #tpu.memory_space<vmem>>, vector<16xi32>,
      tpu.vector_store %arg8[%swap3A_75, %swap3A_76], %gather3A_73 {strides = array<i32>} : memref<4x128xi32, #tpu.memory_space<vmem>>, vector<16xi32>,
      %get3A_78 = arith.constant 144 : index
      %get3A_79 = tpu.vector_load %arg7[%get3A_78] {strides = array<i32>} : memref<512xi32, #tpu.memory_space<vmem>>, vector<16xi32>,
      %gather3A_80 = tpu.vector_load_idx %arg6[%get3A_79] : memref<3125xi32, #tpu.memory_space<vmem>>[vector<16xi32>], vector<16xi32>,
      %swap3A_81 = arith.constant 1 : i32
      %swap3A_82 = arith.index_cast %swap3A_81 : i32 to index
      %swap3A_83 = arith.constant 16 : index
      %swap3A_84 = tpu.vector_load %arg8[%swap3A_82, %swap3A_83] {strides = array<i32>} : memref<4x128xi32, #tpu.memory_space<vmem>>, vector<16xi32>,
      tpu.vector_store %arg8[%swap3A_82, %swap3A_83], %gather3A_80 {strides = array<i32>} : memref<4x128xi32, #tpu.memory_space<vmem>>, vector<16xi32>,
      %get3A_85 = arith.constant 160 : index
      %get3A_86 = tpu.vector_load %arg7[%get3A_85] {strides = array<i32>} : memref<512xi32, #tpu.memory_space<vmem>>, vector<16xi32>,
      %gather3A_87 = tpu.vector_load_idx %arg6[%get3A_86] : memref<3125xi32, #tpu.memory_space<vmem>>[vector<16xi32>], vector<16xi32>,
      %swap3A_88 = arith.constant 1 : i32
      %swap3A_89 = arith.index_cast %swap3A_88 : i32 to index
      %swap3A_90 = arith.constant 32 : index
      %swap3A_91 = tpu.vector_load %arg8[%swap3A_89, %swap3A_90] {strides = array<i32>} : memref<4x128xi32, #tpu.memory_space<vmem>>, vector<16xi32>,
      tpu.vector_store %arg8[%swap3A_89, %swap3A_90], %gather3A_87 {strides = array<i32>} : memref<4x128xi32, #tpu.memory_space<vmem>>, vector<16xi32>,
      %get3A_92 = arith.constant 176 : index
      %get3A_93 = tpu.vector_load %arg7[%get3A_92] {strides = array<i32>} : memref<512xi32, #tpu.memory_space<vmem>>, vector<16xi32>,
      %gather3A_94 = tpu.vector_load_idx %arg6[%get3A_93] : memref<3125xi32, #tpu.memory_space<vmem>>[vector<16xi32>], vector<16xi32>,
      %swap3A_95 = arith.constant 1 : i32
      %swap3A_96 = arith.index_cast %swap3A_95 : i32 to index
      %swap3A_97 = arith.constant 48 : index
      %swap3A_98 = tpu.vector_load %arg8[%swap3A_96, %swap3A_97] {strides = array<i32>} : memref<4x128xi32, #tpu.memory_space<vmem>>, vector<16xi32>,
      tpu.vector_store %arg8[%swap3A_96, %swap3A_97], %gather3A_94 {strides = array<i32>} : memref<4x128xi32, #tpu.memory_space<vmem>>, vector<16xi32>,
      %get3A_99 = arith.constant 192 : index
      %get3A_100 = tpu.vector_load %arg7[%get3A_99] {strides = array<i32>} : memref<512xi32, #tpu.memory_space<vmem>>, vector<16xi32>,
      %gather3A_101 = tpu.vector_load_idx %arg6[%get3A_100] : memref<3125xi32, #tpu.memory_space<vmem>>[vector<16xi32>], vector<16xi32>,
      %swap3A_102 = arith.constant 1 : i32
      %swap3A_103 = arith.index_cast %swap3A_102 : i32 to index
      %swap3A_104 = arith.constant 64 : index
      %swap3A_105 = tpu.vector_load %arg8[%swap3A_103, %swap3A_104] {strides = array<i32>} : memref<4x128xi32, #tpu.memory_space<vmem>>, vector<16xi32>,
      tpu.vector_store %arg8[%swap3A_103, %swap3A_104], %gather3A_101 {strides = array<i32>} : memref<4x128xi32, #tpu.memory_space<vmem>>, vector<16xi32>,
      %get3A_106 = arith.constant 208 : index
      %get3A_107 = tpu.vector_load %arg7[%get3A_106] {strides = array<i32>} : memref<512xi32, #tpu.memory_space<vmem>>, vector<16xi32>,
      %gather3A_108 = tpu.vector_load_idx %arg6[%get3A_107] : memref<3125xi32, #tpu.memory_space<vmem>>[vector<16xi32>], vector<16xi32>,
      %swap3A_109 = arith.constant 1 : i32
      %swap3A_110 = arith.index_cast %swap3A_109 : i32 to index
      %swap3A_111 = arith.constant 80 : index
      %swap3A_112 = tpu.vector_load %arg8[%swap3A_110, %swap3A_111] {strides = array<i32>} : memref<4x128xi32, #tpu.memory_space<vmem>>, vector<16xi32>,
      tpu.vector_store %arg8[%swap3A_110, %swap3A_111], %gather3A_108 {strides = array<i32>} : memref<4x128xi32, #tpu.memory_space<vmem>>, vector<16xi32>,
      %get3A_113 = arith.constant 224 : index
      %get3A_114 = tpu.vector_load %arg7[%get3A_113] {strides = array<i32>} : memref<512xi32, #tpu.memory_space<vmem>>, vector<16xi32>,
      %gather3A_115 = tpu.vector_load_idx %arg6[%get3A_114] : memref<3125xi32, #tpu.memory_space<vmem>>[vector<16xi32>], vector<16xi32>,
      %swap3A_116 = arith.constant 1 : i32
      %swap3A_117 = arith.index_cast %swap3A_116 : i32 to index
      %swap3A_118 = arith.constant 96 : index
      %swap3A_119 = tpu.vector_load %arg8[%swap3A_117, %swap3A_118] {strides = array<i32>} : memref<4x128xi32, #tpu.memory_space<vmem>>, vector<16xi32>,
      tpu.vector_store %arg8[%swap3A_117, %swap3A_118], %gather3A_115 {strides = array<i32>} : memref<4x128xi32, #tpu.memory_space<vmem>>, vector<16xi32>,
      %get3A_120 = arith.constant 240 : index
      %get3A_121 = tpu.vector_load %arg7[%get3A_120] {strides = array<i32>} : memref<512xi32, #tpu.memory_space<vmem>>, vector<16xi32>,
      %gather3A_122 = tpu.vector_load_idx %arg6[%get3A_121] : memref<3125xi32, #tpu.memory_space<vmem>>[vector<16xi32>], vector<16xi32>,
      %swap3A_123 = arith.constant 1 : i32
      %swap3A_124 = arith.index_cast %swap3A_123 : i32 to index
      %swap3A_125 = arith.constant 112 : index
      %swap3A_126 = tpu.vector_load %arg8[%swap3A_124, %swap3A_125] {strides = array<i32>} : memref<4x128xi32, #tpu.memory_space<vmem>>, vector<16xi32>,
      tpu.vector_store %arg8[%swap3A_124, %swap3A_125], %gather3A_122 {strides = array<i32>} : memref<4x128xi32, #tpu.memory_space<vmem>>, vector<16xi32>,
      %get3A_127 = arith.constant 256 : index
      %get3A_128 = tpu.vector_load %arg7[%get3A_127] {strides = array<i32>} : memref<512xi32, #tpu.memory_space<vmem>>, vector<16xi32>,
      %gather3A_129 = tpu.vector_load_idx %arg6[%get3A_128] : memref<3125xi32, #tpu.memory_space<vmem>>[vector<16xi32>], vector<16xi32>,
      %swap3A_130 = arith.constant 2 : i32
      %swap3A_131 = arith.index_cast %swap3A_130 : i32 to index
      %swap3A_132 = arith.constant 0 : index
      %swap3A_133 = tpu.vector_load %arg8[%swap3A_131, %swap3A_132] {strides = array<i32>} : memref<4x128xi32, #tpu.memory_space<vmem>>, vector<16xi32>,
      tpu.vector_store %arg8[%swap3A_131, %swap3A_132], %gather3A_129 {strides = array<i32>} : memref<4x128xi32, #tpu.memory_space<vmem>>, vector<16xi32>,
      %get3A_134 = arith.constant 272 : index
      %get3A_135 = tpu.vector_load %arg7[%get3A_134] {strides = array<i32>} : memref<512xi32, #tpu.memory_space<vmem>>, vector<16xi32>,
      %gather3A_136 = tpu.vector_load_idx %arg6[%get3A_135] : memref<3125xi32, #tpu.memory_space<vmem>>[vector<16xi32>], vector<16xi32>,
      %swap3A_137 = arith.constant 2 : i32
      %swap3A_138 = arith.index_cast %swap3A_137 : i32 to index
      %swap3A_139 = arith.constant 16 : index
      %swap3A_140 = tpu.vector_load %arg8[%swap3A_138, %swap3A_139] {strides = array<i32>} : memref<4x128xi32, #tpu.memory_space<vmem>>, vector<16xi32>,
      tpu.vector_store %arg8[%swap3A_138, %swap3A_139], %gather3A_136 {strides = array<i32>} : memref<4x128xi32, #tpu.memory_space<vmem>>, vector<16xi32>,
      %get3A_141 = arith.constant 288 : index
      %get3A_142 = tpu.vector_load %arg7[%get3A_141] {strides = array<i32>} : memref<512xi32, #tpu.memory_space<vmem>>, vector<16xi32>,
      %gather3A_143 = tpu.vector_load_idx %arg6[%get3A_142] : memref<3125xi32, #tpu.memory_space<vmem>>[vector<16xi32>], vector<16xi32>,
      %swap3A_144 = arith.constant 2 : i32
      %swap3A_145 = arith.index_cast %swap3A_144 : i32 to index
      %swap3A_146 = arith.constant 32 : index
      %swap3A_147 = tpu.vector_load %arg8[%swap3A_145, %swap3A_146] {strides = array<i32>} : memref<4x128xi32, #tpu.memory_space<vmem>>, vector<16xi32>,
      tpu.vector_store %arg8[%swap3A_145, %swap3A_146], %gather3A_143 {strides = array<i32>} : memref<4x128xi32, #tpu.memory_space<vmem>>, vector<16xi32>,
      %get3A_148 = arith.constant 304 : index
      %get3A_149 = tpu.vector_load %arg7[%get3A_148] {strides = array<i32>} : memref<512xi32, #tpu.memory_space<vmem>>, vector<16xi32>,
      %gather3A_150 = tpu.vector_load_idx %arg6[%get3A_149] : memref<3125xi32, #tpu.memory_space<vmem>>[vector<16xi32>], vector<16xi32>,
      %swap3A_151 = arith.constant 2 : i32
      %swap3A_152 = arith.index_cast %swap3A_151 : i32 to index
      %swap3A_153 = arith.constant 48 : index
      %swap3A_154 = tpu.vector_load %arg8[%swap3A_152, %swap3A_153] {strides = array<i32>} : memref<4x128xi32, #tpu.memory_space<vmem>>, vector<16xi32>,
      tpu.vector_store %arg8[%swap3A_152, %swap3A_153], %gather3A_150 {strides = array<i32>} : memref<4x128xi32, #tpu.memory_space<vmem>>, vector<16xi32>,
      %get3A_155 = arith.constant 320 : index
      %get3A_156 = tpu.vector_load %arg7[%get3A_155] {strides = array<i32>} : memref<512xi32, #tpu.memory_space<vmem>>, vector<16xi32>,
      %gather3A_157 = tpu.vector_load_idx %arg6[%get3A_156] : memref<3125xi32, #tpu.memory_space<vmem>>[vector<16xi32>], vector<16xi32>,
      %swap3A_158 = arith.constant 2 : i32
      %swap3A_159 = arith.index_cast %swap3A_158 : i32 to index
      %swap3A_160 = arith.constant 64 : index
      %swap3A_161 = tpu.vector_load %arg8[%swap3A_159, %swap3A_160] {strides = array<i32>} : memref<4x128xi32, #tpu.memory_space<vmem>>, vector<16xi32>,
      tpu.vector_store %arg8[%swap3A_159, %swap3A_160], %gather3A_157 {strides = array<i32>} : memref<4x128xi32, #tpu.memory_space<vmem>>, vector<16xi32>,
      %get3A_162 = arith.constant 336 : index
      %get3A_163 = tpu.vector_load %arg7[%get3A_162] {strides = array<i32>} : memref<512xi32, #tpu.memory_space<vmem>>, vector<16xi32>,
      %gather3A_164 = tpu.vector_load_idx %arg6[%get3A_163] : memref<3125xi32, #tpu.memory_space<vmem>>[vector<16xi32>], vector<16xi32>,
      %swap3A_165 = arith.constant 2 : i32
      %swap3A_166 = arith.index_cast %swap3A_165 : i32 to index
      %swap3A_167 = arith.constant 80 : index
      %swap3A_168 = tpu.vector_load %arg8[%swap3A_166, %swap3A_167] {strides = array<i32>} : memref<4x128xi32, #tpu.memory_space<vmem>>, vector<16xi32>,
      tpu.vector_store %arg8[%swap3A_166, %swap3A_167], %gather3A_164 {strides = array<i32>} : memref<4x128xi32, #tpu.memory_space<vmem>>, vector<16xi32>,
      %get3A_169 = arith.constant 352 : index
      %get3A_170 = tpu.vector_load %arg7[%get3A_169] {strides = array<i32>} : memref<512xi32, #tpu.memory_space<vmem>>, vector<16xi32>,
      %gather3A_171 = tpu.vector_load_idx %arg6[%get3A_170] : memref<3125xi32, #tpu.memory_space<vmem>>[vector<16xi32>], vector<16xi32>,
      %swap3A_172 = arith.constant 2 : i32
      %swap3A_173 = arith.index_cast %swap3A_172 : i32 to index
      %swap3A_174 = arith.constant 96 : index
      %swap3A_175 = tpu.vector_load %arg8[%swap3A_173, %swap3A_174] {strides = array<i32>} : memref<4x128xi32, #tpu.memory_space<vmem>>, vector<16xi32>,
      tpu.vector_store %arg8[%swap3A_173, %swap3A_174], %gather3A_171 {strides = array<i32>} : memref<4x128xi32, #tpu.memory_space<vmem>>, vector<16xi32>,
      %get3A_176 = arith.constant 368 : index
      %get3A_177 = tpu.vector_load %arg7[%get3A_176] {strides = array<i32>} : memref<512xi32, #tpu.memory_space<vmem>>, vector<16xi32>,
      %gather3A_178 = tpu.vector_load_idx %arg6[%get3A_177] : memref<3125xi32, #tpu.memory_space<vmem>>[vector<16xi32>], vector<16xi32>,
      %swap3A_179 = arith.constant 2 : i32
      %swap3A_180 = arith.index_cast %swap3A_179 : i32 to index
      %swap3A_181 = arith.constant 112 : index
      %swap3A_182 = tpu.vector_load %arg8[%swap3A_180, %swap3A_181] {strides = array<i32>} : memref<4x128xi32, #tpu.memory_space<vmem>>, vector<16xi32>,
      tpu.vector_store %arg8[%swap3A_180, %swap3A_181], %gather3A_178 {strides = array<i32>} : memref<4x128xi32, #tpu.memory_space<vmem>>, vector<16xi32>,
      %get3A_183 = arith.constant 384 : index
      %get3A_184 = tpu.vector_load %arg7[%get3A_183] {strides = array<i32>} : memref<512xi32, #tpu.memory_space<vmem>>, vector<16xi32>,
      %gather3A_185 = tpu.vector_load_idx %arg6[%get3A_184] : memref<3125xi32, #tpu.memory_space<vmem>>[vector<16xi32>], vector<16xi32>,
      %swap3A_186 = arith.constant 3 : i32
      %swap3A_187 = arith.index_cast %swap3A_186 : i32 to index
      %swap3A_188 = arith.constant 0 : index
      %swap3A_189 = tpu.vector_load %arg8[%swap3A_187, %swap3A_188] {strides = array<i32>} : memref<4x128xi32, #tpu.memory_space<vmem>>, vector<16xi32>,
      tpu.vector_store %arg8[%swap3A_187, %swap3A_188], %gather3A_185 {strides = array<i32>} : memref<4x128xi32, #tpu.memory_space<vmem>>, vector<16xi32>,
      %get3A_190 = arith.constant 400 : index
      %get3A_191 = tpu.vector_load %arg7[%get3A_190] {strides = array<i32>} : memref<512xi32, #tpu.memory_space<vmem>>, vector<16xi32>,
      %gather3A_192 = tpu.vector_load_idx %arg6[%get3A_191] : memref<3125xi32, #tpu.memory_space<vmem>>[vector<16xi32>], vector<16xi32>,
      %swap3A_193 = arith.constant 3 : i32
      %swap3A_194 = arith.index_cast %swap3A_193 : i32 to index
      %swap3A_195 = arith.constant 16 : index
      %swap3A_196 = tpu.vector_load %arg8[%swap3A_194, %swap3A_195] {strides = array<i32>} : memref<4x128xi32, #tpu.memory_space<vmem>>, vector<16xi32>,
      tpu.vector_store %arg8[%swap3A_194, %swap3A_195], %gather3A_192 {strides = array<i32>} : memref<4x128xi32, #tpu.memory_space<vmem>>, vector<16xi32>,
      %get3A_197 = arith.constant 416 : index
      %get3A_198 = tpu.vector_load %arg7[%get3A_197] {strides = array<i32>} : memref<512xi32, #tpu.memory_space<vmem>>, vector<16xi32>,
      %gather3A_199 = tpu.vector_load_idx %arg6[%get3A_198] : memref<3125xi32, #tpu.memory_space<vmem>>[vector<16xi32>], vector<16xi32>,
      %swap3A_200 = arith.constant 3 : i32
      %swap3A_201 = arith.index_cast %swap3A_200 : i32 to index
      %swap3A_202 = arith.constant 32 : index
      %swap3A_203 = tpu.vector_load %arg8[%swap3A_201, %swap3A_202] {strides = array<i32>} : memref<4x128xi32, #tpu.memory_space<vmem>>, vector<16xi32>,
      tpu.vector_store %arg8[%swap3A_201, %swap3A_202], %gather3A_199 {strides = array<i32>} : memref<4x128xi32, #tpu.memory_space<vmem>>, vector<16xi32>,
      %get3A_204 = arith.constant 432 : index
      %get3A_205 = tpu.vector_load %arg7[%get3A_204] {strides = array<i32>} : memref<512xi32, #tpu.memory_space<vmem>>, vector<16xi32>,
      %gather3A_206 = tpu.vector_load_idx %arg6[%get3A_205] : memref<3125xi32, #tpu.memory_space<vmem>>[vector<16xi32>], vector<16xi32>,
      %swap3A_207 = arith.constant 3 : i32
      %swap3A_208 = arith.index_cast %swap3A_207 : i32 to index
      %swap3A_209 = arith.constant 48 : index
      %swap3A_210 = tpu.vector_load %arg8[%swap3A_208, %swap3A_209] {strides = array<i32>} : memref<4x128xi32, #tpu.memory_space<vmem>>, vector<16xi32>,
      tpu.vector_store %arg8[%swap3A_208, %swap3A_209], %gather3A_206 {strides = array<i32>} : memref<4x128xi32, #tpu.memory_space<vmem>>, vector<16xi32>,
      %get3A_211 = arith.constant 448 : index
      %get3A_212 = tpu.vector_load %arg7[%get3A_211] {strides = array<i32>} : memref<512xi32, #tpu.memory_space<vmem>>, vector<16xi32>,
      %gather3A_213 = tpu.vector_load_idx %arg6[%get3A_212] : memref<3125xi32, #tpu.memory_space<vmem>>[vector<16xi32>], vector<16xi32>,
      %swap3A_214 = arith.constant 3 : i32
      %swap3A_215 = arith.index_cast %swap3A_214 : i32 to index
      %swap3A_216 = arith.constant 64 : index
      %swap3A_217 = tpu.vector_load %arg8[%swap3A_215, %swap3A_216] {strides = array<i32>} : memref<4x128xi32, #tpu.memory_space<vmem>>, vector<16xi32>,
      tpu.vector_store %arg8[%swap3A_215, %swap3A_216], %gather3A_213 {strides = array<i32>} : memref<4x128xi32, #tpu.memory_space<vmem>>, vector<16xi32>,
      %get3A_218 = arith.constant 464 : index
      %get3A_219 = tpu.vector_load %arg7[%get3A_218] {strides = array<i32>} : memref<512xi32, #tpu.memory_space<vmem>>, vector<16xi32>,
      %gather3A_220 = tpu.vector_load_idx %arg6[%get3A_219] : memref<3125xi32, #tpu.memory_space<vmem>>[vector<16xi32>], vector<16xi32>,
      %swap3A_221 = arith.constant 3 : i32
      %swap3A_222 = arith.index_cast %swap3A_221 : i32 to index
      %swap3A_223 = arith.constant 80 : index
      %swap3A_224 = tpu.vector_load %arg8[%swap3A_222, %swap3A_223] {strides = array<i32>} : memref<4x128xi32, #tpu.memory_space<vmem>>, vector<16xi32>,
      tpu.vector_store %arg8[%swap3A_222, %swap3A_223], %gather3A_220 {strides = array<i32>} : memref<4x128xi32, #tpu.memory_space<vmem>>, vector<16xi32>,
      %get3A_225 = arith.constant 480 : index
      %get3A_226 = tpu.vector_load %arg7[%get3A_225] {strides = array<i32>} : memref<512xi32, #tpu.memory_space<vmem>>, vector<16xi32>,
      %gather3A_227 = tpu.vector_load_idx %arg6[%get3A_226] : memref<3125xi32, #tpu.memory_space<vmem>>[vector<16xi32>], vector<16xi32>,
      %swap3A_228 = arith.constant 3 : i32
      %swap3A_229 = arith.index_cast %swap3A_228 : i32 to index
      %swap3A_230 = arith.constant 96 : index
      %swap3A_231 = tpu.vector_load %arg8[%swap3A_229, %swap3A_230] {strides = array<i32>} : memref<4x128xi32, #tpu.memory_space<vmem>>, vector<16xi32>,
      tpu.vector_store %arg8[%swap3A_229, %swap3A_230], %gather3A_227 {strides = array<i32>} : memref<4x128xi32, #tpu.memory_space<vmem>>, vector<16xi32>,
      %get3A_232 = arith.constant 496 : index
      %get3A_233 = tpu.vector_load %arg7[%get3A_232] {strides = array<i32>} : memref<512xi32, #tpu.memory_space<vmem>>, vector<16xi32>,
      %gather3A_234 = tpu.vector_load_idx %arg6[%get3A_233] : memref<3125xi32, #tpu.memory_space<vmem>>[vector<16xi32>], vector<16xi32>,
      %swap3A_235 = arith.constant 3 : i32
      %swap3A_236 = arith.index_cast %swap3A_235 : i32 to index
      %swap3A_237 = arith.constant 112 : index
      %swap3A_238 = tpu.vector_load %arg8[%swap3A_236, %swap3A_237] {strides = array<i32>} : memref<4x128xi32, #tpu.memory_space<vmem>>, vector<16xi32>,
      tpu.vector_store %arg8[%swap3A_236, %swap3A_237], %gather3A_234 {strides = array<i32>} : memref<4x128xi32, #tpu.memory_space<vmem>>, vector<16xi32>,
      %dma_start3A = arith.constant 0 : i32
      %dma_start3A_239 = arith.constant 0 : i32
      %dma_start3A_240 = arith.constant 0 : i32
      %dma_start3A_241 = tpu.memref_slice %arg9[%dma_start3A_239, %dma_start3A_240] : memref<512x128xf32, #tpu.memory_space<vmem>> -> memref<128x128xf32, #tpu.memory_space<vmem>>
      %dma_start3A_242 = arith.constant 0 : i32
      %dma_start3A_243 = tpu.memref_slice %arg8[%dma_start3A, %dma_start3A_242] : memref<4x128xi32, #tpu.memory_space<vmem>> -> memref<1x128xi32, #tpu.memory_space<vmem>>
      %dma_start3A_244 = tpu.memref_squeeze %dma_start3A_243 : memref<1x128xi32, #tpu.memory_space<vmem>> -> memref<128xi32, #tpu.memory_space<vmem>>
      %dma_start3A_245 = arith.constant 0 : i32
      %dma_start3A_246 = arith.constant 0 : i32
      %dma_start3A_247 = tpu.memref_slice %arg10[%dma_start3A_245, %dma_start3A_246] : memref<6400x128xf32, #tpu.memory_space<vmem_shared>> -> memref<6400x128xf32, #tpu.memory_space<vmem_shared>>
      tpu.enqueue_indirect_dma source(%dma_start3A_247 : memref<6400x128xf32, #tpu.memory_space<vmem_shared>>) target(%dma_start3A_241 : memref<128x128xf32, #tpu.memory_space<vmem>>) offsets(%dma_start3A_244 : memref<128xi32, #tpu.memory_space<vmem>>) semaphore(%arg11 : memref<!tpu.dma_semaphore, #tpu.memory_space<semaphore_mem>>)
      %dma_start3A_248 = arith.constant 1 : i32
      %dma_start3A_249 = arith.constant 128 : i32
      %dma_start3A_250 = arith.constant 0 : i32
      %dma_start3A_251 = tpu.memref_slice %arg9[%dma_start3A_249, %dma_start3A_250] : memref<512x128xf32, #tpu.memory_space<vmem>> -> memref<128x128xf32, #tpu.memory_space<vmem>>
      %dma_start3A_252 = arith.constant 0 : i32
      %dma_start3A_253 = tpu.memref_slice %arg8[%dma_start3A_248, %dma_start3A_252] : memref<4x128xi32, #tpu.memory_space<vmem>> -> memref<1x128xi32, #tpu.memory_space<vmem>>
      %dma_start3A_254 = tpu.memref_squeeze %dma_start3A_253 : memref<1x128xi32, #tpu.memory_space<vmem>> -> memref<128xi32, #tpu.memory_space<vmem>>
      %dma_start3A_255 = arith.constant 0 : i32
      %dma_start3A_256 = arith.constant 0 : i32
      %dma_start3A_257 = tpu.memref_slice %arg10[%dma_start3A_255, %dma_start3A_256] : memref<6400x128xf32, #tpu.memory_space<vmem_shared>> -> memref<6400x128xf32, #tpu.memory_space<vmem_shared>>
      tpu.enqueue_indirect_dma source(%dma_start3A_257 : memref<6400x128xf32, #tpu.memory_space<vmem_shared>>) target(%dma_start3A_251 : memref<128x128xf32, #tpu.memory_space<vmem>>) offsets(%dma_start3A_254 : memref<128xi32, #tpu.memory_space<vmem>>) semaphore(%arg12 : memref<!tpu.dma_semaphore, #tpu.memory_space<semaphore_mem>>)
      %dma_start3A_258 = arith.constant 2 : i32
      %dma_start3A_259 = arith.constant 256 : i32
      %dma_start3A_260 = arith.constant 0 : i32
      %dma_start3A_261 = tpu.memref_slice %arg9[%dma_start3A_259, %dma_start3A_260] : memref<512x128xf32, #tpu.memory_space<vmem>> -> memref<128x128xf32, #tpu.memory_space<vmem>>
      %dma_start3A_262 = arith.constant 0 : i32
      %dma_start3A_263 = tpu.memref_slice %arg8[%dma_start3A_258, %dma_start3A_262] : memref<4x128xi32, #tpu.memory_space<vmem>> -> memref<1x128xi32, #tpu.memory_space<vmem>>
      %dma_start3A_264 = tpu.memref_squeeze %dma_start3A_263 : memref<1x128xi32, #tpu.memory_space<vmem>> -> memref<128xi32, #tpu.memory_space<vmem>>
      %dma_start3A_265 = arith.constant 0 : i32
      %dma_start3A_266 = arith.constant 0 : i32
      %dma_start3A_267 = tpu.memref_slice %arg10[%dma_start3A_265, %dma_start3A_266] : memref<6400x128xf32, #tpu.memory_space<vmem_shared>> -> memref<6400x128xf32, #tpu.memory_space<vmem_shared>>
      tpu.enqueue_indirect_dma source(%dma_start3A_267 : memref<6400x128xf32, #tpu.memory_space<vmem_shared>>) target(%dma_start3A_261 : memref<128x128xf32, #tpu.memory_space<vmem>>) offsets(%dma_start3A_264 : memref<128xi32, #tpu.memory_space<vmem>>) semaphore(%arg13 : memref<!tpu.dma_semaphore, #tpu.memory_space<semaphore_mem>>)
      %dma_start3A_268 = arith.constant 3 : i32
      %dma_start3A_269 = arith.constant 384 : i32
      %dma_start3A_270 = arith.constant 0 : i32
      %dma_start3A_271 = tpu.memref_slice %arg9[%dma_start3A_269, %dma_start3A_270] : memref<512x128xf32, #tpu.memory_space<vmem>> -> memref<128x128xf32, #tpu.memory_space<vmem>>
      %dma_start3A_272 = arith.constant 0 : i32
      %dma_start3A_273 = tpu.memref_slice %arg8[%dma_start3A_268, %dma_start3A_272] : memref<4x128xi32, #tpu.memory_space<vmem>> -> memref<1x128xi32, #tpu.memory_space<vmem>>
      %dma_start3A_274 = tpu.memref_squeeze %dma_start3A_273 : memref<1x128xi32, #tpu.memory_space<vmem>> -> memref<128xi32, #tpu.memory_space<vmem>>
      %dma_start3A_275 = arith.constant 0 : i32
      %dma_start3A_276 = arith.constant 0 : i32
      %dma_start3A_277 = tpu.memref_slice %arg10[%dma_start3A_275, %dma_start3A_276] : memref<6400x128xf32, #tpu.memory_space<vmem_shared>> -> memref<6400x128xf32, #tpu.memory_space<vmem_shared>>
      tpu.enqueue_indirect_dma source(%dma_start3A_277 : memref<6400x128xf32, #tpu.memory_space<vmem_shared>>) target(%dma_start3A_271 : memref<128x128xf32, #tpu.memory_space<vmem>>) offsets(%dma_start3A_274 : memref<128xi32, #tpu.memory_space<vmem>>) semaphore(%arg14 : memref<!tpu.dma_semaphore, #tpu.memory_space<semaphore_mem>>)
      %dma_wait3A = arith.constant 0 : i32
      %dma_wait3A_278 = arith.constant 0 : i32
      %dma_wait3A_279 = arith.constant 0 : i32
      %dma_wait3A_280 = tpu.memref_slice %arg9[%dma_wait3A_278, %dma_wait3A_279] : memref<512x128xf32, #tpu.memory_space<vmem>> -> memref<128x128xf32, #tpu.memory_space<vmem>>
      %dma_wait3A_281 = arith.constant 0 : i32
      %dma_wait3A_282 = tpu.memref_slice %arg8[%dma_wait3A, %dma_wait3A_281] : memref<4x128xi32, #tpu.memory_space<vmem>> -> memref<1x128xi32, #tpu.memory_space<vmem>>
      %dma_wait3A_283 = tpu.memref_squeeze %dma_wait3A_282 : memref<1x128xi32, #tpu.memory_space<vmem>> -> memref<128xi32, #tpu.memory_space<vmem>>
      %dma_wait3A_284 = arith.constant 0 : i32
      %dma_wait3A_285 = arith.constant 0 : i32
      %dma_wait3A_286 = tpu.memref_slice %arg10[%dma_wait3A_284, %dma_wait3A_285] : memref<6400x128xf32, #tpu.memory_space<vmem_shared>> -> memref<6400x128xf32, #tpu.memory_space<vmem_shared>>
      tpu.wait_indirect_dma semaphore(%arg11 : memref<!tpu.dma_semaphore, #tpu.memory_space<semaphore_mem>>) src(%dma_wait3A_286 : memref<6400x128xf32, #tpu.memory_space<vmem_shared>>) dst(%dma_wait3A_280 : memref<128x128xf32, #tpu.memory_space<vmem>>)
      %dma_wait3A_287 = arith.constant 1 : i32
      %dma_wait3A_288 = arith.constant 128 : i32
      %dma_wait3A_289 = arith.constant 0 : i32
      %dma_wait3A_290 = tpu.memref_slice %arg9[%dma_wait3A_288, %dma_wait3A_289] : memref<512x128xf32, #tpu.memory_space<vmem>> -> memref<128x128xf32, #tpu.memory_space<vmem>>
      %dma_wait3A_291 = arith.constant 0 : i32
      %dma_wait3A_292 = tpu.memref_slice %arg8[%dma_wait3A_287, %dma_wait3A_291] : memref<4x128xi32, #tpu.memory_space<vmem>> -> memref<1x128xi32, #tpu.memory_space<vmem>>
      %dma_wait3A_293 = tpu.memref_squeeze %dma_wait3A_292 : memref<1x128xi32, #tpu.memory_space<vmem>> -> memref<128xi32, #tpu.memory_space<vmem>>
      %dma_wait3A_294 = arith.constant 0 : i32
      %dma_wait3A_295 = arith.constant 0 : i32
      %dma_wait3A_296 = tpu.memref_slice %arg10[%dma_wait3A_294, %dma_wait3A_295] : memref<6400x128xf32, #tpu.memory_space<vmem_shared>> -> memref<6400x128xf32, #tpu.memory_space<vmem_shared>>
      tpu.wait_indirect_dma semaphore(%arg12 : memref<!tpu.dma_semaphore, #tpu.memory_space<semaphore_mem>>) src(%dma_wait3A_296 : memref<6400x128xf32, #tpu.memory_space<vmem_shared>>) dst(%dma_wait3A_290 : memref<128x128xf32, #tpu.memory_space<vmem>>)
      %dma_wait3A_297 = arith.constant 2 : i32
      %dma_wait3A_298 = arith.constant 256 : i32
      %dma_wait3A_299 = arith.constant 0 : i32
      %dma_wait3A_300 = tpu.memref_slice %arg9[%dma_wait3A_298, %dma_wait3A_299] : memref<512x128xf32, #tpu.memory_space<vmem>> -> memref<128x128xf32, #tpu.memory_space<vmem>>
      %dma_wait3A_301 = arith.constant 0 : i32
      %dma_wait3A_302 = tpu.memref_slice %arg8[%dma_wait3A_297, %dma_wait3A_301] : memref<4x128xi32, #tpu.memory_space<vmem>> -> memref<1x128xi32, #tpu.memory_space<vmem>>
      %dma_wait3A_303 = tpu.memref_squeeze %dma_wait3A_302 : memref<1x128xi32, #tpu.memory_space<vmem>> -> memref<128xi32, #tpu.memory_space<vmem>>
      %dma_wait3A_304 = arith.constant 0 : i32
      %dma_wait3A_305 = arith.constant 0 : i32
      %dma_wait3A_306 = tpu.memref_slice %arg10[%dma_wait3A_304, %dma_wait3A_305] : memref<6400x128xf32, #tpu.memory_space<vmem_shared>> -> memref<6400x128xf32, #tpu.memory_space<vmem_shared>>
      tpu.wait_indirect_dma semaphore(%arg13 : memref<!tpu.dma_semaphore, #tpu.memory_space<semaphore_mem>>) src(%dma_wait3A_306 : memref<6400x128xf32, #tpu.memory_space<vmem_shared>>) dst(%dma_wait3A_300 : memref<128x128xf32, #tpu.memory_space<vmem>>)
      %dma_wait3A_307 = arith.constant 3 : i32
      %dma_wait3A_308 = arith.constant 384 : i32
      %dma_wait3A_309 = arith.constant 0 : i32
      %dma_wait3A_310 = tpu.memref_slice %arg9[%dma_wait3A_308, %dma_wait3A_309] : memref<512x128xf32, #tpu.memory_space<vmem>> -> memref<128x128xf32, #tpu.memory_space<vmem>>
      %dma_wait3A_311 = arith.constant 0 : i32
      %dma_wait3A_312 = tpu.memref_slice %arg8[%dma_wait3A_307, %dma_wait3A_311] : memref<4x128xi32, #tpu.memory_space<vmem>> -> memref<1x128xi32, #tpu.memory_space<vmem>>
      %dma_wait3A_313 = tpu.memref_squeeze %dma_wait3A_312 : memref<1x128xi32, #tpu.memory_space<vmem>> -> memref<128xi32, #tpu.memory_space<vmem>>
      %dma_wait3A_314 = arith.constant 0 : i32
      %dma_wait3A_315 = arith.constant 0 : i32
      %dma_wait3A_316 = tpu.memref_slice %arg10[%dma_wait3A_314, %dma_wait3A_315] : memref<6400x128xf32, #tpu.memory_space<vmem_shared>> -> memref<6400x128xf32, #tpu.memory_space<vmem_shared>>
      tpu.wait_indirect_dma semaphore(%arg14 : memref<!tpu.dma_semaphore, #tpu.memory_space<semaphore_mem>>) src(%dma_wait3A_316 : memref<6400x128xf32, #tpu.memory_space<vmem_shared>>) dst(%dma_wait3A_310 : memref<128x128xf32, #tpu.memory_space<vmem>>)
      "tpu.region"() ({
        %run_scoped3A = tpu.sem_alloc : memref<!tpu.dma_semaphore, #tpu.memory_space<semaphore_mem>>
        %dma_start3A_317 = arith.constant 0 : i32
        %dma_start3A_318 = tpu.memref_slice %arg5[%add3A_17, %dma_start3A_317] : memref<49152x128xf32, #tpu.memory_space<hbm>> -> memref<512x128xf32, #tpu.memory_space<hbm>>
        %dma_start3A_319 = arith.constant 0 : i32
        %dma_start3A_320 = tpu.memref_slice %arg5[%add3A_17, %dma_start3A_319] : memref<49152x128xf32, #tpu.memory_space<hbm>> -> memref<512x128xf32, #tpu.memory_space<hbm>>
        tpu.enqueue_dma source(%arg9 : memref<512x128xf32, #tpu.memory_space<vmem>>) target(%dma_start3A_320 : memref<512x128xf32, #tpu.memory_space<hbm>>) target_semaphore(%run_scoped3A : memref<!tpu.dma_semaphore, #tpu.memory_space<semaphore_mem>>)
        %dma_wait3A_321 = arith.constant 0 : i32
        %dma_wait3A_322 = tpu.memref_slice %arg5[%add3A_17, %dma_wait3A_321] : memref<49152x128xf32, #tpu.memory_space<hbm>> -> memref<512x128xf32, #tpu.memory_space<hbm>>
        %dma_wait3A_323 = arith.constant 0 : i32
        %dma_wait3A_324 = tpu.memref_slice %arg5[%add3A_17, %dma_wait3A_323] : memref<49152x128xf32, #tpu.memory_space<hbm>> -> memref<512x128xf32, #tpu.memory_space<hbm>>
        tpu.wait_dma2 semaphore(%run_scoped3A : memref<!tpu.dma_semaphore, #tpu.memory_space<semaphore_mem>>) src(%arg9 : memref<512x128xf32, #tpu.memory_space<vmem>>) dst(%dma_wait3A_324 : memref<512x128xf32, #tpu.memory_space<hbm>>)
        tpu.yield
      }) : () -> ()
    }
    %scan3A_13 = arith.constant 3 : i32
    return
  }
}

#map = affine_map<(d0, d1) -> (0, 0)>
#map1 = affine_map<(d0, d1) -> (0)>
module attributes {stable_mosaic.version = 14 : i64} {
  func.func @kfn(%arg0: i32, %arg1: i32, %arg2: memref<28672x64xf32, #tpu.memory_space<hbm>>, %arg3: memref<180224xi32, #tpu.memory_space<hbm>>, %arg4: memref<12500xi32, #tpu.memory_space<hbm>>, %arg5: memref<180224x64xf32, #tpu.memory_space<hbm>>, %arg6: memref<12500xi32, #tpu.memory_space<vmem>>, %arg7: memref<128xi32, #tpu.memory_space<vmem>>, %arg8: memref<1x128xi32, #tpu.memory_space<vmem>>, %arg9: memref<128x64xf32, #tpu.memory_space<vmem>>, %arg10: memref<25088x64xf32, #tpu.memory_space<vmem_shared>>, %arg11: memref<!tpu.dma_semaphore, #tpu.memory_space<semaphore_mem>>) attributes {dimension_semantics = [#tpu.dimension_semantics<core_parallel>, #tpu.dimension_semantics<subcore_parallel>], iteration_bounds = array<i64: 2, 16>, scalar_prefetch = 0 : i64, scratch_operands = 6 : i64, tpu.core_type = #tpu.core_type<sc_vector_subcore>, window_params = [{transform_indices = #map}, {transform_indices = #map1}, {transform_indices = #map1}, {transform_indices = #map}]} {
    %mul3A = arith.constant 2 : i32
    %mul3A_0 = arith.muli %arg1, %mul3A : i32
    %add3A = arith.addi %mul3A_0, %arg0 : i32
    %mul3A_1 = arith.constant 44 : i32
    %mul3A_2 = arith.muli %add3A, %mul3A_1 : i32
    %mul3A_3 = arith.constant 128 : i32
    %mul3A_4 = arith.muli %mul3A_2, %mul3A_3 : i32
    "tpu.region"() ({
      %run_scoped3A = tpu.sem_alloc : memref<!tpu.dma_semaphore, #tpu.memory_space<semaphore_mem>>
      tpu.enqueue_dma source(%arg4 : memref<12500xi32, #tpu.memory_space<hbm>>) target(%arg6 : memref<12500xi32, #tpu.memory_space<vmem>>) target_semaphore(%run_scoped3A : memref<!tpu.dma_semaphore, #tpu.memory_space<semaphore_mem>>)
      tpu.wait_dma2 semaphore(%run_scoped3A : memref<!tpu.dma_semaphore, #tpu.memory_space<semaphore_mem>>) src(%arg4 : memref<12500xi32, #tpu.memory_space<hbm>>) dst(%arg6 : memref<12500xi32, #tpu.memory_space<vmem>>)
      tpu.yield
    }) : () -> ()
    %mul3A_5 = arith.constant 1568 : i32
    %mul3A_6 = arith.muli %arg1, %mul3A_5 : i32
    %mul3A_7 = arith.constant 1568 : i32
    %mul3A_8 = arith.muli %arg1, %mul3A_7 : i32
    "tpu.region"() ({
      %run_scoped3A = tpu.sem_alloc : memref<!tpu.dma_semaphore, #tpu.memory_space<semaphore_mem>>
      %dma_start3A = arith.constant 0 : i32
      %dma_start3A_14 = tpu.memref_slice %arg10[%mul3A_8, %dma_start3A] : memref<25088x64xf32, #tpu.memory_space<vmem_shared>> -> memref<1568x64xf32, #tpu.memory_space<vmem_shared>>
      %dma_start3A_15 = arith.constant 0 : i32
      %dma_start3A_16 = tpu.memref_slice %arg2[%mul3A_6, %dma_start3A_15] : memref<28672x64xf32, #tpu.memory_space<hbm>> -> memref<1568x64xf32, #tpu.memory_space<hbm>>
      tpu.enqueue_dma source(%dma_start3A_16 : memref<1568x64xf32, #tpu.memory_space<hbm>>) target(%dma_start3A_14 : memref<1568x64xf32, #tpu.memory_space<vmem_shared>>) target_semaphore(%run_scoped3A : memref<!tpu.dma_semaphore, #tpu.memory_space<semaphore_mem>>)
      %dma_wait3A = arith.constant 0 : i32
      %dma_wait3A_17 = tpu.memref_slice %arg10[%mul3A_8, %dma_wait3A] : memref<25088x64xf32, #tpu.memory_space<vmem_shared>> -> memref<1568x64xf32, #tpu.memory_space<vmem_shared>>
      %dma_wait3A_18 = arith.constant 0 : i32
      %dma_wait3A_19 = tpu.memref_slice %arg2[%mul3A_6, %dma_wait3A_18] : memref<28672x64xf32, #tpu.memory_space<hbm>> -> memref<1568x64xf32, #tpu.memory_space<hbm>>
      tpu.wait_dma2 semaphore(%run_scoped3A : memref<!tpu.dma_semaphore, #tpu.memory_space<semaphore_mem>>) src(%dma_wait3A_19 : memref<1568x64xf32, #tpu.memory_space<hbm>>) dst(%dma_wait3A_17 : memref<1568x64xf32, #tpu.memory_space<vmem_shared>>)
      tpu.yield
    }) : () -> ()
    %barrier3A = arith.constant 0 : index
    tpu.barrier barrier_id(%barrier3A)
    %scan3A = arith.constant 0 : i32
    %scan3A_9 = arith.constant 0 : i32
    %scan3A_10 = arith.constant 44 : i32
    %scan3A_11 = arith.addi %scan3A_9, %scan3A_10 : i32
    %scan3A_12 = arith.constant 1 : i32
    scf.for %scan3A_14 = %scan3A_9 to %scan3A_11 step %scan3A_12  : i32 {
      %mul3A_15 = arith.constant 128 : i32
      %mul3A_16 = arith.muli %scan3A_14, %mul3A_15 : i32
      %add3A_17 = arith.addi %mul3A_4, %mul3A_16 : i32
      "tpu.region"() ({
        %run_scoped3A = tpu.sem_alloc : memref<!tpu.dma_semaphore, #tpu.memory_space<semaphore_mem>>
        %dma_start3A_89 = tpu.memref_slice %arg3[%add3A_17] : memref<180224xi32, #tpu.memory_space<hbm>> -> memref<128xi32, #tpu.memory_space<hbm>>
        %dma_start3A_90 = tpu.memref_slice %arg3[%add3A_17] : memref<180224xi32, #tpu.memory_space<hbm>> -> memref<128xi32, #tpu.memory_space<hbm>>
        tpu.enqueue_dma source(%dma_start3A_90 : memref<128xi32, #tpu.memory_space<hbm>>) target(%arg7 : memref<128xi32, #tpu.memory_space<vmem>>) target_semaphore(%run_scoped3A : memref<!tpu.dma_semaphore, #tpu.memory_space<semaphore_mem>>)
        %dma_wait3A_91 = tpu.memref_slice %arg3[%add3A_17] : memref<180224xi32, #tpu.memory_space<hbm>> -> memref<128xi32, #tpu.memory_space<hbm>>
        %dma_wait3A_92 = tpu.memref_slice %arg3[%add3A_17] : memref<180224xi32, #tpu.memory_space<hbm>> -> memref<128xi32, #tpu.memory_space<hbm>>
        tpu.wait_dma2 semaphore(%run_scoped3A : memref<!tpu.dma_semaphore, #tpu.memory_space<semaphore_mem>>) src(%dma_wait3A_92 : memref<128xi32, #tpu.memory_space<hbm>>) dst(%arg7 : memref<128xi32, #tpu.memory_space<vmem>>)
        tpu.yield
      }) : () -> ()
      %get3A = arith.constant 0 : index
      %get3A_18 = tpu.vector_load %arg7[%get3A] {strides = array<i32>} : memref<128xi32, #tpu.memory_space<vmem>>, vector<16xi32>,
      %gather3A = tpu.vector_load_idx %arg6[%get3A_18] : memref<12500xi32, #tpu.memory_space<vmem>>[vector<16xi32>], vector<16xi32>,
      %swap3A = arith.constant 0 : i32
      %swap3A_19 = arith.index_cast %swap3A : i32 to index
      %swap3A_20 = arith.constant 0 : index
      %swap3A_21 = tpu.vector_load %arg8[%swap3A_19, %swap3A_20] {strides = array<i32>} : memref<1x128xi32, #tpu.memory_space<vmem>>, vector<16xi32>,
      tpu.vector_store %arg8[%swap3A_19, %swap3A_20], %gather3A {strides = array<i32>} : memref<1x128xi32, #tpu.memory_space<vmem>>, vector<16xi32>,
      %get3A_22 = arith.constant 16 : index
      %get3A_23 = tpu.vector_load %arg7[%get3A_22] {strides = array<i32>} : memref<128xi32, #tpu.memory_space<vmem>>, vector<16xi32>,
      %gather3A_24 = tpu.vector_load_idx %arg6[%get3A_23] : memref<12500xi32, #tpu.memory_space<vmem>>[vector<16xi32>], vector<16xi32>,
      %swap3A_25 = arith.constant 0 : i32
      %swap3A_26 = arith.index_cast %swap3A_25 : i32 to index
      %swap3A_27 = arith.constant 16 : index
      %swap3A_28 = tpu.vector_load %arg8[%swap3A_26, %swap3A_27] {strides = array<i32>} : memref<1x128xi32, #tpu.memory_space<vmem>>, vector<16xi32>,
      tpu.vector_store %arg8[%swap3A_26, %swap3A_27], %gather3A_24 {strides = array<i32>} : memref<1x128xi32, #tpu.memory_space<vmem>>, vector<16xi32>,
      %get3A_29 = arith.constant 32 : index
      %get3A_30 = tpu.vector_load %arg7[%get3A_29] {strides = array<i32>} : memref<128xi32, #tpu.memory_space<vmem>>, vector<16xi32>,
      %gather3A_31 = tpu.vector_load_idx %arg6[%get3A_30] : memref<12500xi32, #tpu.memory_space<vmem>>[vector<16xi32>], vector<16xi32>,
      %swap3A_32 = arith.constant 0 : i32
      %swap3A_33 = arith.index_cast %swap3A_32 : i32 to index
      %swap3A_34 = arith.constant 32 : index
      %swap3A_35 = tpu.vector_load %arg8[%swap3A_33, %swap3A_34] {strides = array<i32>} : memref<1x128xi32, #tpu.memory_space<vmem>>, vector<16xi32>,
      tpu.vector_store %arg8[%swap3A_33, %swap3A_34], %gather3A_31 {strides = array<i32>} : memref<1x128xi32, #tpu.memory_space<vmem>>, vector<16xi32>,
      %get3A_36 = arith.constant 48 : index
      %get3A_37 = tpu.vector_load %arg7[%get3A_36] {strides = array<i32>} : memref<128xi32, #tpu.memory_space<vmem>>, vector<16xi32>,
      %gather3A_38 = tpu.vector_load_idx %arg6[%get3A_37] : memref<12500xi32, #tpu.memory_space<vmem>>[vector<16xi32>], vector<16xi32>,
      %swap3A_39 = arith.constant 0 : i32
      %swap3A_40 = arith.index_cast %swap3A_39 : i32 to index
      %swap3A_41 = arith.constant 48 : index
      %swap3A_42 = tpu.vector_load %arg8[%swap3A_40, %swap3A_41] {strides = array<i32>} : memref<1x128xi32, #tpu.memory_space<vmem>>, vector<16xi32>,
      tpu.vector_store %arg8[%swap3A_40, %swap3A_41], %gather3A_38 {strides = array<i32>} : memref<1x128xi32, #tpu.memory_space<vmem>>, vector<16xi32>,
      %get3A_43 = arith.constant 64 : index
      %get3A_44 = tpu.vector_load %arg7[%get3A_43] {strides = array<i32>} : memref<128xi32, #tpu.memory_space<vmem>>, vector<16xi32>,
      %gather3A_45 = tpu.vector_load_idx %arg6[%get3A_44] : memref<12500xi32, #tpu.memory_space<vmem>>[vector<16xi32>], vector<16xi32>,
      %swap3A_46 = arith.constant 0 : i32
      %swap3A_47 = arith.index_cast %swap3A_46 : i32 to index
      %swap3A_48 = arith.constant 64 : index
      %swap3A_49 = tpu.vector_load %arg8[%swap3A_47, %swap3A_48] {strides = array<i32>} : memref<1x128xi32, #tpu.memory_space<vmem>>, vector<16xi32>,
      tpu.vector_store %arg8[%swap3A_47, %swap3A_48], %gather3A_45 {strides = array<i32>} : memref<1x128xi32, #tpu.memory_space<vmem>>, vector<16xi32>,
      %get3A_50 = arith.constant 80 : index
      %get3A_51 = tpu.vector_load %arg7[%get3A_50] {strides = array<i32>} : memref<128xi32, #tpu.memory_space<vmem>>, vector<16xi32>,
      %gather3A_52 = tpu.vector_load_idx %arg6[%get3A_51] : memref<12500xi32, #tpu.memory_space<vmem>>[vector<16xi32>], vector<16xi32>,
      %swap3A_53 = arith.constant 0 : i32
      %swap3A_54 = arith.index_cast %swap3A_53 : i32 to index
      %swap3A_55 = arith.constant 80 : index
      %swap3A_56 = tpu.vector_load %arg8[%swap3A_54, %swap3A_55] {strides = array<i32>} : memref<1x128xi32, #tpu.memory_space<vmem>>, vector<16xi32>,
      tpu.vector_store %arg8[%swap3A_54, %swap3A_55], %gather3A_52 {strides = array<i32>} : memref<1x128xi32, #tpu.memory_space<vmem>>, vector<16xi32>,
      %get3A_57 = arith.constant 96 : index
      %get3A_58 = tpu.vector_load %arg7[%get3A_57] {strides = array<i32>} : memref<128xi32, #tpu.memory_space<vmem>>, vector<16xi32>,
      %gather3A_59 = tpu.vector_load_idx %arg6[%get3A_58] : memref<12500xi32, #tpu.memory_space<vmem>>[vector<16xi32>], vector<16xi32>,
      %swap3A_60 = arith.constant 0 : i32
      %swap3A_61 = arith.index_cast %swap3A_60 : i32 to index
      %swap3A_62 = arith.constant 96 : index
      %swap3A_63 = tpu.vector_load %arg8[%swap3A_61, %swap3A_62] {strides = array<i32>} : memref<1x128xi32, #tpu.memory_space<vmem>>, vector<16xi32>,
      tpu.vector_store %arg8[%swap3A_61, %swap3A_62], %gather3A_59 {strides = array<i32>} : memref<1x128xi32, #tpu.memory_space<vmem>>, vector<16xi32>,
      %get3A_64 = arith.constant 112 : index
      %get3A_65 = tpu.vector_load %arg7[%get3A_64] {strides = array<i32>} : memref<128xi32, #tpu.memory_space<vmem>>, vector<16xi32>,
      %gather3A_66 = tpu.vector_load_idx %arg6[%get3A_65] : memref<12500xi32, #tpu.memory_space<vmem>>[vector<16xi32>], vector<16xi32>,
      %swap3A_67 = arith.constant 0 : i32
      %swap3A_68 = arith.index_cast %swap3A_67 : i32 to index
      %swap3A_69 = arith.constant 112 : index
      %swap3A_70 = tpu.vector_load %arg8[%swap3A_68, %swap3A_69] {strides = array<i32>} : memref<1x128xi32, #tpu.memory_space<vmem>>, vector<16xi32>,
      tpu.vector_store %arg8[%swap3A_68, %swap3A_69], %gather3A_66 {strides = array<i32>} : memref<1x128xi32, #tpu.memory_space<vmem>>, vector<16xi32>,
      %dma_start3A = arith.constant 0 : i32
      %dma_start3A_71 = arith.constant 0 : i32
      %dma_start3A_72 = arith.constant 0 : i32
      %dma_start3A_73 = tpu.memref_slice %arg9[%dma_start3A_71, %dma_start3A_72] : memref<128x64xf32, #tpu.memory_space<vmem>> -> memref<128x64xf32, #tpu.memory_space<vmem>>
      %dma_start3A_74 = arith.constant 0 : i32
      %dma_start3A_75 = tpu.memref_slice %arg8[%dma_start3A, %dma_start3A_74] : memref<1x128xi32, #tpu.memory_space<vmem>> -> memref<1x128xi32, #tpu.memory_space<vmem>>
      %dma_start3A_76 = tpu.memref_squeeze %dma_start3A_75 : memref<1x128xi32, #tpu.memory_space<vmem>> -> memref<128xi32, #tpu.memory_space<vmem>>
      %dma_start3A_77 = arith.constant 0 : i32
      %dma_start3A_78 = arith.constant 0 : i32
      %dma_start3A_79 = tpu.memref_slice %arg10[%dma_start3A_77, %dma_start3A_78] : memref<25088x64xf32, #tpu.memory_space<vmem_shared>> -> memref<25088x64xf32, #tpu.memory_space<vmem_shared>>
      tpu.enqueue_indirect_dma source(%dma_start3A_79 : memref<25088x64xf32, #tpu.memory_space<vmem_shared>>) target(%dma_start3A_73 : memref<128x64xf32, #tpu.memory_space<vmem>>) offsets(%dma_start3A_76 : memref<128xi32, #tpu.memory_space<vmem>>) semaphore(%arg11 : memref<!tpu.dma_semaphore, #tpu.memory_space<semaphore_mem>>)
      %dma_wait3A = arith.constant 0 : i32
      %dma_wait3A_80 = arith.constant 0 : i32
      %dma_wait3A_81 = arith.constant 0 : i32
      %dma_wait3A_82 = tpu.memref_slice %arg9[%dma_wait3A_80, %dma_wait3A_81] : memref<128x64xf32, #tpu.memory_space<vmem>> -> memref<128x64xf32, #tpu.memory_space<vmem>>
      %dma_wait3A_83 = arith.constant 0 : i32
      %dma_wait3A_84 = tpu.memref_slice %arg8[%dma_wait3A, %dma_wait3A_83] : memref<1x128xi32, #tpu.memory_space<vmem>> -> memref<1x128xi32, #tpu.memory_space<vmem>>
      %dma_wait3A_85 = tpu.memref_squeeze %dma_wait3A_84 : memref<1x128xi32, #tpu.memory_space<vmem>> -> memref<128xi32, #tpu.memory_space<vmem>>
      %dma_wait3A_86 = arith.constant 0 : i32
      %dma_wait3A_87 = arith.constant 0 : i32
      %dma_wait3A_88 = tpu.memref_slice %arg10[%dma_wait3A_86, %dma_wait3A_87] : memref<25088x64xf32, #tpu.memory_space<vmem_shared>> -> memref<25088x64xf32, #tpu.memory_space<vmem_shared>>
      tpu.wait_indirect_dma semaphore(%arg11 : memref<!tpu.dma_semaphore, #tpu.memory_space<semaphore_mem>>) src(%dma_wait3A_88 : memref<25088x64xf32, #tpu.memory_space<vmem_shared>>) dst(%dma_wait3A_82 : memref<128x64xf32, #tpu.memory_space<vmem>>)
      "tpu.region"() ({
        %run_scoped3A = tpu.sem_alloc : memref<!tpu.dma_semaphore, #tpu.memory_space<semaphore_mem>>
        %dma_start3A_89 = arith.constant 0 : i32
        %dma_start3A_90 = tpu.memref_slice %arg5[%add3A_17, %dma_start3A_89] : memref<180224x64xf32, #tpu.memory_space<hbm>> -> memref<128x64xf32, #tpu.memory_space<hbm>>
        %dma_start3A_91 = arith.constant 0 : i32
        %dma_start3A_92 = tpu.memref_slice %arg5[%add3A_17, %dma_start3A_91] : memref<180224x64xf32, #tpu.memory_space<hbm>> -> memref<128x64xf32, #tpu.memory_space<hbm>>
        tpu.enqueue_dma source(%arg9 : memref<128x64xf32, #tpu.memory_space<vmem>>) target(%dma_start3A_92 : memref<128x64xf32, #tpu.memory_space<hbm>>) target_semaphore(%run_scoped3A : memref<!tpu.dma_semaphore, #tpu.memory_space<semaphore_mem>>)
        %dma_wait3A_93 = arith.constant 0 : i32
        %dma_wait3A_94 = tpu.memref_slice %arg5[%add3A_17, %dma_wait3A_93] : memref<180224x64xf32, #tpu.memory_space<hbm>> -> memref<128x64xf32, #tpu.memory_space<hbm>>
        %dma_wait3A_95 = arith.constant 0 : i32
        %dma_wait3A_96 = tpu.memref_slice %arg5[%add3A_17, %dma_wait3A_95] : memref<180224x64xf32, #tpu.memory_space<hbm>> -> memref<128x64xf32, #tpu.memory_space<hbm>>
        tpu.wait_dma2 semaphore(%run_scoped3A : memref<!tpu.dma_semaphore, #tpu.memory_space<semaphore_mem>>) src(%arg9 : memref<128x64xf32, #tpu.memory_space<vmem>>) dst(%dma_wait3A_96 : memref<128x64xf32, #tpu.memory_space<hbm>>)
        tpu.yield
      }) : () -> ()
    }
    %scan3A_13 = arith.constant 44 : i32
    return
  }
}

#map = affine_map<(d0, d1) -> (0, 0)>
#map1 = affine_map<(d0, d1) -> (0, 0, 0)>
module attributes {stable_mosaic.version = 14 : i64} {
  func.func @kfn(%arg0: i32, %arg1: i32, %arg2: memref<180224x64xf32, #tpu.memory_space<hbm>>, %arg3: memref<1408x128xi32, #tpu.memory_space<hbm>>, %arg4: memref<2x12800x64xf32, #tpu.memory_space<hbm>>, %arg5: memref<512x64xf32, #tpu.memory_space<vmem>>, %arg6: memref<4x128xi32, #tpu.memory_space<vmem>>, %arg7: memref<32x64xf32, #tpu.memory_space<vmem>>, %arg8: memref<12800x64xf32, #tpu.memory_space<vmem_shared>>, %arg9: memref<!tpu.dma_semaphore, #tpu.memory_space<semaphore_mem>>, %arg10: memref<!tpu.dma_semaphore, #tpu.memory_space<semaphore_mem>>, %arg11: memref<!tpu.dma_semaphore, #tpu.memory_space<semaphore_mem>>, %arg12: memref<!tpu.dma_semaphore, #tpu.memory_space<semaphore_mem>>) attributes {dimension_semantics = [#tpu.dimension_semantics<core_parallel>, #tpu.dimension_semantics<subcore_parallel>], iteration_bounds = array<i64: 2, 16>, scalar_prefetch = 0 : i64, scratch_operands = 8 : i64, tpu.core_type = #tpu.core_type<sc_vector_subcore>, window_params = [{transform_indices = #map}, {transform_indices = #map}, {transform_indices = #map1}]} {
    %mul3A = arith.constant 2 : i32
    %mul3A_0 = arith.muli %arg1, %mul3A : i32
    %add3A = arith.addi %mul3A_0, %arg0 : i32
    %mul3A_1 = arith.constant 44 : i32
    %mul3A_2 = arith.muli %add3A, %mul3A_1 : i32
    %scan3A = arith.constant 0 : i32
    %scan3A_3 = arith.constant 0 : i32
    %scan3A_4 = arith.constant 32 : i32
    %scan3A_5 = arith.addi %scan3A_3, %scan3A_4 : i32
    %scan3A_6 = arith.constant 1 : i32
    scf.for %scan3A_25 = %scan3A_3 to %scan3A_5 step %scan3A_6  : i32 {
      %scan3A_26 = arith.constant 0 : i32
      %scan3A_27 = arith.constant 0 : i32
      %scan3A_28 = arith.constant 4 : i32
      %scan3A_29 = arith.addi %scan3A_27, %scan3A_28 : i32
      %scan3A_30 = arith.constant 1 : i32
      scf.for %scan3A_32 = %scan3A_27 to %scan3A_29 step %scan3A_30  : i32 {
        %broadcast_in_dim3A = arith.constant 0.000000e+00 : f32
        %broadcast_in_dim3A_33 = vector.broadcast %broadcast_in_dim3A : f32 to vector<16xf32>
        %mul3A_34 = arith.constant 16 : i32
        %mul3A_35 = arith.muli %scan3A_32, %mul3A_34 : i32
        %swap3A = arith.index_cast %scan3A_25 : i32 to index
        %swap3A_36 = arith.index_cast %mul3A_35 : i32 to index
        %swap3A_37 = tpu.vector_load %arg7[%swap3A, %swap3A_36] {strides = array<i32>} : memref<32x64xf32, #tpu.memory_space<vmem>>, vector<16xf32>,
        tpu.vector_store %arg7[%swap3A, %swap3A_36], %broadcast_in_dim3A_33 {strides = array<i32>} : memref<32x64xf32, #tpu.memory_space<vmem>>, vector<16xf32>,
      }
      %scan3A_31 = arith.constant 4 : i32
    }
    %scan3A_7 = arith.constant 32 : i32
    %scan3A_8 = arith.constant 0 : i32
    %scan3A_9 = arith.constant 0 : i32
    %scan3A_10 = arith.constant 25 : i32
    %scan3A_11 = arith.addi %scan3A_9, %scan3A_10 : i32
    %scan3A_12 = arith.constant 1 : i32
    scf.for %scan3A_25 = %scan3A_9 to %scan3A_11 step %scan3A_12  : i32 {
      %mul3A_26 = arith.constant 800 : i32
      %mul3A_27 = arith.muli %arg1, %mul3A_26 : i32
      %mul3A_28 = arith.constant 32 : i32
      %mul3A_29 = arith.muli %scan3A_25, %mul3A_28 : i32
      %add3A_30 = arith.addi %mul3A_27, %mul3A_29 : i32
      "tpu.region"() ({
        %run_scoped3A = tpu.sem_alloc : memref<!tpu.dma_semaphore, #tpu.memory_space<semaphore_mem>>
        %dma_start3A = arith.constant 0 : i32
        %dma_start3A_31 = tpu.memref_slice %arg8[%add3A_30, %dma_start3A] : memref<12800x64xf32, #tpu.memory_space<vmem_shared>> -> memref<32x64xf32, #tpu.memory_space<vmem_shared>>
        %dma_start3A_32 = arith.constant 0 : i32
        %dma_start3A_33 = tpu.memref_slice %arg8[%add3A_30, %dma_start3A_32] : memref<12800x64xf32, #tpu.memory_space<vmem_shared>> -> memref<32x64xf32, #tpu.memory_space<vmem_shared>>
        tpu.enqueue_dma source(%arg7 : memref<32x64xf32, #tpu.memory_space<vmem>>) target(%dma_start3A_33 : memref<32x64xf32, #tpu.memory_space<vmem_shared>>) target_semaphore(%run_scoped3A : memref<!tpu.dma_semaphore, #tpu.memory_space<semaphore_mem>>)
        %dma_wait3A = arith.constant 0 : i32
        %dma_wait3A_34 = tpu.memref_slice %arg8[%add3A_30, %dma_wait3A] : memref<12800x64xf32, #tpu.memory_space<vmem_shared>> -> memref<32x64xf32, #tpu.memory_space<vmem_shared>>
        %dma_wait3A_35 = arith.constant 0 : i32
        %dma_wait3A_36 = tpu.memref_slice %arg8[%add3A_30, %dma_wait3A_35] : memref<12800x64xf32, #tpu.memory_space<vmem_shared>> -> memref<32x64xf32, #tpu.memory_space<vmem_shared>>
        tpu.wait_dma2 semaphore(%run_scoped3A : memref<!tpu.dma_semaphore, #tpu.memory_space<semaphore_mem>>) src(%arg7 : memref<32x64xf32, #tpu.memory_space<vmem>>) dst(%dma_wait3A_36 : memref<32x64xf32, #tpu.memory_space<vmem_shared>>)
        tpu.yield
      }) : () -> ()
    }
    %scan3A_13 = arith.constant 25 : i32
    %barrier3A = arith.constant 0 : index
    tpu.barrier barrier_id(%barrier3A)
    %scan3A_14 = arith.constant 0 : i32
    %scan3A_15 = arith.constant 0 : i32
    %scan3A_16 = arith.constant 11 : i32
    %scan3A_17 = arith.addi %scan3A_15, %scan3A_16 : i32
    %scan3A_18 = arith.constant 1 : i32
    scf.for %scan3A_25 = %scan3A_15 to %scan3A_17 step %scan3A_18  : i32 {
      %mul3A_26 = arith.constant 4 : i32
      %mul3A_27 = arith.muli %scan3A_25, %mul3A_26 : i32
      %add3A_28 = arith.addi %mul3A_2, %mul3A_27 : i32
      %mul3A_29 = arith.constant 128 : i32
      %mul3A_30 = arith.muli %add3A_28, %mul3A_29 : i32
      "tpu.region"() ({
        %run_scoped3A = tpu.sem_alloc : memref<!tpu.dma_semaphore, #tpu.memory_space<semaphore_mem>>
        %dma_start3A_109 = arith.constant 0 : i32
        %dma_start3A_110 = tpu.memref_slice %arg2[%mul3A_30, %dma_start3A_109] : memref<180224x64xf32, #tpu.memory_space<hbm>> -> memref<512x64xf32, #tpu.memory_space<hbm>>
        %dma_start3A_111 = arith.constant 0 : i32
        %dma_start3A_112 = tpu.memref_slice %arg2[%mul3A_30, %dma_start3A_111] : memref<180224x64xf32, #tpu.memory_space<hbm>> -> memref<512x64xf32, #tpu.memory_space<hbm>>
        tpu.enqueue_dma source(%dma_start3A_112 : memref<512x64xf32, #tpu.memory_space<hbm>>) target(%arg5 : memref<512x64xf32, #tpu.memory_space<vmem>>) target_semaphore(%run_scoped3A : memref<!tpu.dma_semaphore, #tpu.memory_space<semaphore_mem>>)
        %dma_wait3A_113 = arith.constant 0 : i32
        %dma_wait3A_114 = tpu.memref_slice %arg2[%mul3A_30, %dma_wait3A_113] : memref<180224x64xf32, #tpu.memory_space<hbm>> -> memref<512x64xf32, #tpu.memory_space<hbm>>
        %dma_wait3A_115 = arith.constant 0 : i32
        %dma_wait3A_116 = tpu.memref_slice %arg2[%mul3A_30, %dma_wait3A_115] : memref<180224x64xf32, #tpu.memory_space<hbm>> -> memref<512x64xf32, #tpu.memory_space<hbm>>
        tpu.wait_dma2 semaphore(%run_scoped3A : memref<!tpu.dma_semaphore, #tpu.memory_space<semaphore_mem>>) src(%dma_wait3A_116 : memref<512x64xf32, #tpu.memory_space<hbm>>) dst(%arg5 : memref<512x64xf32, #tpu.memory_space<vmem>>)
        tpu.yield
      }) : () -> ()
      "tpu.region"() ({
        %run_scoped3A = tpu.sem_alloc : memref<!tpu.dma_semaphore, #tpu.memory_space<semaphore_mem>>
        %dma_start3A_109 = arith.constant 0 : i32
        %dma_start3A_110 = tpu.memref_slice %arg3[%add3A_28, %dma_start3A_109] : memref<1408x128xi32, #tpu.memory_space<hbm>> -> memref<4x128xi32, #tpu.memory_space<hbm>>
        %dma_start3A_111 = arith.constant 0 : i32
        %dma_start3A_112 = tpu.memref_slice %arg3[%add3A_28, %dma_start3A_111] : memref<1408x128xi32, #tpu.memory_space<hbm>> -> memref<4x128xi32, #tpu.memory_space<hbm>>
        tpu.enqueue_dma source(%dma_start3A_112 : memref<4x128xi32, #tpu.memory_space<hbm>>) target(%arg6 : memref<4x128xi32, #tpu.memory_space<vmem>>) target_semaphore(%run_scoped3A : memref<!tpu.dma_semaphore, #tpu.memory_space<semaphore_mem>>)
        %dma_wait3A_113 = arith.constant 0 : i32
        %dma_wait3A_114 = tpu.memref_slice %arg3[%add3A_28, %dma_wait3A_113] : memref<1408x128xi32, #tpu.memory_space<hbm>> -> memref<4x128xi32, #tpu.memory_space<hbm>>
        %dma_wait3A_115 = arith.constant 0 : i32
        %dma_wait3A_116 = tpu.memref_slice %arg3[%add3A_28, %dma_wait3A_115] : memref<1408x128xi32, #tpu.memory_space<hbm>> -> memref<4x128xi32, #tpu.memory_space<hbm>>
        tpu.wait_dma2 semaphore(%run_scoped3A : memref<!tpu.dma_semaphore, #tpu.memory_space<semaphore_mem>>) src(%dma_wait3A_116 : memref<4x128xi32, #tpu.memory_space<hbm>>) dst(%arg6 : memref<4x128xi32, #tpu.memory_space<vmem>>)
        tpu.yield
      }) : () -> ()
      %dma_start3A = arith.constant 0 : i32
      %dma_start3A_31 = arith.constant 0 : i32
      %dma_start3A_32 = arith.constant 0 : i32
      %dma_start3A_33 = tpu.memref_slice %arg5[%dma_start3A_31, %dma_start3A_32] : memref<512x64xf32, #tpu.memory_space<vmem>> -> memref<128x64xf32, #tpu.memory_space<vmem>>
      %dma_start3A_34 = arith.constant 0 : i32
      %dma_start3A_35 = tpu.memref_slice %arg6[%dma_start3A, %dma_start3A_34] : memref<4x128xi32, #tpu.memory_space<vmem>> -> memref<1x128xi32, #tpu.memory_space<vmem>>
      %dma_start3A_36 = tpu.memref_squeeze %dma_start3A_35 : memref<1x128xi32, #tpu.memory_space<vmem>> -> memref<128xi32, #tpu.memory_space<vmem>>
      %dma_start3A_37 = arith.constant 0 : i32
      %dma_start3A_38 = arith.constant 0 : i32
      %dma_start3A_39 = tpu.memref_slice %arg8[%dma_start3A_37, %dma_start3A_38] : memref<12800x64xf32, #tpu.memory_space<vmem_shared>> -> memref<12800x64xf32, #tpu.memory_space<vmem_shared>>
      tpu.enqueue_indirect_dma source(%dma_start3A_33 : memref<128x64xf32, #tpu.memory_space<vmem>>) target(%dma_start3A_39 : memref<12800x64xf32, #tpu.memory_space<vmem_shared>>) offsets(%dma_start3A_36 : memref<128xi32, #tpu.memory_space<vmem>>) semaphore(%arg9 : memref<!tpu.dma_semaphore, #tpu.memory_space<semaphore_mem>>) {add = true}
      %dma_start3A_40 = arith.constant 1 : i32
      %dma_start3A_41 = arith.constant 128 : i32
      %dma_start3A_42 = arith.constant 0 : i32
      %dma_start3A_43 = tpu.memref_slice %arg5[%dma_start3A_41, %dma_start3A_42] : memref<512x64xf32, #tpu.memory_space<vmem>> -> memref<128x64xf32, #tpu.memory_space<vmem>>
      %dma_start3A_44 = arith.constant 0 : i32
      %dma_start3A_45 = tpu.memref_slice %arg6[%dma_start3A_40, %dma_start3A_44] : memref<4x128xi32, #tpu.memory_space<vmem>> -> memref<1x128xi32, #tpu.memory_space<vmem>>
      %dma_start3A_46 = tpu.memref_squeeze %dma_start3A_45 : memref<1x128xi32, #tpu.memory_space<vmem>> -> memref<128xi32, #tpu.memory_space<vmem>>
      %dma_start3A_47 = arith.constant 0 : i32
      %dma_start3A_48 = arith.constant 0 : i32
      %dma_start3A_49 = tpu.memref_slice %arg8[%dma_start3A_47, %dma_start3A_48] : memref<12800x64xf32, #tpu.memory_space<vmem_shared>> -> memref<12800x64xf32, #tpu.memory_space<vmem_shared>>
      tpu.enqueue_indirect_dma source(%dma_start3A_43 : memref<128x64xf32, #tpu.memory_space<vmem>>) target(%dma_start3A_49 : memref<12800x64xf32, #tpu.memory_space<vmem_shared>>) offsets(%dma_start3A_46 : memref<128xi32, #tpu.memory_space<vmem>>) semaphore(%arg10 : memref<!tpu.dma_semaphore, #tpu.memory_space<semaphore_mem>>) {add = true}
      %dma_start3A_50 = arith.constant 2 : i32
      %dma_start3A_51 = arith.constant 256 : i32
      %dma_start3A_52 = arith.constant 0 : i32
      %dma_start3A_53 = tpu.memref_slice %arg5[%dma_start3A_51, %dma_start3A_52] : memref<512x64xf32, #tpu.memory_space<vmem>> -> memref<128x64xf32, #tpu.memory_space<vmem>>
      %dma_start3A_54 = arith.constant 0 : i32
      %dma_start3A_55 = tpu.memref_slice %arg6[%dma_start3A_50, %dma_start3A_54] : memref<4x128xi32, #tpu.memory_space<vmem>> -> memref<1x128xi32, #tpu.memory_space<vmem>>
      %dma_start3A_56 = tpu.memref_squeeze %dma_start3A_55 : memref<1x128xi32, #tpu.memory_space<vmem>> -> memref<128xi32, #tpu.memory_space<vmem>>
      %dma_start3A_57 = arith.constant 0 : i32
      %dma_start3A_58 = arith.constant 0 : i32
      %dma_start3A_59 = tpu.memref_slice %arg8[%dma_start3A_57, %dma_start3A_58] : memref<12800x64xf32, #tpu.memory_space<vmem_shared>> -> memref<12800x64xf32, #tpu.memory_space<vmem_shared>>
      tpu.enqueue_indirect_dma source(%dma_start3A_53 : memref<128x64xf32, #tpu.memory_space<vmem>>) target(%dma_start3A_59 : memref<12800x64xf32, #tpu.memory_space<vmem_shared>>) offsets(%dma_start3A_56 : memref<128xi32, #tpu.memory_space<vmem>>) semaphore(%arg11 : memref<!tpu.dma_semaphore, #tpu.memory_space<semaphore_mem>>) {add = true}
      %dma_start3A_60 = arith.constant 3 : i32
      %dma_start3A_61 = arith.constant 384 : i32
      %dma_start3A_62 = arith.constant 0 : i32
      %dma_start3A_63 = tpu.memref_slice %arg5[%dma_start3A_61, %dma_start3A_62] : memref<512x64xf32, #tpu.memory_space<vmem>> -> memref<128x64xf32, #tpu.memory_space<vmem>>
      %dma_start3A_64 = arith.constant 0 : i32
      %dma_start3A_65 = tpu.memref_slice %arg6[%dma_start3A_60, %dma_start3A_64] : memref<4x128xi32, #tpu.memory_space<vmem>> -> memref<1x128xi32, #tpu.memory_space<vmem>>
      %dma_start3A_66 = tpu.memref_squeeze %dma_start3A_65 : memref<1x128xi32, #tpu.memory_space<vmem>> -> memref<128xi32, #tpu.memory_space<vmem>>
      %dma_start3A_67 = arith.constant 0 : i32
      %dma_start3A_68 = arith.constant 0 : i32
      %dma_start3A_69 = tpu.memref_slice %arg8[%dma_start3A_67, %dma_start3A_68] : memref<12800x64xf32, #tpu.memory_space<vmem_shared>> -> memref<12800x64xf32, #tpu.memory_space<vmem_shared>>
      tpu.enqueue_indirect_dma source(%dma_start3A_63 : memref<128x64xf32, #tpu.memory_space<vmem>>) target(%dma_start3A_69 : memref<12800x64xf32, #tpu.memory_space<vmem_shared>>) offsets(%dma_start3A_66 : memref<128xi32, #tpu.memory_space<vmem>>) semaphore(%arg12 : memref<!tpu.dma_semaphore, #tpu.memory_space<semaphore_mem>>) {add = true}
      %dma_wait3A = arith.constant 0 : i32
      %dma_wait3A_70 = arith.constant 0 : i32
      %dma_wait3A_71 = arith.constant 0 : i32
      %dma_wait3A_72 = tpu.memref_slice %arg5[%dma_wait3A_70, %dma_wait3A_71] : memref<512x64xf32, #tpu.memory_space<vmem>> -> memref<128x64xf32, #tpu.memory_space<vmem>>
      %dma_wait3A_73 = arith.constant 0 : i32
      %dma_wait3A_74 = tpu.memref_slice %arg6[%dma_wait3A, %dma_wait3A_73] : memref<4x128xi32, #tpu.memory_space<vmem>> -> memref<1x128xi32, #tpu.memory_space<vmem>>
      %dma_wait3A_75 = tpu.memref_squeeze %dma_wait3A_74 : memref<1x128xi32, #tpu.memory_space<vmem>> -> memref<128xi32, #tpu.memory_space<vmem>>
      %dma_wait3A_76 = arith.constant 0 : i32
      %dma_wait3A_77 = arith.constant 0 : i32
      %dma_wait3A_78 = tpu.memref_slice %arg8[%dma_wait3A_76, %dma_wait3A_77] : memref<12800x64xf32, #tpu.memory_space<vmem_shared>> -> memref<12800x64xf32, #tpu.memory_space<vmem_shared>>
      tpu.wait_indirect_dma semaphore(%arg9 : memref<!tpu.dma_semaphore, #tpu.memory_space<semaphore_mem>>) src(%dma_wait3A_72 : memref<128x64xf32, #tpu.memory_space<vmem>>) dst(%dma_wait3A_78 : memref<12800x64xf32, #tpu.memory_space<vmem_shared>>)
      %dma_wait3A_79 = arith.constant 1 : i32
      %dma_wait3A_80 = arith.constant 128 : i32
      %dma_wait3A_81 = arith.constant 0 : i32
      %dma_wait3A_82 = tpu.memref_slice %arg5[%dma_wait3A_80, %dma_wait3A_81] : memref<512x64xf32, #tpu.memory_space<vmem>> -> memref<128x64xf32, #tpu.memory_space<vmem>>
      %dma_wait3A_83 = arith.constant 0 : i32
      %dma_wait3A_84 = tpu.memref_slice %arg6[%dma_wait3A_79, %dma_wait3A_83] : memref<4x128xi32, #tpu.memory_space<vmem>> -> memref<1x128xi32, #tpu.memory_space<vmem>>
      %dma_wait3A_85 = tpu.memref_squeeze %dma_wait3A_84 : memref<1x128xi32, #tpu.memory_space<vmem>> -> memref<128xi32, #tpu.memory_space<vmem>>
      %dma_wait3A_86 = arith.constant 0 : i32
      %dma_wait3A_87 = arith.constant 0 : i32
      %dma_wait3A_88 = tpu.memref_slice %arg8[%dma_wait3A_86, %dma_wait3A_87] : memref<12800x64xf32, #tpu.memory_space<vmem_shared>> -> memref<12800x64xf32, #tpu.memory_space<vmem_shared>>
      tpu.wait_indirect_dma semaphore(%arg10 : memref<!tpu.dma_semaphore, #tpu.memory_space<semaphore_mem>>) src(%dma_wait3A_82 : memref<128x64xf32, #tpu.memory_space<vmem>>) dst(%dma_wait3A_88 : memref<12800x64xf32, #tpu.memory_space<vmem_shared>>)
      %dma_wait3A_89 = arith.constant 2 : i32
      %dma_wait3A_90 = arith.constant 256 : i32
      %dma_wait3A_91 = arith.constant 0 : i32
      %dma_wait3A_92 = tpu.memref_slice %arg5[%dma_wait3A_90, %dma_wait3A_91] : memref<512x64xf32, #tpu.memory_space<vmem>> -> memref<128x64xf32, #tpu.memory_space<vmem>>
      %dma_wait3A_93 = arith.constant 0 : i32
      %dma_wait3A_94 = tpu.memref_slice %arg6[%dma_wait3A_89, %dma_wait3A_93] : memref<4x128xi32, #tpu.memory_space<vmem>> -> memref<1x128xi32, #tpu.memory_space<vmem>>
      %dma_wait3A_95 = tpu.memref_squeeze %dma_wait3A_94 : memref<1x128xi32, #tpu.memory_space<vmem>> -> memref<128xi32, #tpu.memory_space<vmem>>
      %dma_wait3A_96 = arith.constant 0 : i32
      %dma_wait3A_97 = arith.constant 0 : i32
      %dma_wait3A_98 = tpu.memref_slice %arg8[%dma_wait3A_96, %dma_wait3A_97] : memref<12800x64xf32, #tpu.memory_space<vmem_shared>> -> memref<12800x64xf32, #tpu.memory_space<vmem_shared>>
      tpu.wait_indirect_dma semaphore(%arg11 : memref<!tpu.dma_semaphore, #tpu.memory_space<semaphore_mem>>) src(%dma_wait3A_92 : memref<128x64xf32, #tpu.memory_space<vmem>>) dst(%dma_wait3A_98 : memref<12800x64xf32, #tpu.memory_space<vmem_shared>>)
      %dma_wait3A_99 = arith.constant 3 : i32
      %dma_wait3A_100 = arith.constant 384 : i32
      %dma_wait3A_101 = arith.constant 0 : i32
      %dma_wait3A_102 = tpu.memref_slice %arg5[%dma_wait3A_100, %dma_wait3A_101] : memref<512x64xf32, #tpu.memory_space<vmem>> -> memref<128x64xf32, #tpu.memory_space<vmem>>
      %dma_wait3A_103 = arith.constant 0 : i32
      %dma_wait3A_104 = tpu.memref_slice %arg6[%dma_wait3A_99, %dma_wait3A_103] : memref<4x128xi32, #tpu.memory_space<vmem>> -> memref<1x128xi32, #tpu.memory_space<vmem>>
      %dma_wait3A_105 = tpu.memref_squeeze %dma_wait3A_104 : memref<1x128xi32, #tpu.memory_space<vmem>> -> memref<128xi32, #tpu.memory_space<vmem>>
      %dma_wait3A_106 = arith.constant 0 : i32
      %dma_wait3A_107 = arith.constant 0 : i32
      %dma_wait3A_108 = tpu.memref_slice %arg8[%dma_wait3A_106, %dma_wait3A_107] : memref<12800x64xf32, #tpu.memory_space<vmem_shared>> -> memref<12800x64xf32, #tpu.memory_space<vmem_shared>>
      tpu.wait_indirect_dma semaphore(%arg12 : memref<!tpu.dma_semaphore, #tpu.memory_space<semaphore_mem>>) src(%dma_wait3A_102 : memref<128x64xf32, #tpu.memory_space<vmem>>) dst(%dma_wait3A_108 : memref<12800x64xf32, #tpu.memory_space<vmem_shared>>)
    }
    %scan3A_19 = arith.constant 11 : i32
    %barrier3A_20 = arith.constant 0 : index
    tpu.barrier barrier_id(%barrier3A_20)
    %mul3A_21 = arith.constant 800 : i32
    %mul3A_22 = arith.muli %arg1, %mul3A_21 : i32
    %mul3A_23 = arith.constant 800 : i32
    %mul3A_24 = arith.muli %arg1, %mul3A_23 : i32
    "tpu.region"() ({
      %run_scoped3A = tpu.sem_alloc : memref<!tpu.dma_semaphore, #tpu.memory_space<semaphore_mem>>
      %dma_start3A = arith.constant 0 : i32
      %dma_start3A_25 = arith.constant 0 : i32
      %dma_start3A_26 = tpu.memref_slice %arg4[%arg0, %dma_start3A, %dma_start3A_25] : memref<2x12800x64xf32, #tpu.memory_space<hbm>> -> memref<1x12800x64xf32, #tpu.memory_space<hbm>>
      %dma_start3A_27 = tpu.memref_squeeze %dma_start3A_26 : memref<1x12800x64xf32, #tpu.memory_space<hbm>> -> memref<12800x64xf32, #tpu.memory_space<hbm>>
      %dma_start3A_28 = arith.constant 0 : i32
      %dma_start3A_29 = tpu.memref_slice %dma_start3A_27[%mul3A_24, %dma_start3A_28] : memref<12800x64xf32, #tpu.memory_space<hbm>> -> memref<800x64xf32, #tpu.memory_space<hbm>>
      %dma_start3A_30 = arith.constant 0 : i32
      %dma_start3A_31 = tpu.memref_slice %arg8[%mul3A_22, %dma_start3A_30] : memref<12800x64xf32, #tpu.memory_space<vmem_shared>> -> memref<800x64xf32, #tpu.memory_space<vmem_shared>>
      tpu.enqueue_dma source(%dma_start3A_31 : memref<800x64xf32, #tpu.memory_space<vmem_shared>>) target(%dma_start3A_29 : memref<800x64xf32, #tpu.memory_space<hbm>>) target_semaphore(%run_scoped3A : memref<!tpu.dma_semaphore, #tpu.memory_space<semaphore_mem>>)
      %dma_wait3A = arith.constant 0 : i32
      %dma_wait3A_32 = arith.constant 0 : i32
      %dma_wait3A_33 = tpu.memref_slice %arg4[%arg0, %dma_wait3A, %dma_wait3A_32] : memref<2x12800x64xf32, #tpu.memory_space<hbm>> -> memref<1x12800x64xf32, #tpu.memory_space<hbm>>
      %dma_wait3A_34 = tpu.memref_squeeze %dma_wait3A_33 : memref<1x12800x64xf32, #tpu.memory_space<hbm>> -> memref<12800x64xf32, #tpu.memory_space<hbm>>
      %dma_wait3A_35 = arith.constant 0 : i32
      %dma_wait3A_36 = tpu.memref_slice %dma_wait3A_34[%mul3A_24, %dma_wait3A_35] : memref<12800x64xf32, #tpu.memory_space<hbm>> -> memref<800x64xf32, #tpu.memory_space<hbm>>
      %dma_wait3A_37 = arith.constant 0 : i32
      %dma_wait3A_38 = tpu.memref_slice %arg8[%mul3A_22, %dma_wait3A_37] : memref<12800x64xf32, #tpu.memory_space<vmem_shared>> -> memref<800x64xf32, #tpu.memory_space<vmem_shared>>
      tpu.wait_dma2 semaphore(%run_scoped3A : memref<!tpu.dma_semaphore, #tpu.memory_space<semaphore_mem>>) src(%dma_wait3A_38 : memref<800x64xf32, #tpu.memory_space<vmem_shared>>) dst(%dma_wait3A_36 : memref<800x64xf32, #tpu.memory_space<hbm>>)
      tpu.yield
    }) : () -> ()
    return
  }
}

#map = affine_map<(d0, d1) -> (0, 0)>
#map1 = affine_map<(d0, d1) -> (0)>
module attributes {stable_mosaic.version = 14 : i64} {
  func.func @kfn(%arg0: i32, %arg1: i32, %arg2: memref<102400x32xf32, #tpu.memory_space<hbm>>, %arg3: memref<720896xi32, #tpu.memory_space<hbm>>, %arg4: memref<50000xi32, #tpu.memory_space<hbm>>, %arg5: memref<720896x32xf32, #tpu.memory_space<hbm>>, %arg6: memref<50000xi32, #tpu.memory_space<vmem>>, %arg7: memref<2048xi32, #tpu.memory_space<vmem>>, %arg8: memref<16x128xi32, #tpu.memory_space<vmem>>, %arg9: memref<2048x32xf32, #tpu.memory_space<vmem>>, %arg10: memref<!tpu.dma_semaphore, #tpu.memory_space<semaphore_mem>>, %arg11: memref<!tpu.dma_semaphore, #tpu.memory_space<semaphore_mem>>, %arg12: memref<!tpu.dma_semaphore, #tpu.memory_space<semaphore_mem>>, %arg13: memref<!tpu.dma_semaphore, #tpu.memory_space<semaphore_mem>>, %arg14: memref<!tpu.dma_semaphore, #tpu.memory_space<semaphore_mem>>, %arg15: memref<!tpu.dma_semaphore, #tpu.memory_space<semaphore_mem>>, %arg16: memref<!tpu.dma_semaphore, #tpu.memory_space<semaphore_mem>>, %arg17: memref<!tpu.dma_semaphore, #tpu.memory_space<semaphore_mem>>, %arg18: memref<!tpu.dma_semaphore, #tpu.memory_space<semaphore_mem>>, %arg19: memref<!tpu.dma_semaphore, #tpu.memory_space<semaphore_mem>>, %arg20: memref<!tpu.dma_semaphore, #tpu.memory_space<semaphore_mem>>, %arg21: memref<!tpu.dma_semaphore, #tpu.memory_space<semaphore_mem>>, %arg22: memref<!tpu.dma_semaphore, #tpu.memory_space<semaphore_mem>>, %arg23: memref<!tpu.dma_semaphore, #tpu.memory_space<semaphore_mem>>, %arg24: memref<!tpu.dma_semaphore, #tpu.memory_space<semaphore_mem>>, %arg25: memref<!tpu.dma_semaphore, #tpu.memory_space<semaphore_mem>>) attributes {dimension_semantics = [#tpu.dimension_semantics<core_parallel>, #tpu.dimension_semantics<subcore_parallel>], iteration_bounds = array<i64: 2, 16>, scalar_prefetch = 0 : i64, scratch_operands = 20 : i64, tpu.core_type = #tpu.core_type<sc_vector_subcore>, window_params = [{transform_indices = #map}, {transform_indices = #map1}, {transform_indices = #map1}, {transform_indices = #map}]} {
    %mul3A = arith.constant 2 : i32
    %mul3A_0 = arith.muli %arg1, %mul3A : i32
    %add3A = arith.addi %mul3A_0, %arg0 : i32
    %mul3A_1 = arith.constant 176 : i32
    %mul3A_2 = arith.muli %add3A, %mul3A_1 : i32
    %mul3A_3 = arith.constant 128 : i32
    %mul3A_4 = arith.muli %mul3A_2, %mul3A_3 : i32
    "tpu.region"() ({
      %run_scoped3A = tpu.sem_alloc : memref<!tpu.dma_semaphore, #tpu.memory_space<semaphore_mem>>
      tpu.enqueue_dma source(%arg4 : memref<50000xi32, #tpu.memory_space<hbm>>) target(%arg6 : memref<50000xi32, #tpu.memory_space<vmem>>) target_semaphore(%run_scoped3A : memref<!tpu.dma_semaphore, #tpu.memory_space<semaphore_mem>>)
      tpu.wait_dma2 semaphore(%run_scoped3A : memref<!tpu.dma_semaphore, #tpu.memory_space<semaphore_mem>>) src(%arg4 : memref<50000xi32, #tpu.memory_space<hbm>>) dst(%arg6 : memref<50000xi32, #tpu.memory_space<vmem>>)
      tpu.yield
    }) : () -> ()
    %scan3A = arith.constant 0 : i32
    %scan3A_5 = arith.constant 0 : i32
    %scan3A_6 = arith.constant 11 : i32
    %scan3A_7 = arith.addi %scan3A_5, %scan3A_6 : i32
    %scan3A_8 = arith.constant 1 : i32
    scf.for %scan3A_10 = %scan3A_5 to %scan3A_7 step %scan3A_8  : i32 {
      %mul3A_11 = arith.constant 2048 : i32
      %mul3A_12 = arith.muli %scan3A_10, %mul3A_11 : i32
      %add3A_13 = arith.addi %mul3A_4, %mul3A_12 : i32
      "tpu.region"() ({
        %run_scoped3A = tpu.sem_alloc : memref<!tpu.dma_semaphore, #tpu.memory_space<semaphore_mem>>
        %dma_start3A_1225 = tpu.memref_slice %arg3[%add3A_13] : memref<720896xi32, #tpu.memory_space<hbm>> -> memref<2048xi32, #tpu.memory_space<hbm>>
        %dma_start3A_1226 = tpu.memref_slice %arg3[%add3A_13] : memref<720896xi32, #tpu.memory_space<hbm>> -> memref<2048xi32, #tpu.memory_space<hbm>>
        tpu.enqueue_dma source(%dma_start3A_1226 : memref<2048xi32, #tpu.memory_space<hbm>>) target(%arg7 : memref<2048xi32, #tpu.memory_space<vmem>>) target_semaphore(%run_scoped3A : memref<!tpu.dma_semaphore, #tpu.memory_space<semaphore_mem>>)
        %dma_wait3A_1227 = tpu.memref_slice %arg3[%add3A_13] : memref<720896xi32, #tpu.memory_space<hbm>> -> memref<2048xi32, #tpu.memory_space<hbm>>
        %dma_wait3A_1228 = tpu.memref_slice %arg3[%add3A_13] : memref<720896xi32, #tpu.memory_space<hbm>> -> memref<2048xi32, #tpu.memory_space<hbm>>
        tpu.wait_dma2 semaphore(%run_scoped3A : memref<!tpu.dma_semaphore, #tpu.memory_space<semaphore_mem>>) src(%dma_wait3A_1228 : memref<2048xi32, #tpu.memory_space<hbm>>) dst(%arg7 : memref<2048xi32, #tpu.memory_space<vmem>>)
        tpu.yield
      }) : () -> ()
      %get3A = arith.constant 0 : index
      %get3A_14 = tpu.vector_load %arg7[%get3A] {strides = array<i32>} : memref<2048xi32, #tpu.memory_space<vmem>>, vector<16xi32>,
      %gather3A = tpu.vector_load_idx %arg6[%get3A_14] : memref<50000xi32, #tpu.memory_space<vmem>>[vector<16xi32>], vector<16xi32>,
      %swap3A = arith.constant 0 : i32
      %swap3A_15 = arith.index_cast %swap3A : i32 to index
      %swap3A_16 = arith.constant 0 : index
      %swap3A_17 = tpu.vector_load %arg8[%swap3A_15, %swap3A_16] {strides = array<i32>} : memref<16x128xi32, #tpu.memory_space<vmem>>, vector<16xi32>,
      tpu.vector_store %arg8[%swap3A_15, %swap3A_16], %gather3A {strides = array<i32>} : memref<16x128xi32, #tpu.memory_space<vmem>>, vector<16xi32>,
      %get3A_18 = arith.constant 16 : index
      %get3A_19 = tpu.vector_load %arg7[%get3A_18] {strides = array<i32>} : memref<2048xi32, #tpu.memory_space<vmem>>, vector<16xi32>,
      %gather3A_20 = tpu.vector_load_idx %arg6[%get3A_19] : memref<50000xi32, #tpu.memory_space<vmem>>[vector<16xi32>], vector<16xi32>,
      %swap3A_21 = arith.constant 0 : i32
      %swap3A_22 = arith.index_cast %swap3A_21 : i32 to index
      %swap3A_23 = arith.constant 16 : index
      %swap3A_24 = tpu.vector_load %arg8[%swap3A_22, %swap3A_23] {strides = array<i32>} : memref<16x128xi32, #tpu.memory_space<vmem>>, vector<16xi32>,
      tpu.vector_store %arg8[%swap3A_22, %swap3A_23], %gather3A_20 {strides = array<i32>} : memref<16x128xi32, #tpu.memory_space<vmem>>, vector<16xi32>,
      %get3A_25 = arith.constant 32 : index
      %get3A_26 = tpu.vector_load %arg7[%get3A_25] {strides = array<i32>} : memref<2048xi32, #tpu.memory_space<vmem>>, vector<16xi32>,
      %gather3A_27 = tpu.vector_load_idx %arg6[%get3A_26] : memref<50000xi32, #tpu.memory_space<vmem>>[vector<16xi32>], vector<16xi32>,
      %swap3A_28 = arith.constant 0 : i32
      %swap3A_29 = arith.index_cast %swap3A_28 : i32 to index
      %swap3A_30 = arith.constant 32 : index
      %swap3A_31 = tpu.vector_load %arg8[%swap3A_29, %swap3A_30] {strides = array<i32>} : memref<16x128xi32, #tpu.memory_space<vmem>>, vector<16xi32>,
      tpu.vector_store %arg8[%swap3A_29, %swap3A_30], %gather3A_27 {strides = array<i32>} : memref<16x128xi32, #tpu.memory_space<vmem>>, vector<16xi32>,
      %get3A_32 = arith.constant 48 : index
      %get3A_33 = tpu.vector_load %arg7[%get3A_32] {strides = array<i32>} : memref<2048xi32, #tpu.memory_space<vmem>>, vector<16xi32>,
      %gather3A_34 = tpu.vector_load_idx %arg6[%get3A_33] : memref<50000xi32, #tpu.memory_space<vmem>>[vector<16xi32>], vector<16xi32>,
      %swap3A_35 = arith.constant 0 : i32
      %swap3A_36 = arith.index_cast %swap3A_35 : i32 to index
      %swap3A_37 = arith.constant 48 : index
      %swap3A_38 = tpu.vector_load %arg8[%swap3A_36, %swap3A_37] {strides = array<i32>} : memref<16x128xi32, #tpu.memory_space<vmem>>, vector<16xi32>,
      tpu.vector_store %arg8[%swap3A_36, %swap3A_37], %gather3A_34 {strides = array<i32>} : memref<16x128xi32, #tpu.memory_space<vmem>>, vector<16xi32>,
      %get3A_39 = arith.constant 64 : index
      %get3A_40 = tpu.vector_load %arg7[%get3A_39] {strides = array<i32>} : memref<2048xi32, #tpu.memory_space<vmem>>, vector<16xi32>,
      %gather3A_41 = tpu.vector_load_idx %arg6[%get3A_40] : memref<50000xi32, #tpu.memory_space<vmem>>[vector<16xi32>], vector<16xi32>,
      %swap3A_42 = arith.constant 0 : i32
      %swap3A_43 = arith.index_cast %swap3A_42 : i32 to index
      %swap3A_44 = arith.constant 64 : index
      %swap3A_45 = tpu.vector_load %arg8[%swap3A_43, %swap3A_44] {strides = array<i32>} : memref<16x128xi32, #tpu.memory_space<vmem>>, vector<16xi32>,
      tpu.vector_store %arg8[%swap3A_43, %swap3A_44], %gather3A_41 {strides = array<i32>} : memref<16x128xi32, #tpu.memory_space<vmem>>, vector<16xi32>,
      %get3A_46 = arith.constant 80 : index
      %get3A_47 = tpu.vector_load %arg7[%get3A_46] {strides = array<i32>} : memref<2048xi32, #tpu.memory_space<vmem>>, vector<16xi32>,
      %gather3A_48 = tpu.vector_load_idx %arg6[%get3A_47] : memref<50000xi32, #tpu.memory_space<vmem>>[vector<16xi32>], vector<16xi32>,
      %swap3A_49 = arith.constant 0 : i32
      %swap3A_50 = arith.index_cast %swap3A_49 : i32 to index
      %swap3A_51 = arith.constant 80 : index
      %swap3A_52 = tpu.vector_load %arg8[%swap3A_50, %swap3A_51] {strides = array<i32>} : memref<16x128xi32, #tpu.memory_space<vmem>>, vector<16xi32>,
      tpu.vector_store %arg8[%swap3A_50, %swap3A_51], %gather3A_48 {strides = array<i32>} : memref<16x128xi32, #tpu.memory_space<vmem>>, vector<16xi32>,
      %get3A_53 = arith.constant 96 : index
      %get3A_54 = tpu.vector_load %arg7[%get3A_53] {strides = array<i32>} : memref<2048xi32, #tpu.memory_space<vmem>>, vector<16xi32>,
      %gather3A_55 = tpu.vector_load_idx %arg6[%get3A_54] : memref<50000xi32, #tpu.memory_space<vmem>>[vector<16xi32>], vector<16xi32>,
      %swap3A_56 = arith.constant 0 : i32
      %swap3A_57 = arith.index_cast %swap3A_56 : i32 to index
      %swap3A_58 = arith.constant 96 : index
      %swap3A_59 = tpu.vector_load %arg8[%swap3A_57, %swap3A_58] {strides = array<i32>} : memref<16x128xi32, #tpu.memory_space<vmem>>, vector<16xi32>,
      tpu.vector_store %arg8[%swap3A_57, %swap3A_58], %gather3A_55 {strides = array<i32>} : memref<16x128xi32, #tpu.memory_space<vmem>>, vector<16xi32>,
      %get3A_60 = arith.constant 112 : index
      %get3A_61 = tpu.vector_load %arg7[%get3A_60] {strides = array<i32>} : memref<2048xi32, #tpu.memory_space<vmem>>, vector<16xi32>,
      %gather3A_62 = tpu.vector_load_idx %arg6[%get3A_61] : memref<50000xi32, #tpu.memory_space<vmem>>[vector<16xi32>], vector<16xi32>,
      %swap3A_63 = arith.constant 0 : i32
      %swap3A_64 = arith.index_cast %swap3A_63 : i32 to index
      %swap3A_65 = arith.constant 112 : index
      %swap3A_66 = tpu.vector_load %arg8[%swap3A_64, %swap3A_65] {strides = array<i32>} : memref<16x128xi32, #tpu.memory_space<vmem>>, vector<16xi32>,
      tpu.vector_store %arg8[%swap3A_64, %swap3A_65], %gather3A_62 {strides = array<i32>} : memref<16x128xi32, #tpu.memory_space<vmem>>, vector<16xi32>,
      %get3A_67 = arith.constant 128 : index
      %get3A_68 = tpu.vector_load %arg7[%get3A_67] {strides = array<i32>} : memref<2048xi32, #tpu.memory_space<vmem>>, vector<16xi32>,
      %gather3A_69 = tpu.vector_load_idx %arg6[%get3A_68] : memref<50000xi32, #tpu.memory_space<vmem>>[vector<16xi32>], vector<16xi32>,
      %swap3A_70 = arith.constant 1 : i32
      %swap3A_71 = arith.index_cast %swap3A_70 : i32 to index
      %swap3A_72 = arith.constant 0 : index
      %swap3A_73 = tpu.vector_load %arg8[%swap3A_71, %swap3A_72] {strides = array<i32>} : memref<16x128xi32, #tpu.memory_space<vmem>>, vector<16xi32>,
      tpu.vector_store %arg8[%swap3A_71, %swap3A_72], %gather3A_69 {strides = array<i32>} : memref<16x128xi32, #tpu.memory_space<vmem>>, vector<16xi32>,
      %get3A_74 = arith.constant 144 : index
      %get3A_75 = tpu.vector_load %arg7[%get3A_74] {strides = array<i32>} : memref<2048xi32, #tpu.memory_space<vmem>>, vector<16xi32>,
      %gather3A_76 = tpu.vector_load_idx %arg6[%get3A_75] : memref<50000xi32, #tpu.memory_space<vmem>>[vector<16xi32>], vector<16xi32>,
      %swap3A_77 = arith.constant 1 : i32
      %swap3A_78 = arith.index_cast %swap3A_77 : i32 to index
      %swap3A_79 = arith.constant 16 : index
      %swap3A_80 = tpu.vector_load %arg8[%swap3A_78, %swap3A_79] {strides = array<i32>} : memref<16x128xi32, #tpu.memory_space<vmem>>, vector<16xi32>,
      tpu.vector_store %arg8[%swap3A_78, %swap3A_79], %gather3A_76 {strides = array<i32>} : memref<16x128xi32, #tpu.memory_space<vmem>>, vector<16xi32>,
      %get3A_81 = arith.constant 160 : index
      %get3A_82 = tpu.vector_load %arg7[%get3A_81] {strides = array<i32>} : memref<2048xi32, #tpu.memory_space<vmem>>, vector<16xi32>,
      %gather3A_83 = tpu.vector_load_idx %arg6[%get3A_82] : memref<50000xi32, #tpu.memory_space<vmem>>[vector<16xi32>], vector<16xi32>,
      %swap3A_84 = arith.constant 1 : i32
      %swap3A_85 = arith.index_cast %swap3A_84 : i32 to index
      %swap3A_86 = arith.constant 32 : index
      %swap3A_87 = tpu.vector_load %arg8[%swap3A_85, %swap3A_86] {strides = array<i32>} : memref<16x128xi32, #tpu.memory_space<vmem>>, vector<16xi32>,
      tpu.vector_store %arg8[%swap3A_85, %swap3A_86], %gather3A_83 {strides = array<i32>} : memref<16x128xi32, #tpu.memory_space<vmem>>, vector<16xi32>,
      %get3A_88 = arith.constant 176 : index
      %get3A_89 = tpu.vector_load %arg7[%get3A_88] {strides = array<i32>} : memref<2048xi32, #tpu.memory_space<vmem>>, vector<16xi32>,
      %gather3A_90 = tpu.vector_load_idx %arg6[%get3A_89] : memref<50000xi32, #tpu.memory_space<vmem>>[vector<16xi32>], vector<16xi32>,
      %swap3A_91 = arith.constant 1 : i32
      %swap3A_92 = arith.index_cast %swap3A_91 : i32 to index
      %swap3A_93 = arith.constant 48 : index
      %swap3A_94 = tpu.vector_load %arg8[%swap3A_92, %swap3A_93] {strides = array<i32>} : memref<16x128xi32, #tpu.memory_space<vmem>>, vector<16xi32>,
      tpu.vector_store %arg8[%swap3A_92, %swap3A_93], %gather3A_90 {strides = array<i32>} : memref<16x128xi32, #tpu.memory_space<vmem>>, vector<16xi32>,
      %get3A_95 = arith.constant 192 : index
      %get3A_96 = tpu.vector_load %arg7[%get3A_95] {strides = array<i32>} : memref<2048xi32, #tpu.memory_space<vmem>>, vector<16xi32>,
      %gather3A_97 = tpu.vector_load_idx %arg6[%get3A_96] : memref<50000xi32, #tpu.memory_space<vmem>>[vector<16xi32>], vector<16xi32>,
      %swap3A_98 = arith.constant 1 : i32
      %swap3A_99 = arith.index_cast %swap3A_98 : i32 to index
      %swap3A_100 = arith.constant 64 : index
      %swap3A_101 = tpu.vector_load %arg8[%swap3A_99, %swap3A_100] {strides = array<i32>} : memref<16x128xi32, #tpu.memory_space<vmem>>, vector<16xi32>,
      tpu.vector_store %arg8[%swap3A_99, %swap3A_100], %gather3A_97 {strides = array<i32>} : memref<16x128xi32, #tpu.memory_space<vmem>>, vector<16xi32>,
      %get3A_102 = arith.constant 208 : index
      %get3A_103 = tpu.vector_load %arg7[%get3A_102] {strides = array<i32>} : memref<2048xi32, #tpu.memory_space<vmem>>, vector<16xi32>,
      %gather3A_104 = tpu.vector_load_idx %arg6[%get3A_103] : memref<50000xi32, #tpu.memory_space<vmem>>[vector<16xi32>], vector<16xi32>,
      %swap3A_105 = arith.constant 1 : i32
      %swap3A_106 = arith.index_cast %swap3A_105 : i32 to index
      %swap3A_107 = arith.constant 80 : index
      %swap3A_108 = tpu.vector_load %arg8[%swap3A_106, %swap3A_107] {strides = array<i32>} : memref<16x128xi32, #tpu.memory_space<vmem>>, vector<16xi32>,
      tpu.vector_store %arg8[%swap3A_106, %swap3A_107], %gather3A_104 {strides = array<i32>} : memref<16x128xi32, #tpu.memory_space<vmem>>, vector<16xi32>,
      %get3A_109 = arith.constant 224 : index
      %get3A_110 = tpu.vector_load %arg7[%get3A_109] {strides = array<i32>} : memref<2048xi32, #tpu.memory_space<vmem>>, vector<16xi32>,
      %gather3A_111 = tpu.vector_load_idx %arg6[%get3A_110] : memref<50000xi32, #tpu.memory_space<vmem>>[vector<16xi32>], vector<16xi32>,
      %swap3A_112 = arith.constant 1 : i32
      %swap3A_113 = arith.index_cast %swap3A_112 : i32 to index
      %swap3A_114 = arith.constant 96 : index
      %swap3A_115 = tpu.vector_load %arg8[%swap3A_113, %swap3A_114] {strides = array<i32>} : memref<16x128xi32, #tpu.memory_space<vmem>>, vector<16xi32>,
      tpu.vector_store %arg8[%swap3A_113, %swap3A_114], %gather3A_111 {strides = array<i32>} : memref<16x128xi32, #tpu.memory_space<vmem>>, vector<16xi32>,
      %get3A_116 = arith.constant 240 : index
      %get3A_117 = tpu.vector_load %arg7[%get3A_116] {strides = array<i32>} : memref<2048xi32, #tpu.memory_space<vmem>>, vector<16xi32>,
      %gather3A_118 = tpu.vector_load_idx %arg6[%get3A_117] : memref<50000xi32, #tpu.memory_space<vmem>>[vector<16xi32>], vector<16xi32>,
      %swap3A_119 = arith.constant 1 : i32
      %swap3A_120 = arith.index_cast %swap3A_119 : i32 to index
      %swap3A_121 = arith.constant 112 : index
      %swap3A_122 = tpu.vector_load %arg8[%swap3A_120, %swap3A_121] {strides = array<i32>} : memref<16x128xi32, #tpu.memory_space<vmem>>, vector<16xi32>,
      tpu.vector_store %arg8[%swap3A_120, %swap3A_121], %gather3A_118 {strides = array<i32>} : memref<16x128xi32, #tpu.memory_space<vmem>>, vector<16xi32>,
      %get3A_123 = arith.constant 256 : index
      %get3A_124 = tpu.vector_load %arg7[%get3A_123] {strides = array<i32>} : memref<2048xi32, #tpu.memory_space<vmem>>, vector<16xi32>,
      %gather3A_125 = tpu.vector_load_idx %arg6[%get3A_124] : memref<50000xi32, #tpu.memory_space<vmem>>[vector<16xi32>], vector<16xi32>,
      %swap3A_126 = arith.constant 2 : i32
      %swap3A_127 = arith.index_cast %swap3A_126 : i32 to index
      %swap3A_128 = arith.constant 0 : index
      %swap3A_129 = tpu.vector_load %arg8[%swap3A_127, %swap3A_128] {strides = array<i32>} : memref<16x128xi32, #tpu.memory_space<vmem>>, vector<16xi32>,
      tpu.vector_store %arg8[%swap3A_127, %swap3A_128], %gather3A_125 {strides = array<i32>} : memref<16x128xi32, #tpu.memory_space<vmem>>, vector<16xi32>,
      %get3A_130 = arith.constant 272 : index
      %get3A_131 = tpu.vector_load %arg7[%get3A_130] {strides = array<i32>} : memref<2048xi32, #tpu.memory_space<vmem>>, vector<16xi32>,
      %gather3A_132 = tpu.vector_load_idx %arg6[%get3A_131] : memref<50000xi32, #tpu.memory_space<vmem>>[vector<16xi32>], vector<16xi32>,
      %swap3A_133 = arith.constant 2 : i32
      %swap3A_134 = arith.index_cast %swap3A_133 : i32 to index
      %swap3A_135 = arith.constant 16 : index
      %swap3A_136 = tpu.vector_load %arg8[%swap3A_134, %swap3A_135] {strides = array<i32>} : memref<16x128xi32, #tpu.memory_space<vmem>>, vector<16xi32>,
      tpu.vector_store %arg8[%swap3A_134, %swap3A_135], %gather3A_132 {strides = array<i32>} : memref<16x128xi32, #tpu.memory_space<vmem>>, vector<16xi32>,
      %get3A_137 = arith.constant 288 : index
      %get3A_138 = tpu.vector_load %arg7[%get3A_137] {strides = array<i32>} : memref<2048xi32, #tpu.memory_space<vmem>>, vector<16xi32>,
      %gather3A_139 = tpu.vector_load_idx %arg6[%get3A_138] : memref<50000xi32, #tpu.memory_space<vmem>>[vector<16xi32>], vector<16xi32>,
      %swap3A_140 = arith.constant 2 : i32
      %swap3A_141 = arith.index_cast %swap3A_140 : i32 to index
      %swap3A_142 = arith.constant 32 : index
      %swap3A_143 = tpu.vector_load %arg8[%swap3A_141, %swap3A_142] {strides = array<i32>} : memref<16x128xi32, #tpu.memory_space<vmem>>, vector<16xi32>,
      tpu.vector_store %arg8[%swap3A_141, %swap3A_142], %gather3A_139 {strides = array<i32>} : memref<16x128xi32, #tpu.memory_space<vmem>>, vector<16xi32>,
      %get3A_144 = arith.constant 304 : index
      %get3A_145 = tpu.vector_load %arg7[%get3A_144] {strides = array<i32>} : memref<2048xi32, #tpu.memory_space<vmem>>, vector<16xi32>,
      %gather3A_146 = tpu.vector_load_idx %arg6[%get3A_145] : memref<50000xi32, #tpu.memory_space<vmem>>[vector<16xi32>], vector<16xi32>,
      %swap3A_147 = arith.constant 2 : i32
      %swap3A_148 = arith.index_cast %swap3A_147 : i32 to index
      %swap3A_149 = arith.constant 48 : index
      %swap3A_150 = tpu.vector_load %arg8[%swap3A_148, %swap3A_149] {strides = array<i32>} : memref<16x128xi32, #tpu.memory_space<vmem>>, vector<16xi32>,
      tpu.vector_store %arg8[%swap3A_148, %swap3A_149], %gather3A_146 {strides = array<i32>} : memref<16x128xi32, #tpu.memory_space<vmem>>, vector<16xi32>,
      %get3A_151 = arith.constant 320 : index
      %get3A_152 = tpu.vector_load %arg7[%get3A_151] {strides = array<i32>} : memref<2048xi32, #tpu.memory_space<vmem>>, vector<16xi32>,
      %gather3A_153 = tpu.vector_load_idx %arg6[%get3A_152] : memref<50000xi32, #tpu.memory_space<vmem>>[vector<16xi32>], vector<16xi32>,
      %swap3A_154 = arith.constant 2 : i32
      %swap3A_155 = arith.index_cast %swap3A_154 : i32 to index
      %swap3A_156 = arith.constant 64 : index
      %swap3A_157 = tpu.vector_load %arg8[%swap3A_155, %swap3A_156] {strides = array<i32>} : memref<16x128xi32, #tpu.memory_space<vmem>>, vector<16xi32>,
      tpu.vector_store %arg8[%swap3A_155, %swap3A_156], %gather3A_153 {strides = array<i32>} : memref<16x128xi32, #tpu.memory_space<vmem>>, vector<16xi32>,
      %get3A_158 = arith.constant 336 : index
      %get3A_159 = tpu.vector_load %arg7[%get3A_158] {strides = array<i32>} : memref<2048xi32, #tpu.memory_space<vmem>>, vector<16xi32>,
      %gather3A_160 = tpu.vector_load_idx %arg6[%get3A_159] : memref<50000xi32, #tpu.memory_space<vmem>>[vector<16xi32>], vector<16xi32>,
      %swap3A_161 = arith.constant 2 : i32
      %swap3A_162 = arith.index_cast %swap3A_161 : i32 to index
      %swap3A_163 = arith.constant 80 : index
      %swap3A_164 = tpu.vector_load %arg8[%swap3A_162, %swap3A_163] {strides = array<i32>} : memref<16x128xi32, #tpu.memory_space<vmem>>, vector<16xi32>,
      tpu.vector_store %arg8[%swap3A_162, %swap3A_163], %gather3A_160 {strides = array<i32>} : memref<16x128xi32, #tpu.memory_space<vmem>>, vector<16xi32>,
      %get3A_165 = arith.constant 352 : index
      %get3A_166 = tpu.vector_load %arg7[%get3A_165] {strides = array<i32>} : memref<2048xi32, #tpu.memory_space<vmem>>, vector<16xi32>,
      %gather3A_167 = tpu.vector_load_idx %arg6[%get3A_166] : memref<50000xi32, #tpu.memory_space<vmem>>[vector<16xi32>], vector<16xi32>,
      %swap3A_168 = arith.constant 2 : i32
      %swap3A_169 = arith.index_cast %swap3A_168 : i32 to index
      %swap3A_170 = arith.constant 96 : index
      %swap3A_171 = tpu.vector_load %arg8[%swap3A_169, %swap3A_170] {strides = array<i32>} : memref<16x128xi32, #tpu.memory_space<vmem>>, vector<16xi32>,
      tpu.vector_store %arg8[%swap3A_169, %swap3A_170], %gather3A_167 {strides = array<i32>} : memref<16x128xi32, #tpu.memory_space<vmem>>, vector<16xi32>,
      %get3A_172 = arith.constant 368 : index
      %get3A_173 = tpu.vector_load %arg7[%get3A_172] {strides = array<i32>} : memref<2048xi32, #tpu.memory_space<vmem>>, vector<16xi32>,
      %gather3A_174 = tpu.vector_load_idx %arg6[%get3A_173] : memref<50000xi32, #tpu.memory_space<vmem>>[vector<16xi32>], vector<16xi32>,
      %swap3A_175 = arith.constant 2 : i32
      %swap3A_176 = arith.index_cast %swap3A_175 : i32 to index
      %swap3A_177 = arith.constant 112 : index
      %swap3A_178 = tpu.vector_load %arg8[%swap3A_176, %swap3A_177] {strides = array<i32>} : memref<16x128xi32, #tpu.memory_space<vmem>>, vector<16xi32>,
      tpu.vector_store %arg8[%swap3A_176, %swap3A_177], %gather3A_174 {strides = array<i32>} : memref<16x128xi32, #tpu.memory_space<vmem>>, vector<16xi32>,
      %get3A_179 = arith.constant 384 : index
      %get3A_180 = tpu.vector_load %arg7[%get3A_179] {strides = array<i32>} : memref<2048xi32, #tpu.memory_space<vmem>>, vector<16xi32>,
      %gather3A_181 = tpu.vector_load_idx %arg6[%get3A_180] : memref<50000xi32, #tpu.memory_space<vmem>>[vector<16xi32>], vector<16xi32>,
      %swap3A_182 = arith.constant 3 : i32
      %swap3A_183 = arith.index_cast %swap3A_182 : i32 to index
      %swap3A_184 = arith.constant 0 : index
      %swap3A_185 = tpu.vector_load %arg8[%swap3A_183, %swap3A_184] {strides = array<i32>} : memref<16x128xi32, #tpu.memory_space<vmem>>, vector<16xi32>,
      tpu.vector_store %arg8[%swap3A_183, %swap3A_184], %gather3A_181 {strides = array<i32>} : memref<16x128xi32, #tpu.memory_space<vmem>>, vector<16xi32>,
      %get3A_186 = arith.constant 400 : index
      %get3A_187 = tpu.vector_load %arg7[%get3A_186] {strides = array<i32>} : memref<2048xi32, #tpu.memory_space<vmem>>, vector<16xi32>,
      %gather3A_188 = tpu.vector_load_idx %arg6[%get3A_187] : memref<50000xi32, #tpu.memory_space<vmem>>[vector<16xi32>], vector<16xi32>,
      %swap3A_189 = arith.constant 3 : i32
      %swap3A_190 = arith.index_cast %swap3A_189 : i32 to index
      %swap3A_191 = arith.constant 16 : index
      %swap3A_192 = tpu.vector_load %arg8[%swap3A_190, %swap3A_191] {strides = array<i32>} : memref<16x128xi32, #tpu.memory_space<vmem>>, vector<16xi32>,
      tpu.vector_store %arg8[%swap3A_190, %swap3A_191], %gather3A_188 {strides = array<i32>} : memref<16x128xi32, #tpu.memory_space<vmem>>, vector<16xi32>,
      %get3A_193 = arith.constant 416 : index
      %get3A_194 = tpu.vector_load %arg7[%get3A_193] {strides = array<i32>} : memref<2048xi32, #tpu.memory_space<vmem>>, vector<16xi32>,
      %gather3A_195 = tpu.vector_load_idx %arg6[%get3A_194] : memref<50000xi32, #tpu.memory_space<vmem>>[vector<16xi32>], vector<16xi32>,
      %swap3A_196 = arith.constant 3 : i32
      %swap3A_197 = arith.index_cast %swap3A_196 : i32 to index
      %swap3A_198 = arith.constant 32 : index
      %swap3A_199 = tpu.vector_load %arg8[%swap3A_197, %swap3A_198] {strides = array<i32>} : memref<16x128xi32, #tpu.memory_space<vmem>>, vector<16xi32>,
      tpu.vector_store %arg8[%swap3A_197, %swap3A_198], %gather3A_195 {strides = array<i32>} : memref<16x128xi32, #tpu.memory_space<vmem>>, vector<16xi32>,
      %get3A_200 = arith.constant 432 : index
      %get3A_201 = tpu.vector_load %arg7[%get3A_200] {strides = array<i32>} : memref<2048xi32, #tpu.memory_space<vmem>>, vector<16xi32>,
      %gather3A_202 = tpu.vector_load_idx %arg6[%get3A_201] : memref<50000xi32, #tpu.memory_space<vmem>>[vector<16xi32>], vector<16xi32>,
      %swap3A_203 = arith.constant 3 : i32
      %swap3A_204 = arith.index_cast %swap3A_203 : i32 to index
      %swap3A_205 = arith.constant 48 : index
      %swap3A_206 = tpu.vector_load %arg8[%swap3A_204, %swap3A_205] {strides = array<i32>} : memref<16x128xi32, #tpu.memory_space<vmem>>, vector<16xi32>,
      tpu.vector_store %arg8[%swap3A_204, %swap3A_205], %gather3A_202 {strides = array<i32>} : memref<16x128xi32, #tpu.memory_space<vmem>>, vector<16xi32>,
      %get3A_207 = arith.constant 448 : index
      %get3A_208 = tpu.vector_load %arg7[%get3A_207] {strides = array<i32>} : memref<2048xi32, #tpu.memory_space<vmem>>, vector<16xi32>,
      %gather3A_209 = tpu.vector_load_idx %arg6[%get3A_208] : memref<50000xi32, #tpu.memory_space<vmem>>[vector<16xi32>], vector<16xi32>,
      %swap3A_210 = arith.constant 3 : i32
      %swap3A_211 = arith.index_cast %swap3A_210 : i32 to index
      %swap3A_212 = arith.constant 64 : index
      %swap3A_213 = tpu.vector_load %arg8[%swap3A_211, %swap3A_212] {strides = array<i32>} : memref<16x128xi32, #tpu.memory_space<vmem>>, vector<16xi32>,
      tpu.vector_store %arg8[%swap3A_211, %swap3A_212], %gather3A_209 {strides = array<i32>} : memref<16x128xi32, #tpu.memory_space<vmem>>, vector<16xi32>,
      %get3A_214 = arith.constant 464 : index
      %get3A_215 = tpu.vector_load %arg7[%get3A_214] {strides = array<i32>} : memref<2048xi32, #tpu.memory_space<vmem>>, vector<16xi32>,
      %gather3A_216 = tpu.vector_load_idx %arg6[%get3A_215] : memref<50000xi32, #tpu.memory_space<vmem>>[vector<16xi32>], vector<16xi32>,
      %swap3A_217 = arith.constant 3 : i32
      %swap3A_218 = arith.index_cast %swap3A_217 : i32 to index
      %swap3A_219 = arith.constant 80 : index
      %swap3A_220 = tpu.vector_load %arg8[%swap3A_218, %swap3A_219] {strides = array<i32>} : memref<16x128xi32, #tpu.memory_space<vmem>>, vector<16xi32>,
      tpu.vector_store %arg8[%swap3A_218, %swap3A_219], %gather3A_216 {strides = array<i32>} : memref<16x128xi32, #tpu.memory_space<vmem>>, vector<16xi32>,
      %get3A_221 = arith.constant 480 : index
      %get3A_222 = tpu.vector_load %arg7[%get3A_221] {strides = array<i32>} : memref<2048xi32, #tpu.memory_space<vmem>>, vector<16xi32>,
      %gather3A_223 = tpu.vector_load_idx %arg6[%get3A_222] : memref<50000xi32, #tpu.memory_space<vmem>>[vector<16xi32>], vector<16xi32>,
      %swap3A_224 = arith.constant 3 : i32
      %swap3A_225 = arith.index_cast %swap3A_224 : i32 to index
      %swap3A_226 = arith.constant 96 : index
      %swap3A_227 = tpu.vector_load %arg8[%swap3A_225, %swap3A_226] {strides = array<i32>} : memref<16x128xi32, #tpu.memory_space<vmem>>, vector<16xi32>,
      tpu.vector_store %arg8[%swap3A_225, %swap3A_226], %gather3A_223 {strides = array<i32>} : memref<16x128xi32, #tpu.memory_space<vmem>>, vector<16xi32>,
      %get3A_228 = arith.constant 496 : index
      %get3A_229 = tpu.vector_load %arg7[%get3A_228] {strides = array<i32>} : memref<2048xi32, #tpu.memory_space<vmem>>, vector<16xi32>,
      %gather3A_230 = tpu.vector_load_idx %arg6[%get3A_229] : memref<50000xi32, #tpu.memory_space<vmem>>[vector<16xi32>], vector<16xi32>,
      %swap3A_231 = arith.constant 3 : i32
      %swap3A_232 = arith.index_cast %swap3A_231 : i32 to index
      %swap3A_233 = arith.constant 112 : index
      %swap3A_234 = tpu.vector_load %arg8[%swap3A_232, %swap3A_233] {strides = array<i32>} : memref<16x128xi32, #tpu.memory_space<vmem>>, vector<16xi32>,
      tpu.vector_store %arg8[%swap3A_232, %swap3A_233], %gather3A_230 {strides = array<i32>} : memref<16x128xi32, #tpu.memory_space<vmem>>, vector<16xi32>,
      %get3A_235 = arith.constant 512 : index
      %get3A_236 = tpu.vector_load %arg7[%get3A_235] {strides = array<i32>} : memref<2048xi32, #tpu.memory_space<vmem>>, vector<16xi32>,
      %gather3A_237 = tpu.vector_load_idx %arg6[%get3A_236] : memref<50000xi32, #tpu.memory_space<vmem>>[vector<16xi32>], vector<16xi32>,
      %swap3A_238 = arith.constant 4 : i32
      %swap3A_239 = arith.index_cast %swap3A_238 : i32 to index
      %swap3A_240 = arith.constant 0 : index
      %swap3A_241 = tpu.vector_load %arg8[%swap3A_239, %swap3A_240] {strides = array<i32>} : memref<16x128xi32, #tpu.memory_space<vmem>>, vector<16xi32>,
      tpu.vector_store %arg8[%swap3A_239, %swap3A_240], %gather3A_237 {strides = array<i32>} : memref<16x128xi32, #tpu.memory_space<vmem>>, vector<16xi32>,
      %get3A_242 = arith.constant 528 : index
      %get3A_243 = tpu.vector_load %arg7[%get3A_242] {strides = array<i32>} : memref<2048xi32, #tpu.memory_space<vmem>>, vector<16xi32>,
      %gather3A_244 = tpu.vector_load_idx %arg6[%get3A_243] : memref<50000xi32, #tpu.memory_space<vmem>>[vector<16xi32>], vector<16xi32>,
      %swap3A_245 = arith.constant 4 : i32
      %swap3A_246 = arith.index_cast %swap3A_245 : i32 to index
      %swap3A_247 = arith.constant 16 : index
      %swap3A_248 = tpu.vector_load %arg8[%swap3A_246, %swap3A_247] {strides = array<i32>} : memref<16x128xi32, #tpu.memory_space<vmem>>, vector<16xi32>,
      tpu.vector_store %arg8[%swap3A_246, %swap3A_247], %gather3A_244 {strides = array<i32>} : memref<16x128xi32, #tpu.memory_space<vmem>>, vector<16xi32>,
      %get3A_249 = arith.constant 544 : index
      %get3A_250 = tpu.vector_load %arg7[%get3A_249] {strides = array<i32>} : memref<2048xi32, #tpu.memory_space<vmem>>, vector<16xi32>,
      %gather3A_251 = tpu.vector_load_idx %arg6[%get3A_250] : memref<50000xi32, #tpu.memory_space<vmem>>[vector<16xi32>], vector<16xi32>,
      %swap3A_252 = arith.constant 4 : i32
      %swap3A_253 = arith.index_cast %swap3A_252 : i32 to index
      %swap3A_254 = arith.constant 32 : index
      %swap3A_255 = tpu.vector_load %arg8[%swap3A_253, %swap3A_254] {strides = array<i32>} : memref<16x128xi32, #tpu.memory_space<vmem>>, vector<16xi32>,
      tpu.vector_store %arg8[%swap3A_253, %swap3A_254], %gather3A_251 {strides = array<i32>} : memref<16x128xi32, #tpu.memory_space<vmem>>, vector<16xi32>,
      %get3A_256 = arith.constant 560 : index
      %get3A_257 = tpu.vector_load %arg7[%get3A_256] {strides = array<i32>} : memref<2048xi32, #tpu.memory_space<vmem>>, vector<16xi32>,
      %gather3A_258 = tpu.vector_load_idx %arg6[%get3A_257] : memref<50000xi32, #tpu.memory_space<vmem>>[vector<16xi32>], vector<16xi32>,
      %swap3A_259 = arith.constant 4 : i32
      %swap3A_260 = arith.index_cast %swap3A_259 : i32 to index
      %swap3A_261 = arith.constant 48 : index
      %swap3A_262 = tpu.vector_load %arg8[%swap3A_260, %swap3A_261] {strides = array<i32>} : memref<16x128xi32, #tpu.memory_space<vmem>>, vector<16xi32>,
      tpu.vector_store %arg8[%swap3A_260, %swap3A_261], %gather3A_258 {strides = array<i32>} : memref<16x128xi32, #tpu.memory_space<vmem>>, vector<16xi32>,
      %get3A_263 = arith.constant 576 : index
      %get3A_264 = tpu.vector_load %arg7[%get3A_263] {strides = array<i32>} : memref<2048xi32, #tpu.memory_space<vmem>>, vector<16xi32>,
      %gather3A_265 = tpu.vector_load_idx %arg6[%get3A_264] : memref<50000xi32, #tpu.memory_space<vmem>>[vector<16xi32>], vector<16xi32>,
      %swap3A_266 = arith.constant 4 : i32
      %swap3A_267 = arith.index_cast %swap3A_266 : i32 to index
      %swap3A_268 = arith.constant 64 : index
      %swap3A_269 = tpu.vector_load %arg8[%swap3A_267, %swap3A_268] {strides = array<i32>} : memref<16x128xi32, #tpu.memory_space<vmem>>, vector<16xi32>,
      tpu.vector_store %arg8[%swap3A_267, %swap3A_268], %gather3A_265 {strides = array<i32>} : memref<16x128xi32, #tpu.memory_space<vmem>>, vector<16xi32>,
      %get3A_270 = arith.constant 592 : index
      %get3A_271 = tpu.vector_load %arg7[%get3A_270] {strides = array<i32>} : memref<2048xi32, #tpu.memory_space<vmem>>, vector<16xi32>,
      %gather3A_272 = tpu.vector_load_idx %arg6[%get3A_271] : memref<50000xi32, #tpu.memory_space<vmem>>[vector<16xi32>], vector<16xi32>,
      %swap3A_273 = arith.constant 4 : i32
      %swap3A_274 = arith.index_cast %swap3A_273 : i32 to index
      %swap3A_275 = arith.constant 80 : index
      %swap3A_276 = tpu.vector_load %arg8[%swap3A_274, %swap3A_275] {strides = array<i32>} : memref<16x128xi32, #tpu.memory_space<vmem>>, vector<16xi32>,
      tpu.vector_store %arg8[%swap3A_274, %swap3A_275], %gather3A_272 {strides = array<i32>} : memref<16x128xi32, #tpu.memory_space<vmem>>, vector<16xi32>,
      %get3A_277 = arith.constant 608 : index
      %get3A_278 = tpu.vector_load %arg7[%get3A_277] {strides = array<i32>} : memref<2048xi32, #tpu.memory_space<vmem>>, vector<16xi32>,
      %gather3A_279 = tpu.vector_load_idx %arg6[%get3A_278] : memref<50000xi32, #tpu.memory_space<vmem>>[vector<16xi32>], vector<16xi32>,
      %swap3A_280 = arith.constant 4 : i32
      %swap3A_281 = arith.index_cast %swap3A_280 : i32 to index
      %swap3A_282 = arith.constant 96 : index
      %swap3A_283 = tpu.vector_load %arg8[%swap3A_281, %swap3A_282] {strides = array<i32>} : memref<16x128xi32, #tpu.memory_space<vmem>>, vector<16xi32>,
      tpu.vector_store %arg8[%swap3A_281, %swap3A_282], %gather3A_279 {strides = array<i32>} : memref<16x128xi32, #tpu.memory_space<vmem>>, vector<16xi32>,
      %get3A_284 = arith.constant 624 : index
      %get3A_285 = tpu.vector_load %arg7[%get3A_284] {strides = array<i32>} : memref<2048xi32, #tpu.memory_space<vmem>>, vector<16xi32>,
      %gather3A_286 = tpu.vector_load_idx %arg6[%get3A_285] : memref<50000xi32, #tpu.memory_space<vmem>>[vector<16xi32>], vector<16xi32>,
      %swap3A_287 = arith.constant 4 : i32
      %swap3A_288 = arith.index_cast %swap3A_287 : i32 to index
      %swap3A_289 = arith.constant 112 : index
      %swap3A_290 = tpu.vector_load %arg8[%swap3A_288, %swap3A_289] {strides = array<i32>} : memref<16x128xi32, #tpu.memory_space<vmem>>, vector<16xi32>,
      tpu.vector_store %arg8[%swap3A_288, %swap3A_289], %gather3A_286 {strides = array<i32>} : memref<16x128xi32, #tpu.memory_space<vmem>>, vector<16xi32>,
      %get3A_291 = arith.constant 640 : index
      %get3A_292 = tpu.vector_load %arg7[%get3A_291] {strides = array<i32>} : memref<2048xi32, #tpu.memory_space<vmem>>, vector<16xi32>,
      %gather3A_293 = tpu.vector_load_idx %arg6[%get3A_292] : memref<50000xi32, #tpu.memory_space<vmem>>[vector<16xi32>], vector<16xi32>,
      %swap3A_294 = arith.constant 5 : i32
      %swap3A_295 = arith.index_cast %swap3A_294 : i32 to index
      %swap3A_296 = arith.constant 0 : index
      %swap3A_297 = tpu.vector_load %arg8[%swap3A_295, %swap3A_296] {strides = array<i32>} : memref<16x128xi32, #tpu.memory_space<vmem>>, vector<16xi32>,
      tpu.vector_store %arg8[%swap3A_295, %swap3A_296], %gather3A_293 {strides = array<i32>} : memref<16x128xi32, #tpu.memory_space<vmem>>, vector<16xi32>,
      %get3A_298 = arith.constant 656 : index
      %get3A_299 = tpu.vector_load %arg7[%get3A_298] {strides = array<i32>} : memref<2048xi32, #tpu.memory_space<vmem>>, vector<16xi32>,
      %gather3A_300 = tpu.vector_load_idx %arg6[%get3A_299] : memref<50000xi32, #tpu.memory_space<vmem>>[vector<16xi32>], vector<16xi32>,
      %swap3A_301 = arith.constant 5 : i32
      %swap3A_302 = arith.index_cast %swap3A_301 : i32 to index
      %swap3A_303 = arith.constant 16 : index
      %swap3A_304 = tpu.vector_load %arg8[%swap3A_302, %swap3A_303] {strides = array<i32>} : memref<16x128xi32, #tpu.memory_space<vmem>>, vector<16xi32>,
      tpu.vector_store %arg8[%swap3A_302, %swap3A_303], %gather3A_300 {strides = array<i32>} : memref<16x128xi32, #tpu.memory_space<vmem>>, vector<16xi32>,
      %get3A_305 = arith.constant 672 : index
      %get3A_306 = tpu.vector_load %arg7[%get3A_305] {strides = array<i32>} : memref<2048xi32, #tpu.memory_space<vmem>>, vector<16xi32>,
      %gather3A_307 = tpu.vector_load_idx %arg6[%get3A_306] : memref<50000xi32, #tpu.memory_space<vmem>>[vector<16xi32>], vector<16xi32>,
      %swap3A_308 = arith.constant 5 : i32
      %swap3A_309 = arith.index_cast %swap3A_308 : i32 to index
      %swap3A_310 = arith.constant 32 : index
      %swap3A_311 = tpu.vector_load %arg8[%swap3A_309, %swap3A_310] {strides = array<i32>} : memref<16x128xi32, #tpu.memory_space<vmem>>, vector<16xi32>,
      tpu.vector_store %arg8[%swap3A_309, %swap3A_310], %gather3A_307 {strides = array<i32>} : memref<16x128xi32, #tpu.memory_space<vmem>>, vector<16xi32>,
      %get3A_312 = arith.constant 688 : index
      %get3A_313 = tpu.vector_load %arg7[%get3A_312] {strides = array<i32>} : memref<2048xi32, #tpu.memory_space<vmem>>, vector<16xi32>,
      %gather3A_314 = tpu.vector_load_idx %arg6[%get3A_313] : memref<50000xi32, #tpu.memory_space<vmem>>[vector<16xi32>], vector<16xi32>,
      %swap3A_315 = arith.constant 5 : i32
      %swap3A_316 = arith.index_cast %swap3A_315 : i32 to index
      %swap3A_317 = arith.constant 48 : index
      %swap3A_318 = tpu.vector_load %arg8[%swap3A_316, %swap3A_317] {strides = array<i32>} : memref<16x128xi32, #tpu.memory_space<vmem>>, vector<16xi32>,
      tpu.vector_store %arg8[%swap3A_316, %swap3A_317], %gather3A_314 {strides = array<i32>} : memref<16x128xi32, #tpu.memory_space<vmem>>, vector<16xi32>,
      %get3A_319 = arith.constant 704 : index
      %get3A_320 = tpu.vector_load %arg7[%get3A_319] {strides = array<i32>} : memref<2048xi32, #tpu.memory_space<vmem>>, vector<16xi32>,
      %gather3A_321 = tpu.vector_load_idx %arg6[%get3A_320] : memref<50000xi32, #tpu.memory_space<vmem>>[vector<16xi32>], vector<16xi32>,
      %swap3A_322 = arith.constant 5 : i32
      %swap3A_323 = arith.index_cast %swap3A_322 : i32 to index
      %swap3A_324 = arith.constant 64 : index
      %swap3A_325 = tpu.vector_load %arg8[%swap3A_323, %swap3A_324] {strides = array<i32>} : memref<16x128xi32, #tpu.memory_space<vmem>>, vector<16xi32>,
      tpu.vector_store %arg8[%swap3A_323, %swap3A_324], %gather3A_321 {strides = array<i32>} : memref<16x128xi32, #tpu.memory_space<vmem>>, vector<16xi32>,
      %get3A_326 = arith.constant 720 : index
      %get3A_327 = tpu.vector_load %arg7[%get3A_326] {strides = array<i32>} : memref<2048xi32, #tpu.memory_space<vmem>>, vector<16xi32>,
      %gather3A_328 = tpu.vector_load_idx %arg6[%get3A_327] : memref<50000xi32, #tpu.memory_space<vmem>>[vector<16xi32>], vector<16xi32>,
      %swap3A_329 = arith.constant 5 : i32
      %swap3A_330 = arith.index_cast %swap3A_329 : i32 to index
      %swap3A_331 = arith.constant 80 : index
      %swap3A_332 = tpu.vector_load %arg8[%swap3A_330, %swap3A_331] {strides = array<i32>} : memref<16x128xi32, #tpu.memory_space<vmem>>, vector<16xi32>,
      tpu.vector_store %arg8[%swap3A_330, %swap3A_331], %gather3A_328 {strides = array<i32>} : memref<16x128xi32, #tpu.memory_space<vmem>>, vector<16xi32>,
      %get3A_333 = arith.constant 736 : index
      %get3A_334 = tpu.vector_load %arg7[%get3A_333] {strides = array<i32>} : memref<2048xi32, #tpu.memory_space<vmem>>, vector<16xi32>,
      %gather3A_335 = tpu.vector_load_idx %arg6[%get3A_334] : memref<50000xi32, #tpu.memory_space<vmem>>[vector<16xi32>], vector<16xi32>,
      %swap3A_336 = arith.constant 5 : i32
      %swap3A_337 = arith.index_cast %swap3A_336 : i32 to index
      %swap3A_338 = arith.constant 96 : index
      %swap3A_339 = tpu.vector_load %arg8[%swap3A_337, %swap3A_338] {strides = array<i32>} : memref<16x128xi32, #tpu.memory_space<vmem>>, vector<16xi32>,
      tpu.vector_store %arg8[%swap3A_337, %swap3A_338], %gather3A_335 {strides = array<i32>} : memref<16x128xi32, #tpu.memory_space<vmem>>, vector<16xi32>,
      %get3A_340 = arith.constant 752 : index
      %get3A_341 = tpu.vector_load %arg7[%get3A_340] {strides = array<i32>} : memref<2048xi32, #tpu.memory_space<vmem>>, vector<16xi32>,
      %gather3A_342 = tpu.vector_load_idx %arg6[%get3A_341] : memref<50000xi32, #tpu.memory_space<vmem>>[vector<16xi32>], vector<16xi32>,
      %swap3A_343 = arith.constant 5 : i32
      %swap3A_344 = arith.index_cast %swap3A_343 : i32 to index
      %swap3A_345 = arith.constant 112 : index
      %swap3A_346 = tpu.vector_load %arg8[%swap3A_344, %swap3A_345] {strides = array<i32>} : memref<16x128xi32, #tpu.memory_space<vmem>>, vector<16xi32>,
      tpu.vector_store %arg8[%swap3A_344, %swap3A_345], %gather3A_342 {strides = array<i32>} : memref<16x128xi32, #tpu.memory_space<vmem>>, vector<16xi32>,
      %get3A_347 = arith.constant 768 : index
      %get3A_348 = tpu.vector_load %arg7[%get3A_347] {strides = array<i32>} : memref<2048xi32, #tpu.memory_space<vmem>>, vector<16xi32>,
      %gather3A_349 = tpu.vector_load_idx %arg6[%get3A_348] : memref<50000xi32, #tpu.memory_space<vmem>>[vector<16xi32>], vector<16xi32>,
      %swap3A_350 = arith.constant 6 : i32
      %swap3A_351 = arith.index_cast %swap3A_350 : i32 to index
      %swap3A_352 = arith.constant 0 : index
      %swap3A_353 = tpu.vector_load %arg8[%swap3A_351, %swap3A_352] {strides = array<i32>} : memref<16x128xi32, #tpu.memory_space<vmem>>, vector<16xi32>,
      tpu.vector_store %arg8[%swap3A_351, %swap3A_352], %gather3A_349 {strides = array<i32>} : memref<16x128xi32, #tpu.memory_space<vmem>>, vector<16xi32>,
      %get3A_354 = arith.constant 784 : index
      %get3A_355 = tpu.vector_load %arg7[%get3A_354] {strides = array<i32>} : memref<2048xi32, #tpu.memory_space<vmem>>, vector<16xi32>,
      %gather3A_356 = tpu.vector_load_idx %arg6[%get3A_355] : memref<50000xi32, #tpu.memory_space<vmem>>[vector<16xi32>], vector<16xi32>,
      %swap3A_357 = arith.constant 6 : i32
      %swap3A_358 = arith.index_cast %swap3A_357 : i32 to index
      %swap3A_359 = arith.constant 16 : index
      %swap3A_360 = tpu.vector_load %arg8[%swap3A_358, %swap3A_359] {strides = array<i32>} : memref<16x128xi32, #tpu.memory_space<vmem>>, vector<16xi32>,
      tpu.vector_store %arg8[%swap3A_358, %swap3A_359], %gather3A_356 {strides = array<i32>} : memref<16x128xi32, #tpu.memory_space<vmem>>, vector<16xi32>,
      %get3A_361 = arith.constant 800 : index
      %get3A_362 = tpu.vector_load %arg7[%get3A_361] {strides = array<i32>} : memref<2048xi32, #tpu.memory_space<vmem>>, vector<16xi32>,
      %gather3A_363 = tpu.vector_load_idx %arg6[%get3A_362] : memref<50000xi32, #tpu.memory_space<vmem>>[vector<16xi32>], vector<16xi32>,
      %swap3A_364 = arith.constant 6 : i32
      %swap3A_365 = arith.index_cast %swap3A_364 : i32 to index
      %swap3A_366 = arith.constant 32 : index
      %swap3A_367 = tpu.vector_load %arg8[%swap3A_365, %swap3A_366] {strides = array<i32>} : memref<16x128xi32, #tpu.memory_space<vmem>>, vector<16xi32>,
      tpu.vector_store %arg8[%swap3A_365, %swap3A_366], %gather3A_363 {strides = array<i32>} : memref<16x128xi32, #tpu.memory_space<vmem>>, vector<16xi32>,
      %get3A_368 = arith.constant 816 : index
      %get3A_369 = tpu.vector_load %arg7[%get3A_368] {strides = array<i32>} : memref<2048xi32, #tpu.memory_space<vmem>>, vector<16xi32>,
      %gather3A_370 = tpu.vector_load_idx %arg6[%get3A_369] : memref<50000xi32, #tpu.memory_space<vmem>>[vector<16xi32>], vector<16xi32>,
      %swap3A_371 = arith.constant 6 : i32
      %swap3A_372 = arith.index_cast %swap3A_371 : i32 to index
      %swap3A_373 = arith.constant 48 : index
      %swap3A_374 = tpu.vector_load %arg8[%swap3A_372, %swap3A_373] {strides = array<i32>} : memref<16x128xi32, #tpu.memory_space<vmem>>, vector<16xi32>,
      tpu.vector_store %arg8[%swap3A_372, %swap3A_373], %gather3A_370 {strides = array<i32>} : memref<16x128xi32, #tpu.memory_space<vmem>>, vector<16xi32>,
      %get3A_375 = arith.constant 832 : index
      %get3A_376 = tpu.vector_load %arg7[%get3A_375] {strides = array<i32>} : memref<2048xi32, #tpu.memory_space<vmem>>, vector<16xi32>,
      %gather3A_377 = tpu.vector_load_idx %arg6[%get3A_376] : memref<50000xi32, #tpu.memory_space<vmem>>[vector<16xi32>], vector<16xi32>,
      %swap3A_378 = arith.constant 6 : i32
      %swap3A_379 = arith.index_cast %swap3A_378 : i32 to index
      %swap3A_380 = arith.constant 64 : index
      %swap3A_381 = tpu.vector_load %arg8[%swap3A_379, %swap3A_380] {strides = array<i32>} : memref<16x128xi32, #tpu.memory_space<vmem>>, vector<16xi32>,
      tpu.vector_store %arg8[%swap3A_379, %swap3A_380], %gather3A_377 {strides = array<i32>} : memref<16x128xi32, #tpu.memory_space<vmem>>, vector<16xi32>,
      %get3A_382 = arith.constant 848 : index
      %get3A_383 = tpu.vector_load %arg7[%get3A_382] {strides = array<i32>} : memref<2048xi32, #tpu.memory_space<vmem>>, vector<16xi32>,
      %gather3A_384 = tpu.vector_load_idx %arg6[%get3A_383] : memref<50000xi32, #tpu.memory_space<vmem>>[vector<16xi32>], vector<16xi32>,
      %swap3A_385 = arith.constant 6 : i32
      %swap3A_386 = arith.index_cast %swap3A_385 : i32 to index
      %swap3A_387 = arith.constant 80 : index
      %swap3A_388 = tpu.vector_load %arg8[%swap3A_386, %swap3A_387] {strides = array<i32>} : memref<16x128xi32, #tpu.memory_space<vmem>>, vector<16xi32>,
      tpu.vector_store %arg8[%swap3A_386, %swap3A_387], %gather3A_384 {strides = array<i32>} : memref<16x128xi32, #tpu.memory_space<vmem>>, vector<16xi32>,
      %get3A_389 = arith.constant 864 : index
      %get3A_390 = tpu.vector_load %arg7[%get3A_389] {strides = array<i32>} : memref<2048xi32, #tpu.memory_space<vmem>>, vector<16xi32>,
      %gather3A_391 = tpu.vector_load_idx %arg6[%get3A_390] : memref<50000xi32, #tpu.memory_space<vmem>>[vector<16xi32>], vector<16xi32>,
      %swap3A_392 = arith.constant 6 : i32
      %swap3A_393 = arith.index_cast %swap3A_392 : i32 to index
      %swap3A_394 = arith.constant 96 : index
      %swap3A_395 = tpu.vector_load %arg8[%swap3A_393, %swap3A_394] {strides = array<i32>} : memref<16x128xi32, #tpu.memory_space<vmem>>, vector<16xi32>,
      tpu.vector_store %arg8[%swap3A_393, %swap3A_394], %gather3A_391 {strides = array<i32>} : memref<16x128xi32, #tpu.memory_space<vmem>>, vector<16xi32>,
      %get3A_396 = arith.constant 880 : index
      %get3A_397 = tpu.vector_load %arg7[%get3A_396] {strides = array<i32>} : memref<2048xi32, #tpu.memory_space<vmem>>, vector<16xi32>,
      %gather3A_398 = tpu.vector_load_idx %arg6[%get3A_397] : memref<50000xi32, #tpu.memory_space<vmem>>[vector<16xi32>], vector<16xi32>,
      %swap3A_399 = arith.constant 6 : i32
      %swap3A_400 = arith.index_cast %swap3A_399 : i32 to index
      %swap3A_401 = arith.constant 112 : index
      %swap3A_402 = tpu.vector_load %arg8[%swap3A_400, %swap3A_401] {strides = array<i32>} : memref<16x128xi32, #tpu.memory_space<vmem>>, vector<16xi32>,
      tpu.vector_store %arg8[%swap3A_400, %swap3A_401], %gather3A_398 {strides = array<i32>} : memref<16x128xi32, #tpu.memory_space<vmem>>, vector<16xi32>,
      %get3A_403 = arith.constant 896 : index
      %get3A_404 = tpu.vector_load %arg7[%get3A_403] {strides = array<i32>} : memref<2048xi32, #tpu.memory_space<vmem>>, vector<16xi32>,
      %gather3A_405 = tpu.vector_load_idx %arg6[%get3A_404] : memref<50000xi32, #tpu.memory_space<vmem>>[vector<16xi32>], vector<16xi32>,
      %swap3A_406 = arith.constant 7 : i32
      %swap3A_407 = arith.index_cast %swap3A_406 : i32 to index
      %swap3A_408 = arith.constant 0 : index
      %swap3A_409 = tpu.vector_load %arg8[%swap3A_407, %swap3A_408] {strides = array<i32>} : memref<16x128xi32, #tpu.memory_space<vmem>>, vector<16xi32>,
      tpu.vector_store %arg8[%swap3A_407, %swap3A_408], %gather3A_405 {strides = array<i32>} : memref<16x128xi32, #tpu.memory_space<vmem>>, vector<16xi32>,
      %get3A_410 = arith.constant 912 : index
      %get3A_411 = tpu.vector_load %arg7[%get3A_410] {strides = array<i32>} : memref<2048xi32, #tpu.memory_space<vmem>>, vector<16xi32>,
      %gather3A_412 = tpu.vector_load_idx %arg6[%get3A_411] : memref<50000xi32, #tpu.memory_space<vmem>>[vector<16xi32>], vector<16xi32>,
      %swap3A_413 = arith.constant 7 : i32
      %swap3A_414 = arith.index_cast %swap3A_413 : i32 to index
      %swap3A_415 = arith.constant 16 : index
      %swap3A_416 = tpu.vector_load %arg8[%swap3A_414, %swap3A_415] {strides = array<i32>} : memref<16x128xi32, #tpu.memory_space<vmem>>, vector<16xi32>,
      tpu.vector_store %arg8[%swap3A_414, %swap3A_415], %gather3A_412 {strides = array<i32>} : memref<16x128xi32, #tpu.memory_space<vmem>>, vector<16xi32>,
      %get3A_417 = arith.constant 928 : index
      %get3A_418 = tpu.vector_load %arg7[%get3A_417] {strides = array<i32>} : memref<2048xi32, #tpu.memory_space<vmem>>, vector<16xi32>,
      %gather3A_419 = tpu.vector_load_idx %arg6[%get3A_418] : memref<50000xi32, #tpu.memory_space<vmem>>[vector<16xi32>], vector<16xi32>,
      %swap3A_420 = arith.constant 7 : i32
      %swap3A_421 = arith.index_cast %swap3A_420 : i32 to index
      %swap3A_422 = arith.constant 32 : index
      %swap3A_423 = tpu.vector_load %arg8[%swap3A_421, %swap3A_422] {strides = array<i32>} : memref<16x128xi32, #tpu.memory_space<vmem>>, vector<16xi32>,
      tpu.vector_store %arg8[%swap3A_421, %swap3A_422], %gather3A_419 {strides = array<i32>} : memref<16x128xi32, #tpu.memory_space<vmem>>, vector<16xi32>,
      %get3A_424 = arith.constant 944 : index
      %get3A_425 = tpu.vector_load %arg7[%get3A_424] {strides = array<i32>} : memref<2048xi32, #tpu.memory_space<vmem>>, vector<16xi32>,
      %gather3A_426 = tpu.vector_load_idx %arg6[%get3A_425] : memref<50000xi32, #tpu.memory_space<vmem>>[vector<16xi32>], vector<16xi32>,
      %swap3A_427 = arith.constant 7 : i32
      %swap3A_428 = arith.index_cast %swap3A_427 : i32 to index
      %swap3A_429 = arith.constant 48 : index
      %swap3A_430 = tpu.vector_load %arg8[%swap3A_428, %swap3A_429] {strides = array<i32>} : memref<16x128xi32, #tpu.memory_space<vmem>>, vector<16xi32>,
      tpu.vector_store %arg8[%swap3A_428, %swap3A_429], %gather3A_426 {strides = array<i32>} : memref<16x128xi32, #tpu.memory_space<vmem>>, vector<16xi32>,
      %get3A_431 = arith.constant 960 : index
      %get3A_432 = tpu.vector_load %arg7[%get3A_431] {strides = array<i32>} : memref<2048xi32, #tpu.memory_space<vmem>>, vector<16xi32>,
      %gather3A_433 = tpu.vector_load_idx %arg6[%get3A_432] : memref<50000xi32, #tpu.memory_space<vmem>>[vector<16xi32>], vector<16xi32>,
      %swap3A_434 = arith.constant 7 : i32
      %swap3A_435 = arith.index_cast %swap3A_434 : i32 to index
      %swap3A_436 = arith.constant 64 : index
      %swap3A_437 = tpu.vector_load %arg8[%swap3A_435, %swap3A_436] {strides = array<i32>} : memref<16x128xi32, #tpu.memory_space<vmem>>, vector<16xi32>,
      tpu.vector_store %arg8[%swap3A_435, %swap3A_436], %gather3A_433 {strides = array<i32>} : memref<16x128xi32, #tpu.memory_space<vmem>>, vector<16xi32>,
      %get3A_438 = arith.constant 976 : index
      %get3A_439 = tpu.vector_load %arg7[%get3A_438] {strides = array<i32>} : memref<2048xi32, #tpu.memory_space<vmem>>, vector<16xi32>,
      %gather3A_440 = tpu.vector_load_idx %arg6[%get3A_439] : memref<50000xi32, #tpu.memory_space<vmem>>[vector<16xi32>], vector<16xi32>,
      %swap3A_441 = arith.constant 7 : i32
      %swap3A_442 = arith.index_cast %swap3A_441 : i32 to index
      %swap3A_443 = arith.constant 80 : index
      %swap3A_444 = tpu.vector_load %arg8[%swap3A_442, %swap3A_443] {strides = array<i32>} : memref<16x128xi32, #tpu.memory_space<vmem>>, vector<16xi32>,
      tpu.vector_store %arg8[%swap3A_442, %swap3A_443], %gather3A_440 {strides = array<i32>} : memref<16x128xi32, #tpu.memory_space<vmem>>, vector<16xi32>,
      %get3A_445 = arith.constant 992 : index
      %get3A_446 = tpu.vector_load %arg7[%get3A_445] {strides = array<i32>} : memref<2048xi32, #tpu.memory_space<vmem>>, vector<16xi32>,
      %gather3A_447 = tpu.vector_load_idx %arg6[%get3A_446] : memref<50000xi32, #tpu.memory_space<vmem>>[vector<16xi32>], vector<16xi32>,
      %swap3A_448 = arith.constant 7 : i32
      %swap3A_449 = arith.index_cast %swap3A_448 : i32 to index
      %swap3A_450 = arith.constant 96 : index
      %swap3A_451 = tpu.vector_load %arg8[%swap3A_449, %swap3A_450] {strides = array<i32>} : memref<16x128xi32, #tpu.memory_space<vmem>>, vector<16xi32>,
      tpu.vector_store %arg8[%swap3A_449, %swap3A_450], %gather3A_447 {strides = array<i32>} : memref<16x128xi32, #tpu.memory_space<vmem>>, vector<16xi32>,
      %get3A_452 = arith.constant 1008 : index
      %get3A_453 = tpu.vector_load %arg7[%get3A_452] {strides = array<i32>} : memref<2048xi32, #tpu.memory_space<vmem>>, vector<16xi32>,
      %gather3A_454 = tpu.vector_load_idx %arg6[%get3A_453] : memref<50000xi32, #tpu.memory_space<vmem>>[vector<16xi32>], vector<16xi32>,
      %swap3A_455 = arith.constant 7 : i32
      %swap3A_456 = arith.index_cast %swap3A_455 : i32 to index
      %swap3A_457 = arith.constant 112 : index
      %swap3A_458 = tpu.vector_load %arg8[%swap3A_456, %swap3A_457] {strides = array<i32>} : memref<16x128xi32, #tpu.memory_space<vmem>>, vector<16xi32>,
      tpu.vector_store %arg8[%swap3A_456, %swap3A_457], %gather3A_454 {strides = array<i32>} : memref<16x128xi32, #tpu.memory_space<vmem>>, vector<16xi32>,
      %get3A_459 = arith.constant 1024 : index
      %get3A_460 = tpu.vector_load %arg7[%get3A_459] {strides = array<i32>} : memref<2048xi32, #tpu.memory_space<vmem>>, vector<16xi32>,
      %gather3A_461 = tpu.vector_load_idx %arg6[%get3A_460] : memref<50000xi32, #tpu.memory_space<vmem>>[vector<16xi32>], vector<16xi32>,
      %swap3A_462 = arith.constant 8 : i32
      %swap3A_463 = arith.index_cast %swap3A_462 : i32 to index
      %swap3A_464 = arith.constant 0 : index
      %swap3A_465 = tpu.vector_load %arg8[%swap3A_463, %swap3A_464] {strides = array<i32>} : memref<16x128xi32, #tpu.memory_space<vmem>>, vector<16xi32>,
      tpu.vector_store %arg8[%swap3A_463, %swap3A_464], %gather3A_461 {strides = array<i32>} : memref<16x128xi32, #tpu.memory_space<vmem>>, vector<16xi32>,
      %get3A_466 = arith.constant 1040 : index
      %get3A_467 = tpu.vector_load %arg7[%get3A_466] {strides = array<i32>} : memref<2048xi32, #tpu.memory_space<vmem>>, vector<16xi32>,
      %gather3A_468 = tpu.vector_load_idx %arg6[%get3A_467] : memref<50000xi32, #tpu.memory_space<vmem>>[vector<16xi32>], vector<16xi32>,
      %swap3A_469 = arith.constant 8 : i32
      %swap3A_470 = arith.index_cast %swap3A_469 : i32 to index
      %swap3A_471 = arith.constant 16 : index
      %swap3A_472 = tpu.vector_load %arg8[%swap3A_470, %swap3A_471] {strides = array<i32>} : memref<16x128xi32, #tpu.memory_space<vmem>>, vector<16xi32>,
      tpu.vector_store %arg8[%swap3A_470, %swap3A_471], %gather3A_468 {strides = array<i32>} : memref<16x128xi32, #tpu.memory_space<vmem>>, vector<16xi32>,
      %get3A_473 = arith.constant 1056 : index
      %get3A_474 = tpu.vector_load %arg7[%get3A_473] {strides = array<i32>} : memref<2048xi32, #tpu.memory_space<vmem>>, vector<16xi32>,
      %gather3A_475 = tpu.vector_load_idx %arg6[%get3A_474] : memref<50000xi32, #tpu.memory_space<vmem>>[vector<16xi32>], vector<16xi32>,
      %swap3A_476 = arith.constant 8 : i32
      %swap3A_477 = arith.index_cast %swap3A_476 : i32 to index
      %swap3A_478 = arith.constant 32 : index
      %swap3A_479 = tpu.vector_load %arg8[%swap3A_477, %swap3A_478] {strides = array<i32>} : memref<16x128xi32, #tpu.memory_space<vmem>>, vector<16xi32>,
      tpu.vector_store %arg8[%swap3A_477, %swap3A_478], %gather3A_475 {strides = array<i32>} : memref<16x128xi32, #tpu.memory_space<vmem>>, vector<16xi32>,
      %get3A_480 = arith.constant 1072 : index
      %get3A_481 = tpu.vector_load %arg7[%get3A_480] {strides = array<i32>} : memref<2048xi32, #tpu.memory_space<vmem>>, vector<16xi32>,
      %gather3A_482 = tpu.vector_load_idx %arg6[%get3A_481] : memref<50000xi32, #tpu.memory_space<vmem>>[vector<16xi32>], vector<16xi32>,
      %swap3A_483 = arith.constant 8 : i32
      %swap3A_484 = arith.index_cast %swap3A_483 : i32 to index
      %swap3A_485 = arith.constant 48 : index
      %swap3A_486 = tpu.vector_load %arg8[%swap3A_484, %swap3A_485] {strides = array<i32>} : memref<16x128xi32, #tpu.memory_space<vmem>>, vector<16xi32>,
      tpu.vector_store %arg8[%swap3A_484, %swap3A_485], %gather3A_482 {strides = array<i32>} : memref<16x128xi32, #tpu.memory_space<vmem>>, vector<16xi32>,
      %get3A_487 = arith.constant 1088 : index
      %get3A_488 = tpu.vector_load %arg7[%get3A_487] {strides = array<i32>} : memref<2048xi32, #tpu.memory_space<vmem>>, vector<16xi32>,
      %gather3A_489 = tpu.vector_load_idx %arg6[%get3A_488] : memref<50000xi32, #tpu.memory_space<vmem>>[vector<16xi32>], vector<16xi32>,
      %swap3A_490 = arith.constant 8 : i32
      %swap3A_491 = arith.index_cast %swap3A_490 : i32 to index
      %swap3A_492 = arith.constant 64 : index
      %swap3A_493 = tpu.vector_load %arg8[%swap3A_491, %swap3A_492] {strides = array<i32>} : memref<16x128xi32, #tpu.memory_space<vmem>>, vector<16xi32>,
      tpu.vector_store %arg8[%swap3A_491, %swap3A_492], %gather3A_489 {strides = array<i32>} : memref<16x128xi32, #tpu.memory_space<vmem>>, vector<16xi32>,
      %get3A_494 = arith.constant 1104 : index
      %get3A_495 = tpu.vector_load %arg7[%get3A_494] {strides = array<i32>} : memref<2048xi32, #tpu.memory_space<vmem>>, vector<16xi32>,
      %gather3A_496 = tpu.vector_load_idx %arg6[%get3A_495] : memref<50000xi32, #tpu.memory_space<vmem>>[vector<16xi32>], vector<16xi32>,
      %swap3A_497 = arith.constant 8 : i32
      %swap3A_498 = arith.index_cast %swap3A_497 : i32 to index
      %swap3A_499 = arith.constant 80 : index
      %swap3A_500 = tpu.vector_load %arg8[%swap3A_498, %swap3A_499] {strides = array<i32>} : memref<16x128xi32, #tpu.memory_space<vmem>>, vector<16xi32>,
      tpu.vector_store %arg8[%swap3A_498, %swap3A_499], %gather3A_496 {strides = array<i32>} : memref<16x128xi32, #tpu.memory_space<vmem>>, vector<16xi32>,
      %get3A_501 = arith.constant 1120 : index
      %get3A_502 = tpu.vector_load %arg7[%get3A_501] {strides = array<i32>} : memref<2048xi32, #tpu.memory_space<vmem>>, vector<16xi32>,
      %gather3A_503 = tpu.vector_load_idx %arg6[%get3A_502] : memref<50000xi32, #tpu.memory_space<vmem>>[vector<16xi32>], vector<16xi32>,
      %swap3A_504 = arith.constant 8 : i32
      %swap3A_505 = arith.index_cast %swap3A_504 : i32 to index
      %swap3A_506 = arith.constant 96 : index
      %swap3A_507 = tpu.vector_load %arg8[%swap3A_505, %swap3A_506] {strides = array<i32>} : memref<16x128xi32, #tpu.memory_space<vmem>>, vector<16xi32>,
      tpu.vector_store %arg8[%swap3A_505, %swap3A_506], %gather3A_503 {strides = array<i32>} : memref<16x128xi32, #tpu.memory_space<vmem>>, vector<16xi32>,
      %get3A_508 = arith.constant 1136 : index
      %get3A_509 = tpu.vector_load %arg7[%get3A_508] {strides = array<i32>} : memref<2048xi32, #tpu.memory_space<vmem>>, vector<16xi32>,
      %gather3A_510 = tpu.vector_load_idx %arg6[%get3A_509] : memref<50000xi32, #tpu.memory_space<vmem>>[vector<16xi32>], vector<16xi32>,
      %swap3A_511 = arith.constant 8 : i32
      %swap3A_512 = arith.index_cast %swap3A_511 : i32 to index
      %swap3A_513 = arith.constant 112 : index
      %swap3A_514 = tpu.vector_load %arg8[%swap3A_512, %swap3A_513] {strides = array<i32>} : memref<16x128xi32, #tpu.memory_space<vmem>>, vector<16xi32>,
      tpu.vector_store %arg8[%swap3A_512, %swap3A_513], %gather3A_510 {strides = array<i32>} : memref<16x128xi32, #tpu.memory_space<vmem>>, vector<16xi32>,
      %get3A_515 = arith.constant 1152 : index
      %get3A_516 = tpu.vector_load %arg7[%get3A_515] {strides = array<i32>} : memref<2048xi32, #tpu.memory_space<vmem>>, vector<16xi32>,
      %gather3A_517 = tpu.vector_load_idx %arg6[%get3A_516] : memref<50000xi32, #tpu.memory_space<vmem>>[vector<16xi32>], vector<16xi32>,
      %swap3A_518 = arith.constant 9 : i32
      %swap3A_519 = arith.index_cast %swap3A_518 : i32 to index
      %swap3A_520 = arith.constant 0 : index
      %swap3A_521 = tpu.vector_load %arg8[%swap3A_519, %swap3A_520] {strides = array<i32>} : memref<16x128xi32, #tpu.memory_space<vmem>>, vector<16xi32>,
      tpu.vector_store %arg8[%swap3A_519, %swap3A_520], %gather3A_517 {strides = array<i32>} : memref<16x128xi32, #tpu.memory_space<vmem>>, vector<16xi32>,
      %get3A_522 = arith.constant 1168 : index
      %get3A_523 = tpu.vector_load %arg7[%get3A_522] {strides = array<i32>} : memref<2048xi32, #tpu.memory_space<vmem>>, vector<16xi32>,
      %gather3A_524 = tpu.vector_load_idx %arg6[%get3A_523] : memref<50000xi32, #tpu.memory_space<vmem>>[vector<16xi32>], vector<16xi32>,
      %swap3A_525 = arith.constant 9 : i32
      %swap3A_526 = arith.index_cast %swap3A_525 : i32 to index
      %swap3A_527 = arith.constant 16 : index
      %swap3A_528 = tpu.vector_load %arg8[%swap3A_526, %swap3A_527] {strides = array<i32>} : memref<16x128xi32, #tpu.memory_space<vmem>>, vector<16xi32>,
      tpu.vector_store %arg8[%swap3A_526, %swap3A_527], %gather3A_524 {strides = array<i32>} : memref<16x128xi32, #tpu.memory_space<vmem>>, vector<16xi32>,
      %get3A_529 = arith.constant 1184 : index
      %get3A_530 = tpu.vector_load %arg7[%get3A_529] {strides = array<i32>} : memref<2048xi32, #tpu.memory_space<vmem>>, vector<16xi32>,
      %gather3A_531 = tpu.vector_load_idx %arg6[%get3A_530] : memref<50000xi32, #tpu.memory_space<vmem>>[vector<16xi32>], vector<16xi32>,
      %swap3A_532 = arith.constant 9 : i32
      %swap3A_533 = arith.index_cast %swap3A_532 : i32 to index
      %swap3A_534 = arith.constant 32 : index
      %swap3A_535 = tpu.vector_load %arg8[%swap3A_533, %swap3A_534] {strides = array<i32>} : memref<16x128xi32, #tpu.memory_space<vmem>>, vector<16xi32>,
      tpu.vector_store %arg8[%swap3A_533, %swap3A_534], %gather3A_531 {strides = array<i32>} : memref<16x128xi32, #tpu.memory_space<vmem>>, vector<16xi32>,
      %get3A_536 = arith.constant 1200 : index
      %get3A_537 = tpu.vector_load %arg7[%get3A_536] {strides = array<i32>} : memref<2048xi32, #tpu.memory_space<vmem>>, vector<16xi32>,
      %gather3A_538 = tpu.vector_load_idx %arg6[%get3A_537] : memref<50000xi32, #tpu.memory_space<vmem>>[vector<16xi32>], vector<16xi32>,
      %swap3A_539 = arith.constant 9 : i32
      %swap3A_540 = arith.index_cast %swap3A_539 : i32 to index
      %swap3A_541 = arith.constant 48 : index
      %swap3A_542 = tpu.vector_load %arg8[%swap3A_540, %swap3A_541] {strides = array<i32>} : memref<16x128xi32, #tpu.memory_space<vmem>>, vector<16xi32>,
      tpu.vector_store %arg8[%swap3A_540, %swap3A_541], %gather3A_538 {strides = array<i32>} : memref<16x128xi32, #tpu.memory_space<vmem>>, vector<16xi32>,
      %get3A_543 = arith.constant 1216 : index
      %get3A_544 = tpu.vector_load %arg7[%get3A_543] {strides = array<i32>} : memref<2048xi32, #tpu.memory_space<vmem>>, vector<16xi32>,
      %gather3A_545 = tpu.vector_load_idx %arg6[%get3A_544] : memref<50000xi32, #tpu.memory_space<vmem>>[vector<16xi32>], vector<16xi32>,
      %swap3A_546 = arith.constant 9 : i32
      %swap3A_547 = arith.index_cast %swap3A_546 : i32 to index
      %swap3A_548 = arith.constant 64 : index
      %swap3A_549 = tpu.vector_load %arg8[%swap3A_547, %swap3A_548] {strides = array<i32>} : memref<16x128xi32, #tpu.memory_space<vmem>>, vector<16xi32>,
      tpu.vector_store %arg8[%swap3A_547, %swap3A_548], %gather3A_545 {strides = array<i32>} : memref<16x128xi32, #tpu.memory_space<vmem>>, vector<16xi32>,
      %get3A_550 = arith.constant 1232 : index
      %get3A_551 = tpu.vector_load %arg7[%get3A_550] {strides = array<i32>} : memref<2048xi32, #tpu.memory_space<vmem>>, vector<16xi32>,
      %gather3A_552 = tpu.vector_load_idx %arg6[%get3A_551] : memref<50000xi32, #tpu.memory_space<vmem>>[vector<16xi32>], vector<16xi32>,
      %swap3A_553 = arith.constant 9 : i32
      %swap3A_554 = arith.index_cast %swap3A_553 : i32 to index
      %swap3A_555 = arith.constant 80 : index
      %swap3A_556 = tpu.vector_load %arg8[%swap3A_554, %swap3A_555] {strides = array<i32>} : memref<16x128xi32, #tpu.memory_space<vmem>>, vector<16xi32>,
      tpu.vector_store %arg8[%swap3A_554, %swap3A_555], %gather3A_552 {strides = array<i32>} : memref<16x128xi32, #tpu.memory_space<vmem>>, vector<16xi32>,
      %get3A_557 = arith.constant 1248 : index
      %get3A_558 = tpu.vector_load %arg7[%get3A_557] {strides = array<i32>} : memref<2048xi32, #tpu.memory_space<vmem>>, vector<16xi32>,
      %gather3A_559 = tpu.vector_load_idx %arg6[%get3A_558] : memref<50000xi32, #tpu.memory_space<vmem>>[vector<16xi32>], vector<16xi32>,
      %swap3A_560 = arith.constant 9 : i32
      %swap3A_561 = arith.index_cast %swap3A_560 : i32 to index
      %swap3A_562 = arith.constant 96 : index
      %swap3A_563 = tpu.vector_load %arg8[%swap3A_561, %swap3A_562] {strides = array<i32>} : memref<16x128xi32, #tpu.memory_space<vmem>>, vector<16xi32>,
      tpu.vector_store %arg8[%swap3A_561, %swap3A_562], %gather3A_559 {strides = array<i32>} : memref<16x128xi32, #tpu.memory_space<vmem>>, vector<16xi32>,
      %get3A_564 = arith.constant 1264 : index
      %get3A_565 = tpu.vector_load %arg7[%get3A_564] {strides = array<i32>} : memref<2048xi32, #tpu.memory_space<vmem>>, vector<16xi32>,
      %gather3A_566 = tpu.vector_load_idx %arg6[%get3A_565] : memref<50000xi32, #tpu.memory_space<vmem>>[vector<16xi32>], vector<16xi32>,
      %swap3A_567 = arith.constant 9 : i32
      %swap3A_568 = arith.index_cast %swap3A_567 : i32 to index
      %swap3A_569 = arith.constant 112 : index
      %swap3A_570 = tpu.vector_load %arg8[%swap3A_568, %swap3A_569] {strides = array<i32>} : memref<16x128xi32, #tpu.memory_space<vmem>>, vector<16xi32>,
      tpu.vector_store %arg8[%swap3A_568, %swap3A_569], %gather3A_566 {strides = array<i32>} : memref<16x128xi32, #tpu.memory_space<vmem>>, vector<16xi32>,
      %get3A_571 = arith.constant 1280 : index
      %get3A_572 = tpu.vector_load %arg7[%get3A_571] {strides = array<i32>} : memref<2048xi32, #tpu.memory_space<vmem>>, vector<16xi32>,
      %gather3A_573 = tpu.vector_load_idx %arg6[%get3A_572] : memref<50000xi32, #tpu.memory_space<vmem>>[vector<16xi32>], vector<16xi32>,
      %swap3A_574 = arith.constant 10 : i32
      %swap3A_575 = arith.index_cast %swap3A_574 : i32 to index
      %swap3A_576 = arith.constant 0 : index
      %swap3A_577 = tpu.vector_load %arg8[%swap3A_575, %swap3A_576] {strides = array<i32>} : memref<16x128xi32, #tpu.memory_space<vmem>>, vector<16xi32>,
      tpu.vector_store %arg8[%swap3A_575, %swap3A_576], %gather3A_573 {strides = array<i32>} : memref<16x128xi32, #tpu.memory_space<vmem>>, vector<16xi32>,
      %get3A_578 = arith.constant 1296 : index
      %get3A_579 = tpu.vector_load %arg7[%get3A_578] {strides = array<i32>} : memref<2048xi32, #tpu.memory_space<vmem>>, vector<16xi32>,
      %gather3A_580 = tpu.vector_load_idx %arg6[%get3A_579] : memref<50000xi32, #tpu.memory_space<vmem>>[vector<16xi32>], vector<16xi32>,
      %swap3A_581 = arith.constant 10 : i32
      %swap3A_582 = arith.index_cast %swap3A_581 : i32 to index
      %swap3A_583 = arith.constant 16 : index
      %swap3A_584 = tpu.vector_load %arg8[%swap3A_582, %swap3A_583] {strides = array<i32>} : memref<16x128xi32, #tpu.memory_space<vmem>>, vector<16xi32>,
      tpu.vector_store %arg8[%swap3A_582, %swap3A_583], %gather3A_580 {strides = array<i32>} : memref<16x128xi32, #tpu.memory_space<vmem>>, vector<16xi32>,
      %get3A_585 = arith.constant 1312 : index
      %get3A_586 = tpu.vector_load %arg7[%get3A_585] {strides = array<i32>} : memref<2048xi32, #tpu.memory_space<vmem>>, vector<16xi32>,
      %gather3A_587 = tpu.vector_load_idx %arg6[%get3A_586] : memref<50000xi32, #tpu.memory_space<vmem>>[vector<16xi32>], vector<16xi32>,
      %swap3A_588 = arith.constant 10 : i32
      %swap3A_589 = arith.index_cast %swap3A_588 : i32 to index
      %swap3A_590 = arith.constant 32 : index
      %swap3A_591 = tpu.vector_load %arg8[%swap3A_589, %swap3A_590] {strides = array<i32>} : memref<16x128xi32, #tpu.memory_space<vmem>>, vector<16xi32>,
      tpu.vector_store %arg8[%swap3A_589, %swap3A_590], %gather3A_587 {strides = array<i32>} : memref<16x128xi32, #tpu.memory_space<vmem>>, vector<16xi32>,
      %get3A_592 = arith.constant 1328 : index
      %get3A_593 = tpu.vector_load %arg7[%get3A_592] {strides = array<i32>} : memref<2048xi32, #tpu.memory_space<vmem>>, vector<16xi32>,
      %gather3A_594 = tpu.vector_load_idx %arg6[%get3A_593] : memref<50000xi32, #tpu.memory_space<vmem>>[vector<16xi32>], vector<16xi32>,
      %swap3A_595 = arith.constant 10 : i32
      %swap3A_596 = arith.index_cast %swap3A_595 : i32 to index
      %swap3A_597 = arith.constant 48 : index
      %swap3A_598 = tpu.vector_load %arg8[%swap3A_596, %swap3A_597] {strides = array<i32>} : memref<16x128xi32, #tpu.memory_space<vmem>>, vector<16xi32>,
      tpu.vector_store %arg8[%swap3A_596, %swap3A_597], %gather3A_594 {strides = array<i32>} : memref<16x128xi32, #tpu.memory_space<vmem>>, vector<16xi32>,
      %get3A_599 = arith.constant 1344 : index
      %get3A_600 = tpu.vector_load %arg7[%get3A_599] {strides = array<i32>} : memref<2048xi32, #tpu.memory_space<vmem>>, vector<16xi32>,
      %gather3A_601 = tpu.vector_load_idx %arg6[%get3A_600] : memref<50000xi32, #tpu.memory_space<vmem>>[vector<16xi32>], vector<16xi32>,
      %swap3A_602 = arith.constant 10 : i32
      %swap3A_603 = arith.index_cast %swap3A_602 : i32 to index
      %swap3A_604 = arith.constant 64 : index
      %swap3A_605 = tpu.vector_load %arg8[%swap3A_603, %swap3A_604] {strides = array<i32>} : memref<16x128xi32, #tpu.memory_space<vmem>>, vector<16xi32>,
      tpu.vector_store %arg8[%swap3A_603, %swap3A_604], %gather3A_601 {strides = array<i32>} : memref<16x128xi32, #tpu.memory_space<vmem>>, vector<16xi32>,
      %get3A_606 = arith.constant 1360 : index
      %get3A_607 = tpu.vector_load %arg7[%get3A_606] {strides = array<i32>} : memref<2048xi32, #tpu.memory_space<vmem>>, vector<16xi32>,
      %gather3A_608 = tpu.vector_load_idx %arg6[%get3A_607] : memref<50000xi32, #tpu.memory_space<vmem>>[vector<16xi32>], vector<16xi32>,
      %swap3A_609 = arith.constant 10 : i32
      %swap3A_610 = arith.index_cast %swap3A_609 : i32 to index
      %swap3A_611 = arith.constant 80 : index
      %swap3A_612 = tpu.vector_load %arg8[%swap3A_610, %swap3A_611] {strides = array<i32>} : memref<16x128xi32, #tpu.memory_space<vmem>>, vector<16xi32>,
      tpu.vector_store %arg8[%swap3A_610, %swap3A_611], %gather3A_608 {strides = array<i32>} : memref<16x128xi32, #tpu.memory_space<vmem>>, vector<16xi32>,
      %get3A_613 = arith.constant 1376 : index
      %get3A_614 = tpu.vector_load %arg7[%get3A_613] {strides = array<i32>} : memref<2048xi32, #tpu.memory_space<vmem>>, vector<16xi32>,
      %gather3A_615 = tpu.vector_load_idx %arg6[%get3A_614] : memref<50000xi32, #tpu.memory_space<vmem>>[vector<16xi32>], vector<16xi32>,
      %swap3A_616 = arith.constant 10 : i32
      %swap3A_617 = arith.index_cast %swap3A_616 : i32 to index
      %swap3A_618 = arith.constant 96 : index
      %swap3A_619 = tpu.vector_load %arg8[%swap3A_617, %swap3A_618] {strides = array<i32>} : memref<16x128xi32, #tpu.memory_space<vmem>>, vector<16xi32>,
      tpu.vector_store %arg8[%swap3A_617, %swap3A_618], %gather3A_615 {strides = array<i32>} : memref<16x128xi32, #tpu.memory_space<vmem>>, vector<16xi32>,
      %get3A_620 = arith.constant 1392 : index
      %get3A_621 = tpu.vector_load %arg7[%get3A_620] {strides = array<i32>} : memref<2048xi32, #tpu.memory_space<vmem>>, vector<16xi32>,
      %gather3A_622 = tpu.vector_load_idx %arg6[%get3A_621] : memref<50000xi32, #tpu.memory_space<vmem>>[vector<16xi32>], vector<16xi32>,
      %swap3A_623 = arith.constant 10 : i32
      %swap3A_624 = arith.index_cast %swap3A_623 : i32 to index
      %swap3A_625 = arith.constant 112 : index
      %swap3A_626 = tpu.vector_load %arg8[%swap3A_624, %swap3A_625] {strides = array<i32>} : memref<16x128xi32, #tpu.memory_space<vmem>>, vector<16xi32>,
      tpu.vector_store %arg8[%swap3A_624, %swap3A_625], %gather3A_622 {strides = array<i32>} : memref<16x128xi32, #tpu.memory_space<vmem>>, vector<16xi32>,
      %get3A_627 = arith.constant 1408 : index
      %get3A_628 = tpu.vector_load %arg7[%get3A_627] {strides = array<i32>} : memref<2048xi32, #tpu.memory_space<vmem>>, vector<16xi32>,
      %gather3A_629 = tpu.vector_load_idx %arg6[%get3A_628] : memref<50000xi32, #tpu.memory_space<vmem>>[vector<16xi32>], vector<16xi32>,
      %swap3A_630 = arith.constant 11 : i32
      %swap3A_631 = arith.index_cast %swap3A_630 : i32 to index
      %swap3A_632 = arith.constant 0 : index
      %swap3A_633 = tpu.vector_load %arg8[%swap3A_631, %swap3A_632] {strides = array<i32>} : memref<16x128xi32, #tpu.memory_space<vmem>>, vector<16xi32>,
      tpu.vector_store %arg8[%swap3A_631, %swap3A_632], %gather3A_629 {strides = array<i32>} : memref<16x128xi32, #tpu.memory_space<vmem>>, vector<16xi32>,
      %get3A_634 = arith.constant 1424 : index
      %get3A_635 = tpu.vector_load %arg7[%get3A_634] {strides = array<i32>} : memref<2048xi32, #tpu.memory_space<vmem>>, vector<16xi32>,
      %gather3A_636 = tpu.vector_load_idx %arg6[%get3A_635] : memref<50000xi32, #tpu.memory_space<vmem>>[vector<16xi32>], vector<16xi32>,
      %swap3A_637 = arith.constant 11 : i32
      %swap3A_638 = arith.index_cast %swap3A_637 : i32 to index
      %swap3A_639 = arith.constant 16 : index
      %swap3A_640 = tpu.vector_load %arg8[%swap3A_638, %swap3A_639] {strides = array<i32>} : memref<16x128xi32, #tpu.memory_space<vmem>>, vector<16xi32>,
      tpu.vector_store %arg8[%swap3A_638, %swap3A_639], %gather3A_636 {strides = array<i32>} : memref<16x128xi32, #tpu.memory_space<vmem>>, vector<16xi32>,
      %get3A_641 = arith.constant 1440 : index
      %get3A_642 = tpu.vector_load %arg7[%get3A_641] {strides = array<i32>} : memref<2048xi32, #tpu.memory_space<vmem>>, vector<16xi32>,
      %gather3A_643 = tpu.vector_load_idx %arg6[%get3A_642] : memref<50000xi32, #tpu.memory_space<vmem>>[vector<16xi32>], vector<16xi32>,
      %swap3A_644 = arith.constant 11 : i32
      %swap3A_645 = arith.index_cast %swap3A_644 : i32 to index
      %swap3A_646 = arith.constant 32 : index
      %swap3A_647 = tpu.vector_load %arg8[%swap3A_645, %swap3A_646] {strides = array<i32>} : memref<16x128xi32, #tpu.memory_space<vmem>>, vector<16xi32>,
      tpu.vector_store %arg8[%swap3A_645, %swap3A_646], %gather3A_643 {strides = array<i32>} : memref<16x128xi32, #tpu.memory_space<vmem>>, vector<16xi32>,
      %get3A_648 = arith.constant 1456 : index
      %get3A_649 = tpu.vector_load %arg7[%get3A_648] {strides = array<i32>} : memref<2048xi32, #tpu.memory_space<vmem>>, vector<16xi32>,
      %gather3A_650 = tpu.vector_load_idx %arg6[%get3A_649] : memref<50000xi32, #tpu.memory_space<vmem>>[vector<16xi32>], vector<16xi32>,
      %swap3A_651 = arith.constant 11 : i32
      %swap3A_652 = arith.index_cast %swap3A_651 : i32 to index
      %swap3A_653 = arith.constant 48 : index
      %swap3A_654 = tpu.vector_load %arg8[%swap3A_652, %swap3A_653] {strides = array<i32>} : memref<16x128xi32, #tpu.memory_space<vmem>>, vector<16xi32>,
      tpu.vector_store %arg8[%swap3A_652, %swap3A_653], %gather3A_650 {strides = array<i32>} : memref<16x128xi32, #tpu.memory_space<vmem>>, vector<16xi32>,
      %get3A_655 = arith.constant 1472 : index
      %get3A_656 = tpu.vector_load %arg7[%get3A_655] {strides = array<i32>} : memref<2048xi32, #tpu.memory_space<vmem>>, vector<16xi32>,
      %gather3A_657 = tpu.vector_load_idx %arg6[%get3A_656] : memref<50000xi32, #tpu.memory_space<vmem>>[vector<16xi32>], vector<16xi32>,
      %swap3A_658 = arith.constant 11 : i32
      %swap3A_659 = arith.index_cast %swap3A_658 : i32 to index
      %swap3A_660 = arith.constant 64 : index
      %swap3A_661 = tpu.vector_load %arg8[%swap3A_659, %swap3A_660] {strides = array<i32>} : memref<16x128xi32, #tpu.memory_space<vmem>>, vector<16xi32>,
      tpu.vector_store %arg8[%swap3A_659, %swap3A_660], %gather3A_657 {strides = array<i32>} : memref<16x128xi32, #tpu.memory_space<vmem>>, vector<16xi32>,
      %get3A_662 = arith.constant 1488 : index
      %get3A_663 = tpu.vector_load %arg7[%get3A_662] {strides = array<i32>} : memref<2048xi32, #tpu.memory_space<vmem>>, vector<16xi32>,
      %gather3A_664 = tpu.vector_load_idx %arg6[%get3A_663] : memref<50000xi32, #tpu.memory_space<vmem>>[vector<16xi32>], vector<16xi32>,
      %swap3A_665 = arith.constant 11 : i32
      %swap3A_666 = arith.index_cast %swap3A_665 : i32 to index
      %swap3A_667 = arith.constant 80 : index
      %swap3A_668 = tpu.vector_load %arg8[%swap3A_666, %swap3A_667] {strides = array<i32>} : memref<16x128xi32, #tpu.memory_space<vmem>>, vector<16xi32>,
      tpu.vector_store %arg8[%swap3A_666, %swap3A_667], %gather3A_664 {strides = array<i32>} : memref<16x128xi32, #tpu.memory_space<vmem>>, vector<16xi32>,
      %get3A_669 = arith.constant 1504 : index
      %get3A_670 = tpu.vector_load %arg7[%get3A_669] {strides = array<i32>} : memref<2048xi32, #tpu.memory_space<vmem>>, vector<16xi32>,
      %gather3A_671 = tpu.vector_load_idx %arg6[%get3A_670] : memref<50000xi32, #tpu.memory_space<vmem>>[vector<16xi32>], vector<16xi32>,
      %swap3A_672 = arith.constant 11 : i32
      %swap3A_673 = arith.index_cast %swap3A_672 : i32 to index
      %swap3A_674 = arith.constant 96 : index
      %swap3A_675 = tpu.vector_load %arg8[%swap3A_673, %swap3A_674] {strides = array<i32>} : memref<16x128xi32, #tpu.memory_space<vmem>>, vector<16xi32>,
      tpu.vector_store %arg8[%swap3A_673, %swap3A_674], %gather3A_671 {strides = array<i32>} : memref<16x128xi32, #tpu.memory_space<vmem>>, vector<16xi32>,
      %get3A_676 = arith.constant 1520 : index
      %get3A_677 = tpu.vector_load %arg7[%get3A_676] {strides = array<i32>} : memref<2048xi32, #tpu.memory_space<vmem>>, vector<16xi32>,
      %gather3A_678 = tpu.vector_load_idx %arg6[%get3A_677] : memref<50000xi32, #tpu.memory_space<vmem>>[vector<16xi32>], vector<16xi32>,
      %swap3A_679 = arith.constant 11 : i32
      %swap3A_680 = arith.index_cast %swap3A_679 : i32 to index
      %swap3A_681 = arith.constant 112 : index
      %swap3A_682 = tpu.vector_load %arg8[%swap3A_680, %swap3A_681] {strides = array<i32>} : memref<16x128xi32, #tpu.memory_space<vmem>>, vector<16xi32>,
      tpu.vector_store %arg8[%swap3A_680, %swap3A_681], %gather3A_678 {strides = array<i32>} : memref<16x128xi32, #tpu.memory_space<vmem>>, vector<16xi32>,
      %get3A_683 = arith.constant 1536 : index
      %get3A_684 = tpu.vector_load %arg7[%get3A_683] {strides = array<i32>} : memref<2048xi32, #tpu.memory_space<vmem>>, vector<16xi32>,
      %gather3A_685 = tpu.vector_load_idx %arg6[%get3A_684] : memref<50000xi32, #tpu.memory_space<vmem>>[vector<16xi32>], vector<16xi32>,
      %swap3A_686 = arith.constant 12 : i32
      %swap3A_687 = arith.index_cast %swap3A_686 : i32 to index
      %swap3A_688 = arith.constant 0 : index
      %swap3A_689 = tpu.vector_load %arg8[%swap3A_687, %swap3A_688] {strides = array<i32>} : memref<16x128xi32, #tpu.memory_space<vmem>>, vector<16xi32>,
      tpu.vector_store %arg8[%swap3A_687, %swap3A_688], %gather3A_685 {strides = array<i32>} : memref<16x128xi32, #tpu.memory_space<vmem>>, vector<16xi32>,
      %get3A_690 = arith.constant 1552 : index
      %get3A_691 = tpu.vector_load %arg7[%get3A_690] {strides = array<i32>} : memref<2048xi32, #tpu.memory_space<vmem>>, vector<16xi32>,
      %gather3A_692 = tpu.vector_load_idx %arg6[%get3A_691] : memref<50000xi32, #tpu.memory_space<vmem>>[vector<16xi32>], vector<16xi32>,
      %swap3A_693 = arith.constant 12 : i32
      %swap3A_694 = arith.index_cast %swap3A_693 : i32 to index
      %swap3A_695 = arith.constant 16 : index
      %swap3A_696 = tpu.vector_load %arg8[%swap3A_694, %swap3A_695] {strides = array<i32>} : memref<16x128xi32, #tpu.memory_space<vmem>>, vector<16xi32>,
      tpu.vector_store %arg8[%swap3A_694, %swap3A_695], %gather3A_692 {strides = array<i32>} : memref<16x128xi32, #tpu.memory_space<vmem>>, vector<16xi32>,
      %get3A_697 = arith.constant 1568 : index
      %get3A_698 = tpu.vector_load %arg7[%get3A_697] {strides = array<i32>} : memref<2048xi32, #tpu.memory_space<vmem>>, vector<16xi32>,
      %gather3A_699 = tpu.vector_load_idx %arg6[%get3A_698] : memref<50000xi32, #tpu.memory_space<vmem>>[vector<16xi32>], vector<16xi32>,
      %swap3A_700 = arith.constant 12 : i32
      %swap3A_701 = arith.index_cast %swap3A_700 : i32 to index
      %swap3A_702 = arith.constant 32 : index
      %swap3A_703 = tpu.vector_load %arg8[%swap3A_701, %swap3A_702] {strides = array<i32>} : memref<16x128xi32, #tpu.memory_space<vmem>>, vector<16xi32>,
      tpu.vector_store %arg8[%swap3A_701, %swap3A_702], %gather3A_699 {strides = array<i32>} : memref<16x128xi32, #tpu.memory_space<vmem>>, vector<16xi32>,
      %get3A_704 = arith.constant 1584 : index
      %get3A_705 = tpu.vector_load %arg7[%get3A_704] {strides = array<i32>} : memref<2048xi32, #tpu.memory_space<vmem>>, vector<16xi32>,
      %gather3A_706 = tpu.vector_load_idx %arg6[%get3A_705] : memref<50000xi32, #tpu.memory_space<vmem>>[vector<16xi32>], vector<16xi32>,
      %swap3A_707 = arith.constant 12 : i32
      %swap3A_708 = arith.index_cast %swap3A_707 : i32 to index
      %swap3A_709 = arith.constant 48 : index
      %swap3A_710 = tpu.vector_load %arg8[%swap3A_708, %swap3A_709] {strides = array<i32>} : memref<16x128xi32, #tpu.memory_space<vmem>>, vector<16xi32>,
      tpu.vector_store %arg8[%swap3A_708, %swap3A_709], %gather3A_706 {strides = array<i32>} : memref<16x128xi32, #tpu.memory_space<vmem>>, vector<16xi32>,
      %get3A_711 = arith.constant 1600 : index
      %get3A_712 = tpu.vector_load %arg7[%get3A_711] {strides = array<i32>} : memref<2048xi32, #tpu.memory_space<vmem>>, vector<16xi32>,
      %gather3A_713 = tpu.vector_load_idx %arg6[%get3A_712] : memref<50000xi32, #tpu.memory_space<vmem>>[vector<16xi32>], vector<16xi32>,
      %swap3A_714 = arith.constant 12 : i32
      %swap3A_715 = arith.index_cast %swap3A_714 : i32 to index
      %swap3A_716 = arith.constant 64 : index
      %swap3A_717 = tpu.vector_load %arg8[%swap3A_715, %swap3A_716] {strides = array<i32>} : memref<16x128xi32, #tpu.memory_space<vmem>>, vector<16xi32>,
      tpu.vector_store %arg8[%swap3A_715, %swap3A_716], %gather3A_713 {strides = array<i32>} : memref<16x128xi32, #tpu.memory_space<vmem>>, vector<16xi32>,
      %get3A_718 = arith.constant 1616 : index
      %get3A_719 = tpu.vector_load %arg7[%get3A_718] {strides = array<i32>} : memref<2048xi32, #tpu.memory_space<vmem>>, vector<16xi32>,
      %gather3A_720 = tpu.vector_load_idx %arg6[%get3A_719] : memref<50000xi32, #tpu.memory_space<vmem>>[vector<16xi32>], vector<16xi32>,
      %swap3A_721 = arith.constant 12 : i32
      %swap3A_722 = arith.index_cast %swap3A_721 : i32 to index
      %swap3A_723 = arith.constant 80 : index
      %swap3A_724 = tpu.vector_load %arg8[%swap3A_722, %swap3A_723] {strides = array<i32>} : memref<16x128xi32, #tpu.memory_space<vmem>>, vector<16xi32>,
      tpu.vector_store %arg8[%swap3A_722, %swap3A_723], %gather3A_720 {strides = array<i32>} : memref<16x128xi32, #tpu.memory_space<vmem>>, vector<16xi32>,
      %get3A_725 = arith.constant 1632 : index
      %get3A_726 = tpu.vector_load %arg7[%get3A_725] {strides = array<i32>} : memref<2048xi32, #tpu.memory_space<vmem>>, vector<16xi32>,
      %gather3A_727 = tpu.vector_load_idx %arg6[%get3A_726] : memref<50000xi32, #tpu.memory_space<vmem>>[vector<16xi32>], vector<16xi32>,
      %swap3A_728 = arith.constant 12 : i32
      %swap3A_729 = arith.index_cast %swap3A_728 : i32 to index
      %swap3A_730 = arith.constant 96 : index
      %swap3A_731 = tpu.vector_load %arg8[%swap3A_729, %swap3A_730] {strides = array<i32>} : memref<16x128xi32, #tpu.memory_space<vmem>>, vector<16xi32>,
      tpu.vector_store %arg8[%swap3A_729, %swap3A_730], %gather3A_727 {strides = array<i32>} : memref<16x128xi32, #tpu.memory_space<vmem>>, vector<16xi32>,
      %get3A_732 = arith.constant 1648 : index
      %get3A_733 = tpu.vector_load %arg7[%get3A_732] {strides = array<i32>} : memref<2048xi32, #tpu.memory_space<vmem>>, vector<16xi32>,
      %gather3A_734 = tpu.vector_load_idx %arg6[%get3A_733] : memref<50000xi32, #tpu.memory_space<vmem>>[vector<16xi32>], vector<16xi32>,
      %swap3A_735 = arith.constant 12 : i32
      %swap3A_736 = arith.index_cast %swap3A_735 : i32 to index
      %swap3A_737 = arith.constant 112 : index
      %swap3A_738 = tpu.vector_load %arg8[%swap3A_736, %swap3A_737] {strides = array<i32>} : memref<16x128xi32, #tpu.memory_space<vmem>>, vector<16xi32>,
      tpu.vector_store %arg8[%swap3A_736, %swap3A_737], %gather3A_734 {strides = array<i32>} : memref<16x128xi32, #tpu.memory_space<vmem>>, vector<16xi32>,
      %get3A_739 = arith.constant 1664 : index
      %get3A_740 = tpu.vector_load %arg7[%get3A_739] {strides = array<i32>} : memref<2048xi32, #tpu.memory_space<vmem>>, vector<16xi32>,
      %gather3A_741 = tpu.vector_load_idx %arg6[%get3A_740] : memref<50000xi32, #tpu.memory_space<vmem>>[vector<16xi32>], vector<16xi32>,
      %swap3A_742 = arith.constant 13 : i32
      %swap3A_743 = arith.index_cast %swap3A_742 : i32 to index
      %swap3A_744 = arith.constant 0 : index
      %swap3A_745 = tpu.vector_load %arg8[%swap3A_743, %swap3A_744] {strides = array<i32>} : memref<16x128xi32, #tpu.memory_space<vmem>>, vector<16xi32>,
      tpu.vector_store %arg8[%swap3A_743, %swap3A_744], %gather3A_741 {strides = array<i32>} : memref<16x128xi32, #tpu.memory_space<vmem>>, vector<16xi32>,
      %get3A_746 = arith.constant 1680 : index
      %get3A_747 = tpu.vector_load %arg7[%get3A_746] {strides = array<i32>} : memref<2048xi32, #tpu.memory_space<vmem>>, vector<16xi32>,
      %gather3A_748 = tpu.vector_load_idx %arg6[%get3A_747] : memref<50000xi32, #tpu.memory_space<vmem>>[vector<16xi32>], vector<16xi32>,
      %swap3A_749 = arith.constant 13 : i32
      %swap3A_750 = arith.index_cast %swap3A_749 : i32 to index
      %swap3A_751 = arith.constant 16 : index
      %swap3A_752 = tpu.vector_load %arg8[%swap3A_750, %swap3A_751] {strides = array<i32>} : memref<16x128xi32, #tpu.memory_space<vmem>>, vector<16xi32>,
      tpu.vector_store %arg8[%swap3A_750, %swap3A_751], %gather3A_748 {strides = array<i32>} : memref<16x128xi32, #tpu.memory_space<vmem>>, vector<16xi32>,
      %get3A_753 = arith.constant 1696 : index
      %get3A_754 = tpu.vector_load %arg7[%get3A_753] {strides = array<i32>} : memref<2048xi32, #tpu.memory_space<vmem>>, vector<16xi32>,
      %gather3A_755 = tpu.vector_load_idx %arg6[%get3A_754] : memref<50000xi32, #tpu.memory_space<vmem>>[vector<16xi32>], vector<16xi32>,
      %swap3A_756 = arith.constant 13 : i32
      %swap3A_757 = arith.index_cast %swap3A_756 : i32 to index
      %swap3A_758 = arith.constant 32 : index
      %swap3A_759 = tpu.vector_load %arg8[%swap3A_757, %swap3A_758] {strides = array<i32>} : memref<16x128xi32, #tpu.memory_space<vmem>>, vector<16xi32>,
      tpu.vector_store %arg8[%swap3A_757, %swap3A_758], %gather3A_755 {strides = array<i32>} : memref<16x128xi32, #tpu.memory_space<vmem>>, vector<16xi32>,
      %get3A_760 = arith.constant 1712 : index
      %get3A_761 = tpu.vector_load %arg7[%get3A_760] {strides = array<i32>} : memref<2048xi32, #tpu.memory_space<vmem>>, vector<16xi32>,
      %gather3A_762 = tpu.vector_load_idx %arg6[%get3A_761] : memref<50000xi32, #tpu.memory_space<vmem>>[vector<16xi32>], vector<16xi32>,
      %swap3A_763 = arith.constant 13 : i32
      %swap3A_764 = arith.index_cast %swap3A_763 : i32 to index
      %swap3A_765 = arith.constant 48 : index
      %swap3A_766 = tpu.vector_load %arg8[%swap3A_764, %swap3A_765] {strides = array<i32>} : memref<16x128xi32, #tpu.memory_space<vmem>>, vector<16xi32>,
      tpu.vector_store %arg8[%swap3A_764, %swap3A_765], %gather3A_762 {strides = array<i32>} : memref<16x128xi32, #tpu.memory_space<vmem>>, vector<16xi32>,
      %get3A_767 = arith.constant 1728 : index
      %get3A_768 = tpu.vector_load %arg7[%get3A_767] {strides = array<i32>} : memref<2048xi32, #tpu.memory_space<vmem>>, vector<16xi32>,
      %gather3A_769 = tpu.vector_load_idx %arg6[%get3A_768] : memref<50000xi32, #tpu.memory_space<vmem>>[vector<16xi32>], vector<16xi32>,
      %swap3A_770 = arith.constant 13 : i32
      %swap3A_771 = arith.index_cast %swap3A_770 : i32 to index
      %swap3A_772 = arith.constant 64 : index
      %swap3A_773 = tpu.vector_load %arg8[%swap3A_771, %swap3A_772] {strides = array<i32>} : memref<16x128xi32, #tpu.memory_space<vmem>>, vector<16xi32>,
      tpu.vector_store %arg8[%swap3A_771, %swap3A_772], %gather3A_769 {strides = array<i32>} : memref<16x128xi32, #tpu.memory_space<vmem>>, vector<16xi32>,
      %get3A_774 = arith.constant 1744 : index
      %get3A_775 = tpu.vector_load %arg7[%get3A_774] {strides = array<i32>} : memref<2048xi32, #tpu.memory_space<vmem>>, vector<16xi32>,
      %gather3A_776 = tpu.vector_load_idx %arg6[%get3A_775] : memref<50000xi32, #tpu.memory_space<vmem>>[vector<16xi32>], vector<16xi32>,
      %swap3A_777 = arith.constant 13 : i32
      %swap3A_778 = arith.index_cast %swap3A_777 : i32 to index
      %swap3A_779 = arith.constant 80 : index
      %swap3A_780 = tpu.vector_load %arg8[%swap3A_778, %swap3A_779] {strides = array<i32>} : memref<16x128xi32, #tpu.memory_space<vmem>>, vector<16xi32>,
      tpu.vector_store %arg8[%swap3A_778, %swap3A_779], %gather3A_776 {strides = array<i32>} : memref<16x128xi32, #tpu.memory_space<vmem>>, vector<16xi32>,
      %get3A_781 = arith.constant 1760 : index
      %get3A_782 = tpu.vector_load %arg7[%get3A_781] {strides = array<i32>} : memref<2048xi32, #tpu.memory_space<vmem>>, vector<16xi32>,
      %gather3A_783 = tpu.vector_load_idx %arg6[%get3A_782] : memref<50000xi32, #tpu.memory_space<vmem>>[vector<16xi32>], vector<16xi32>,
      %swap3A_784 = arith.constant 13 : i32
      %swap3A_785 = arith.index_cast %swap3A_784 : i32 to index
      %swap3A_786 = arith.constant 96 : index
      %swap3A_787 = tpu.vector_load %arg8[%swap3A_785, %swap3A_786] {strides = array<i32>} : memref<16x128xi32, #tpu.memory_space<vmem>>, vector<16xi32>,
      tpu.vector_store %arg8[%swap3A_785, %swap3A_786], %gather3A_783 {strides = array<i32>} : memref<16x128xi32, #tpu.memory_space<vmem>>, vector<16xi32>,
      %get3A_788 = arith.constant 1776 : index
      %get3A_789 = tpu.vector_load %arg7[%get3A_788] {strides = array<i32>} : memref<2048xi32, #tpu.memory_space<vmem>>, vector<16xi32>,
      %gather3A_790 = tpu.vector_load_idx %arg6[%get3A_789] : memref<50000xi32, #tpu.memory_space<vmem>>[vector<16xi32>], vector<16xi32>,
      %swap3A_791 = arith.constant 13 : i32
      %swap3A_792 = arith.index_cast %swap3A_791 : i32 to index
      %swap3A_793 = arith.constant 112 : index
      %swap3A_794 = tpu.vector_load %arg8[%swap3A_792, %swap3A_793] {strides = array<i32>} : memref<16x128xi32, #tpu.memory_space<vmem>>, vector<16xi32>,
      tpu.vector_store %arg8[%swap3A_792, %swap3A_793], %gather3A_790 {strides = array<i32>} : memref<16x128xi32, #tpu.memory_space<vmem>>, vector<16xi32>,
      %get3A_795 = arith.constant 1792 : index
      %get3A_796 = tpu.vector_load %arg7[%get3A_795] {strides = array<i32>} : memref<2048xi32, #tpu.memory_space<vmem>>, vector<16xi32>,
      %gather3A_797 = tpu.vector_load_idx %arg6[%get3A_796] : memref<50000xi32, #tpu.memory_space<vmem>>[vector<16xi32>], vector<16xi32>,
      %swap3A_798 = arith.constant 14 : i32
      %swap3A_799 = arith.index_cast %swap3A_798 : i32 to index
      %swap3A_800 = arith.constant 0 : index
      %swap3A_801 = tpu.vector_load %arg8[%swap3A_799, %swap3A_800] {strides = array<i32>} : memref<16x128xi32, #tpu.memory_space<vmem>>, vector<16xi32>,
      tpu.vector_store %arg8[%swap3A_799, %swap3A_800], %gather3A_797 {strides = array<i32>} : memref<16x128xi32, #tpu.memory_space<vmem>>, vector<16xi32>,
      %get3A_802 = arith.constant 1808 : index
      %get3A_803 = tpu.vector_load %arg7[%get3A_802] {strides = array<i32>} : memref<2048xi32, #tpu.memory_space<vmem>>, vector<16xi32>,
      %gather3A_804 = tpu.vector_load_idx %arg6[%get3A_803] : memref<50000xi32, #tpu.memory_space<vmem>>[vector<16xi32>], vector<16xi32>,
      %swap3A_805 = arith.constant 14 : i32
      %swap3A_806 = arith.index_cast %swap3A_805 : i32 to index
      %swap3A_807 = arith.constant 16 : index
      %swap3A_808 = tpu.vector_load %arg8[%swap3A_806, %swap3A_807] {strides = array<i32>} : memref<16x128xi32, #tpu.memory_space<vmem>>, vector<16xi32>,
      tpu.vector_store %arg8[%swap3A_806, %swap3A_807], %gather3A_804 {strides = array<i32>} : memref<16x128xi32, #tpu.memory_space<vmem>>, vector<16xi32>,
      %get3A_809 = arith.constant 1824 : index
      %get3A_810 = tpu.vector_load %arg7[%get3A_809] {strides = array<i32>} : memref<2048xi32, #tpu.memory_space<vmem>>, vector<16xi32>,
      %gather3A_811 = tpu.vector_load_idx %arg6[%get3A_810] : memref<50000xi32, #tpu.memory_space<vmem>>[vector<16xi32>], vector<16xi32>,
      %swap3A_812 = arith.constant 14 : i32
      %swap3A_813 = arith.index_cast %swap3A_812 : i32 to index
      %swap3A_814 = arith.constant 32 : index
      %swap3A_815 = tpu.vector_load %arg8[%swap3A_813, %swap3A_814] {strides = array<i32>} : memref<16x128xi32, #tpu.memory_space<vmem>>, vector<16xi32>,
      tpu.vector_store %arg8[%swap3A_813, %swap3A_814], %gather3A_811 {strides = array<i32>} : memref<16x128xi32, #tpu.memory_space<vmem>>, vector<16xi32>,
      %get3A_816 = arith.constant 1840 : index
      %get3A_817 = tpu.vector_load %arg7[%get3A_816] {strides = array<i32>} : memref<2048xi32, #tpu.memory_space<vmem>>, vector<16xi32>,
      %gather3A_818 = tpu.vector_load_idx %arg6[%get3A_817] : memref<50000xi32, #tpu.memory_space<vmem>>[vector<16xi32>], vector<16xi32>,
      %swap3A_819 = arith.constant 14 : i32
      %swap3A_820 = arith.index_cast %swap3A_819 : i32 to index
      %swap3A_821 = arith.constant 48 : index
      %swap3A_822 = tpu.vector_load %arg8[%swap3A_820, %swap3A_821] {strides = array<i32>} : memref<16x128xi32, #tpu.memory_space<vmem>>, vector<16xi32>,
      tpu.vector_store %arg8[%swap3A_820, %swap3A_821], %gather3A_818 {strides = array<i32>} : memref<16x128xi32, #tpu.memory_space<vmem>>, vector<16xi32>,
      %get3A_823 = arith.constant 1856 : index
      %get3A_824 = tpu.vector_load %arg7[%get3A_823] {strides = array<i32>} : memref<2048xi32, #tpu.memory_space<vmem>>, vector<16xi32>,
      %gather3A_825 = tpu.vector_load_idx %arg6[%get3A_824] : memref<50000xi32, #tpu.memory_space<vmem>>[vector<16xi32>], vector<16xi32>,
      %swap3A_826 = arith.constant 14 : i32
      %swap3A_827 = arith.index_cast %swap3A_826 : i32 to index
      %swap3A_828 = arith.constant 64 : index
      %swap3A_829 = tpu.vector_load %arg8[%swap3A_827, %swap3A_828] {strides = array<i32>} : memref<16x128xi32, #tpu.memory_space<vmem>>, vector<16xi32>,
      tpu.vector_store %arg8[%swap3A_827, %swap3A_828], %gather3A_825 {strides = array<i32>} : memref<16x128xi32, #tpu.memory_space<vmem>>, vector<16xi32>,
      %get3A_830 = arith.constant 1872 : index
      %get3A_831 = tpu.vector_load %arg7[%get3A_830] {strides = array<i32>} : memref<2048xi32, #tpu.memory_space<vmem>>, vector<16xi32>,
      %gather3A_832 = tpu.vector_load_idx %arg6[%get3A_831] : memref<50000xi32, #tpu.memory_space<vmem>>[vector<16xi32>], vector<16xi32>,
      %swap3A_833 = arith.constant 14 : i32
      %swap3A_834 = arith.index_cast %swap3A_833 : i32 to index
      %swap3A_835 = arith.constant 80 : index
      %swap3A_836 = tpu.vector_load %arg8[%swap3A_834, %swap3A_835] {strides = array<i32>} : memref<16x128xi32, #tpu.memory_space<vmem>>, vector<16xi32>,
      tpu.vector_store %arg8[%swap3A_834, %swap3A_835], %gather3A_832 {strides = array<i32>} : memref<16x128xi32, #tpu.memory_space<vmem>>, vector<16xi32>,
      %get3A_837 = arith.constant 1888 : index
      %get3A_838 = tpu.vector_load %arg7[%get3A_837] {strides = array<i32>} : memref<2048xi32, #tpu.memory_space<vmem>>, vector<16xi32>,
      %gather3A_839 = tpu.vector_load_idx %arg6[%get3A_838] : memref<50000xi32, #tpu.memory_space<vmem>>[vector<16xi32>], vector<16xi32>,
      %swap3A_840 = arith.constant 14 : i32
      %swap3A_841 = arith.index_cast %swap3A_840 : i32 to index
      %swap3A_842 = arith.constant 96 : index
      %swap3A_843 = tpu.vector_load %arg8[%swap3A_841, %swap3A_842] {strides = array<i32>} : memref<16x128xi32, #tpu.memory_space<vmem>>, vector<16xi32>,
      tpu.vector_store %arg8[%swap3A_841, %swap3A_842], %gather3A_839 {strides = array<i32>} : memref<16x128xi32, #tpu.memory_space<vmem>>, vector<16xi32>,
      %get3A_844 = arith.constant 1904 : index
      %get3A_845 = tpu.vector_load %arg7[%get3A_844] {strides = array<i32>} : memref<2048xi32, #tpu.memory_space<vmem>>, vector<16xi32>,
      %gather3A_846 = tpu.vector_load_idx %arg6[%get3A_845] : memref<50000xi32, #tpu.memory_space<vmem>>[vector<16xi32>], vector<16xi32>,
      %swap3A_847 = arith.constant 14 : i32
      %swap3A_848 = arith.index_cast %swap3A_847 : i32 to index
      %swap3A_849 = arith.constant 112 : index
      %swap3A_850 = tpu.vector_load %arg8[%swap3A_848, %swap3A_849] {strides = array<i32>} : memref<16x128xi32, #tpu.memory_space<vmem>>, vector<16xi32>,
      tpu.vector_store %arg8[%swap3A_848, %swap3A_849], %gather3A_846 {strides = array<i32>} : memref<16x128xi32, #tpu.memory_space<vmem>>, vector<16xi32>,
      %get3A_851 = arith.constant 1920 : index
      %get3A_852 = tpu.vector_load %arg7[%get3A_851] {strides = array<i32>} : memref<2048xi32, #tpu.memory_space<vmem>>, vector<16xi32>,
      %gather3A_853 = tpu.vector_load_idx %arg6[%get3A_852] : memref<50000xi32, #tpu.memory_space<vmem>>[vector<16xi32>], vector<16xi32>,
      %swap3A_854 = arith.constant 15 : i32
      %swap3A_855 = arith.index_cast %swap3A_854 : i32 to index
      %swap3A_856 = arith.constant 0 : index
      %swap3A_857 = tpu.vector_load %arg8[%swap3A_855, %swap3A_856] {strides = array<i32>} : memref<16x128xi32, #tpu.memory_space<vmem>>, vector<16xi32>,
      tpu.vector_store %arg8[%swap3A_855, %swap3A_856], %gather3A_853 {strides = array<i32>} : memref<16x128xi32, #tpu.memory_space<vmem>>, vector<16xi32>,
      %get3A_858 = arith.constant 1936 : index
      %get3A_859 = tpu.vector_load %arg7[%get3A_858] {strides = array<i32>} : memref<2048xi32, #tpu.memory_space<vmem>>, vector<16xi32>,
      %gather3A_860 = tpu.vector_load_idx %arg6[%get3A_859] : memref<50000xi32, #tpu.memory_space<vmem>>[vector<16xi32>], vector<16xi32>,
      %swap3A_861 = arith.constant 15 : i32
      %swap3A_862 = arith.index_cast %swap3A_861 : i32 to index
      %swap3A_863 = arith.constant 16 : index
      %swap3A_864 = tpu.vector_load %arg8[%swap3A_862, %swap3A_863] {strides = array<i32>} : memref<16x128xi32, #tpu.memory_space<vmem>>, vector<16xi32>,
      tpu.vector_store %arg8[%swap3A_862, %swap3A_863], %gather3A_860 {strides = array<i32>} : memref<16x128xi32, #tpu.memory_space<vmem>>, vector<16xi32>,
      %get3A_865 = arith.constant 1952 : index
      %get3A_866 = tpu.vector_load %arg7[%get3A_865] {strides = array<i32>} : memref<2048xi32, #tpu.memory_space<vmem>>, vector<16xi32>,
      %gather3A_867 = tpu.vector_load_idx %arg6[%get3A_866] : memref<50000xi32, #tpu.memory_space<vmem>>[vector<16xi32>], vector<16xi32>,
      %swap3A_868 = arith.constant 15 : i32
      %swap3A_869 = arith.index_cast %swap3A_868 : i32 to index
      %swap3A_870 = arith.constant 32 : index
      %swap3A_871 = tpu.vector_load %arg8[%swap3A_869, %swap3A_870] {strides = array<i32>} : memref<16x128xi32, #tpu.memory_space<vmem>>, vector<16xi32>,
      tpu.vector_store %arg8[%swap3A_869, %swap3A_870], %gather3A_867 {strides = array<i32>} : memref<16x128xi32, #tpu.memory_space<vmem>>, vector<16xi32>,
      %get3A_872 = arith.constant 1968 : index
      %get3A_873 = tpu.vector_load %arg7[%get3A_872] {strides = array<i32>} : memref<2048xi32, #tpu.memory_space<vmem>>, vector<16xi32>,
      %gather3A_874 = tpu.vector_load_idx %arg6[%get3A_873] : memref<50000xi32, #tpu.memory_space<vmem>>[vector<16xi32>], vector<16xi32>,
      %swap3A_875 = arith.constant 15 : i32
      %swap3A_876 = arith.index_cast %swap3A_875 : i32 to index
      %swap3A_877 = arith.constant 48 : index
      %swap3A_878 = tpu.vector_load %arg8[%swap3A_876, %swap3A_877] {strides = array<i32>} : memref<16x128xi32, #tpu.memory_space<vmem>>, vector<16xi32>,
      tpu.vector_store %arg8[%swap3A_876, %swap3A_877], %gather3A_874 {strides = array<i32>} : memref<16x128xi32, #tpu.memory_space<vmem>>, vector<16xi32>,
      %get3A_879 = arith.constant 1984 : index
      %get3A_880 = tpu.vector_load %arg7[%get3A_879] {strides = array<i32>} : memref<2048xi32, #tpu.memory_space<vmem>>, vector<16xi32>,
      %gather3A_881 = tpu.vector_load_idx %arg6[%get3A_880] : memref<50000xi32, #tpu.memory_space<vmem>>[vector<16xi32>], vector<16xi32>,
      %swap3A_882 = arith.constant 15 : i32
      %swap3A_883 = arith.index_cast %swap3A_882 : i32 to index
      %swap3A_884 = arith.constant 64 : index
      %swap3A_885 = tpu.vector_load %arg8[%swap3A_883, %swap3A_884] {strides = array<i32>} : memref<16x128xi32, #tpu.memory_space<vmem>>, vector<16xi32>,
      tpu.vector_store %arg8[%swap3A_883, %swap3A_884], %gather3A_881 {strides = array<i32>} : memref<16x128xi32, #tpu.memory_space<vmem>>, vector<16xi32>,
      %get3A_886 = arith.constant 2000 : index
      %get3A_887 = tpu.vector_load %arg7[%get3A_886] {strides = array<i32>} : memref<2048xi32, #tpu.memory_space<vmem>>, vector<16xi32>,
      %gather3A_888 = tpu.vector_load_idx %arg6[%get3A_887] : memref<50000xi32, #tpu.memory_space<vmem>>[vector<16xi32>], vector<16xi32>,
      %swap3A_889 = arith.constant 15 : i32
      %swap3A_890 = arith.index_cast %swap3A_889 : i32 to index
      %swap3A_891 = arith.constant 80 : index
      %swap3A_892 = tpu.vector_load %arg8[%swap3A_890, %swap3A_891] {strides = array<i32>} : memref<16x128xi32, #tpu.memory_space<vmem>>, vector<16xi32>,
      tpu.vector_store %arg8[%swap3A_890, %swap3A_891], %gather3A_888 {strides = array<i32>} : memref<16x128xi32, #tpu.memory_space<vmem>>, vector<16xi32>,
      %get3A_893 = arith.constant 2016 : index
      %get3A_894 = tpu.vector_load %arg7[%get3A_893] {strides = array<i32>} : memref<2048xi32, #tpu.memory_space<vmem>>, vector<16xi32>,
      %gather3A_895 = tpu.vector_load_idx %arg6[%get3A_894] : memref<50000xi32, #tpu.memory_space<vmem>>[vector<16xi32>], vector<16xi32>,
      %swap3A_896 = arith.constant 15 : i32
      %swap3A_897 = arith.index_cast %swap3A_896 : i32 to index
      %swap3A_898 = arith.constant 96 : index
      %swap3A_899 = tpu.vector_load %arg8[%swap3A_897, %swap3A_898] {strides = array<i32>} : memref<16x128xi32, #tpu.memory_space<vmem>>, vector<16xi32>,
      tpu.vector_store %arg8[%swap3A_897, %swap3A_898], %gather3A_895 {strides = array<i32>} : memref<16x128xi32, #tpu.memory_space<vmem>>, vector<16xi32>,
      %get3A_900 = arith.constant 2032 : index
      %get3A_901 = tpu.vector_load %arg7[%get3A_900] {strides = array<i32>} : memref<2048xi32, #tpu.memory_space<vmem>>, vector<16xi32>,
      %gather3A_902 = tpu.vector_load_idx %arg6[%get3A_901] : memref<50000xi32, #tpu.memory_space<vmem>>[vector<16xi32>], vector<16xi32>,
      %swap3A_903 = arith.constant 15 : i32
      %swap3A_904 = arith.index_cast %swap3A_903 : i32 to index
      %swap3A_905 = arith.constant 112 : index
      %swap3A_906 = tpu.vector_load %arg8[%swap3A_904, %swap3A_905] {strides = array<i32>} : memref<16x128xi32, #tpu.memory_space<vmem>>, vector<16xi32>,
      tpu.vector_store %arg8[%swap3A_904, %swap3A_905], %gather3A_902 {strides = array<i32>} : memref<16x128xi32, #tpu.memory_space<vmem>>, vector<16xi32>,
      %dma_start3A = arith.constant 0 : i32
      %dma_start3A_907 = arith.constant 0 : i32
      %dma_start3A_908 = arith.constant 0 : i32
      %dma_start3A_909 = tpu.memref_slice %arg9[%dma_start3A_907, %dma_start3A_908] : memref<2048x32xf32, #tpu.memory_space<vmem>> -> memref<128x32xf32, #tpu.memory_space<vmem>>
      %dma_start3A_910 = arith.constant 0 : i32
      %dma_start3A_911 = tpu.memref_slice %arg8[%dma_start3A, %dma_start3A_910] : memref<16x128xi32, #tpu.memory_space<vmem>> -> memref<1x128xi32, #tpu.memory_space<vmem>>
      %dma_start3A_912 = tpu.memref_squeeze %dma_start3A_911 : memref<1x128xi32, #tpu.memory_space<vmem>> -> memref<128xi32, #tpu.memory_space<vmem>>
      %dma_start3A_913 = arith.constant 0 : i32
      %dma_start3A_914 = arith.constant 0 : i32
      %dma_start3A_915 = tpu.memref_slice %arg2[%dma_start3A_913, %dma_start3A_914] : memref<102400x32xf32, #tpu.memory_space<hbm>> -> memref<102400x32xf32, #tpu.memory_space<hbm>>
      tpu.enqueue_indirect_dma source(%dma_start3A_915 : memref<102400x32xf32, #tpu.memory_space<hbm>>) target(%dma_start3A_909 : memref<128x32xf32, #tpu.memory_space<vmem>>) offsets(%dma_start3A_912 : memref<128xi32, #tpu.memory_space<vmem>>) semaphore(%arg10 : memref<!tpu.dma_semaphore, #tpu.memory_space<semaphore_mem>>)
      %dma_start3A_916 = arith.constant 1 : i32
      %dma_start3A_917 = arith.constant 128 : i32
      %dma_start3A_918 = arith.constant 0 : i32
      %dma_start3A_919 = tpu.memref_slice %arg9[%dma_start3A_917, %dma_start3A_918] : memref<2048x32xf32, #tpu.memory_space<vmem>> -> memref<128x32xf32, #tpu.memory_space<vmem>>
      %dma_start3A_920 = arith.constant 0 : i32
      %dma_start3A_921 = tpu.memref_slice %arg8[%dma_start3A_916, %dma_start3A_920] : memref<16x128xi32, #tpu.memory_space<vmem>> -> memref<1x128xi32, #tpu.memory_space<vmem>>
      %dma_start3A_922 = tpu.memref_squeeze %dma_start3A_921 : memref<1x128xi32, #tpu.memory_space<vmem>> -> memref<128xi32, #tpu.memory_space<vmem>>
      %dma_start3A_923 = arith.constant 0 : i32
      %dma_start3A_924 = arith.constant 0 : i32
      %dma_start3A_925 = tpu.memref_slice %arg2[%dma_start3A_923, %dma_start3A_924] : memref<102400x32xf32, #tpu.memory_space<hbm>> -> memref<102400x32xf32, #tpu.memory_space<hbm>>
      tpu.enqueue_indirect_dma source(%dma_start3A_925 : memref<102400x32xf32, #tpu.memory_space<hbm>>) target(%dma_start3A_919 : memref<128x32xf32, #tpu.memory_space<vmem>>) offsets(%dma_start3A_922 : memref<128xi32, #tpu.memory_space<vmem>>) semaphore(%arg11 : memref<!tpu.dma_semaphore, #tpu.memory_space<semaphore_mem>>)
      %dma_start3A_926 = arith.constant 2 : i32
      %dma_start3A_927 = arith.constant 256 : i32
      %dma_start3A_928 = arith.constant 0 : i32
      %dma_start3A_929 = tpu.memref_slice %arg9[%dma_start3A_927, %dma_start3A_928] : memref<2048x32xf32, #tpu.memory_space<vmem>> -> memref<128x32xf32, #tpu.memory_space<vmem>>
      %dma_start3A_930 = arith.constant 0 : i32
      %dma_start3A_931 = tpu.memref_slice %arg8[%dma_start3A_926, %dma_start3A_930] : memref<16x128xi32, #tpu.memory_space<vmem>> -> memref<1x128xi32, #tpu.memory_space<vmem>>
      %dma_start3A_932 = tpu.memref_squeeze %dma_start3A_931 : memref<1x128xi32, #tpu.memory_space<vmem>> -> memref<128xi32, #tpu.memory_space<vmem>>
      %dma_start3A_933 = arith.constant 0 : i32
      %dma_start3A_934 = arith.constant 0 : i32
      %dma_start3A_935 = tpu.memref_slice %arg2[%dma_start3A_933, %dma_start3A_934] : memref<102400x32xf32, #tpu.memory_space<hbm>> -> memref<102400x32xf32, #tpu.memory_space<hbm>>
      tpu.enqueue_indirect_dma source(%dma_start3A_935 : memref<102400x32xf32, #tpu.memory_space<hbm>>) target(%dma_start3A_929 : memref<128x32xf32, #tpu.memory_space<vmem>>) offsets(%dma_start3A_932 : memref<128xi32, #tpu.memory_space<vmem>>) semaphore(%arg12 : memref<!tpu.dma_semaphore, #tpu.memory_space<semaphore_mem>>)
      %dma_start3A_936 = arith.constant 3 : i32
      %dma_start3A_937 = arith.constant 384 : i32
      %dma_start3A_938 = arith.constant 0 : i32
      %dma_start3A_939 = tpu.memref_slice %arg9[%dma_start3A_937, %dma_start3A_938] : memref<2048x32xf32, #tpu.memory_space<vmem>> -> memref<128x32xf32, #tpu.memory_space<vmem>>
      %dma_start3A_940 = arith.constant 0 : i32
      %dma_start3A_941 = tpu.memref_slice %arg8[%dma_start3A_936, %dma_start3A_940] : memref<16x128xi32, #tpu.memory_space<vmem>> -> memref<1x128xi32, #tpu.memory_space<vmem>>
      %dma_start3A_942 = tpu.memref_squeeze %dma_start3A_941 : memref<1x128xi32, #tpu.memory_space<vmem>> -> memref<128xi32, #tpu.memory_space<vmem>>
      %dma_start3A_943 = arith.constant 0 : i32
      %dma_start3A_944 = arith.constant 0 : i32
      %dma_start3A_945 = tpu.memref_slice %arg2[%dma_start3A_943, %dma_start3A_944] : memref<102400x32xf32, #tpu.memory_space<hbm>> -> memref<102400x32xf32, #tpu.memory_space<hbm>>
      tpu.enqueue_indirect_dma source(%dma_start3A_945 : memref<102400x32xf32, #tpu.memory_space<hbm>>) target(%dma_start3A_939 : memref<128x32xf32, #tpu.memory_space<vmem>>) offsets(%dma_start3A_942 : memref<128xi32, #tpu.memory_space<vmem>>) semaphore(%arg13 : memref<!tpu.dma_semaphore, #tpu.memory_space<semaphore_mem>>)
      %dma_start3A_946 = arith.constant 4 : i32
      %dma_start3A_947 = arith.constant 512 : i32
      %dma_start3A_948 = arith.constant 0 : i32
      %dma_start3A_949 = tpu.memref_slice %arg9[%dma_start3A_947, %dma_start3A_948] : memref<2048x32xf32, #tpu.memory_space<vmem>> -> memref<128x32xf32, #tpu.memory_space<vmem>>
      %dma_start3A_950 = arith.constant 0 : i32
      %dma_start3A_951 = tpu.memref_slice %arg8[%dma_start3A_946, %dma_start3A_950] : memref<16x128xi32, #tpu.memory_space<vmem>> -> memref<1x128xi32, #tpu.memory_space<vmem>>
      %dma_start3A_952 = tpu.memref_squeeze %dma_start3A_951 : memref<1x128xi32, #tpu.memory_space<vmem>> -> memref<128xi32, #tpu.memory_space<vmem>>
      %dma_start3A_953 = arith.constant 0 : i32
      %dma_start3A_954 = arith.constant 0 : i32
      %dma_start3A_955 = tpu.memref_slice %arg2[%dma_start3A_953, %dma_start3A_954] : memref<102400x32xf32, #tpu.memory_space<hbm>> -> memref<102400x32xf32, #tpu.memory_space<hbm>>
      tpu.enqueue_indirect_dma source(%dma_start3A_955 : memref<102400x32xf32, #tpu.memory_space<hbm>>) target(%dma_start3A_949 : memref<128x32xf32, #tpu.memory_space<vmem>>) offsets(%dma_start3A_952 : memref<128xi32, #tpu.memory_space<vmem>>) semaphore(%arg14 : memref<!tpu.dma_semaphore, #tpu.memory_space<semaphore_mem>>)
      %dma_start3A_956 = arith.constant 5 : i32
      %dma_start3A_957 = arith.constant 640 : i32
      %dma_start3A_958 = arith.constant 0 : i32
      %dma_start3A_959 = tpu.memref_slice %arg9[%dma_start3A_957, %dma_start3A_958] : memref<2048x32xf32, #tpu.memory_space<vmem>> -> memref<128x32xf32, #tpu.memory_space<vmem>>
      %dma_start3A_960 = arith.constant 0 : i32
      %dma_start3A_961 = tpu.memref_slice %arg8[%dma_start3A_956, %dma_start3A_960] : memref<16x128xi32, #tpu.memory_space<vmem>> -> memref<1x128xi32, #tpu.memory_space<vmem>>
      %dma_start3A_962 = tpu.memref_squeeze %dma_start3A_961 : memref<1x128xi32, #tpu.memory_space<vmem>> -> memref<128xi32, #tpu.memory_space<vmem>>
      %dma_start3A_963 = arith.constant 0 : i32
      %dma_start3A_964 = arith.constant 0 : i32
      %dma_start3A_965 = tpu.memref_slice %arg2[%dma_start3A_963, %dma_start3A_964] : memref<102400x32xf32, #tpu.memory_space<hbm>> -> memref<102400x32xf32, #tpu.memory_space<hbm>>
      tpu.enqueue_indirect_dma source(%dma_start3A_965 : memref<102400x32xf32, #tpu.memory_space<hbm>>) target(%dma_start3A_959 : memref<128x32xf32, #tpu.memory_space<vmem>>) offsets(%dma_start3A_962 : memref<128xi32, #tpu.memory_space<vmem>>) semaphore(%arg15 : memref<!tpu.dma_semaphore, #tpu.memory_space<semaphore_mem>>)
      %dma_start3A_966 = arith.constant 6 : i32
      %dma_start3A_967 = arith.constant 768 : i32
      %dma_start3A_968 = arith.constant 0 : i32
      %dma_start3A_969 = tpu.memref_slice %arg9[%dma_start3A_967, %dma_start3A_968] : memref<2048x32xf32, #tpu.memory_space<vmem>> -> memref<128x32xf32, #tpu.memory_space<vmem>>
      %dma_start3A_970 = arith.constant 0 : i32
      %dma_start3A_971 = tpu.memref_slice %arg8[%dma_start3A_966, %dma_start3A_970] : memref<16x128xi32, #tpu.memory_space<vmem>> -> memref<1x128xi32, #tpu.memory_space<vmem>>
      %dma_start3A_972 = tpu.memref_squeeze %dma_start3A_971 : memref<1x128xi32, #tpu.memory_space<vmem>> -> memref<128xi32, #tpu.memory_space<vmem>>
      %dma_start3A_973 = arith.constant 0 : i32
      %dma_start3A_974 = arith.constant 0 : i32
      %dma_start3A_975 = tpu.memref_slice %arg2[%dma_start3A_973, %dma_start3A_974] : memref<102400x32xf32, #tpu.memory_space<hbm>> -> memref<102400x32xf32, #tpu.memory_space<hbm>>
      tpu.enqueue_indirect_dma source(%dma_start3A_975 : memref<102400x32xf32, #tpu.memory_space<hbm>>) target(%dma_start3A_969 : memref<128x32xf32, #tpu.memory_space<vmem>>) offsets(%dma_start3A_972 : memref<128xi32, #tpu.memory_space<vmem>>) semaphore(%arg16 : memref<!tpu.dma_semaphore, #tpu.memory_space<semaphore_mem>>)
      %dma_start3A_976 = arith.constant 7 : i32
      %dma_start3A_977 = arith.constant 896 : i32
      %dma_start3A_978 = arith.constant 0 : i32
      %dma_start3A_979 = tpu.memref_slice %arg9[%dma_start3A_977, %dma_start3A_978] : memref<2048x32xf32, #tpu.memory_space<vmem>> -> memref<128x32xf32, #tpu.memory_space<vmem>>
      %dma_start3A_980 = arith.constant 0 : i32
      %dma_start3A_981 = tpu.memref_slice %arg8[%dma_start3A_976, %dma_start3A_980] : memref<16x128xi32, #tpu.memory_space<vmem>> -> memref<1x128xi32, #tpu.memory_space<vmem>>
      %dma_start3A_982 = tpu.memref_squeeze %dma_start3A_981 : memref<1x128xi32, #tpu.memory_space<vmem>> -> memref<128xi32, #tpu.memory_space<vmem>>
      %dma_start3A_983 = arith.constant 0 : i32
      %dma_start3A_984 = arith.constant 0 : i32
      %dma_start3A_985 = tpu.memref_slice %arg2[%dma_start3A_983, %dma_start3A_984] : memref<102400x32xf32, #tpu.memory_space<hbm>> -> memref<102400x32xf32, #tpu.memory_space<hbm>>
      tpu.enqueue_indirect_dma source(%dma_start3A_985 : memref<102400x32xf32, #tpu.memory_space<hbm>>) target(%dma_start3A_979 : memref<128x32xf32, #tpu.memory_space<vmem>>) offsets(%dma_start3A_982 : memref<128xi32, #tpu.memory_space<vmem>>) semaphore(%arg17 : memref<!tpu.dma_semaphore, #tpu.memory_space<semaphore_mem>>)
      %dma_start3A_986 = arith.constant 8 : i32
      %dma_start3A_987 = arith.constant 1024 : i32
      %dma_start3A_988 = arith.constant 0 : i32
      %dma_start3A_989 = tpu.memref_slice %arg9[%dma_start3A_987, %dma_start3A_988] : memref<2048x32xf32, #tpu.memory_space<vmem>> -> memref<128x32xf32, #tpu.memory_space<vmem>>
      %dma_start3A_990 = arith.constant 0 : i32
      %dma_start3A_991 = tpu.memref_slice %arg8[%dma_start3A_986, %dma_start3A_990] : memref<16x128xi32, #tpu.memory_space<vmem>> -> memref<1x128xi32, #tpu.memory_space<vmem>>
      %dma_start3A_992 = tpu.memref_squeeze %dma_start3A_991 : memref<1x128xi32, #tpu.memory_space<vmem>> -> memref<128xi32, #tpu.memory_space<vmem>>
      %dma_start3A_993 = arith.constant 0 : i32
      %dma_start3A_994 = arith.constant 0 : i32
      %dma_start3A_995 = tpu.memref_slice %arg2[%dma_start3A_993, %dma_start3A_994] : memref<102400x32xf32, #tpu.memory_space<hbm>> -> memref<102400x32xf32, #tpu.memory_space<hbm>>
      tpu.enqueue_indirect_dma source(%dma_start3A_995 : memref<102400x32xf32, #tpu.memory_space<hbm>>) target(%dma_start3A_989 : memref<128x32xf32, #tpu.memory_space<vmem>>) offsets(%dma_start3A_992 : memref<128xi32, #tpu.memory_space<vmem>>) semaphore(%arg18 : memref<!tpu.dma_semaphore, #tpu.memory_space<semaphore_mem>>)
      %dma_start3A_996 = arith.constant 9 : i32
      %dma_start3A_997 = arith.constant 1152 : i32
      %dma_start3A_998 = arith.constant 0 : i32
      %dma_start3A_999 = tpu.memref_slice %arg9[%dma_start3A_997, %dma_start3A_998] : memref<2048x32xf32, #tpu.memory_space<vmem>> -> memref<128x32xf32, #tpu.memory_space<vmem>>
      %dma_start3A_1000 = arith.constant 0 : i32
      %dma_start3A_1001 = tpu.memref_slice %arg8[%dma_start3A_996, %dma_start3A_1000] : memref<16x128xi32, #tpu.memory_space<vmem>> -> memref<1x128xi32, #tpu.memory_space<vmem>>
      %dma_start3A_1002 = tpu.memref_squeeze %dma_start3A_1001 : memref<1x128xi32, #tpu.memory_space<vmem>> -> memref<128xi32, #tpu.memory_space<vmem>>
      %dma_start3A_1003 = arith.constant 0 : i32
      %dma_start3A_1004 = arith.constant 0 : i32
      %dma_start3A_1005 = tpu.memref_slice %arg2[%dma_start3A_1003, %dma_start3A_1004] : memref<102400x32xf32, #tpu.memory_space<hbm>> -> memref<102400x32xf32, #tpu.memory_space<hbm>>
      tpu.enqueue_indirect_dma source(%dma_start3A_1005 : memref<102400x32xf32, #tpu.memory_space<hbm>>) target(%dma_start3A_999 : memref<128x32xf32, #tpu.memory_space<vmem>>) offsets(%dma_start3A_1002 : memref<128xi32, #tpu.memory_space<vmem>>) semaphore(%arg19 : memref<!tpu.dma_semaphore, #tpu.memory_space<semaphore_mem>>)
      %dma_start3A_1006 = arith.constant 10 : i32
      %dma_start3A_1007 = arith.constant 1280 : i32
      %dma_start3A_1008 = arith.constant 0 : i32
      %dma_start3A_1009 = tpu.memref_slice %arg9[%dma_start3A_1007, %dma_start3A_1008] : memref<2048x32xf32, #tpu.memory_space<vmem>> -> memref<128x32xf32, #tpu.memory_space<vmem>>
      %dma_start3A_1010 = arith.constant 0 : i32
      %dma_start3A_1011 = tpu.memref_slice %arg8[%dma_start3A_1006, %dma_start3A_1010] : memref<16x128xi32, #tpu.memory_space<vmem>> -> memref<1x128xi32, #tpu.memory_space<vmem>>
      %dma_start3A_1012 = tpu.memref_squeeze %dma_start3A_1011 : memref<1x128xi32, #tpu.memory_space<vmem>> -> memref<128xi32, #tpu.memory_space<vmem>>
      %dma_start3A_1013 = arith.constant 0 : i32
      %dma_start3A_1014 = arith.constant 0 : i32
      %dma_start3A_1015 = tpu.memref_slice %arg2[%dma_start3A_1013, %dma_start3A_1014] : memref<102400x32xf32, #tpu.memory_space<hbm>> -> memref<102400x32xf32, #tpu.memory_space<hbm>>
      tpu.enqueue_indirect_dma source(%dma_start3A_1015 : memref<102400x32xf32, #tpu.memory_space<hbm>>) target(%dma_start3A_1009 : memref<128x32xf32, #tpu.memory_space<vmem>>) offsets(%dma_start3A_1012 : memref<128xi32, #tpu.memory_space<vmem>>) semaphore(%arg20 : memref<!tpu.dma_semaphore, #tpu.memory_space<semaphore_mem>>)
      %dma_start3A_1016 = arith.constant 11 : i32
      %dma_start3A_1017 = arith.constant 1408 : i32
      %dma_start3A_1018 = arith.constant 0 : i32
      %dma_start3A_1019 = tpu.memref_slice %arg9[%dma_start3A_1017, %dma_start3A_1018] : memref<2048x32xf32, #tpu.memory_space<vmem>> -> memref<128x32xf32, #tpu.memory_space<vmem>>
      %dma_start3A_1020 = arith.constant 0 : i32
      %dma_start3A_1021 = tpu.memref_slice %arg8[%dma_start3A_1016, %dma_start3A_1020] : memref<16x128xi32, #tpu.memory_space<vmem>> -> memref<1x128xi32, #tpu.memory_space<vmem>>
      %dma_start3A_1022 = tpu.memref_squeeze %dma_start3A_1021 : memref<1x128xi32, #tpu.memory_space<vmem>> -> memref<128xi32, #tpu.memory_space<vmem>>
      %dma_start3A_1023 = arith.constant 0 : i32
      %dma_start3A_1024 = arith.constant 0 : i32
      %dma_start3A_1025 = tpu.memref_slice %arg2[%dma_start3A_1023, %dma_start3A_1024] : memref<102400x32xf32, #tpu.memory_space<hbm>> -> memref<102400x32xf32, #tpu.memory_space<hbm>>
      tpu.enqueue_indirect_dma source(%dma_start3A_1025 : memref<102400x32xf32, #tpu.memory_space<hbm>>) target(%dma_start3A_1019 : memref<128x32xf32, #tpu.memory_space<vmem>>) offsets(%dma_start3A_1022 : memref<128xi32, #tpu.memory_space<vmem>>) semaphore(%arg21 : memref<!tpu.dma_semaphore, #tpu.memory_space<semaphore_mem>>)
      %dma_start3A_1026 = arith.constant 12 : i32
      %dma_start3A_1027 = arith.constant 1536 : i32
      %dma_start3A_1028 = arith.constant 0 : i32
      %dma_start3A_1029 = tpu.memref_slice %arg9[%dma_start3A_1027, %dma_start3A_1028] : memref<2048x32xf32, #tpu.memory_space<vmem>> -> memref<128x32xf32, #tpu.memory_space<vmem>>
      %dma_start3A_1030 = arith.constant 0 : i32
      %dma_start3A_1031 = tpu.memref_slice %arg8[%dma_start3A_1026, %dma_start3A_1030] : memref<16x128xi32, #tpu.memory_space<vmem>> -> memref<1x128xi32, #tpu.memory_space<vmem>>
      %dma_start3A_1032 = tpu.memref_squeeze %dma_start3A_1031 : memref<1x128xi32, #tpu.memory_space<vmem>> -> memref<128xi32, #tpu.memory_space<vmem>>
      %dma_start3A_1033 = arith.constant 0 : i32
      %dma_start3A_1034 = arith.constant 0 : i32
      %dma_start3A_1035 = tpu.memref_slice %arg2[%dma_start3A_1033, %dma_start3A_1034] : memref<102400x32xf32, #tpu.memory_space<hbm>> -> memref<102400x32xf32, #tpu.memory_space<hbm>>
      tpu.enqueue_indirect_dma source(%dma_start3A_1035 : memref<102400x32xf32, #tpu.memory_space<hbm>>) target(%dma_start3A_1029 : memref<128x32xf32, #tpu.memory_space<vmem>>) offsets(%dma_start3A_1032 : memref<128xi32, #tpu.memory_space<vmem>>) semaphore(%arg22 : memref<!tpu.dma_semaphore, #tpu.memory_space<semaphore_mem>>)
      %dma_start3A_1036 = arith.constant 13 : i32
      %dma_start3A_1037 = arith.constant 1664 : i32
      %dma_start3A_1038 = arith.constant 0 : i32
      %dma_start3A_1039 = tpu.memref_slice %arg9[%dma_start3A_1037, %dma_start3A_1038] : memref<2048x32xf32, #tpu.memory_space<vmem>> -> memref<128x32xf32, #tpu.memory_space<vmem>>
      %dma_start3A_1040 = arith.constant 0 : i32
      %dma_start3A_1041 = tpu.memref_slice %arg8[%dma_start3A_1036, %dma_start3A_1040] : memref<16x128xi32, #tpu.memory_space<vmem>> -> memref<1x128xi32, #tpu.memory_space<vmem>>
      %dma_start3A_1042 = tpu.memref_squeeze %dma_start3A_1041 : memref<1x128xi32, #tpu.memory_space<vmem>> -> memref<128xi32, #tpu.memory_space<vmem>>
      %dma_start3A_1043 = arith.constant 0 : i32
      %dma_start3A_1044 = arith.constant 0 : i32
      %dma_start3A_1045 = tpu.memref_slice %arg2[%dma_start3A_1043, %dma_start3A_1044] : memref<102400x32xf32, #tpu.memory_space<hbm>> -> memref<102400x32xf32, #tpu.memory_space<hbm>>
      tpu.enqueue_indirect_dma source(%dma_start3A_1045 : memref<102400x32xf32, #tpu.memory_space<hbm>>) target(%dma_start3A_1039 : memref<128x32xf32, #tpu.memory_space<vmem>>) offsets(%dma_start3A_1042 : memref<128xi32, #tpu.memory_space<vmem>>) semaphore(%arg23 : memref<!tpu.dma_semaphore, #tpu.memory_space<semaphore_mem>>)
      %dma_start3A_1046 = arith.constant 14 : i32
      %dma_start3A_1047 = arith.constant 1792 : i32
      %dma_start3A_1048 = arith.constant 0 : i32
      %dma_start3A_1049 = tpu.memref_slice %arg9[%dma_start3A_1047, %dma_start3A_1048] : memref<2048x32xf32, #tpu.memory_space<vmem>> -> memref<128x32xf32, #tpu.memory_space<vmem>>
      %dma_start3A_1050 = arith.constant 0 : i32
      %dma_start3A_1051 = tpu.memref_slice %arg8[%dma_start3A_1046, %dma_start3A_1050] : memref<16x128xi32, #tpu.memory_space<vmem>> -> memref<1x128xi32, #tpu.memory_space<vmem>>
      %dma_start3A_1052 = tpu.memref_squeeze %dma_start3A_1051 : memref<1x128xi32, #tpu.memory_space<vmem>> -> memref<128xi32, #tpu.memory_space<vmem>>
      %dma_start3A_1053 = arith.constant 0 : i32
      %dma_start3A_1054 = arith.constant 0 : i32
      %dma_start3A_1055 = tpu.memref_slice %arg2[%dma_start3A_1053, %dma_start3A_1054] : memref<102400x32xf32, #tpu.memory_space<hbm>> -> memref<102400x32xf32, #tpu.memory_space<hbm>>
      tpu.enqueue_indirect_dma source(%dma_start3A_1055 : memref<102400x32xf32, #tpu.memory_space<hbm>>) target(%dma_start3A_1049 : memref<128x32xf32, #tpu.memory_space<vmem>>) offsets(%dma_start3A_1052 : memref<128xi32, #tpu.memory_space<vmem>>) semaphore(%arg24 : memref<!tpu.dma_semaphore, #tpu.memory_space<semaphore_mem>>)
      %dma_start3A_1056 = arith.constant 15 : i32
      %dma_start3A_1057 = arith.constant 1920 : i32
      %dma_start3A_1058 = arith.constant 0 : i32
      %dma_start3A_1059 = tpu.memref_slice %arg9[%dma_start3A_1057, %dma_start3A_1058] : memref<2048x32xf32, #tpu.memory_space<vmem>> -> memref<128x32xf32, #tpu.memory_space<vmem>>
      %dma_start3A_1060 = arith.constant 0 : i32
      %dma_start3A_1061 = tpu.memref_slice %arg8[%dma_start3A_1056, %dma_start3A_1060] : memref<16x128xi32, #tpu.memory_space<vmem>> -> memref<1x128xi32, #tpu.memory_space<vmem>>
      %dma_start3A_1062 = tpu.memref_squeeze %dma_start3A_1061 : memref<1x128xi32, #tpu.memory_space<vmem>> -> memref<128xi32, #tpu.memory_space<vmem>>
      %dma_start3A_1063 = arith.constant 0 : i32
      %dma_start3A_1064 = arith.constant 0 : i32
      %dma_start3A_1065 = tpu.memref_slice %arg2[%dma_start3A_1063, %dma_start3A_1064] : memref<102400x32xf32, #tpu.memory_space<hbm>> -> memref<102400x32xf32, #tpu.memory_space<hbm>>
      tpu.enqueue_indirect_dma source(%dma_start3A_1065 : memref<102400x32xf32, #tpu.memory_space<hbm>>) target(%dma_start3A_1059 : memref<128x32xf32, #tpu.memory_space<vmem>>) offsets(%dma_start3A_1062 : memref<128xi32, #tpu.memory_space<vmem>>) semaphore(%arg25 : memref<!tpu.dma_semaphore, #tpu.memory_space<semaphore_mem>>)
      %dma_wait3A = arith.constant 0 : i32
      %dma_wait3A_1066 = arith.constant 0 : i32
      %dma_wait3A_1067 = arith.constant 0 : i32
      %dma_wait3A_1068 = tpu.memref_slice %arg9[%dma_wait3A_1066, %dma_wait3A_1067] : memref<2048x32xf32, #tpu.memory_space<vmem>> -> memref<128x32xf32, #tpu.memory_space<vmem>>
      %dma_wait3A_1069 = arith.constant 0 : i32
      %dma_wait3A_1070 = tpu.memref_slice %arg8[%dma_wait3A, %dma_wait3A_1069] : memref<16x128xi32, #tpu.memory_space<vmem>> -> memref<1x128xi32, #tpu.memory_space<vmem>>
      %dma_wait3A_1071 = tpu.memref_squeeze %dma_wait3A_1070 : memref<1x128xi32, #tpu.memory_space<vmem>> -> memref<128xi32, #tpu.memory_space<vmem>>
      %dma_wait3A_1072 = arith.constant 0 : i32
      %dma_wait3A_1073 = arith.constant 0 : i32
      %dma_wait3A_1074 = tpu.memref_slice %arg2[%dma_wait3A_1072, %dma_wait3A_1073] : memref<102400x32xf32, #tpu.memory_space<hbm>> -> memref<102400x32xf32, #tpu.memory_space<hbm>>
      tpu.wait_indirect_dma semaphore(%arg10 : memref<!tpu.dma_semaphore, #tpu.memory_space<semaphore_mem>>) src(%dma_wait3A_1074 : memref<102400x32xf32, #tpu.memory_space<hbm>>) dst(%dma_wait3A_1068 : memref<128x32xf32, #tpu.memory_space<vmem>>)
      %dma_wait3A_1075 = arith.constant 1 : i32
      %dma_wait3A_1076 = arith.constant 128 : i32
      %dma_wait3A_1077 = arith.constant 0 : i32
      %dma_wait3A_1078 = tpu.memref_slice %arg9[%dma_wait3A_1076, %dma_wait3A_1077] : memref<2048x32xf32, #tpu.memory_space<vmem>> -> memref<128x32xf32, #tpu.memory_space<vmem>>
      %dma_wait3A_1079 = arith.constant 0 : i32
      %dma_wait3A_1080 = tpu.memref_slice %arg8[%dma_wait3A_1075, %dma_wait3A_1079] : memref<16x128xi32, #tpu.memory_space<vmem>> -> memref<1x128xi32, #tpu.memory_space<vmem>>
      %dma_wait3A_1081 = tpu.memref_squeeze %dma_wait3A_1080 : memref<1x128xi32, #tpu.memory_space<vmem>> -> memref<128xi32, #tpu.memory_space<vmem>>
      %dma_wait3A_1082 = arith.constant 0 : i32
      %dma_wait3A_1083 = arith.constant 0 : i32
      %dma_wait3A_1084 = tpu.memref_slice %arg2[%dma_wait3A_1082, %dma_wait3A_1083] : memref<102400x32xf32, #tpu.memory_space<hbm>> -> memref<102400x32xf32, #tpu.memory_space<hbm>>
      tpu.wait_indirect_dma semaphore(%arg11 : memref<!tpu.dma_semaphore, #tpu.memory_space<semaphore_mem>>) src(%dma_wait3A_1084 : memref<102400x32xf32, #tpu.memory_space<hbm>>) dst(%dma_wait3A_1078 : memref<128x32xf32, #tpu.memory_space<vmem>>)
      %dma_wait3A_1085 = arith.constant 2 : i32
      %dma_wait3A_1086 = arith.constant 256 : i32
      %dma_wait3A_1087 = arith.constant 0 : i32
      %dma_wait3A_1088 = tpu.memref_slice %arg9[%dma_wait3A_1086, %dma_wait3A_1087] : memref<2048x32xf32, #tpu.memory_space<vmem>> -> memref<128x32xf32, #tpu.memory_space<vmem>>
      %dma_wait3A_1089 = arith.constant 0 : i32
      %dma_wait3A_1090 = tpu.memref_slice %arg8[%dma_wait3A_1085, %dma_wait3A_1089] : memref<16x128xi32, #tpu.memory_space<vmem>> -> memref<1x128xi32, #tpu.memory_space<vmem>>
      %dma_wait3A_1091 = tpu.memref_squeeze %dma_wait3A_1090 : memref<1x128xi32, #tpu.memory_space<vmem>> -> memref<128xi32, #tpu.memory_space<vmem>>
      %dma_wait3A_1092 = arith.constant 0 : i32
      %dma_wait3A_1093 = arith.constant 0 : i32
      %dma_wait3A_1094 = tpu.memref_slice %arg2[%dma_wait3A_1092, %dma_wait3A_1093] : memref<102400x32xf32, #tpu.memory_space<hbm>> -> memref<102400x32xf32, #tpu.memory_space<hbm>>
      tpu.wait_indirect_dma semaphore(%arg12 : memref<!tpu.dma_semaphore, #tpu.memory_space<semaphore_mem>>) src(%dma_wait3A_1094 : memref<102400x32xf32, #tpu.memory_space<hbm>>) dst(%dma_wait3A_1088 : memref<128x32xf32, #tpu.memory_space<vmem>>)
      %dma_wait3A_1095 = arith.constant 3 : i32
      %dma_wait3A_1096 = arith.constant 384 : i32
      %dma_wait3A_1097 = arith.constant 0 : i32
      %dma_wait3A_1098 = tpu.memref_slice %arg9[%dma_wait3A_1096, %dma_wait3A_1097] : memref<2048x32xf32, #tpu.memory_space<vmem>> -> memref<128x32xf32, #tpu.memory_space<vmem>>
      %dma_wait3A_1099 = arith.constant 0 : i32
      %dma_wait3A_1100 = tpu.memref_slice %arg8[%dma_wait3A_1095, %dma_wait3A_1099] : memref<16x128xi32, #tpu.memory_space<vmem>> -> memref<1x128xi32, #tpu.memory_space<vmem>>
      %dma_wait3A_1101 = tpu.memref_squeeze %dma_wait3A_1100 : memref<1x128xi32, #tpu.memory_space<vmem>> -> memref<128xi32, #tpu.memory_space<vmem>>
      %dma_wait3A_1102 = arith.constant 0 : i32
      %dma_wait3A_1103 = arith.constant 0 : i32
      %dma_wait3A_1104 = tpu.memref_slice %arg2[%dma_wait3A_1102, %dma_wait3A_1103] : memref<102400x32xf32, #tpu.memory_space<hbm>> -> memref<102400x32xf32, #tpu.memory_space<hbm>>
      tpu.wait_indirect_dma semaphore(%arg13 : memref<!tpu.dma_semaphore, #tpu.memory_space<semaphore_mem>>) src(%dma_wait3A_1104 : memref<102400x32xf32, #tpu.memory_space<hbm>>) dst(%dma_wait3A_1098 : memref<128x32xf32, #tpu.memory_space<vmem>>)
      %dma_wait3A_1105 = arith.constant 4 : i32
      %dma_wait3A_1106 = arith.constant 512 : i32
      %dma_wait3A_1107 = arith.constant 0 : i32
      %dma_wait3A_1108 = tpu.memref_slice %arg9[%dma_wait3A_1106, %dma_wait3A_1107] : memref<2048x32xf32, #tpu.memory_space<vmem>> -> memref<128x32xf32, #tpu.memory_space<vmem>>
      %dma_wait3A_1109 = arith.constant 0 : i32
      %dma_wait3A_1110 = tpu.memref_slice %arg8[%dma_wait3A_1105, %dma_wait3A_1109] : memref<16x128xi32, #tpu.memory_space<vmem>> -> memref<1x128xi32, #tpu.memory_space<vmem>>
      %dma_wait3A_1111 = tpu.memref_squeeze %dma_wait3A_1110 : memref<1x128xi32, #tpu.memory_space<vmem>> -> memref<128xi32, #tpu.memory_space<vmem>>
      %dma_wait3A_1112 = arith.constant 0 : i32
      %dma_wait3A_1113 = arith.constant 0 : i32
      %dma_wait3A_1114 = tpu.memref_slice %arg2[%dma_wait3A_1112, %dma_wait3A_1113] : memref<102400x32xf32, #tpu.memory_space<hbm>> -> memref<102400x32xf32, #tpu.memory_space<hbm>>
      tpu.wait_indirect_dma semaphore(%arg14 : memref<!tpu.dma_semaphore, #tpu.memory_space<semaphore_mem>>) src(%dma_wait3A_1114 : memref<102400x32xf32, #tpu.memory_space<hbm>>) dst(%dma_wait3A_1108 : memref<128x32xf32, #tpu.memory_space<vmem>>)
      %dma_wait3A_1115 = arith.constant 5 : i32
      %dma_wait3A_1116 = arith.constant 640 : i32
      %dma_wait3A_1117 = arith.constant 0 : i32
      %dma_wait3A_1118 = tpu.memref_slice %arg9[%dma_wait3A_1116, %dma_wait3A_1117] : memref<2048x32xf32, #tpu.memory_space<vmem>> -> memref<128x32xf32, #tpu.memory_space<vmem>>
      %dma_wait3A_1119 = arith.constant 0 : i32
      %dma_wait3A_1120 = tpu.memref_slice %arg8[%dma_wait3A_1115, %dma_wait3A_1119] : memref<16x128xi32, #tpu.memory_space<vmem>> -> memref<1x128xi32, #tpu.memory_space<vmem>>
      %dma_wait3A_1121 = tpu.memref_squeeze %dma_wait3A_1120 : memref<1x128xi32, #tpu.memory_space<vmem>> -> memref<128xi32, #tpu.memory_space<vmem>>
      %dma_wait3A_1122 = arith.constant 0 : i32
      %dma_wait3A_1123 = arith.constant 0 : i32
      %dma_wait3A_1124 = tpu.memref_slice %arg2[%dma_wait3A_1122, %dma_wait3A_1123] : memref<102400x32xf32, #tpu.memory_space<hbm>> -> memref<102400x32xf32, #tpu.memory_space<hbm>>
      tpu.wait_indirect_dma semaphore(%arg15 : memref<!tpu.dma_semaphore, #tpu.memory_space<semaphore_mem>>) src(%dma_wait3A_1124 : memref<102400x32xf32, #tpu.memory_space<hbm>>) dst(%dma_wait3A_1118 : memref<128x32xf32, #tpu.memory_space<vmem>>)
      %dma_wait3A_1125 = arith.constant 6 : i32
      %dma_wait3A_1126 = arith.constant 768 : i32
      %dma_wait3A_1127 = arith.constant 0 : i32
      %dma_wait3A_1128 = tpu.memref_slice %arg9[%dma_wait3A_1126, %dma_wait3A_1127] : memref<2048x32xf32, #tpu.memory_space<vmem>> -> memref<128x32xf32, #tpu.memory_space<vmem>>
      %dma_wait3A_1129 = arith.constant 0 : i32
      %dma_wait3A_1130 = tpu.memref_slice %arg8[%dma_wait3A_1125, %dma_wait3A_1129] : memref<16x128xi32, #tpu.memory_space<vmem>> -> memref<1x128xi32, #tpu.memory_space<vmem>>
      %dma_wait3A_1131 = tpu.memref_squeeze %dma_wait3A_1130 : memref<1x128xi32, #tpu.memory_space<vmem>> -> memref<128xi32, #tpu.memory_space<vmem>>
      %dma_wait3A_1132 = arith.constant 0 : i32
      %dma_wait3A_1133 = arith.constant 0 : i32
      %dma_wait3A_1134 = tpu.memref_slice %arg2[%dma_wait3A_1132, %dma_wait3A_1133] : memref<102400x32xf32, #tpu.memory_space<hbm>> -> memref<102400x32xf32, #tpu.memory_space<hbm>>
      tpu.wait_indirect_dma semaphore(%arg16 : memref<!tpu.dma_semaphore, #tpu.memory_space<semaphore_mem>>) src(%dma_wait3A_1134 : memref<102400x32xf32, #tpu.memory_space<hbm>>) dst(%dma_wait3A_1128 : memref<128x32xf32, #tpu.memory_space<vmem>>)
      %dma_wait3A_1135 = arith.constant 7 : i32
      %dma_wait3A_1136 = arith.constant 896 : i32
      %dma_wait3A_1137 = arith.constant 0 : i32
      %dma_wait3A_1138 = tpu.memref_slice %arg9[%dma_wait3A_1136, %dma_wait3A_1137] : memref<2048x32xf32, #tpu.memory_space<vmem>> -> memref<128x32xf32, #tpu.memory_space<vmem>>
      %dma_wait3A_1139 = arith.constant 0 : i32
      %dma_wait3A_1140 = tpu.memref_slice %arg8[%dma_wait3A_1135, %dma_wait3A_1139] : memref<16x128xi32, #tpu.memory_space<vmem>> -> memref<1x128xi32, #tpu.memory_space<vmem>>
      %dma_wait3A_1141 = tpu.memref_squeeze %dma_wait3A_1140 : memref<1x128xi32, #tpu.memory_space<vmem>> -> memref<128xi32, #tpu.memory_space<vmem>>
      %dma_wait3A_1142 = arith.constant 0 : i32
      %dma_wait3A_1143 = arith.constant 0 : i32
      %dma_wait3A_1144 = tpu.memref_slice %arg2[%dma_wait3A_1142, %dma_wait3A_1143] : memref<102400x32xf32, #tpu.memory_space<hbm>> -> memref<102400x32xf32, #tpu.memory_space<hbm>>
      tpu.wait_indirect_dma semaphore(%arg17 : memref<!tpu.dma_semaphore, #tpu.memory_space<semaphore_mem>>) src(%dma_wait3A_1144 : memref<102400x32xf32, #tpu.memory_space<hbm>>) dst(%dma_wait3A_1138 : memref<128x32xf32, #tpu.memory_space<vmem>>)
      %dma_wait3A_1145 = arith.constant 8 : i32
      %dma_wait3A_1146 = arith.constant 1024 : i32
      %dma_wait3A_1147 = arith.constant 0 : i32
      %dma_wait3A_1148 = tpu.memref_slice %arg9[%dma_wait3A_1146, %dma_wait3A_1147] : memref<2048x32xf32, #tpu.memory_space<vmem>> -> memref<128x32xf32, #tpu.memory_space<vmem>>
      %dma_wait3A_1149 = arith.constant 0 : i32
      %dma_wait3A_1150 = tpu.memref_slice %arg8[%dma_wait3A_1145, %dma_wait3A_1149] : memref<16x128xi32, #tpu.memory_space<vmem>> -> memref<1x128xi32, #tpu.memory_space<vmem>>
      %dma_wait3A_1151 = tpu.memref_squeeze %dma_wait3A_1150 : memref<1x128xi32, #tpu.memory_space<vmem>> -> memref<128xi32, #tpu.memory_space<vmem>>
      %dma_wait3A_1152 = arith.constant 0 : i32
      %dma_wait3A_1153 = arith.constant 0 : i32
      %dma_wait3A_1154 = tpu.memref_slice %arg2[%dma_wait3A_1152, %dma_wait3A_1153] : memref<102400x32xf32, #tpu.memory_space<hbm>> -> memref<102400x32xf32, #tpu.memory_space<hbm>>
      tpu.wait_indirect_dma semaphore(%arg18 : memref<!tpu.dma_semaphore, #tpu.memory_space<semaphore_mem>>) src(%dma_wait3A_1154 : memref<102400x32xf32, #tpu.memory_space<hbm>>) dst(%dma_wait3A_1148 : memref<128x32xf32, #tpu.memory_space<vmem>>)
      %dma_wait3A_1155 = arith.constant 9 : i32
      %dma_wait3A_1156 = arith.constant 1152 : i32
      %dma_wait3A_1157 = arith.constant 0 : i32
      %dma_wait3A_1158 = tpu.memref_slice %arg9[%dma_wait3A_1156, %dma_wait3A_1157] : memref<2048x32xf32, #tpu.memory_space<vmem>> -> memref<128x32xf32, #tpu.memory_space<vmem>>
      %dma_wait3A_1159 = arith.constant 0 : i32
      %dma_wait3A_1160 = tpu.memref_slice %arg8[%dma_wait3A_1155, %dma_wait3A_1159] : memref<16x128xi32, #tpu.memory_space<vmem>> -> memref<1x128xi32, #tpu.memory_space<vmem>>
      %dma_wait3A_1161 = tpu.memref_squeeze %dma_wait3A_1160 : memref<1x128xi32, #tpu.memory_space<vmem>> -> memref<128xi32, #tpu.memory_space<vmem>>
      %dma_wait3A_1162 = arith.constant 0 : i32
      %dma_wait3A_1163 = arith.constant 0 : i32
      %dma_wait3A_1164 = tpu.memref_slice %arg2[%dma_wait3A_1162, %dma_wait3A_1163] : memref<102400x32xf32, #tpu.memory_space<hbm>> -> memref<102400x32xf32, #tpu.memory_space<hbm>>
      tpu.wait_indirect_dma semaphore(%arg19 : memref<!tpu.dma_semaphore, #tpu.memory_space<semaphore_mem>>) src(%dma_wait3A_1164 : memref<102400x32xf32, #tpu.memory_space<hbm>>) dst(%dma_wait3A_1158 : memref<128x32xf32, #tpu.memory_space<vmem>>)
      %dma_wait3A_1165 = arith.constant 10 : i32
      %dma_wait3A_1166 = arith.constant 1280 : i32
      %dma_wait3A_1167 = arith.constant 0 : i32
      %dma_wait3A_1168 = tpu.memref_slice %arg9[%dma_wait3A_1166, %dma_wait3A_1167] : memref<2048x32xf32, #tpu.memory_space<vmem>> -> memref<128x32xf32, #tpu.memory_space<vmem>>
      %dma_wait3A_1169 = arith.constant 0 : i32
      %dma_wait3A_1170 = tpu.memref_slice %arg8[%dma_wait3A_1165, %dma_wait3A_1169] : memref<16x128xi32, #tpu.memory_space<vmem>> -> memref<1x128xi32, #tpu.memory_space<vmem>>
      %dma_wait3A_1171 = tpu.memref_squeeze %dma_wait3A_1170 : memref<1x128xi32, #tpu.memory_space<vmem>> -> memref<128xi32, #tpu.memory_space<vmem>>
      %dma_wait3A_1172 = arith.constant 0 : i32
      %dma_wait3A_1173 = arith.constant 0 : i32
      %dma_wait3A_1174 = tpu.memref_slice %arg2[%dma_wait3A_1172, %dma_wait3A_1173] : memref<102400x32xf32, #tpu.memory_space<hbm>> -> memref<102400x32xf32, #tpu.memory_space<hbm>>
      tpu.wait_indirect_dma semaphore(%arg20 : memref<!tpu.dma_semaphore, #tpu.memory_space<semaphore_mem>>) src(%dma_wait3A_1174 : memref<102400x32xf32, #tpu.memory_space<hbm>>) dst(%dma_wait3A_1168 : memref<128x32xf32, #tpu.memory_space<vmem>>)
      %dma_wait3A_1175 = arith.constant 11 : i32
      %dma_wait3A_1176 = arith.constant 1408 : i32
      %dma_wait3A_1177 = arith.constant 0 : i32
      %dma_wait3A_1178 = tpu.memref_slice %arg9[%dma_wait3A_1176, %dma_wait3A_1177] : memref<2048x32xf32, #tpu.memory_space<vmem>> -> memref<128x32xf32, #tpu.memory_space<vmem>>
      %dma_wait3A_1179 = arith.constant 0 : i32
      %dma_wait3A_1180 = tpu.memref_slice %arg8[%dma_wait3A_1175, %dma_wait3A_1179] : memref<16x128xi32, #tpu.memory_space<vmem>> -> memref<1x128xi32, #tpu.memory_space<vmem>>
      %dma_wait3A_1181 = tpu.memref_squeeze %dma_wait3A_1180 : memref<1x128xi32, #tpu.memory_space<vmem>> -> memref<128xi32, #tpu.memory_space<vmem>>
      %dma_wait3A_1182 = arith.constant 0 : i32
      %dma_wait3A_1183 = arith.constant 0 : i32
      %dma_wait3A_1184 = tpu.memref_slice %arg2[%dma_wait3A_1182, %dma_wait3A_1183] : memref<102400x32xf32, #tpu.memory_space<hbm>> -> memref<102400x32xf32, #tpu.memory_space<hbm>>
      tpu.wait_indirect_dma semaphore(%arg21 : memref<!tpu.dma_semaphore, #tpu.memory_space<semaphore_mem>>) src(%dma_wait3A_1184 : memref<102400x32xf32, #tpu.memory_space<hbm>>) dst(%dma_wait3A_1178 : memref<128x32xf32, #tpu.memory_space<vmem>>)
      %dma_wait3A_1185 = arith.constant 12 : i32
      %dma_wait3A_1186 = arith.constant 1536 : i32
      %dma_wait3A_1187 = arith.constant 0 : i32
      %dma_wait3A_1188 = tpu.memref_slice %arg9[%dma_wait3A_1186, %dma_wait3A_1187] : memref<2048x32xf32, #tpu.memory_space<vmem>> -> memref<128x32xf32, #tpu.memory_space<vmem>>
      %dma_wait3A_1189 = arith.constant 0 : i32
      %dma_wait3A_1190 = tpu.memref_slice %arg8[%dma_wait3A_1185, %dma_wait3A_1189] : memref<16x128xi32, #tpu.memory_space<vmem>> -> memref<1x128xi32, #tpu.memory_space<vmem>>
      %dma_wait3A_1191 = tpu.memref_squeeze %dma_wait3A_1190 : memref<1x128xi32, #tpu.memory_space<vmem>> -> memref<128xi32, #tpu.memory_space<vmem>>
      %dma_wait3A_1192 = arith.constant 0 : i32
      %dma_wait3A_1193 = arith.constant 0 : i32
      %dma_wait3A_1194 = tpu.memref_slice %arg2[%dma_wait3A_1192, %dma_wait3A_1193] : memref<102400x32xf32, #tpu.memory_space<hbm>> -> memref<102400x32xf32, #tpu.memory_space<hbm>>
      tpu.wait_indirect_dma semaphore(%arg22 : memref<!tpu.dma_semaphore, #tpu.memory_space<semaphore_mem>>) src(%dma_wait3A_1194 : memref<102400x32xf32, #tpu.memory_space<hbm>>) dst(%dma_wait3A_1188 : memref<128x32xf32, #tpu.memory_space<vmem>>)
      %dma_wait3A_1195 = arith.constant 13 : i32
      %dma_wait3A_1196 = arith.constant 1664 : i32
      %dma_wait3A_1197 = arith.constant 0 : i32
      %dma_wait3A_1198 = tpu.memref_slice %arg9[%dma_wait3A_1196, %dma_wait3A_1197] : memref<2048x32xf32, #tpu.memory_space<vmem>> -> memref<128x32xf32, #tpu.memory_space<vmem>>
      %dma_wait3A_1199 = arith.constant 0 : i32
      %dma_wait3A_1200 = tpu.memref_slice %arg8[%dma_wait3A_1195, %dma_wait3A_1199] : memref<16x128xi32, #tpu.memory_space<vmem>> -> memref<1x128xi32, #tpu.memory_space<vmem>>
      %dma_wait3A_1201 = tpu.memref_squeeze %dma_wait3A_1200 : memref<1x128xi32, #tpu.memory_space<vmem>> -> memref<128xi32, #tpu.memory_space<vmem>>
      %dma_wait3A_1202 = arith.constant 0 : i32
      %dma_wait3A_1203 = arith.constant 0 : i32
      %dma_wait3A_1204 = tpu.memref_slice %arg2[%dma_wait3A_1202, %dma_wait3A_1203] : memref<102400x32xf32, #tpu.memory_space<hbm>> -> memref<102400x32xf32, #tpu.memory_space<hbm>>
      tpu.wait_indirect_dma semaphore(%arg23 : memref<!tpu.dma_semaphore, #tpu.memory_space<semaphore_mem>>) src(%dma_wait3A_1204 : memref<102400x32xf32, #tpu.memory_space<hbm>>) dst(%dma_wait3A_1198 : memref<128x32xf32, #tpu.memory_space<vmem>>)
      %dma_wait3A_1205 = arith.constant 14 : i32
      %dma_wait3A_1206 = arith.constant 1792 : i32
      %dma_wait3A_1207 = arith.constant 0 : i32
      %dma_wait3A_1208 = tpu.memref_slice %arg9[%dma_wait3A_1206, %dma_wait3A_1207] : memref<2048x32xf32, #tpu.memory_space<vmem>> -> memref<128x32xf32, #tpu.memory_space<vmem>>
      %dma_wait3A_1209 = arith.constant 0 : i32
      %dma_wait3A_1210 = tpu.memref_slice %arg8[%dma_wait3A_1205, %dma_wait3A_1209] : memref<16x128xi32, #tpu.memory_space<vmem>> -> memref<1x128xi32, #tpu.memory_space<vmem>>
      %dma_wait3A_1211 = tpu.memref_squeeze %dma_wait3A_1210 : memref<1x128xi32, #tpu.memory_space<vmem>> -> memref<128xi32, #tpu.memory_space<vmem>>
      %dma_wait3A_1212 = arith.constant 0 : i32
      %dma_wait3A_1213 = arith.constant 0 : i32
      %dma_wait3A_1214 = tpu.memref_slice %arg2[%dma_wait3A_1212, %dma_wait3A_1213] : memref<102400x32xf32, #tpu.memory_space<hbm>> -> memref<102400x32xf32, #tpu.memory_space<hbm>>
      tpu.wait_indirect_dma semaphore(%arg24 : memref<!tpu.dma_semaphore, #tpu.memory_space<semaphore_mem>>) src(%dma_wait3A_1214 : memref<102400x32xf32, #tpu.memory_space<hbm>>) dst(%dma_wait3A_1208 : memref<128x32xf32, #tpu.memory_space<vmem>>)
      %dma_wait3A_1215 = arith.constant 15 : i32
      %dma_wait3A_1216 = arith.constant 1920 : i32
      %dma_wait3A_1217 = arith.constant 0 : i32
      %dma_wait3A_1218 = tpu.memref_slice %arg9[%dma_wait3A_1216, %dma_wait3A_1217] : memref<2048x32xf32, #tpu.memory_space<vmem>> -> memref<128x32xf32, #tpu.memory_space<vmem>>
      %dma_wait3A_1219 = arith.constant 0 : i32
      %dma_wait3A_1220 = tpu.memref_slice %arg8[%dma_wait3A_1215, %dma_wait3A_1219] : memref<16x128xi32, #tpu.memory_space<vmem>> -> memref<1x128xi32, #tpu.memory_space<vmem>>
      %dma_wait3A_1221 = tpu.memref_squeeze %dma_wait3A_1220 : memref<1x128xi32, #tpu.memory_space<vmem>> -> memref<128xi32, #tpu.memory_space<vmem>>
      %dma_wait3A_1222 = arith.constant 0 : i32
      %dma_wait3A_1223 = arith.constant 0 : i32
      %dma_wait3A_1224 = tpu.memref_slice %arg2[%dma_wait3A_1222, %dma_wait3A_1223] : memref<102400x32xf32, #tpu.memory_space<hbm>> -> memref<102400x32xf32, #tpu.memory_space<hbm>>
      tpu.wait_indirect_dma semaphore(%arg25 : memref<!tpu.dma_semaphore, #tpu.memory_space<semaphore_mem>>) src(%dma_wait3A_1224 : memref<102400x32xf32, #tpu.memory_space<hbm>>) dst(%dma_wait3A_1218 : memref<128x32xf32, #tpu.memory_space<vmem>>)
      "tpu.region"() ({
        %run_scoped3A = tpu.sem_alloc : memref<!tpu.dma_semaphore, #tpu.memory_space<semaphore_mem>>
        %dma_start3A_1225 = arith.constant 0 : i32
        %dma_start3A_1226 = tpu.memref_slice %arg5[%add3A_13, %dma_start3A_1225] : memref<720896x32xf32, #tpu.memory_space<hbm>> -> memref<2048x32xf32, #tpu.memory_space<hbm>>
        %dma_start3A_1227 = arith.constant 0 : i32
        %dma_start3A_1228 = tpu.memref_slice %arg5[%add3A_13, %dma_start3A_1227] : memref<720896x32xf32, #tpu.memory_space<hbm>> -> memref<2048x32xf32, #tpu.memory_space<hbm>>
        tpu.enqueue_dma source(%arg9 : memref<2048x32xf32, #tpu.memory_space<vmem>>) target(%dma_start3A_1228 : memref<2048x32xf32, #tpu.memory_space<hbm>>) target_semaphore(%run_scoped3A : memref<!tpu.dma_semaphore, #tpu.memory_space<semaphore_mem>>)
        %dma_wait3A_1229 = arith.constant 0 : i32
        %dma_wait3A_1230 = tpu.memref_slice %arg5[%add3A_13, %dma_wait3A_1229] : memref<720896x32xf32, #tpu.memory_space<hbm>> -> memref<2048x32xf32, #tpu.memory_space<hbm>>
        %dma_wait3A_1231 = arith.constant 0 : i32
        %dma_wait3A_1232 = tpu.memref_slice %arg5[%add3A_13, %dma_wait3A_1231] : memref<720896x32xf32, #tpu.memory_space<hbm>> -> memref<2048x32xf32, #tpu.memory_space<hbm>>
        tpu.wait_dma2 semaphore(%run_scoped3A : memref<!tpu.dma_semaphore, #tpu.memory_space<semaphore_mem>>) src(%arg9 : memref<2048x32xf32, #tpu.memory_space<vmem>>) dst(%dma_wait3A_1232 : memref<2048x32xf32, #tpu.memory_space<hbm>>)
        tpu.yield
      }) : () -> ()
    }
    %scan3A_9 = arith.constant 11 : i32
    return
  }
}

#map = affine_map<(d0, d1) -> (0, 0)>
#map1 = affine_map<(d0, d1) -> (0, 0, 0)>
module attributes {stable_mosaic.version = 14 : i64} {
  func.func @kfn(%arg0: i32, %arg1: i32, %arg2: memref<720896x16xf32, #tpu.memory_space<hbm>>, %arg3: memref<5632x128xi32, #tpu.memory_space<hbm>>, %arg4: memref<2x50176x16xf32, #tpu.memory_space<hbm>>, %arg5: memref<2048x16xf32, #tpu.memory_space<vmem>>, %arg6: memref<16x128xi32, #tpu.memory_space<vmem>>, %arg7: memref<32x16xf32, #tpu.memory_space<vmem>>, %arg8: memref<50176x16xf32, #tpu.memory_space<vmem_shared>>, %arg9: memref<!tpu.dma_semaphore, #tpu.memory_space<semaphore_mem>>, %arg10: memref<!tpu.dma_semaphore, #tpu.memory_space<semaphore_mem>>, %arg11: memref<!tpu.dma_semaphore, #tpu.memory_space<semaphore_mem>>, %arg12: memref<!tpu.dma_semaphore, #tpu.memory_space<semaphore_mem>>, %arg13: memref<!tpu.dma_semaphore, #tpu.memory_space<semaphore_mem>>, %arg14: memref<!tpu.dma_semaphore, #tpu.memory_space<semaphore_mem>>, %arg15: memref<!tpu.dma_semaphore, #tpu.memory_space<semaphore_mem>>, %arg16: memref<!tpu.dma_semaphore, #tpu.memory_space<semaphore_mem>>, %arg17: memref<!tpu.dma_semaphore, #tpu.memory_space<semaphore_mem>>, %arg18: memref<!tpu.dma_semaphore, #tpu.memory_space<semaphore_mem>>, %arg19: memref<!tpu.dma_semaphore, #tpu.memory_space<semaphore_mem>>, %arg20: memref<!tpu.dma_semaphore, #tpu.memory_space<semaphore_mem>>, %arg21: memref<!tpu.dma_semaphore, #tpu.memory_space<semaphore_mem>>, %arg22: memref<!tpu.dma_semaphore, #tpu.memory_space<semaphore_mem>>, %arg23: memref<!tpu.dma_semaphore, #tpu.memory_space<semaphore_mem>>, %arg24: memref<!tpu.dma_semaphore, #tpu.memory_space<semaphore_mem>>) attributes {dimension_semantics = [#tpu.dimension_semantics<core_parallel>, #tpu.dimension_semantics<subcore_parallel>], iteration_bounds = array<i64: 2, 16>, scalar_prefetch = 0 : i64, scratch_operands = 20 : i64, tpu.core_type = #tpu.core_type<sc_vector_subcore>, window_params = [{transform_indices = #map}, {transform_indices = #map}, {transform_indices = #map1}]} {
    %mul3A = arith.constant 2 : i32
    %mul3A_0 = arith.muli %arg1, %mul3A : i32
    %add3A = arith.addi %mul3A_0, %arg0 : i32
    %mul3A_1 = arith.constant 176 : i32
    %mul3A_2 = arith.muli %add3A, %mul3A_1 : i32
    %scan3A = arith.constant 0 : i32
    %scan3A_3 = arith.constant 0 : i32
    %scan3A_4 = arith.constant 32 : i32
    %scan3A_5 = arith.addi %scan3A_3, %scan3A_4 : i32
    %scan3A_6 = arith.constant 1 : i32
    scf.for %scan3A_25 = %scan3A_3 to %scan3A_5 step %scan3A_6  : i32 {
      %scan3A_26 = arith.constant 0 : i32
      %scan3A_27 = arith.constant 0 : i32
      %broadcast_in_dim3A = arith.constant 0.000000e+00 : f32
      %broadcast_in_dim3A_28 = vector.broadcast %broadcast_in_dim3A : f32 to vector<16xf32>
      %mul3A_29 = arith.constant 16 : i32
      %mul3A_30 = arith.muli %scan3A_27, %mul3A_29 : i32
      %swap3A = arith.index_cast %scan3A_25 : i32 to index
      %swap3A_31 = arith.index_cast %mul3A_30 : i32 to index
      %swap3A_32 = tpu.vector_load %arg7[%swap3A, %swap3A_31] {strides = array<i32>} : memref<32x16xf32, #tpu.memory_space<vmem>>, vector<16xf32>,
      tpu.vector_store %arg7[%swap3A, %swap3A_31], %broadcast_in_dim3A_28 {strides = array<i32>} : memref<32x16xf32, #tpu.memory_space<vmem>>, vector<16xf32>,
      %scan3A_33 = arith.constant 1 : i32
    }
    %scan3A_7 = arith.constant 32 : i32
    %scan3A_8 = arith.constant 0 : i32
    %scan3A_9 = arith.constant 0 : i32
    %scan3A_10 = arith.constant 98 : i32
    %scan3A_11 = arith.addi %scan3A_9, %scan3A_10 : i32
    %scan3A_12 = arith.constant 1 : i32
    scf.for %scan3A_25 = %scan3A_9 to %scan3A_11 step %scan3A_12  : i32 {
      %mul3A_26 = arith.constant 3136 : i32
      %mul3A_27 = arith.muli %arg1, %mul3A_26 : i32
      %mul3A_28 = arith.constant 32 : i32
      %mul3A_29 = arith.muli %scan3A_25, %mul3A_28 : i32
      %add3A_30 = arith.addi %mul3A_27, %mul3A_29 : i32
      "tpu.region"() ({
        %run_scoped3A = tpu.sem_alloc : memref<!tpu.dma_semaphore, #tpu.memory_space<semaphore_mem>>
        %dma_start3A = arith.constant 0 : i32
        %dma_start3A_31 = tpu.memref_slice %arg8[%add3A_30, %dma_start3A] : memref<50176x16xf32, #tpu.memory_space<vmem_shared>> -> memref<32x16xf32, #tpu.memory_space<vmem_shared>>
        %dma_start3A_32 = arith.constant 0 : i32
        %dma_start3A_33 = tpu.memref_slice %arg8[%add3A_30, %dma_start3A_32] : memref<50176x16xf32, #tpu.memory_space<vmem_shared>> -> memref<32x16xf32, #tpu.memory_space<vmem_shared>>
        tpu.enqueue_dma source(%arg7 : memref<32x16xf32, #tpu.memory_space<vmem>>) target(%dma_start3A_33 : memref<32x16xf32, #tpu.memory_space<vmem_shared>>) target_semaphore(%run_scoped3A : memref<!tpu.dma_semaphore, #tpu.memory_space<semaphore_mem>>)
        %dma_wait3A = arith.constant 0 : i32
        %dma_wait3A_34 = tpu.memref_slice %arg8[%add3A_30, %dma_wait3A] : memref<50176x16xf32, #tpu.memory_space<vmem_shared>> -> memref<32x16xf32, #tpu.memory_space<vmem_shared>>
        %dma_wait3A_35 = arith.constant 0 : i32
        %dma_wait3A_36 = tpu.memref_slice %arg8[%add3A_30, %dma_wait3A_35] : memref<50176x16xf32, #tpu.memory_space<vmem_shared>> -> memref<32x16xf32, #tpu.memory_space<vmem_shared>>
        tpu.wait_dma2 semaphore(%run_scoped3A : memref<!tpu.dma_semaphore, #tpu.memory_space<semaphore_mem>>) src(%arg7 : memref<32x16xf32, #tpu.memory_space<vmem>>) dst(%dma_wait3A_36 : memref<32x16xf32, #tpu.memory_space<vmem_shared>>)
        tpu.yield
      }) : () -> ()
    }
    %scan3A_13 = arith.constant 98 : i32
    %barrier3A = arith.constant 0 : index
    tpu.barrier barrier_id(%barrier3A)
    %scan3A_14 = arith.constant 0 : i32
    %scan3A_15 = arith.constant 0 : i32
    %scan3A_16 = arith.constant 11 : i32
    %scan3A_17 = arith.addi %scan3A_15, %scan3A_16 : i32
    %scan3A_18 = arith.constant 1 : i32
    scf.for %scan3A_25 = %scan3A_15 to %scan3A_17 step %scan3A_18  : i32 {
      %mul3A_26 = arith.constant 16 : i32
      %mul3A_27 = arith.muli %scan3A_25, %mul3A_26 : i32
      %add3A_28 = arith.addi %mul3A_2, %mul3A_27 : i32
      %mul3A_29 = arith.constant 128 : i32
      %mul3A_30 = arith.muli %add3A_28, %mul3A_29 : i32
      "tpu.region"() ({
        %run_scoped3A = tpu.sem_alloc : memref<!tpu.dma_semaphore, #tpu.memory_space<semaphore_mem>>
        %dma_start3A_349 = arith.constant 0 : i32
        %dma_start3A_350 = tpu.memref_slice %arg2[%mul3A_30, %dma_start3A_349] : memref<720896x16xf32, #tpu.memory_space<hbm>> -> memref<2048x16xf32, #tpu.memory_space<hbm>>
        %dma_start3A_351 = arith.constant 0 : i32
        %dma_start3A_352 = tpu.memref_slice %arg2[%mul3A_30, %dma_start3A_351] : memref<720896x16xf32, #tpu.memory_space<hbm>> -> memref<2048x16xf32, #tpu.memory_space<hbm>>
        tpu.enqueue_dma source(%dma_start3A_352 : memref<2048x16xf32, #tpu.memory_space<hbm>>) target(%arg5 : memref<2048x16xf32, #tpu.memory_space<vmem>>) target_semaphore(%run_scoped3A : memref<!tpu.dma_semaphore, #tpu.memory_space<semaphore_mem>>)
        %dma_wait3A_353 = arith.constant 0 : i32
        %dma_wait3A_354 = tpu.memref_slice %arg2[%mul3A_30, %dma_wait3A_353] : memref<720896x16xf32, #tpu.memory_space<hbm>> -> memref<2048x16xf32, #tpu.memory_space<hbm>>
        %dma_wait3A_355 = arith.constant 0 : i32
        %dma_wait3A_356 = tpu.memref_slice %arg2[%mul3A_30, %dma_wait3A_355] : memref<720896x16xf32, #tpu.memory_space<hbm>> -> memref<2048x16xf32, #tpu.memory_space<hbm>>
        tpu.wait_dma2 semaphore(%run_scoped3A : memref<!tpu.dma_semaphore, #tpu.memory_space<semaphore_mem>>) src(%dma_wait3A_356 : memref<2048x16xf32, #tpu.memory_space<hbm>>) dst(%arg5 : memref<2048x16xf32, #tpu.memory_space<vmem>>)
        tpu.yield
      }) : () -> ()
      "tpu.region"() ({
        %run_scoped3A = tpu.sem_alloc : memref<!tpu.dma_semaphore, #tpu.memory_space<semaphore_mem>>
        %dma_start3A_349 = arith.constant 0 : i32
        %dma_start3A_350 = tpu.memref_slice %arg3[%add3A_28, %dma_start3A_349] : memref<5632x128xi32, #tpu.memory_space<hbm>> -> memref<16x128xi32, #tpu.memory_space<hbm>>
        %dma_start3A_351 = arith.constant 0 : i32
        %dma_start3A_352 = tpu.memref_slice %arg3[%add3A_28, %dma_start3A_351] : memref<5632x128xi32, #tpu.memory_space<hbm>> -> memref<16x128xi32, #tpu.memory_space<hbm>>
        tpu.enqueue_dma source(%dma_start3A_352 : memref<16x128xi32, #tpu.memory_space<hbm>>) target(%arg6 : memref<16x128xi32, #tpu.memory_space<vmem>>) target_semaphore(%run_scoped3A : memref<!tpu.dma_semaphore, #tpu.memory_space<semaphore_mem>>)
        %dma_wait3A_353 = arith.constant 0 : i32
        %dma_wait3A_354 = tpu.memref_slice %arg3[%add3A_28, %dma_wait3A_353] : memref<5632x128xi32, #tpu.memory_space<hbm>> -> memref<16x128xi32, #tpu.memory_space<hbm>>
        %dma_wait3A_355 = arith.constant 0 : i32
        %dma_wait3A_356 = tpu.memref_slice %arg3[%add3A_28, %dma_wait3A_355] : memref<5632x128xi32, #tpu.memory_space<hbm>> -> memref<16x128xi32, #tpu.memory_space<hbm>>
        tpu.wait_dma2 semaphore(%run_scoped3A : memref<!tpu.dma_semaphore, #tpu.memory_space<semaphore_mem>>) src(%dma_wait3A_356 : memref<16x128xi32, #tpu.memory_space<hbm>>) dst(%arg6 : memref<16x128xi32, #tpu.memory_space<vmem>>)
        tpu.yield
      }) : () -> ()
      %dma_start3A = arith.constant 0 : i32
      %dma_start3A_31 = arith.constant 0 : i32
      %dma_start3A_32 = arith.constant 0 : i32
      %dma_start3A_33 = tpu.memref_slice %arg5[%dma_start3A_31, %dma_start3A_32] : memref<2048x16xf32, #tpu.memory_space<vmem>> -> memref<128x16xf32, #tpu.memory_space<vmem>>
      %dma_start3A_34 = arith.constant 0 : i32
      %dma_start3A_35 = tpu.memref_slice %arg6[%dma_start3A, %dma_start3A_34] : memref<16x128xi32, #tpu.memory_space<vmem>> -> memref<1x128xi32, #tpu.memory_space<vmem>>
      %dma_start3A_36 = tpu.memref_squeeze %dma_start3A_35 : memref<1x128xi32, #tpu.memory_space<vmem>> -> memref<128xi32, #tpu.memory_space<vmem>>
      %dma_start3A_37 = arith.constant 0 : i32
      %dma_start3A_38 = arith.constant 0 : i32
      %dma_start3A_39 = tpu.memref_slice %arg8[%dma_start3A_37, %dma_start3A_38] : memref<50176x16xf32, #tpu.memory_space<vmem_shared>> -> memref<50176x16xf32, #tpu.memory_space<vmem_shared>>
      tpu.enqueue_indirect_dma source(%dma_start3A_33 : memref<128x16xf32, #tpu.memory_space<vmem>>) target(%dma_start3A_39 : memref<50176x16xf32, #tpu.memory_space<vmem_shared>>) offsets(%dma_start3A_36 : memref<128xi32, #tpu.memory_space<vmem>>) semaphore(%arg9 : memref<!tpu.dma_semaphore, #tpu.memory_space<semaphore_mem>>) {add = true}
      %dma_start3A_40 = arith.constant 1 : i32
      %dma_start3A_41 = arith.constant 128 : i32
      %dma_start3A_42 = arith.constant 0 : i32
      %dma_start3A_43 = tpu.memref_slice %arg5[%dma_start3A_41, %dma_start3A_42] : memref<2048x16xf32, #tpu.memory_space<vmem>> -> memref<128x16xf32, #tpu.memory_space<vmem>>
      %dma_start3A_44 = arith.constant 0 : i32
      %dma_start3A_45 = tpu.memref_slice %arg6[%dma_start3A_40, %dma_start3A_44] : memref<16x128xi32, #tpu.memory_space<vmem>> -> memref<1x128xi32, #tpu.memory_space<vmem>>
      %dma_start3A_46 = tpu.memref_squeeze %dma_start3A_45 : memref<1x128xi32, #tpu.memory_space<vmem>> -> memref<128xi32, #tpu.memory_space<vmem>>
      %dma_start3A_47 = arith.constant 0 : i32
      %dma_start3A_48 = arith.constant 0 : i32
      %dma_start3A_49 = tpu.memref_slice %arg8[%dma_start3A_47, %dma_start3A_48] : memref<50176x16xf32, #tpu.memory_space<vmem_shared>> -> memref<50176x16xf32, #tpu.memory_space<vmem_shared>>
      tpu.enqueue_indirect_dma source(%dma_start3A_43 : memref<128x16xf32, #tpu.memory_space<vmem>>) target(%dma_start3A_49 : memref<50176x16xf32, #tpu.memory_space<vmem_shared>>) offsets(%dma_start3A_46 : memref<128xi32, #tpu.memory_space<vmem>>) semaphore(%arg10 : memref<!tpu.dma_semaphore, #tpu.memory_space<semaphore_mem>>) {add = true}
      %dma_start3A_50 = arith.constant 2 : i32
      %dma_start3A_51 = arith.constant 256 : i32
      %dma_start3A_52 = arith.constant 0 : i32
      %dma_start3A_53 = tpu.memref_slice %arg5[%dma_start3A_51, %dma_start3A_52] : memref<2048x16xf32, #tpu.memory_space<vmem>> -> memref<128x16xf32, #tpu.memory_space<vmem>>
      %dma_start3A_54 = arith.constant 0 : i32
      %dma_start3A_55 = tpu.memref_slice %arg6[%dma_start3A_50, %dma_start3A_54] : memref<16x128xi32, #tpu.memory_space<vmem>> -> memref<1x128xi32, #tpu.memory_space<vmem>>
      %dma_start3A_56 = tpu.memref_squeeze %dma_start3A_55 : memref<1x128xi32, #tpu.memory_space<vmem>> -> memref<128xi32, #tpu.memory_space<vmem>>
      %dma_start3A_57 = arith.constant 0 : i32
      %dma_start3A_58 = arith.constant 0 : i32
      %dma_start3A_59 = tpu.memref_slice %arg8[%dma_start3A_57, %dma_start3A_58] : memref<50176x16xf32, #tpu.memory_space<vmem_shared>> -> memref<50176x16xf32, #tpu.memory_space<vmem_shared>>
      tpu.enqueue_indirect_dma source(%dma_start3A_53 : memref<128x16xf32, #tpu.memory_space<vmem>>) target(%dma_start3A_59 : memref<50176x16xf32, #tpu.memory_space<vmem_shared>>) offsets(%dma_start3A_56 : memref<128xi32, #tpu.memory_space<vmem>>) semaphore(%arg11 : memref<!tpu.dma_semaphore, #tpu.memory_space<semaphore_mem>>) {add = true}
      %dma_start3A_60 = arith.constant 3 : i32
      %dma_start3A_61 = arith.constant 384 : i32
      %dma_start3A_62 = arith.constant 0 : i32
      %dma_start3A_63 = tpu.memref_slice %arg5[%dma_start3A_61, %dma_start3A_62] : memref<2048x16xf32, #tpu.memory_space<vmem>> -> memref<128x16xf32, #tpu.memory_space<vmem>>
      %dma_start3A_64 = arith.constant 0 : i32
      %dma_start3A_65 = tpu.memref_slice %arg6[%dma_start3A_60, %dma_start3A_64] : memref<16x128xi32, #tpu.memory_space<vmem>> -> memref<1x128xi32, #tpu.memory_space<vmem>>
      %dma_start3A_66 = tpu.memref_squeeze %dma_start3A_65 : memref<1x128xi32, #tpu.memory_space<vmem>> -> memref<128xi32, #tpu.memory_space<vmem>>
      %dma_start3A_67 = arith.constant 0 : i32
      %dma_start3A_68 = arith.constant 0 : i32
      %dma_start3A_69 = tpu.memref_slice %arg8[%dma_start3A_67, %dma_start3A_68] : memref<50176x16xf32, #tpu.memory_space<vmem_shared>> -> memref<50176x16xf32, #tpu.memory_space<vmem_shared>>
      tpu.enqueue_indirect_dma source(%dma_start3A_63 : memref<128x16xf32, #tpu.memory_space<vmem>>) target(%dma_start3A_69 : memref<50176x16xf32, #tpu.memory_space<vmem_shared>>) offsets(%dma_start3A_66 : memref<128xi32, #tpu.memory_space<vmem>>) semaphore(%arg12 : memref<!tpu.dma_semaphore, #tpu.memory_space<semaphore_mem>>) {add = true}
      %dma_start3A_70 = arith.constant 4 : i32
      %dma_start3A_71 = arith.constant 512 : i32
      %dma_start3A_72 = arith.constant 0 : i32
      %dma_start3A_73 = tpu.memref_slice %arg5[%dma_start3A_71, %dma_start3A_72] : memref<2048x16xf32, #tpu.memory_space<vmem>> -> memref<128x16xf32, #tpu.memory_space<vmem>>
      %dma_start3A_74 = arith.constant 0 : i32
      %dma_start3A_75 = tpu.memref_slice %arg6[%dma_start3A_70, %dma_start3A_74] : memref<16x128xi32, #tpu.memory_space<vmem>> -> memref<1x128xi32, #tpu.memory_space<vmem>>
      %dma_start3A_76 = tpu.memref_squeeze %dma_start3A_75 : memref<1x128xi32, #tpu.memory_space<vmem>> -> memref<128xi32, #tpu.memory_space<vmem>>
      %dma_start3A_77 = arith.constant 0 : i32
      %dma_start3A_78 = arith.constant 0 : i32
      %dma_start3A_79 = tpu.memref_slice %arg8[%dma_start3A_77, %dma_start3A_78] : memref<50176x16xf32, #tpu.memory_space<vmem_shared>> -> memref<50176x16xf32, #tpu.memory_space<vmem_shared>>
      tpu.enqueue_indirect_dma source(%dma_start3A_73 : memref<128x16xf32, #tpu.memory_space<vmem>>) target(%dma_start3A_79 : memref<50176x16xf32, #tpu.memory_space<vmem_shared>>) offsets(%dma_start3A_76 : memref<128xi32, #tpu.memory_space<vmem>>) semaphore(%arg13 : memref<!tpu.dma_semaphore, #tpu.memory_space<semaphore_mem>>) {add = true}
      %dma_start3A_80 = arith.constant 5 : i32
      %dma_start3A_81 = arith.constant 640 : i32
      %dma_start3A_82 = arith.constant 0 : i32
      %dma_start3A_83 = tpu.memref_slice %arg5[%dma_start3A_81, %dma_start3A_82] : memref<2048x16xf32, #tpu.memory_space<vmem>> -> memref<128x16xf32, #tpu.memory_space<vmem>>
      %dma_start3A_84 = arith.constant 0 : i32
      %dma_start3A_85 = tpu.memref_slice %arg6[%dma_start3A_80, %dma_start3A_84] : memref<16x128xi32, #tpu.memory_space<vmem>> -> memref<1x128xi32, #tpu.memory_space<vmem>>
      %dma_start3A_86 = tpu.memref_squeeze %dma_start3A_85 : memref<1x128xi32, #tpu.memory_space<vmem>> -> memref<128xi32, #tpu.memory_space<vmem>>
      %dma_start3A_87 = arith.constant 0 : i32
      %dma_start3A_88 = arith.constant 0 : i32
      %dma_start3A_89 = tpu.memref_slice %arg8[%dma_start3A_87, %dma_start3A_88] : memref<50176x16xf32, #tpu.memory_space<vmem_shared>> -> memref<50176x16xf32, #tpu.memory_space<vmem_shared>>
      tpu.enqueue_indirect_dma source(%dma_start3A_83 : memref<128x16xf32, #tpu.memory_space<vmem>>) target(%dma_start3A_89 : memref<50176x16xf32, #tpu.memory_space<vmem_shared>>) offsets(%dma_start3A_86 : memref<128xi32, #tpu.memory_space<vmem>>) semaphore(%arg14 : memref<!tpu.dma_semaphore, #tpu.memory_space<semaphore_mem>>) {add = true}
      %dma_start3A_90 = arith.constant 6 : i32
      %dma_start3A_91 = arith.constant 768 : i32
      %dma_start3A_92 = arith.constant 0 : i32
      %dma_start3A_93 = tpu.memref_slice %arg5[%dma_start3A_91, %dma_start3A_92] : memref<2048x16xf32, #tpu.memory_space<vmem>> -> memref<128x16xf32, #tpu.memory_space<vmem>>
      %dma_start3A_94 = arith.constant 0 : i32
      %dma_start3A_95 = tpu.memref_slice %arg6[%dma_start3A_90, %dma_start3A_94] : memref<16x128xi32, #tpu.memory_space<vmem>> -> memref<1x128xi32, #tpu.memory_space<vmem>>
      %dma_start3A_96 = tpu.memref_squeeze %dma_start3A_95 : memref<1x128xi32, #tpu.memory_space<vmem>> -> memref<128xi32, #tpu.memory_space<vmem>>
      %dma_start3A_97 = arith.constant 0 : i32
      %dma_start3A_98 = arith.constant 0 : i32
      %dma_start3A_99 = tpu.memref_slice %arg8[%dma_start3A_97, %dma_start3A_98] : memref<50176x16xf32, #tpu.memory_space<vmem_shared>> -> memref<50176x16xf32, #tpu.memory_space<vmem_shared>>
      tpu.enqueue_indirect_dma source(%dma_start3A_93 : memref<128x16xf32, #tpu.memory_space<vmem>>) target(%dma_start3A_99 : memref<50176x16xf32, #tpu.memory_space<vmem_shared>>) offsets(%dma_start3A_96 : memref<128xi32, #tpu.memory_space<vmem>>) semaphore(%arg15 : memref<!tpu.dma_semaphore, #tpu.memory_space<semaphore_mem>>) {add = true}
      %dma_start3A_100 = arith.constant 7 : i32
      %dma_start3A_101 = arith.constant 896 : i32
      %dma_start3A_102 = arith.constant 0 : i32
      %dma_start3A_103 = tpu.memref_slice %arg5[%dma_start3A_101, %dma_start3A_102] : memref<2048x16xf32, #tpu.memory_space<vmem>> -> memref<128x16xf32, #tpu.memory_space<vmem>>
      %dma_start3A_104 = arith.constant 0 : i32
      %dma_start3A_105 = tpu.memref_slice %arg6[%dma_start3A_100, %dma_start3A_104] : memref<16x128xi32, #tpu.memory_space<vmem>> -> memref<1x128xi32, #tpu.memory_space<vmem>>
      %dma_start3A_106 = tpu.memref_squeeze %dma_start3A_105 : memref<1x128xi32, #tpu.memory_space<vmem>> -> memref<128xi32, #tpu.memory_space<vmem>>
      %dma_start3A_107 = arith.constant 0 : i32
      %dma_start3A_108 = arith.constant 0 : i32
      %dma_start3A_109 = tpu.memref_slice %arg8[%dma_start3A_107, %dma_start3A_108] : memref<50176x16xf32, #tpu.memory_space<vmem_shared>> -> memref<50176x16xf32, #tpu.memory_space<vmem_shared>>
      tpu.enqueue_indirect_dma source(%dma_start3A_103 : memref<128x16xf32, #tpu.memory_space<vmem>>) target(%dma_start3A_109 : memref<50176x16xf32, #tpu.memory_space<vmem_shared>>) offsets(%dma_start3A_106 : memref<128xi32, #tpu.memory_space<vmem>>) semaphore(%arg16 : memref<!tpu.dma_semaphore, #tpu.memory_space<semaphore_mem>>) {add = true}
      %dma_start3A_110 = arith.constant 8 : i32
      %dma_start3A_111 = arith.constant 1024 : i32
      %dma_start3A_112 = arith.constant 0 : i32
      %dma_start3A_113 = tpu.memref_slice %arg5[%dma_start3A_111, %dma_start3A_112] : memref<2048x16xf32, #tpu.memory_space<vmem>> -> memref<128x16xf32, #tpu.memory_space<vmem>>
      %dma_start3A_114 = arith.constant 0 : i32
      %dma_start3A_115 = tpu.memref_slice %arg6[%dma_start3A_110, %dma_start3A_114] : memref<16x128xi32, #tpu.memory_space<vmem>> -> memref<1x128xi32, #tpu.memory_space<vmem>>
      %dma_start3A_116 = tpu.memref_squeeze %dma_start3A_115 : memref<1x128xi32, #tpu.memory_space<vmem>> -> memref<128xi32, #tpu.memory_space<vmem>>
      %dma_start3A_117 = arith.constant 0 : i32
      %dma_start3A_118 = arith.constant 0 : i32
      %dma_start3A_119 = tpu.memref_slice %arg8[%dma_start3A_117, %dma_start3A_118] : memref<50176x16xf32, #tpu.memory_space<vmem_shared>> -> memref<50176x16xf32, #tpu.memory_space<vmem_shared>>
      tpu.enqueue_indirect_dma source(%dma_start3A_113 : memref<128x16xf32, #tpu.memory_space<vmem>>) target(%dma_start3A_119 : memref<50176x16xf32, #tpu.memory_space<vmem_shared>>) offsets(%dma_start3A_116 : memref<128xi32, #tpu.memory_space<vmem>>) semaphore(%arg17 : memref<!tpu.dma_semaphore, #tpu.memory_space<semaphore_mem>>) {add = true}
      %dma_start3A_120 = arith.constant 9 : i32
      %dma_start3A_121 = arith.constant 1152 : i32
      %dma_start3A_122 = arith.constant 0 : i32
      %dma_start3A_123 = tpu.memref_slice %arg5[%dma_start3A_121, %dma_start3A_122] : memref<2048x16xf32, #tpu.memory_space<vmem>> -> memref<128x16xf32, #tpu.memory_space<vmem>>
      %dma_start3A_124 = arith.constant 0 : i32
      %dma_start3A_125 = tpu.memref_slice %arg6[%dma_start3A_120, %dma_start3A_124] : memref<16x128xi32, #tpu.memory_space<vmem>> -> memref<1x128xi32, #tpu.memory_space<vmem>>
      %dma_start3A_126 = tpu.memref_squeeze %dma_start3A_125 : memref<1x128xi32, #tpu.memory_space<vmem>> -> memref<128xi32, #tpu.memory_space<vmem>>
      %dma_start3A_127 = arith.constant 0 : i32
      %dma_start3A_128 = arith.constant 0 : i32
      %dma_start3A_129 = tpu.memref_slice %arg8[%dma_start3A_127, %dma_start3A_128] : memref<50176x16xf32, #tpu.memory_space<vmem_shared>> -> memref<50176x16xf32, #tpu.memory_space<vmem_shared>>
      tpu.enqueue_indirect_dma source(%dma_start3A_123 : memref<128x16xf32, #tpu.memory_space<vmem>>) target(%dma_start3A_129 : memref<50176x16xf32, #tpu.memory_space<vmem_shared>>) offsets(%dma_start3A_126 : memref<128xi32, #tpu.memory_space<vmem>>) semaphore(%arg18 : memref<!tpu.dma_semaphore, #tpu.memory_space<semaphore_mem>>) {add = true}
      %dma_start3A_130 = arith.constant 10 : i32
      %dma_start3A_131 = arith.constant 1280 : i32
      %dma_start3A_132 = arith.constant 0 : i32
      %dma_start3A_133 = tpu.memref_slice %arg5[%dma_start3A_131, %dma_start3A_132] : memref<2048x16xf32, #tpu.memory_space<vmem>> -> memref<128x16xf32, #tpu.memory_space<vmem>>
      %dma_start3A_134 = arith.constant 0 : i32
      %dma_start3A_135 = tpu.memref_slice %arg6[%dma_start3A_130, %dma_start3A_134] : memref<16x128xi32, #tpu.memory_space<vmem>> -> memref<1x128xi32, #tpu.memory_space<vmem>>
      %dma_start3A_136 = tpu.memref_squeeze %dma_start3A_135 : memref<1x128xi32, #tpu.memory_space<vmem>> -> memref<128xi32, #tpu.memory_space<vmem>>
      %dma_start3A_137 = arith.constant 0 : i32
      %dma_start3A_138 = arith.constant 0 : i32
      %dma_start3A_139 = tpu.memref_slice %arg8[%dma_start3A_137, %dma_start3A_138] : memref<50176x16xf32, #tpu.memory_space<vmem_shared>> -> memref<50176x16xf32, #tpu.memory_space<vmem_shared>>
      tpu.enqueue_indirect_dma source(%dma_start3A_133 : memref<128x16xf32, #tpu.memory_space<vmem>>) target(%dma_start3A_139 : memref<50176x16xf32, #tpu.memory_space<vmem_shared>>) offsets(%dma_start3A_136 : memref<128xi32, #tpu.memory_space<vmem>>) semaphore(%arg19 : memref<!tpu.dma_semaphore, #tpu.memory_space<semaphore_mem>>) {add = true}
      %dma_start3A_140 = arith.constant 11 : i32
      %dma_start3A_141 = arith.constant 1408 : i32
      %dma_start3A_142 = arith.constant 0 : i32
      %dma_start3A_143 = tpu.memref_slice %arg5[%dma_start3A_141, %dma_start3A_142] : memref<2048x16xf32, #tpu.memory_space<vmem>> -> memref<128x16xf32, #tpu.memory_space<vmem>>
      %dma_start3A_144 = arith.constant 0 : i32
      %dma_start3A_145 = tpu.memref_slice %arg6[%dma_start3A_140, %dma_start3A_144] : memref<16x128xi32, #tpu.memory_space<vmem>> -> memref<1x128xi32, #tpu.memory_space<vmem>>
      %dma_start3A_146 = tpu.memref_squeeze %dma_start3A_145 : memref<1x128xi32, #tpu.memory_space<vmem>> -> memref<128xi32, #tpu.memory_space<vmem>>
      %dma_start3A_147 = arith.constant 0 : i32
      %dma_start3A_148 = arith.constant 0 : i32
      %dma_start3A_149 = tpu.memref_slice %arg8[%dma_start3A_147, %dma_start3A_148] : memref<50176x16xf32, #tpu.memory_space<vmem_shared>> -> memref<50176x16xf32, #tpu.memory_space<vmem_shared>>
      tpu.enqueue_indirect_dma source(%dma_start3A_143 : memref<128x16xf32, #tpu.memory_space<vmem>>) target(%dma_start3A_149 : memref<50176x16xf32, #tpu.memory_space<vmem_shared>>) offsets(%dma_start3A_146 : memref<128xi32, #tpu.memory_space<vmem>>) semaphore(%arg20 : memref<!tpu.dma_semaphore, #tpu.memory_space<semaphore_mem>>) {add = true}
      %dma_start3A_150 = arith.constant 12 : i32
      %dma_start3A_151 = arith.constant 1536 : i32
      %dma_start3A_152 = arith.constant 0 : i32
      %dma_start3A_153 = tpu.memref_slice %arg5[%dma_start3A_151, %dma_start3A_152] : memref<2048x16xf32, #tpu.memory_space<vmem>> -> memref<128x16xf32, #tpu.memory_space<vmem>>
      %dma_start3A_154 = arith.constant 0 : i32
      %dma_start3A_155 = tpu.memref_slice %arg6[%dma_start3A_150, %dma_start3A_154] : memref<16x128xi32, #tpu.memory_space<vmem>> -> memref<1x128xi32, #tpu.memory_space<vmem>>
      %dma_start3A_156 = tpu.memref_squeeze %dma_start3A_155 : memref<1x128xi32, #tpu.memory_space<vmem>> -> memref<128xi32, #tpu.memory_space<vmem>>
      %dma_start3A_157 = arith.constant 0 : i32
      %dma_start3A_158 = arith.constant 0 : i32
      %dma_start3A_159 = tpu.memref_slice %arg8[%dma_start3A_157, %dma_start3A_158] : memref<50176x16xf32, #tpu.memory_space<vmem_shared>> -> memref<50176x16xf32, #tpu.memory_space<vmem_shared>>
      tpu.enqueue_indirect_dma source(%dma_start3A_153 : memref<128x16xf32, #tpu.memory_space<vmem>>) target(%dma_start3A_159 : memref<50176x16xf32, #tpu.memory_space<vmem_shared>>) offsets(%dma_start3A_156 : memref<128xi32, #tpu.memory_space<vmem>>) semaphore(%arg21 : memref<!tpu.dma_semaphore, #tpu.memory_space<semaphore_mem>>) {add = true}
      %dma_start3A_160 = arith.constant 13 : i32
      %dma_start3A_161 = arith.constant 1664 : i32
      %dma_start3A_162 = arith.constant 0 : i32
      %dma_start3A_163 = tpu.memref_slice %arg5[%dma_start3A_161, %dma_start3A_162] : memref<2048x16xf32, #tpu.memory_space<vmem>> -> memref<128x16xf32, #tpu.memory_space<vmem>>
      %dma_start3A_164 = arith.constant 0 : i32
      %dma_start3A_165 = tpu.memref_slice %arg6[%dma_start3A_160, %dma_start3A_164] : memref<16x128xi32, #tpu.memory_space<vmem>> -> memref<1x128xi32, #tpu.memory_space<vmem>>
      %dma_start3A_166 = tpu.memref_squeeze %dma_start3A_165 : memref<1x128xi32, #tpu.memory_space<vmem>> -> memref<128xi32, #tpu.memory_space<vmem>>
      %dma_start3A_167 = arith.constant 0 : i32
      %dma_start3A_168 = arith.constant 0 : i32
      %dma_start3A_169 = tpu.memref_slice %arg8[%dma_start3A_167, %dma_start3A_168] : memref<50176x16xf32, #tpu.memory_space<vmem_shared>> -> memref<50176x16xf32, #tpu.memory_space<vmem_shared>>
      tpu.enqueue_indirect_dma source(%dma_start3A_163 : memref<128x16xf32, #tpu.memory_space<vmem>>) target(%dma_start3A_169 : memref<50176x16xf32, #tpu.memory_space<vmem_shared>>) offsets(%dma_start3A_166 : memref<128xi32, #tpu.memory_space<vmem>>) semaphore(%arg22 : memref<!tpu.dma_semaphore, #tpu.memory_space<semaphore_mem>>) {add = true}
      %dma_start3A_170 = arith.constant 14 : i32
      %dma_start3A_171 = arith.constant 1792 : i32
      %dma_start3A_172 = arith.constant 0 : i32
      %dma_start3A_173 = tpu.memref_slice %arg5[%dma_start3A_171, %dma_start3A_172] : memref<2048x16xf32, #tpu.memory_space<vmem>> -> memref<128x16xf32, #tpu.memory_space<vmem>>
      %dma_start3A_174 = arith.constant 0 : i32
      %dma_start3A_175 = tpu.memref_slice %arg6[%dma_start3A_170, %dma_start3A_174] : memref<16x128xi32, #tpu.memory_space<vmem>> -> memref<1x128xi32, #tpu.memory_space<vmem>>
      %dma_start3A_176 = tpu.memref_squeeze %dma_start3A_175 : memref<1x128xi32, #tpu.memory_space<vmem>> -> memref<128xi32, #tpu.memory_space<vmem>>
      %dma_start3A_177 = arith.constant 0 : i32
      %dma_start3A_178 = arith.constant 0 : i32
      %dma_start3A_179 = tpu.memref_slice %arg8[%dma_start3A_177, %dma_start3A_178] : memref<50176x16xf32, #tpu.memory_space<vmem_shared>> -> memref<50176x16xf32, #tpu.memory_space<vmem_shared>>
      tpu.enqueue_indirect_dma source(%dma_start3A_173 : memref<128x16xf32, #tpu.memory_space<vmem>>) target(%dma_start3A_179 : memref<50176x16xf32, #tpu.memory_space<vmem_shared>>) offsets(%dma_start3A_176 : memref<128xi32, #tpu.memory_space<vmem>>) semaphore(%arg23 : memref<!tpu.dma_semaphore, #tpu.memory_space<semaphore_mem>>) {add = true}
      %dma_start3A_180 = arith.constant 15 : i32
      %dma_start3A_181 = arith.constant 1920 : i32
      %dma_start3A_182 = arith.constant 0 : i32
      %dma_start3A_183 = tpu.memref_slice %arg5[%dma_start3A_181, %dma_start3A_182] : memref<2048x16xf32, #tpu.memory_space<vmem>> -> memref<128x16xf32, #tpu.memory_space<vmem>>
      %dma_start3A_184 = arith.constant 0 : i32
      %dma_start3A_185 = tpu.memref_slice %arg6[%dma_start3A_180, %dma_start3A_184] : memref<16x128xi32, #tpu.memory_space<vmem>> -> memref<1x128xi32, #tpu.memory_space<vmem>>
      %dma_start3A_186 = tpu.memref_squeeze %dma_start3A_185 : memref<1x128xi32, #tpu.memory_space<vmem>> -> memref<128xi32, #tpu.memory_space<vmem>>
      %dma_start3A_187 = arith.constant 0 : i32
      %dma_start3A_188 = arith.constant 0 : i32
      %dma_start3A_189 = tpu.memref_slice %arg8[%dma_start3A_187, %dma_start3A_188] : memref<50176x16xf32, #tpu.memory_space<vmem_shared>> -> memref<50176x16xf32, #tpu.memory_space<vmem_shared>>
      tpu.enqueue_indirect_dma source(%dma_start3A_183 : memref<128x16xf32, #tpu.memory_space<vmem>>) target(%dma_start3A_189 : memref<50176x16xf32, #tpu.memory_space<vmem_shared>>) offsets(%dma_start3A_186 : memref<128xi32, #tpu.memory_space<vmem>>) semaphore(%arg24 : memref<!tpu.dma_semaphore, #tpu.memory_space<semaphore_mem>>) {add = true}
      %dma_wait3A = arith.constant 0 : i32
      %dma_wait3A_190 = arith.constant 0 : i32
      %dma_wait3A_191 = arith.constant 0 : i32
      %dma_wait3A_192 = tpu.memref_slice %arg5[%dma_wait3A_190, %dma_wait3A_191] : memref<2048x16xf32, #tpu.memory_space<vmem>> -> memref<128x16xf32, #tpu.memory_space<vmem>>
      %dma_wait3A_193 = arith.constant 0 : i32
      %dma_wait3A_194 = tpu.memref_slice %arg6[%dma_wait3A, %dma_wait3A_193] : memref<16x128xi32, #tpu.memory_space<vmem>> -> memref<1x128xi32, #tpu.memory_space<vmem>>
      %dma_wait3A_195 = tpu.memref_squeeze %dma_wait3A_194 : memref<1x128xi32, #tpu.memory_space<vmem>> -> memref<128xi32, #tpu.memory_space<vmem>>
      %dma_wait3A_196 = arith.constant 0 : i32
      %dma_wait3A_197 = arith.constant 0 : i32
      %dma_wait3A_198 = tpu.memref_slice %arg8[%dma_wait3A_196, %dma_wait3A_197] : memref<50176x16xf32, #tpu.memory_space<vmem_shared>> -> memref<50176x16xf32, #tpu.memory_space<vmem_shared>>
      tpu.wait_indirect_dma semaphore(%arg9 : memref<!tpu.dma_semaphore, #tpu.memory_space<semaphore_mem>>) src(%dma_wait3A_192 : memref<128x16xf32, #tpu.memory_space<vmem>>) dst(%dma_wait3A_198 : memref<50176x16xf32, #tpu.memory_space<vmem_shared>>)
      %dma_wait3A_199 = arith.constant 1 : i32
      %dma_wait3A_200 = arith.constant 128 : i32
      %dma_wait3A_201 = arith.constant 0 : i32
      %dma_wait3A_202 = tpu.memref_slice %arg5[%dma_wait3A_200, %dma_wait3A_201] : memref<2048x16xf32, #tpu.memory_space<vmem>> -> memref<128x16xf32, #tpu.memory_space<vmem>>
      %dma_wait3A_203 = arith.constant 0 : i32
      %dma_wait3A_204 = tpu.memref_slice %arg6[%dma_wait3A_199, %dma_wait3A_203] : memref<16x128xi32, #tpu.memory_space<vmem>> -> memref<1x128xi32, #tpu.memory_space<vmem>>
      %dma_wait3A_205 = tpu.memref_squeeze %dma_wait3A_204 : memref<1x128xi32, #tpu.memory_space<vmem>> -> memref<128xi32, #tpu.memory_space<vmem>>
      %dma_wait3A_206 = arith.constant 0 : i32
      %dma_wait3A_207 = arith.constant 0 : i32
      %dma_wait3A_208 = tpu.memref_slice %arg8[%dma_wait3A_206, %dma_wait3A_207] : memref<50176x16xf32, #tpu.memory_space<vmem_shared>> -> memref<50176x16xf32, #tpu.memory_space<vmem_shared>>
      tpu.wait_indirect_dma semaphore(%arg10 : memref<!tpu.dma_semaphore, #tpu.memory_space<semaphore_mem>>) src(%dma_wait3A_202 : memref<128x16xf32, #tpu.memory_space<vmem>>) dst(%dma_wait3A_208 : memref<50176x16xf32, #tpu.memory_space<vmem_shared>>)
      %dma_wait3A_209 = arith.constant 2 : i32
      %dma_wait3A_210 = arith.constant 256 : i32
      %dma_wait3A_211 = arith.constant 0 : i32
      %dma_wait3A_212 = tpu.memref_slice %arg5[%dma_wait3A_210, %dma_wait3A_211] : memref<2048x16xf32, #tpu.memory_space<vmem>> -> memref<128x16xf32, #tpu.memory_space<vmem>>
      %dma_wait3A_213 = arith.constant 0 : i32
      %dma_wait3A_214 = tpu.memref_slice %arg6[%dma_wait3A_209, %dma_wait3A_213] : memref<16x128xi32, #tpu.memory_space<vmem>> -> memref<1x128xi32, #tpu.memory_space<vmem>>
      %dma_wait3A_215 = tpu.memref_squeeze %dma_wait3A_214 : memref<1x128xi32, #tpu.memory_space<vmem>> -> memref<128xi32, #tpu.memory_space<vmem>>
      %dma_wait3A_216 = arith.constant 0 : i32
      %dma_wait3A_217 = arith.constant 0 : i32
      %dma_wait3A_218 = tpu.memref_slice %arg8[%dma_wait3A_216, %dma_wait3A_217] : memref<50176x16xf32, #tpu.memory_space<vmem_shared>> -> memref<50176x16xf32, #tpu.memory_space<vmem_shared>>
      tpu.wait_indirect_dma semaphore(%arg11 : memref<!tpu.dma_semaphore, #tpu.memory_space<semaphore_mem>>) src(%dma_wait3A_212 : memref<128x16xf32, #tpu.memory_space<vmem>>) dst(%dma_wait3A_218 : memref<50176x16xf32, #tpu.memory_space<vmem_shared>>)
      %dma_wait3A_219 = arith.constant 3 : i32
      %dma_wait3A_220 = arith.constant 384 : i32
      %dma_wait3A_221 = arith.constant 0 : i32
      %dma_wait3A_222 = tpu.memref_slice %arg5[%dma_wait3A_220, %dma_wait3A_221] : memref<2048x16xf32, #tpu.memory_space<vmem>> -> memref<128x16xf32, #tpu.memory_space<vmem>>
      %dma_wait3A_223 = arith.constant 0 : i32
      %dma_wait3A_224 = tpu.memref_slice %arg6[%dma_wait3A_219, %dma_wait3A_223] : memref<16x128xi32, #tpu.memory_space<vmem>> -> memref<1x128xi32, #tpu.memory_space<vmem>>
      %dma_wait3A_225 = tpu.memref_squeeze %dma_wait3A_224 : memref<1x128xi32, #tpu.memory_space<vmem>> -> memref<128xi32, #tpu.memory_space<vmem>>
      %dma_wait3A_226 = arith.constant 0 : i32
      %dma_wait3A_227 = arith.constant 0 : i32
      %dma_wait3A_228 = tpu.memref_slice %arg8[%dma_wait3A_226, %dma_wait3A_227] : memref<50176x16xf32, #tpu.memory_space<vmem_shared>> -> memref<50176x16xf32, #tpu.memory_space<vmem_shared>>
      tpu.wait_indirect_dma semaphore(%arg12 : memref<!tpu.dma_semaphore, #tpu.memory_space<semaphore_mem>>) src(%dma_wait3A_222 : memref<128x16xf32, #tpu.memory_space<vmem>>) dst(%dma_wait3A_228 : memref<50176x16xf32, #tpu.memory_space<vmem_shared>>)
      %dma_wait3A_229 = arith.constant 4 : i32
      %dma_wait3A_230 = arith.constant 512 : i32
      %dma_wait3A_231 = arith.constant 0 : i32
      %dma_wait3A_232 = tpu.memref_slice %arg5[%dma_wait3A_230, %dma_wait3A_231] : memref<2048x16xf32, #tpu.memory_space<vmem>> -> memref<128x16xf32, #tpu.memory_space<vmem>>
      %dma_wait3A_233 = arith.constant 0 : i32
      %dma_wait3A_234 = tpu.memref_slice %arg6[%dma_wait3A_229, %dma_wait3A_233] : memref<16x128xi32, #tpu.memory_space<vmem>> -> memref<1x128xi32, #tpu.memory_space<vmem>>
      %dma_wait3A_235 = tpu.memref_squeeze %dma_wait3A_234 : memref<1x128xi32, #tpu.memory_space<vmem>> -> memref<128xi32, #tpu.memory_space<vmem>>
      %dma_wait3A_236 = arith.constant 0 : i32
      %dma_wait3A_237 = arith.constant 0 : i32
      %dma_wait3A_238 = tpu.memref_slice %arg8[%dma_wait3A_236, %dma_wait3A_237] : memref<50176x16xf32, #tpu.memory_space<vmem_shared>> -> memref<50176x16xf32, #tpu.memory_space<vmem_shared>>
      tpu.wait_indirect_dma semaphore(%arg13 : memref<!tpu.dma_semaphore, #tpu.memory_space<semaphore_mem>>) src(%dma_wait3A_232 : memref<128x16xf32, #tpu.memory_space<vmem>>) dst(%dma_wait3A_238 : memref<50176x16xf32, #tpu.memory_space<vmem_shared>>)
      %dma_wait3A_239 = arith.constant 5 : i32
      %dma_wait3A_240 = arith.constant 640 : i32
      %dma_wait3A_241 = arith.constant 0 : i32
      %dma_wait3A_242 = tpu.memref_slice %arg5[%dma_wait3A_240, %dma_wait3A_241] : memref<2048x16xf32, #tpu.memory_space<vmem>> -> memref<128x16xf32, #tpu.memory_space<vmem>>
      %dma_wait3A_243 = arith.constant 0 : i32
      %dma_wait3A_244 = tpu.memref_slice %arg6[%dma_wait3A_239, %dma_wait3A_243] : memref<16x128xi32, #tpu.memory_space<vmem>> -> memref<1x128xi32, #tpu.memory_space<vmem>>
      %dma_wait3A_245 = tpu.memref_squeeze %dma_wait3A_244 : memref<1x128xi32, #tpu.memory_space<vmem>> -> memref<128xi32, #tpu.memory_space<vmem>>
      %dma_wait3A_246 = arith.constant 0 : i32
      %dma_wait3A_247 = arith.constant 0 : i32
      %dma_wait3A_248 = tpu.memref_slice %arg8[%dma_wait3A_246, %dma_wait3A_247] : memref<50176x16xf32, #tpu.memory_space<vmem_shared>> -> memref<50176x16xf32, #tpu.memory_space<vmem_shared>>
      tpu.wait_indirect_dma semaphore(%arg14 : memref<!tpu.dma_semaphore, #tpu.memory_space<semaphore_mem>>) src(%dma_wait3A_242 : memref<128x16xf32, #tpu.memory_space<vmem>>) dst(%dma_wait3A_248 : memref<50176x16xf32, #tpu.memory_space<vmem_shared>>)
      %dma_wait3A_249 = arith.constant 6 : i32
      %dma_wait3A_250 = arith.constant 768 : i32
      %dma_wait3A_251 = arith.constant 0 : i32
      %dma_wait3A_252 = tpu.memref_slice %arg5[%dma_wait3A_250, %dma_wait3A_251] : memref<2048x16xf32, #tpu.memory_space<vmem>> -> memref<128x16xf32, #tpu.memory_space<vmem>>
      %dma_wait3A_253 = arith.constant 0 : i32
      %dma_wait3A_254 = tpu.memref_slice %arg6[%dma_wait3A_249, %dma_wait3A_253] : memref<16x128xi32, #tpu.memory_space<vmem>> -> memref<1x128xi32, #tpu.memory_space<vmem>>
      %dma_wait3A_255 = tpu.memref_squeeze %dma_wait3A_254 : memref<1x128xi32, #tpu.memory_space<vmem>> -> memref<128xi32, #tpu.memory_space<vmem>>
      %dma_wait3A_256 = arith.constant 0 : i32
      %dma_wait3A_257 = arith.constant 0 : i32
      %dma_wait3A_258 = tpu.memref_slice %arg8[%dma_wait3A_256, %dma_wait3A_257] : memref<50176x16xf32, #tpu.memory_space<vmem_shared>> -> memref<50176x16xf32, #tpu.memory_space<vmem_shared>>
      tpu.wait_indirect_dma semaphore(%arg15 : memref<!tpu.dma_semaphore, #tpu.memory_space<semaphore_mem>>) src(%dma_wait3A_252 : memref<128x16xf32, #tpu.memory_space<vmem>>) dst(%dma_wait3A_258 : memref<50176x16xf32, #tpu.memory_space<vmem_shared>>)
      %dma_wait3A_259 = arith.constant 7 : i32
      %dma_wait3A_260 = arith.constant 896 : i32
      %dma_wait3A_261 = arith.constant 0 : i32
      %dma_wait3A_262 = tpu.memref_slice %arg5[%dma_wait3A_260, %dma_wait3A_261] : memref<2048x16xf32, #tpu.memory_space<vmem>> -> memref<128x16xf32, #tpu.memory_space<vmem>>
      %dma_wait3A_263 = arith.constant 0 : i32
      %dma_wait3A_264 = tpu.memref_slice %arg6[%dma_wait3A_259, %dma_wait3A_263] : memref<16x128xi32, #tpu.memory_space<vmem>> -> memref<1x128xi32, #tpu.memory_space<vmem>>
      %dma_wait3A_265 = tpu.memref_squeeze %dma_wait3A_264 : memref<1x128xi32, #tpu.memory_space<vmem>> -> memref<128xi32, #tpu.memory_space<vmem>>
      %dma_wait3A_266 = arith.constant 0 : i32
      %dma_wait3A_267 = arith.constant 0 : i32
      %dma_wait3A_268 = tpu.memref_slice %arg8[%dma_wait3A_266, %dma_wait3A_267] : memref<50176x16xf32, #tpu.memory_space<vmem_shared>> -> memref<50176x16xf32, #tpu.memory_space<vmem_shared>>
      tpu.wait_indirect_dma semaphore(%arg16 : memref<!tpu.dma_semaphore, #tpu.memory_space<semaphore_mem>>) src(%dma_wait3A_262 : memref<128x16xf32, #tpu.memory_space<vmem>>) dst(%dma_wait3A_268 : memref<50176x16xf32, #tpu.memory_space<vmem_shared>>)
      %dma_wait3A_269 = arith.constant 8 : i32
      %dma_wait3A_270 = arith.constant 1024 : i32
      %dma_wait3A_271 = arith.constant 0 : i32
      %dma_wait3A_272 = tpu.memref_slice %arg5[%dma_wait3A_270, %dma_wait3A_271] : memref<2048x16xf32, #tpu.memory_space<vmem>> -> memref<128x16xf32, #tpu.memory_space<vmem>>
      %dma_wait3A_273 = arith.constant 0 : i32
      %dma_wait3A_274 = tpu.memref_slice %arg6[%dma_wait3A_269, %dma_wait3A_273] : memref<16x128xi32, #tpu.memory_space<vmem>> -> memref<1x128xi32, #tpu.memory_space<vmem>>
      %dma_wait3A_275 = tpu.memref_squeeze %dma_wait3A_274 : memref<1x128xi32, #tpu.memory_space<vmem>> -> memref<128xi32, #tpu.memory_space<vmem>>
      %dma_wait3A_276 = arith.constant 0 : i32
      %dma_wait3A_277 = arith.constant 0 : i32
      %dma_wait3A_278 = tpu.memref_slice %arg8[%dma_wait3A_276, %dma_wait3A_277] : memref<50176x16xf32, #tpu.memory_space<vmem_shared>> -> memref<50176x16xf32, #tpu.memory_space<vmem_shared>>
      tpu.wait_indirect_dma semaphore(%arg17 : memref<!tpu.dma_semaphore, #tpu.memory_space<semaphore_mem>>) src(%dma_wait3A_272 : memref<128x16xf32, #tpu.memory_space<vmem>>) dst(%dma_wait3A_278 : memref<50176x16xf32, #tpu.memory_space<vmem_shared>>)
      %dma_wait3A_279 = arith.constant 9 : i32
      %dma_wait3A_280 = arith.constant 1152 : i32
      %dma_wait3A_281 = arith.constant 0 : i32
      %dma_wait3A_282 = tpu.memref_slice %arg5[%dma_wait3A_280, %dma_wait3A_281] : memref<2048x16xf32, #tpu.memory_space<vmem>> -> memref<128x16xf32, #tpu.memory_space<vmem>>
      %dma_wait3A_283 = arith.constant 0 : i32
      %dma_wait3A_284 = tpu.memref_slice %arg6[%dma_wait3A_279, %dma_wait3A_283] : memref<16x128xi32, #tpu.memory_space<vmem>> -> memref<1x128xi32, #tpu.memory_space<vmem>>
      %dma_wait3A_285 = tpu.memref_squeeze %dma_wait3A_284 : memref<1x128xi32, #tpu.memory_space<vmem>> -> memref<128xi32, #tpu.memory_space<vmem>>
      %dma_wait3A_286 = arith.constant 0 : i32
      %dma_wait3A_287 = arith.constant 0 : i32
      %dma_wait3A_288 = tpu.memref_slice %arg8[%dma_wait3A_286, %dma_wait3A_287] : memref<50176x16xf32, #tpu.memory_space<vmem_shared>> -> memref<50176x16xf32, #tpu.memory_space<vmem_shared>>
      tpu.wait_indirect_dma semaphore(%arg18 : memref<!tpu.dma_semaphore, #tpu.memory_space<semaphore_mem>>) src(%dma_wait3A_282 : memref<128x16xf32, #tpu.memory_space<vmem>>) dst(%dma_wait3A_288 : memref<50176x16xf32, #tpu.memory_space<vmem_shared>>)
      %dma_wait3A_289 = arith.constant 10 : i32
      %dma_wait3A_290 = arith.constant 1280 : i32
      %dma_wait3A_291 = arith.constant 0 : i32
      %dma_wait3A_292 = tpu.memref_slice %arg5[%dma_wait3A_290, %dma_wait3A_291] : memref<2048x16xf32, #tpu.memory_space<vmem>> -> memref<128x16xf32, #tpu.memory_space<vmem>>
      %dma_wait3A_293 = arith.constant 0 : i32
      %dma_wait3A_294 = tpu.memref_slice %arg6[%dma_wait3A_289, %dma_wait3A_293] : memref<16x128xi32, #tpu.memory_space<vmem>> -> memref<1x128xi32, #tpu.memory_space<vmem>>
      %dma_wait3A_295 = tpu.memref_squeeze %dma_wait3A_294 : memref<1x128xi32, #tpu.memory_space<vmem>> -> memref<128xi32, #tpu.memory_space<vmem>>
      %dma_wait3A_296 = arith.constant 0 : i32
      %dma_wait3A_297 = arith.constant 0 : i32
      %dma_wait3A_298 = tpu.memref_slice %arg8[%dma_wait3A_296, %dma_wait3A_297] : memref<50176x16xf32, #tpu.memory_space<vmem_shared>> -> memref<50176x16xf32, #tpu.memory_space<vmem_shared>>
      tpu.wait_indirect_dma semaphore(%arg19 : memref<!tpu.dma_semaphore, #tpu.memory_space<semaphore_mem>>) src(%dma_wait3A_292 : memref<128x16xf32, #tpu.memory_space<vmem>>) dst(%dma_wait3A_298 : memref<50176x16xf32, #tpu.memory_space<vmem_shared>>)
      %dma_wait3A_299 = arith.constant 11 : i32
      %dma_wait3A_300 = arith.constant 1408 : i32
      %dma_wait3A_301 = arith.constant 0 : i32
      %dma_wait3A_302 = tpu.memref_slice %arg5[%dma_wait3A_300, %dma_wait3A_301] : memref<2048x16xf32, #tpu.memory_space<vmem>> -> memref<128x16xf32, #tpu.memory_space<vmem>>
      %dma_wait3A_303 = arith.constant 0 : i32
      %dma_wait3A_304 = tpu.memref_slice %arg6[%dma_wait3A_299, %dma_wait3A_303] : memref<16x128xi32, #tpu.memory_space<vmem>> -> memref<1x128xi32, #tpu.memory_space<vmem>>
      %dma_wait3A_305 = tpu.memref_squeeze %dma_wait3A_304 : memref<1x128xi32, #tpu.memory_space<vmem>> -> memref<128xi32, #tpu.memory_space<vmem>>
      %dma_wait3A_306 = arith.constant 0 : i32
      %dma_wait3A_307 = arith.constant 0 : i32
      %dma_wait3A_308 = tpu.memref_slice %arg8[%dma_wait3A_306, %dma_wait3A_307] : memref<50176x16xf32, #tpu.memory_space<vmem_shared>> -> memref<50176x16xf32, #tpu.memory_space<vmem_shared>>
      tpu.wait_indirect_dma semaphore(%arg20 : memref<!tpu.dma_semaphore, #tpu.memory_space<semaphore_mem>>) src(%dma_wait3A_302 : memref<128x16xf32, #tpu.memory_space<vmem>>) dst(%dma_wait3A_308 : memref<50176x16xf32, #tpu.memory_space<vmem_shared>>)
      %dma_wait3A_309 = arith.constant 12 : i32
      %dma_wait3A_310 = arith.constant 1536 : i32
      %dma_wait3A_311 = arith.constant 0 : i32
      %dma_wait3A_312 = tpu.memref_slice %arg5[%dma_wait3A_310, %dma_wait3A_311] : memref<2048x16xf32, #tpu.memory_space<vmem>> -> memref<128x16xf32, #tpu.memory_space<vmem>>
      %dma_wait3A_313 = arith.constant 0 : i32
      %dma_wait3A_314 = tpu.memref_slice %arg6[%dma_wait3A_309, %dma_wait3A_313] : memref<16x128xi32, #tpu.memory_space<vmem>> -> memref<1x128xi32, #tpu.memory_space<vmem>>
      %dma_wait3A_315 = tpu.memref_squeeze %dma_wait3A_314 : memref<1x128xi32, #tpu.memory_space<vmem>> -> memref<128xi32, #tpu.memory_space<vmem>>
      %dma_wait3A_316 = arith.constant 0 : i32
      %dma_wait3A_317 = arith.constant 0 : i32
      %dma_wait3A_318 = tpu.memref_slice %arg8[%dma_wait3A_316, %dma_wait3A_317] : memref<50176x16xf32, #tpu.memory_space<vmem_shared>> -> memref<50176x16xf32, #tpu.memory_space<vmem_shared>>
      tpu.wait_indirect_dma semaphore(%arg21 : memref<!tpu.dma_semaphore, #tpu.memory_space<semaphore_mem>>) src(%dma_wait3A_312 : memref<128x16xf32, #tpu.memory_space<vmem>>) dst(%dma_wait3A_318 : memref<50176x16xf32, #tpu.memory_space<vmem_shared>>)
      %dma_wait3A_319 = arith.constant 13 : i32
      %dma_wait3A_320 = arith.constant 1664 : i32
      %dma_wait3A_321 = arith.constant 0 : i32
      %dma_wait3A_322 = tpu.memref_slice %arg5[%dma_wait3A_320, %dma_wait3A_321] : memref<2048x16xf32, #tpu.memory_space<vmem>> -> memref<128x16xf32, #tpu.memory_space<vmem>>
      %dma_wait3A_323 = arith.constant 0 : i32
      %dma_wait3A_324 = tpu.memref_slice %arg6[%dma_wait3A_319, %dma_wait3A_323] : memref<16x128xi32, #tpu.memory_space<vmem>> -> memref<1x128xi32, #tpu.memory_space<vmem>>
      %dma_wait3A_325 = tpu.memref_squeeze %dma_wait3A_324 : memref<1x128xi32, #tpu.memory_space<vmem>> -> memref<128xi32, #tpu.memory_space<vmem>>
      %dma_wait3A_326 = arith.constant 0 : i32
      %dma_wait3A_327 = arith.constant 0 : i32
      %dma_wait3A_328 = tpu.memref_slice %arg8[%dma_wait3A_326, %dma_wait3A_327] : memref<50176x16xf32, #tpu.memory_space<vmem_shared>> -> memref<50176x16xf32, #tpu.memory_space<vmem_shared>>
      tpu.wait_indirect_dma semaphore(%arg22 : memref<!tpu.dma_semaphore, #tpu.memory_space<semaphore_mem>>) src(%dma_wait3A_322 : memref<128x16xf32, #tpu.memory_space<vmem>>) dst(%dma_wait3A_328 : memref<50176x16xf32, #tpu.memory_space<vmem_shared>>)
      %dma_wait3A_329 = arith.constant 14 : i32
      %dma_wait3A_330 = arith.constant 1792 : i32
      %dma_wait3A_331 = arith.constant 0 : i32
      %dma_wait3A_332 = tpu.memref_slice %arg5[%dma_wait3A_330, %dma_wait3A_331] : memref<2048x16xf32, #tpu.memory_space<vmem>> -> memref<128x16xf32, #tpu.memory_space<vmem>>
      %dma_wait3A_333 = arith.constant 0 : i32
      %dma_wait3A_334 = tpu.memref_slice %arg6[%dma_wait3A_329, %dma_wait3A_333] : memref<16x128xi32, #tpu.memory_space<vmem>> -> memref<1x128xi32, #tpu.memory_space<vmem>>
      %dma_wait3A_335 = tpu.memref_squeeze %dma_wait3A_334 : memref<1x128xi32, #tpu.memory_space<vmem>> -> memref<128xi32, #tpu.memory_space<vmem>>
      %dma_wait3A_336 = arith.constant 0 : i32
      %dma_wait3A_337 = arith.constant 0 : i32
      %dma_wait3A_338 = tpu.memref_slice %arg8[%dma_wait3A_336, %dma_wait3A_337] : memref<50176x16xf32, #tpu.memory_space<vmem_shared>> -> memref<50176x16xf32, #tpu.memory_space<vmem_shared>>
      tpu.wait_indirect_dma semaphore(%arg23 : memref<!tpu.dma_semaphore, #tpu.memory_space<semaphore_mem>>) src(%dma_wait3A_332 : memref<128x16xf32, #tpu.memory_space<vmem>>) dst(%dma_wait3A_338 : memref<50176x16xf32, #tpu.memory_space<vmem_shared>>)
      %dma_wait3A_339 = arith.constant 15 : i32
      %dma_wait3A_340 = arith.constant 1920 : i32
      %dma_wait3A_341 = arith.constant 0 : i32
      %dma_wait3A_342 = tpu.memref_slice %arg5[%dma_wait3A_340, %dma_wait3A_341] : memref<2048x16xf32, #tpu.memory_space<vmem>> -> memref<128x16xf32, #tpu.memory_space<vmem>>
      %dma_wait3A_343 = arith.constant 0 : i32
      %dma_wait3A_344 = tpu.memref_slice %arg6[%dma_wait3A_339, %dma_wait3A_343] : memref<16x128xi32, #tpu.memory_space<vmem>> -> memref<1x128xi32, #tpu.memory_space<vmem>>
      %dma_wait3A_345 = tpu.memref_squeeze %dma_wait3A_344 : memref<1x128xi32, #tpu.memory_space<vmem>> -> memref<128xi32, #tpu.memory_space<vmem>>
      %dma_wait3A_346 = arith.constant 0 : i32
      %dma_wait3A_347 = arith.constant 0 : i32
      %dma_wait3A_348 = tpu.memref_slice %arg8[%dma_wait3A_346, %dma_wait3A_347] : memref<50176x16xf32, #tpu.memory_space<vmem_shared>> -> memref<50176x16xf32, #tpu.memory_space<vmem_shared>>
      tpu.wait_indirect_dma semaphore(%arg24 : memref<!tpu.dma_semaphore, #tpu.memory_space<semaphore_mem>>) src(%dma_wait3A_342 : memref<128x16xf32, #tpu.memory_space<vmem>>) dst(%dma_wait3A_348 : memref<50176x16xf32, #tpu.memory_space<vmem_shared>>)
    }
    %scan3A_19 = arith.constant 11 : i32
    %barrier3A_20 = arith.constant 0 : index
    tpu.barrier barrier_id(%barrier3A_20)
    %mul3A_21 = arith.constant 3136 : i32
    %mul3A_22 = arith.muli %arg1, %mul3A_21 : i32
    %mul3A_23 = arith.constant 3136 : i32
    %mul3A_24 = arith.muli %arg1, %mul3A_23 : i32
    "tpu.region"() ({
      %run_scoped3A = tpu.sem_alloc : memref<!tpu.dma_semaphore, #tpu.memory_space<semaphore_mem>>
      %dma_start3A = arith.constant 0 : i32
      %dma_start3A_25 = arith.constant 0 : i32
      %dma_start3A_26 = tpu.memref_slice %arg4[%arg0, %dma_start3A, %dma_start3A_25] : memref<2x50176x16xf32, #tpu.memory_space<hbm>> -> memref<1x50176x16xf32, #tpu.memory_space<hbm>>
      %dma_start3A_27 = tpu.memref_squeeze %dma_start3A_26 : memref<1x50176x16xf32, #tpu.memory_space<hbm>> -> memref<50176x16xf32, #tpu.memory_space<hbm>>
      %dma_start3A_28 = arith.constant 0 : i32
      %dma_start3A_29 = tpu.memref_slice %dma_start3A_27[%mul3A_24, %dma_start3A_28] : memref<50176x16xf32, #tpu.memory_space<hbm>> -> memref<3136x16xf32, #tpu.memory_space<hbm>>
      %dma_start3A_30 = arith.constant 0 : i32
      %dma_start3A_31 = tpu.memref_slice %arg8[%mul3A_22, %dma_start3A_30] : memref<50176x16xf32, #tpu.memory_space<vmem_shared>> -> memref<3136x16xf32, #tpu.memory_space<vmem_shared>>
      tpu.enqueue_dma source(%dma_start3A_31 : memref<3136x16xf32, #tpu.memory_space<vmem_shared>>) target(%dma_start3A_29 : memref<3136x16xf32, #tpu.memory_space<hbm>>) target_semaphore(%run_scoped3A : memref<!tpu.dma_semaphore, #tpu.memory_space<semaphore_mem>>)
      %dma_wait3A = arith.constant 0 : i32
      %dma_wait3A_32 = arith.constant 0 : i32
      %dma_wait3A_33 = tpu.memref_slice %arg4[%arg0, %dma_wait3A, %dma_wait3A_32] : memref<2x50176x16xf32, #tpu.memory_space<hbm>> -> memref<1x50176x16xf32, #tpu.memory_space<hbm>>
      %dma_wait3A_34 = tpu.memref_squeeze %dma_wait3A_33 : memref<1x50176x16xf32, #tpu.memory_space<hbm>> -> memref<50176x16xf32, #tpu.memory_space<hbm>>
      %dma_wait3A_35 = arith.constant 0 : i32
      %dma_wait3A_36 = tpu.memref_slice %dma_wait3A_34[%mul3A_24, %dma_wait3A_35] : memref<50176x16xf32, #tpu.memory_space<hbm>> -> memref<3136x16xf32, #tpu.memory_space<hbm>>
      %dma_wait3A_37 = arith.constant 0 : i32
      %dma_wait3A_38 = tpu.memref_slice %arg8[%mul3A_22, %dma_wait3A_37] : memref<50176x16xf32, #tpu.memory_space<vmem_shared>> -> memref<3136x16xf32, #tpu.memory_space<vmem_shared>>
      tpu.wait_dma2 semaphore(%run_scoped3A : memref<!tpu.dma_semaphore, #tpu.memory_space<semaphore_mem>>) src(%dma_wait3A_38 : memref<3136x16xf32, #tpu.memory_space<vmem_shared>>) dst(%dma_wait3A_36 : memref<3136x16xf32, #tpu.memory_space<hbm>>)
      tpu.yield
    }) : () -> ()
    return
  }
}

module attributes {stable_mosaic.version = 14 : i64} {
  func.func @body(%arg0: memref<800x128xf32, #tpu.memory_space<vmem>>, %arg1: memref<128x1024xf32, #tpu.memory_space<vmem>>, %arg2: memref<1x1024xf32, #tpu.memory_space<vmem>>, %arg3: memref<800x1024xf32, #tpu.memory_space<vmem>>) attributes {dimension_semantics = [], scalar_prefetch = 0 : i64, scratch_operands = 0 : i64, tpu.core_type = #tpu.core_type<tc>} {
    %get3A = arith.constant 0 : index
    %get3A_0 = arith.constant 0 : index
    %get3A_1 = vector.load %arg0[%get3A, %get3A_0] : memref<800x128xf32, #tpu.memory_space<vmem>>, vector<800x128xf32>
    %get3A_2 = arith.constant 0 : index
    %get3A_3 = arith.constant 0 : index
    %get3A_4 = vector.load %arg1[%get3A_2, %get3A_3] : memref<128x1024xf32, #tpu.memory_space<vmem>>, vector<128x1024xf32>
    %dot_general3A = arith.constant dense<0.000000e+00> : vector<800x1024xf32>
    %dot_general3A_5 = tpu.matmul %get3A_1, %get3A_4, %dot_general3A {dimension_numbers = #tpu.dot_dimension_numbers<[1], [0], [0], [1], [0, 0, 1, 1], [], []>, transpose_lhs_hint = false} : vector<800x128xf32>, vector<128x1024xf32>, vector<800x1024xf32> -> vector<800x1024xf32>
    %get3A_6 = arith.constant 0 : index
    %get3A_7 = arith.constant 0 : index
    %get3A_8 = vector.load %arg2[%get3A_6, %get3A_7] : memref<1x1024xf32, #tpu.memory_space<vmem>>, vector<1x1024xf32>
    %add3A = vector.broadcast %get3A_8 : vector<1x1024xf32> to vector<800x1024xf32>
    %add3A_9 = arith.addf %dot_general3A_5, %add3A : vector<800x1024xf32>
    %swap3A = arith.constant 0 : index
    %swap3A_10 = arith.constant 0 : index
    %swap3A_11 = vector.load %arg3[%swap3A, %swap3A_10] : memref<800x1024xf32, #tpu.memory_space<vmem>>, vector<800x1024xf32>
    tpu.vector_store %arg3[%swap3A, %swap3A_10], %add3A_9 {strides = array<i32>} : memref<800x1024xf32, #tpu.memory_space<vmem>>, vector<800x1024xf32>,
    return
  }
}

module attributes {stable_mosaic.version = 14 : i64} {
  func.func @body(%arg0: i32, %arg1: memref<1600x128xf32, #tpu.memory_space<vmem>>, %arg2: memref<1x128x128xf32, #tpu.memory_space<vmem>>, %arg3: memref<1600x128xf32, #tpu.memory_space<vmem>>) attributes {dimension_semantics = [#tpu.dimension_semantics<arbitrary>], iteration_bounds = array<i64: 27>, scalar_prefetch = 0 : i64, scratch_operands = 0 : i64, tpu.core_type = #tpu.core_type<tc>, window_params = [{transform_indices = @transform_0, window_bounds = array<i64: 1600, 128>}, {transform_indices = @transform_1, window_bounds = array<i64: 1, 128, 128>}, {transform_indices = @transform_2, window_bounds = array<i64: 1600, 128>}]} {
    %get3A = arith.constant 0 : index
    %get3A_0 = arith.constant 0 : index
    %get3A_1 = vector.load %arg1[%get3A, %get3A_0] : memref<1600x128xf32, #tpu.memory_space<vmem>>, vector<1600x128xf32>
    %get3A_2 = arith.constant 0 : index
    %get3A_3 = arith.constant 0 : index
    %get3A_4 = arith.constant 0 : index
    %get3A_5 = vector.load %arg2[%get3A_2, %get3A_3, %get3A_4] : memref<1x128x128xf32, #tpu.memory_space<vmem>>, vector<1x128x128xf32>
    %get3A_6 = vector.shape_cast %get3A_5 : vector<1x128x128xf32> to vector<128x128xf32>
    %dot_general3A = arith.constant dense<0.000000e+00> : vector<1600x128xf32>
    %dot_general3A_7 = tpu.matmul %get3A_1, %get3A_6, %dot_general3A {dimension_numbers = #tpu.dot_dimension_numbers<[1], [0], [0], [1], [0, 0, 1, 1], [], []>, transpose_lhs_hint = false} : vector<1600x128xf32>, vector<128x128xf32>, vector<1600x128xf32> -> vector<1600x128xf32>
    %swap3A = arith.constant 0 : index
    %swap3A_8 = arith.constant 0 : index
    %swap3A_9 = vector.load %arg3[%swap3A, %swap3A_8] : memref<1600x128xf32, #tpu.memory_space<vmem>>, vector<1600x128xf32>
    tpu.vector_store %arg3[%swap3A, %swap3A_8], %dot_general3A_7 {strides = array<i32>} : memref<1600x128xf32, #tpu.memory_space<vmem>>, vector<1600x128xf32>,
    return
  }
  func.func @transform_0(%arg0: i32) -> (i32, i32) {
    %c0_i32 = arith.constant 0 : i32
    %c0_i32_0 = arith.constant 0 : i32
    return %arg0, %c0_i32 : i32, i32
  }
  func.func @transform_1(%arg0: i32) -> (i32, i32, i32) {
    %c0_i32 = arith.constant 0 : i32
    %c0_i32_0 = arith.constant 0 : i32
    %c0_i32_1 = arith.constant 0 : i32
    return %arg0, %c0_i32, %c0_i32_0 : i32, i32, i32
  }
  func.func @transform_2(%arg0: i32) -> (i32, i32) {
    %c0_i32 = arith.constant 0 : i32
    %c0_i32_0 = arith.constant 0 : i32
    return %arg0, %c0_i32 : i32, i32
  }
}

module attributes {stable_mosaic.version = 14 : i64} {
  func.func @body(%arg0: memref<2x3584x128xf32, #tpu.memory_space<vmem>>, %arg1: memref<1x128xf32, #tpu.memory_space<vmem>>, %arg2: memref<128x512xf32, #tpu.memory_space<vmem>>, %arg3: memref<1x512xf32, #tpu.memory_space<vmem>>, %arg4: memref<3584x512xf32, #tpu.memory_space<vmem>>) attributes {dimension_semantics = [], scalar_prefetch = 0 : i64, scratch_operands = 0 : i64, tpu.core_type = #tpu.core_type<tc>} {
    %get3A = arith.constant 0 : index
    %get3A_0 = arith.constant 0 : index
    %get3A_1 = arith.constant 0 : index
    %get3A_2 = vector.load %arg0[%get3A, %get3A_0, %get3A_1] : memref<2x3584x128xf32, #tpu.memory_space<vmem>>, vector<1x3584x128xf32>
    %get3A_3 = vector.shape_cast %get3A_2 : vector<1x3584x128xf32> to vector<3584x128xf32>
    %get3A_4 = arith.constant 1 : index
    %get3A_5 = arith.constant 0 : index
    %get3A_6 = arith.constant 0 : index
    %get3A_7 = vector.load %arg0[%get3A_4, %get3A_5, %get3A_6] : memref<2x3584x128xf32, #tpu.memory_space<vmem>>, vector<1x3584x128xf32>
    %get3A_8 = vector.shape_cast %get3A_7 : vector<1x3584x128xf32> to vector<3584x128xf32>
    %add3A = arith.addf %get3A_3, %get3A_8 : vector<3584x128xf32>
    %get3A_9 = arith.constant 0 : index
    %get3A_10 = arith.constant 0 : index
    %get3A_11 = vector.load %arg1[%get3A_9, %get3A_10] : memref<1x128xf32, #tpu.memory_space<vmem>>, vector<1x128xf32>
    %add3A_12 = vector.broadcast %get3A_11 : vector<1x128xf32> to vector<3584x128xf32>
    %add3A_13 = arith.addf %add3A, %add3A_12 : vector<3584x128xf32>
    %max3A = arith.constant 0.000000e+00 : f32
    %max3A_14 = vector.broadcast %max3A : f32 to vector<3584x128xf32>
    %max3A_15 = arith.maximumf %add3A_13, %max3A_14 : vector<3584x128xf32>
    %get3A_16 = arith.constant 0 : index
    %get3A_17 = arith.constant 0 : index
    %get3A_18 = vector.load %arg2[%get3A_16, %get3A_17] : memref<128x512xf32, #tpu.memory_space<vmem>>, vector<128x512xf32>
    %dot_general3A = arith.constant dense<0.000000e+00> : vector<3584x512xf32>
    %dot_general3A_19 = tpu.matmul %max3A_15, %get3A_18, %dot_general3A {dimension_numbers = #tpu.dot_dimension_numbers<[1], [0], [0], [1], [0, 0, 1, 1], [], []>, transpose_lhs_hint = false} : vector<3584x128xf32>, vector<128x512xf32>, vector<3584x512xf32> -> vector<3584x512xf32>
    %get3A_20 = arith.constant 0 : index
    %get3A_21 = arith.constant 0 : index
    %get3A_22 = vector.load %arg3[%get3A_20, %get3A_21] : memref<1x512xf32, #tpu.memory_space<vmem>>, vector<1x512xf32>
    %add3A_23 = vector.broadcast %get3A_22 : vector<1x512xf32> to vector<3584x512xf32>
    %add3A_24 = arith.addf %dot_general3A_19, %add3A_23 : vector<3584x512xf32>
    %swap3A = arith.constant 0 : index
    %swap3A_25 = arith.constant 0 : index
    %swap3A_26 = vector.load %arg4[%swap3A, %swap3A_25] : memref<3584x512xf32, #tpu.memory_space<vmem>>, vector<3584x512xf32>
    tpu.vector_store %arg4[%swap3A, %swap3A_25], %add3A_24 {strides = array<i32>} : memref<3584x512xf32, #tpu.memory_space<vmem>>, vector<3584x512xf32>,
    return
  }
}

module attributes {stable_mosaic.version = 14 : i64} {
  func.func @body(%arg0: i32, %arg1: memref<3200x128xf32, #tpu.memory_space<vmem>>, %arg2: memref<1x128x128xf32, #tpu.memory_space<vmem>>, %arg3: memref<3200x128xf32, #tpu.memory_space<vmem>>) attributes {dimension_semantics = [#tpu.dimension_semantics<arbitrary>], iteration_bounds = array<i64: 27>, scalar_prefetch = 0 : i64, scratch_operands = 0 : i64, tpu.core_type = #tpu.core_type<tc>, window_params = [{transform_indices = @transform_0, window_bounds = array<i64: 3200, 128>}, {transform_indices = @transform_1, window_bounds = array<i64: 1, 128, 128>}, {transform_indices = @transform_2, window_bounds = array<i64: 3200, 128>}]} {
    %get3A = arith.constant 0 : index
    %get3A_0 = arith.constant 0 : index
    %get3A_1 = vector.load %arg1[%get3A, %get3A_0] : memref<3200x128xf32, #tpu.memory_space<vmem>>, vector<3200x128xf32>
    %get3A_2 = arith.constant 0 : index
    %get3A_3 = arith.constant 0 : index
    %get3A_4 = arith.constant 0 : index
    %get3A_5 = vector.load %arg2[%get3A_2, %get3A_3, %get3A_4] : memref<1x128x128xf32, #tpu.memory_space<vmem>>, vector<1x128x128xf32>
    %get3A_6 = vector.shape_cast %get3A_5 : vector<1x128x128xf32> to vector<128x128xf32>
    %dot_general3A = arith.constant dense<0.000000e+00> : vector<3200x128xf32>
    %dot_general3A_7 = tpu.matmul %get3A_1, %get3A_6, %dot_general3A {dimension_numbers = #tpu.dot_dimension_numbers<[1], [0], [0], [1], [0, 0, 1, 1], [], []>, transpose_lhs_hint = false} : vector<3200x128xf32>, vector<128x128xf32>, vector<3200x128xf32> -> vector<3200x128xf32>
    %swap3A = arith.constant 0 : index
    %swap3A_8 = arith.constant 0 : index
    %swap3A_9 = vector.load %arg3[%swap3A, %swap3A_8] : memref<3200x128xf32, #tpu.memory_space<vmem>>, vector<3200x128xf32>
    tpu.vector_store %arg3[%swap3A, %swap3A_8], %dot_general3A_7 {strides = array<i32>} : memref<3200x128xf32, #tpu.memory_space<vmem>>, vector<3200x128xf32>,
    return
  }
  func.func @transform_0(%arg0: i32) -> (i32, i32) {
    %c0_i32 = arith.constant 0 : i32
    %c0_i32_0 = arith.constant 0 : i32
    return %arg0, %c0_i32 : i32, i32
  }
  func.func @transform_1(%arg0: i32) -> (i32, i32, i32) {
    %c0_i32 = arith.constant 0 : i32
    %c0_i32_0 = arith.constant 0 : i32
    %c0_i32_1 = arith.constant 0 : i32
    return %arg0, %c0_i32, %c0_i32_0 : i32, i32, i32
  }
  func.func @transform_2(%arg0: i32) -> (i32, i32) {
    %c0_i32 = arith.constant 0 : i32
    %c0_i32_0 = arith.constant 0 : i32
    return %arg0, %c0_i32 : i32, i32
  }
}

module attributes {stable_mosaic.version = 14 : i64} {
  func.func @body(%arg0: memref<2x6400x128xf32, #tpu.memory_space<vmem>>, %arg1: memref<1x128xf32, #tpu.memory_space<vmem>>, %arg2: memref<128x512xf32, #tpu.memory_space<vmem>>, %arg3: memref<1x512xf32, #tpu.memory_space<vmem>>, %arg4: memref<6400x512xf32, #tpu.memory_space<vmem>>) attributes {dimension_semantics = [], scalar_prefetch = 0 : i64, scratch_operands = 0 : i64, tpu.core_type = #tpu.core_type<tc>} {
    %get3A = arith.constant 0 : index
    %get3A_0 = arith.constant 0 : index
    %get3A_1 = arith.constant 0 : index
    %get3A_2 = vector.load %arg0[%get3A, %get3A_0, %get3A_1] : memref<2x6400x128xf32, #tpu.memory_space<vmem>>, vector<1x6400x128xf32>
    %get3A_3 = vector.shape_cast %get3A_2 : vector<1x6400x128xf32> to vector<6400x128xf32>
    %get3A_4 = arith.constant 1 : index
    %get3A_5 = arith.constant 0 : index
    %get3A_6 = arith.constant 0 : index
    %get3A_7 = vector.load %arg0[%get3A_4, %get3A_5, %get3A_6] : memref<2x6400x128xf32, #tpu.memory_space<vmem>>, vector<1x6400x128xf32>
    %get3A_8 = vector.shape_cast %get3A_7 : vector<1x6400x128xf32> to vector<6400x128xf32>
    %add3A = arith.addf %get3A_3, %get3A_8 : vector<6400x128xf32>
    %get3A_9 = arith.constant 0 : index
    %get3A_10 = arith.constant 0 : index
    %get3A_11 = vector.load %arg1[%get3A_9, %get3A_10] : memref<1x128xf32, #tpu.memory_space<vmem>>, vector<1x128xf32>
    %add3A_12 = vector.broadcast %get3A_11 : vector<1x128xf32> to vector<6400x128xf32>
    %add3A_13 = arith.addf %add3A, %add3A_12 : vector<6400x128xf32>
    %max3A = arith.constant 0.000000e+00 : f32
    %max3A_14 = vector.broadcast %max3A : f32 to vector<6400x128xf32>
    %max3A_15 = arith.maximumf %add3A_13, %max3A_14 : vector<6400x128xf32>
    %get3A_16 = arith.constant 0 : index
    %get3A_17 = arith.constant 0 : index
    %get3A_18 = vector.load %arg2[%get3A_16, %get3A_17] : memref<128x512xf32, #tpu.memory_space<vmem>>, vector<128x512xf32>
    %dot_general3A = arith.constant dense<0.000000e+00> : vector<6400x512xf32>
    %dot_general3A_19 = tpu.matmul %max3A_15, %get3A_18, %dot_general3A {dimension_numbers = #tpu.dot_dimension_numbers<[1], [0], [0], [1], [0, 0, 1, 1], [], []>, transpose_lhs_hint = false} : vector<6400x128xf32>, vector<128x512xf32>, vector<6400x512xf32> -> vector<6400x512xf32>
    %get3A_20 = arith.constant 0 : index
    %get3A_21 = arith.constant 0 : index
    %get3A_22 = vector.load %arg3[%get3A_20, %get3A_21] : memref<1x512xf32, #tpu.memory_space<vmem>>, vector<1x512xf32>
    %add3A_23 = vector.broadcast %get3A_22 : vector<1x512xf32> to vector<6400x512xf32>
    %add3A_24 = arith.addf %dot_general3A_19, %add3A_23 : vector<6400x512xf32>
    %swap3A = arith.constant 0 : index
    %swap3A_25 = arith.constant 0 : index
    %swap3A_26 = vector.load %arg4[%swap3A, %swap3A_25] : memref<6400x512xf32, #tpu.memory_space<vmem>>, vector<6400x512xf32>
    tpu.vector_store %arg4[%swap3A, %swap3A_25], %add3A_24 {strides = array<i32>} : memref<6400x512xf32, #tpu.memory_space<vmem>>, vector<6400x512xf32>,
    return
  }
}

module attributes {stable_mosaic.version = 14 : i64} {
  func.func @body(%arg0: i32, %arg1: memref<3200x256xf32, #tpu.memory_space<vmem>>, %arg2: memref<1x256x128xf32, #tpu.memory_space<vmem>>, %arg3: memref<3200x128xf32, #tpu.memory_space<vmem>>) attributes {dimension_semantics = [#tpu.dimension_semantics<arbitrary>], iteration_bounds = array<i64: 27>, scalar_prefetch = 0 : i64, scratch_operands = 0 : i64, tpu.core_type = #tpu.core_type<tc>, window_params = [{transform_indices = @transform_0, window_bounds = array<i64: 3200, 256>}, {transform_indices = @transform_1, window_bounds = array<i64: 1, 256, 128>}, {transform_indices = @transform_2, window_bounds = array<i64: 3200, 128>}]} {
    %get3A = arith.constant 0 : index
    %get3A_0 = arith.constant 0 : index
    %get3A_1 = vector.load %arg1[%get3A, %get3A_0] : memref<3200x256xf32, #tpu.memory_space<vmem>>, vector<3200x256xf32>
    %get3A_2 = arith.constant 0 : index
    %get3A_3 = arith.constant 0 : index
    %get3A_4 = arith.constant 0 : index
    %get3A_5 = vector.load %arg2[%get3A_2, %get3A_3, %get3A_4] : memref<1x256x128xf32, #tpu.memory_space<vmem>>, vector<1x256x128xf32>
    %get3A_6 = vector.shape_cast %get3A_5 : vector<1x256x128xf32> to vector<256x128xf32>
    %dot_general3A = arith.constant dense<0.000000e+00> : vector<3200x128xf32>
    %dot_general3A_7 = tpu.matmul %get3A_1, %get3A_6, %dot_general3A {dimension_numbers = #tpu.dot_dimension_numbers<[1], [0], [0], [1], [0, 0, 1, 1], [], []>, transpose_lhs_hint = false} : vector<3200x256xf32>, vector<256x128xf32>, vector<3200x128xf32> -> vector<3200x128xf32>
    %swap3A = arith.constant 0 : index
    %swap3A_8 = arith.constant 0 : index
    %swap3A_9 = vector.load %arg3[%swap3A, %swap3A_8] : memref<3200x128xf32, #tpu.memory_space<vmem>>, vector<3200x128xf32>
    tpu.vector_store %arg3[%swap3A, %swap3A_8], %dot_general3A_7 {strides = array<i32>} : memref<3200x128xf32, #tpu.memory_space<vmem>>, vector<3200x128xf32>,
    return
  }
  func.func @transform_0(%arg0: i32) -> (i32, i32) {
    %c0_i32 = arith.constant 0 : i32
    %c0_i32_0 = arith.constant 0 : i32
    return %arg0, %c0_i32 : i32, i32
  }
  func.func @transform_1(%arg0: i32) -> (i32, i32, i32) {
    %c0_i32 = arith.constant 0 : i32
    %c0_i32_0 = arith.constant 0 : i32
    %c0_i32_1 = arith.constant 0 : i32
    return %arg0, %c0_i32, %c0_i32_0 : i32, i32, i32
  }
  func.func @transform_2(%arg0: i32) -> (i32, i32) {
    %c0_i32 = arith.constant 0 : i32
    %c0_i32_0 = arith.constant 0 : i32
    return %arg0, %c0_i32 : i32, i32
  }
}

module attributes {stable_mosaic.version = 14 : i64} {
  func.func @body(%arg0: memref<2x6272x128xf32, #tpu.memory_space<vmem>>, %arg1: memref<1x128xf32, #tpu.memory_space<vmem>>, %arg2: memref<6272x128xf32, #tpu.memory_space<vmem>>) attributes {dimension_semantics = [], scalar_prefetch = 0 : i64, scratch_operands = 0 : i64, tpu.core_type = #tpu.core_type<tc>} {
    %get3A = arith.constant 0 : index
    %get3A_0 = arith.constant 0 : index
    %get3A_1 = arith.constant 0 : index
    %get3A_2 = vector.load %arg0[%get3A, %get3A_0, %get3A_1] : memref<2x6272x128xf32, #tpu.memory_space<vmem>>, vector<1x6272x128xf32>
    %get3A_3 = vector.shape_cast %get3A_2 : vector<1x6272x128xf32> to vector<6272x128xf32>
    %get3A_4 = arith.constant 1 : index
    %get3A_5 = arith.constant 0 : index
    %get3A_6 = arith.constant 0 : index
    %get3A_7 = vector.load %arg0[%get3A_4, %get3A_5, %get3A_6] : memref<2x6272x128xf32, #tpu.memory_space<vmem>>, vector<1x6272x128xf32>
    %get3A_8 = vector.shape_cast %get3A_7 : vector<1x6272x128xf32> to vector<6272x128xf32>
    %add3A = arith.addf %get3A_3, %get3A_8 : vector<6272x128xf32>
    %get3A_9 = arith.constant 0 : index
    %get3A_10 = arith.constant 0 : index
    %get3A_11 = vector.load %arg1[%get3A_9, %get3A_10] : memref<1x128xf32, #tpu.memory_space<vmem>>, vector<1x128xf32>
    %add3A_12 = vector.broadcast %get3A_11 : vector<1x128xf32> to vector<6272x128xf32>
    %add3A_13 = arith.addf %add3A, %add3A_12 : vector<6272x128xf32>
    %swap3A = arith.constant 0 : index
    %swap3A_14 = arith.constant 0 : index
    %swap3A_15 = vector.load %arg2[%swap3A, %swap3A_14] : memref<6272x128xf32, #tpu.memory_space<vmem>>, vector<6272x128xf32>
    tpu.vector_store %arg2[%swap3A, %swap3A_14], %add3A_13 {strides = array<i32>} : memref<6272x128xf32, #tpu.memory_space<vmem>>, vector<6272x128xf32>,
    return
  }
}

</mosaic_0001>

<sc_bundles>
// kernel: kernel.15.cloned.1.call-start
scs
__scs_entry_jumppad:
0x0: {  	(pc) =	sbr.rel $0x88, $3  }
0x1: {  	(tag) =	ssettag $0x0;
	lr =	simm.s32 $0x1  }
0x2: {  	[smem:$0x3F8B] =	sst lr;
	_ =	strace $0xD0000000  }
0x3: {  	_ = 	snop  }
0x4: {  	_ = 	snop  }
0x5: {  	_ = 	snop  }
0x6: {  	_ = 	snop  }
0x7: {  	_ = 	snop  }
__scs_overlays_trampoline_lowered:
0x8: {  	[smem:$0x3F9A] =	sst s0  }
0x9: {  	[smem:$0x3F9B] =	sst s1  }
0xa: {  	[smem:$0x3F9C] =	sst s2  }
0xb: {  	[smem:$0x3F9D] =	sst s3  }
0xc: {  	[smem:$0x3F9E] =	sst s4  }
0xd: {  	[smem:$0x3F9F] =	sst s5  }
0xe: {  	[smem:$0x3FA0] =	sst s6  }
0xf: {  	[smem:$0x3FA1] =	sst s7  }
0x10: {  	[smem:$0x3FA2] =	sst s8  }
0x11: {  	[smem:$0x3FA3] =	sst s9;
	s0 =	simm.s32 @!p0 $0x0  }
0x12: {  	s1 =	sld [smem:$0x3F89];
	s0 =	simm.s32 @p0 $0x1  }
0x13: {  	[smem:$0x3FA4] =	sst s0;
	s0 =	simm.s32 @!p1 $0x0  }
0x14: {  	s2 =	sld [smem:$0x3F88];
	s0 =	simm.s32 @p1 $0x1  }
0x15: {  	[smem:$0x3FA5] =	sst s0;
	s0 =	simm.s32 @!p2 $0x0  }
0x16: {  	s3 =	sld [smem:$0x3FDB];
	s0 =	simm.s32 @p2 $0x1  }
0x17: {  	s4 =	simm.s32 $0x1BF5;
	[smem:$0x3FA7] =	sst s0  }
0x18: {  	s0 =	sld [smem:$0x3F8A];
	_ =	swait.ge [sflag:s4], $0x0  }
0x19: {  	s7 =	sld [smem:$0x3F8B]  }
0x1a: {  	s8 =	sadd.s32 $0xFFFFE003, lr  }
0x1b: {  	s9 =	sadd.s32 $0xFFFFFEF7, lr;
	s5 =	simm.s32 $0xFFFFFFFF;
	p2 =	slt.u32 s8, $0xFFFFF086  }
0x1c: {  	p1 =	slt.u32 s9, $0xF7A;
	s5 =	simm.s32 @!p2 $0x0  }
0x1d: {  	s5 =	simm.s32 @p1 $0x1;
	p0 =	seq.s32 s7, s2  }
0x1e: {  	s7 =	smul.u32 @!p0 $0xF7A, s2;
	p2 =	seq.s32 @!p0 s5, $0x0  }
0x1f: {  	s9 =	smul.u32 $0xF7A, s1;
	s8 =	simm.s32 @!p0 $0x1BF5;
	p2 =	por !p2, p0  }
0x20: {  	[sflag:s8] =	ssyncset.s32 @!p0 $0xFFFFF086;
	s6 =	sadd.s32 @!p0 s3, s7;
	s7 =	simm.s32 @!p0 $0x108  }
0x21: {  	s3 =	sadd.s32 s3, s9;
	s6 =	sadd.s32 @!p0 $0x88, s6;
	s7 =	simm.s32 @p2 $0x1082  }
0x22: {  	[simem:s7], [sflag:s8] =	dma.local @!p0 [hbm:s6], $0xF7A  }
0x23: {  	s9 =	sor.u32 $0xD0000000, s2;
	s6 =	simm.s32 $0x108;
	_ =	swait.ge @!p0 [sflag:s8], $0x0  }
0x24: {  	s3 =	sadd.s32 $0x88, s3;
	s6 =	simm.s32 @!p1 $0x1082;
	[sflag:s4] =	ssyncset.s32 $0xFFFFF086  }
0x25: {  	[simem:s6], [sflag:s4] =	dma.local [hbm:s3], $0xF7A  }
0x26: {  	[smem:$0x3F8B] =	sst s1;
	(tag) =	ssettag s2;
	_ =	strace s9  }
0x27: {  	s1 =	sld [smem:$0x3F9B]  }
0x28: {  	s2 =	sld [smem:$0x3F9C]  }
0x29: {  	s4 =	sld [smem:$0x3F9E]  }
0x2a: {  	p0 =	seq.s32 s5, $0x0;
	s5 =	sld [smem:$0x3F9F]  }
0x2b: {  	s6 =	sld [smem:$0x3FA0]  }
0x2c: {  	s7 =	sld [smem:$0x3FA1]  }
0x2d: {  	s3 =	simm.s32 $0x108;
	s8 =	sld [smem:$0x3FA2]  }
0x2e: {  	s3 =	simm.s32 @!p0 $0x1082;
	s9 =	sld [smem:$0x3FA3]  }
0x2f: {  	lr =	sadd.s32 s0, s3;
	s0 =	sld [smem:$0x3F9A]  }
0x30: {  	s3 =	sld [smem:$0x3F9D]  }
0x31: {  	[smem:$0x3FA6] =	sst s10  }
0x32: {  	s10 =	sld [smem:$0x3FA4];
	_ =	sdelay $0x3  }
0x33: {  	p0 =	seq.s32 s10, $0x1;
	s10 =	sld [smem:$0x3FA6];
	_ =	sdelay $0x3  }
0x34: {  	[smem:$0x3FA6] =	sst s10  }
0x35: {  	s10 =	sld [smem:$0x3FA5];
	_ =	sdelay $0x3  }
0x36: {  	p1 =	seq.s32 s10, $0x1;
	s10 =	sld [smem:$0x3FA6];
	_ =	sdelay $0x3  }
0x37: {  	[smem:$0x3FA6] =	sst s10  }
0x38: {  	s10 =	sld [smem:$0x3FA7]  }
0x39: {  	_ = 	snop;
	(pc) =	sbr.ind lr, $3  }
0x3a: {  	_ = 	snop  }
0x3b: {  	_ = 	snop  }
0x3c: {  	p2 =	seq.s32 s10, $0x1;
	s10 =	sld [smem:$0x3FA6]  }
0x3d: {  	_ =	shalt  }
0x3e: {  	_ =	shalt  }
0x3f: {  	_ =	shalt  }
0x40: {  	_ =	shalt  }
0x41: {  	_ =	shalt  }
0x42: {  	_ =	shalt  }
0x43: {  	_ =	shalt  }
0x44: {  	_ =	shalt  }
0x45: {  	_ =	shalt  }
0x46: {  	_ =	shalt  }
0x47: {  	_ =	shalt  }
0x48: {  	_ =	shalt  }
0x49: {  	_ =	shalt  }
0x4a: {  	_ =	shalt  }
0x4b: {  	_ =	shalt  }
0x4c: {  	_ =	shalt  }
0x4d: {  	_ =	shalt  }
0x4e: {  	_ =	shalt  }
0x4f: {  	_ =	shalt  }
0x50: {  	_ =	shalt  }
0x51: {  	_ =	shalt  }
0x52: {  	_ =	shalt  }
0x53: {  	_ =	shalt  }
0x54: {  	_ =	shalt  }
0x55: {  	_ =	shalt  }
0x56: {  	_ =	shalt  }
0x57: {  	_ =	shalt  }
0x58: {  	_ =	shalt  }
0x59: {  	_ =	shalt  }
0x5a: {  	_ =	shalt  }
0x5b: {  	_ =	shalt  }
0x5c: {  	_ =	shalt  }
0x5d: {  	_ =	shalt  }
0x5e: {  	_ =	shalt  }
0x5f: {  	_ =	shalt  }
0x60: {  	_ =	shalt  }
0x61: {  	_ =	shalt  }
0x62: {  	_ =	shalt  }
0x63: {  	_ =	shalt  }
0x64: {  	_ =	shalt  }
0x65: {  	_ =	shalt  }
0x66: {  	_ =	shalt  }
0x67: {  	_ =	shalt  }
0x68: {  	_ =	shalt  }
0x69: {  	_ =	shalt  }
0x6a: {  	_ =	shalt  }
0x6b: {  	_ =	shalt  }
0x6c: {  	_ =	shalt  }
0x6d: {  	_ =	shalt  }
0x6e: {  	_ =	shalt  }
0x6f: {  	_ =	shalt  }
0x70: {  	_ =	shalt  }
0x71: {  	_ =	shalt  }
0x72: {  	_ =	shalt  }
0x73: {  	_ =	shalt  }
0x74: {  	_ =	shalt  }
0x75: {  	_ =	shalt  }
0x76: {  	_ =	shalt  }
0x77: {  	_ =	shalt  }
0x78: {  	_ =	shalt  }
0x79: {  	_ =	shalt  }
0x7a: {  	_ =	shalt  }
0x7b: {  	_ =	shalt  }
0x7c: {  	_ =	shalt  }
0x7d: {  	_ =	shalt  }
0x7e: {  	_ =	shalt  }
0x7f: {  	_ =	shalt  }
0x80: {  	_ =	shalt  }
0x81: {  	_ =	shalt  }
0x82: {  	_ =	shalt  }
0x83: {  	_ =	shalt  }
0x84: {  	_ =	shalt  }
0x85: {  	_ =	shalt  }
0x86: {  	_ =	shalt  }
0x87: {  	_ =	shalt  }
.Lfunc_end0:
.L_simem_size_0:
called_computation_lowered:
.L_overlay_start_0:
0x88: {  	s2 =	sld [smem:$0x3FD9]  }
0x89: {  	s3 =	sld [smem:$0x3FFE];
	_ =	sdelay $0x1  }
0x8a: {  	s1 =	srdreg.scid  }
0x8b: {  	s0 =	sand.u32 $0x1, s1  }
0x8c: {  	s17 =	sshll.u32 s0, $0xA;
	s2 =	sadd.s32 s3, s2  }
0x8d: {  	s2 =	sadd.s32 s2, s17  }
0x8e: {  	[smem:$0x3FB2] =	sst s2  }
0x8f: {  	_ = 	snop  }
0x90: {  	s2 =	sld [smem:$0x3FBC]  }
0x91: {  	s18 =	sld [smem:$0x3FD0];
	(tm) =	ssettm $0x1  }
0x92: {  	s4 =	sld [smem:$0x3FFB];
	_ =	sdelay $0x3  }
0x93: {  	_ =	strace s4  }
0x94: {  	s4 =	sld [smem:$0x3FFC];
	_ =	sdelay $0x3  }
0x95: {  	_ =	strace s4  }
0x96: {  	s4 =	sld [smem:$0x3FFD];
	_ =	sdelay $0x3  }
0x97: {  	_ =	strace s4  }
0x98: {  	_ =	strace $0x8FFFFFFF  }
0x99: {  	s19 =	sld [smem:$0x3FDB];
	_ =	sdelay $0x1  }
0x9a: {  	s5 =	simm.s32 $_scs_section_size  }
0x9b: {  	s6 =	simm.s32 $_size__tile_overlayer_lowered;
	s7 =	simm.s32 $_tile_overlayer_lowered  }
0x9c: {  	s22 =	simm.s32 $0x1BFF;
	s21 =	sshll.u32 s7, $0x1;
	s4 =	sadd.s32 s5, s19  }
0x9d: {  	s8 =	simm.s32 $0x0;
	s20 =	sshll.u32 s6, $0x1;
	s6 =	sadd.s32 s21, s4  }
0x9e: {  	[timem:s8], [sflag:s22] =	dma.local [hbm:s6], s20  }
0x9f: {  	_ =	swait.ge [sflag:s22], s20  }
0xa0: {  	s5 =	ssub.s32 $0x0, s20;
	[sflag:s22] =	ssyncset.done $0x0  }
0xa1: {  	[sflag:s22] =	ssyncadd.s32 s5;
	_ =	sdelay $0x1  }
0xa2: {  	s23 =	simm.s32 $0x1B8B  }
0xa3: {  	_ =	swait.ge [sflag:s23], $0x1  }
0xa4: {  	[sflag:s23] =	ssyncset.done $0x0  }
0xa5: {  	s25 =	simm.s32 $0x1B8E;
	s24 =	sld [smem:$0x3FFE];
	[sflag:s23] =	ssyncadd.s32 $0xFFFFFFFF  }
0xa6: {  	s26 =	simm.s32 $execute0_lowered;
	[smem:$0x3FD2] =	sst s25  }
0xa7: {  	s6 =	sshll.u32 s26, $0x1;
	_ =	strace $0x80000046;
	[dreg:$0x1] =	wrdreg $0xFFFFFFFF  }
0xa8: {  	s28 =	simm.s32 $_size_execute0_lowered;
	s4 =	sadd.s32 s4, s6;
	[dreg:$0x0] =	wrdreg $0x0  }
0xa9: {  	s6 =	sshll.u32 s28, $0x1;
	[dreg:$0x2] =	wrdreg s4  }
0xaa: {  	[dreg:$0x3] =	wrdreg s6  }
0xab: {  	[dreg:$0x4] =	wrdreg $0xC0  }
0xac: {  	_ =	task [dreg:s8], $0x5FFFF  }
0xad: {  	[dreg:$0x1] =	wrdreg $0xFFFFFFFF  }
0xae: {  	[dreg:$0x0] =	wrdreg $0x60  }
0xaf: {  	[dreg:$0x2] =	wrdreg s24  }
0xb0: {  	[dreg:$0x3] =	wrdreg s18  }
0xb1: {  	[dreg:$0x4] =	wrdreg s2  }
0xb2: {  	[dreg:$0x5] =	wrdreg $0x110380  }
0xb3: {  	[dreg:$0x6] =	wrdreg $0x9  }
0xb4: {  	_ =	task.clear_ibuf [dreg:s8], $0x7FFFF;
	_ =	strace $0x90000046  }
0xb5: {  	s29 =	simm.s32 $0x9;
	_ =	strace $0x80000048  }
0xb6: {  	_ =	swait.ge [sflag:s29], $0x1  }
0xb7: {  	[sflag:s29] =	ssyncadd.s32 $0xFFFFFFFF  }
0xb8: {  	_ =	strace $0x90000048  }
0xb9: {  	_ =	sfence  }
0xba: {  	s30 =	sld [smem:$0x0];
	_ =	sdelay $0x2  }
0xbb: {  	s31 =	sshll.u32 s1, $0xD;
	s1 =	sshrl.u32 s1, $0x2  }
0xbc: {  	s3 =	sand.u32 $0x4000, s31;
	s1 =	sadd.s32 s1, s30  }
0xbd: {  	s0 =	sor.u32 s3, s0;
	s1 =	sshll.u32 s1, $0x11  }
0xbe: {  	s0 =	sor.u32 s1, s0  }
0xbf: {  	s0 =	sadd.s32 $0x8F2B, s0  }
0xc0: {  	[sflag:s0] =	ssyncadd.remote.s32 $0x1  }
0xc1: {  	_ =	sfence.sel $0xFFFF  }
0xc2: {  	[dreg:$0x0] =	wrdreg $0xFFFFFFFF;
	(pc) =	sbr.abs _section_cstart, $3  }
0xc3: {  	[dreg:$0x1] =	wrdreg $0xFFFFFFFF  }
0xc4: {  	_ =	task.clear_ibuf [dreg:s8], $0x2FFFF;
	_ =	strace $0x9FFFFFFF  }
0xc5: {  	(tm) =	ssettm $0x7FFFFFFF  }
tec
execute0_lowered:
.L_overlay_start_1:
0x0: {  	(tag) =	ssettag $0x1  }
0x1: {  	s5 =	rddreg [dreg:$0x0]  }
0x2: {  	s8 =	rddreg [dreg:$0x1]  }
0x3: {  	s1 =	rddreg [dreg:$0x2]  }
0x4: {  	s3 =	rddreg [dreg:$0x3]  }
0x5: {  	s0 =	rddreg [dreg:$0x4];
	s4 =	simm.s32 $0x0;
	s2 =	stileid.u32  }
0x6: {  	s7 =	srdreg.scid;
	s15 =	simm.s32 $0x1038;
	s16 =	simm.s32 $0xEB8  }
0x7: {  	s17 =	simm.s32 $0x5038;
	s18 =	simm.s32 $0xF38;
	s19 =	simm.s32 $0x9038  }
0x8: {  	s20 =	simm.s32 $0xFB8;
	s21 =	simm.s32 $0xD038;
	s22 =	simm.s32 $0x1  }
0x9: {  	s23 =	simm.s32 $0x2;
	s24 =	simm.s32 $0x3;
	s6 =	smul.u32 $0xC800, s2  }
0xa: {  	s25 =	simm.s32 $0x4;
	s26 =	simm.s32 $0x0;
	s9 =	smul.u32 $0xC000, s2  }
0xb: {  	[smem:$0x7FF] =	sst s4;
	s7 =	sand.u32 $0x1, s7;
	s12 =	smul.u32 $0xC00, s2  }
0xc: {  	s31 =	sshll.u32 s2, $0x6;
	_ =	strace $0x80000047;
	s14 =	smul.u32 $0x600, s7  }
0xd: {  	s11 =	ssub.s32 $0x2, s7;
	s7 =	smul.u32 $0x6000, s7;
	s10 =	sshrl.u32 s6, $0x3  }
0xe: {  	s13 =	sshrl.u32 s11, $0x1;
	s9 =	sadd.s32 s9, s5;
	s28 =	sadd.s32 s6, s3  }
0xf: {  	s10 =	sadd.s32 s10, s5;
	s11 =	ssub.s32 s11, s13;
	s29 =	sadd.s32 s14, s12  }
0x10: {  	s7 =	sadd.s32 s7, s9;
	s9 =	simm.s32 $0x5;
	s12 =	simm.s32 $0xC38  }
0x11: {  	s13 =	simm.s32 $0x80;
	s14 =	simm.s32 $0xE38;
	s5 =	sadd.s32 $0x5400, s10  }
0x12: {  	s6 =	smax.u32 s11, $0x1;
	s30 =	sshrl.u32 s29, $0x3;
	s7 =	sadd.s32 $0x1E400, s7  }
0x13: {  	s10 =	sor.u32 $0x1C05, s31;
	s11 =	sshrl.u32 s28, $0x3;
	s8 =	sadd.s32 s30, s8  }
.LBB2_1:
0x14: {  	[tilespmem:s4], [sflag:$0x5] =	stream.linear.gather [hbm4b:s1+s4], $0xC38, $0x38;
	[tilespmem:$0x1D838] =	vst v63  }
0x15: {  	_ =	swait.ge [sflag:s9], $0xC38  }
0x16: {  	[sflag:s9] =	ssyncset.done $0x0  }
0x17: {  	[sflag:s9] =	ssyncadd.s32 $0xFFFFF3C8  }
0x18: {  	[spmem:s11], [sflag:s10] =	dma.local [hbm:s5], $0x1900  }
0x19: {  	_ =	swait.ge [sflag:s9], $0x1900  }
0x1a: {  	[sflag:s9] =	ssyncset.done $0x0  }
0x1b: {  	[sflag:s9] =	ssyncadd.s32 $0xFFFFE700  }
0x1c: {  	s28 =	sadd.s32 $0x0, s8;
	[bflag:$0x0] =	sbarrier.arrive $0xFFFF  }
0x1d: {  	[tilespmem:s12], [sflag:$0x5] =	stream.linear.gather [hbm4b:s28+s4], $0x200, $0x38;
	[tilespmem:$0x1D838] =	vst v63  }
0x1e: {  	_ =	swait.ge [sflag:s9], $0x200  }
0x1f: {  	[sflag:s9] =	ssyncset.done $0x0  }
0x20: {  	[sflag:s9] =	ssyncadd.s32 $0xFFFFFE00  }
0x21: {  	v0 =	vld [tilespmem:$0xC38];
	_ =	sdelay $0x5  }
0x22: {  	v1 =	vld [tilespmem:$0xC48];
	_ =	sdelay $0x1  }
0x23: {  	v0 =	vld.idx.msk [tilespmem:v0+s4+$0x0], $0xffff;
	_ =	sdelay $0x3  }
0x24: {  	v2 =	vld [tilespmem:$0xC58]  }
0x25: {  	[tilespmem:$0xE38] =	vst v0  }
0x26: {  	v0 =	vld.idx.msk [tilespmem:v1+s4+$0x0], $0xffff;
	_ =	sdelay $0x3  }
0x27: {  	v35 =	vld [tilespmem:$0xC68]  }
0x28: {  	[tilespmem:$0xE48] =	vst v0  }
0x29: {  	v0 =	vld.idx.msk [tilespmem:v2+s4+$0x0], $0xffff;
	_ =	sdelay $0x3  }
0x2a: {  	v36 =	vld [tilespmem:$0xC78]  }
0x2b: {  	[tilespmem:$0xE58] =	vst v0  }
0x2c: {  	v0 =	vld.idx.msk [tilespmem:v35+s4+$0x0], $0xffff;
	_ =	sdelay $0x3  }
0x2d: {  	v37 =	vld [tilespmem:$0xC88]  }
0x2e: {  	[tilespmem:$0xE68] =	vst v0  }
0x2f: {  	v0 =	vld.idx.msk [tilespmem:v36+s4+$0x0], $0xffff;
	_ =	sdelay $0x3  }
0x30: {  	v38 =	vld [tilespmem:$0xC98]  }
0x31: {  	[tilespmem:$0xE78] =	vst v0  }
0x32: {  	v0 =	vld.idx.msk [tilespmem:v37+s4+$0x0], $0xffff;
	_ =	sdelay $0x3  }
0x33: {  	v39 =	vld [tilespmem:$0xCA8]  }
0x34: {  	[tilespmem:$0xE88] =	vst v0  }
0x35: {  	v0 =	vld.idx.msk [tilespmem:v38+s4+$0x0], $0xffff;
	_ =	sdelay $0x3  }
0x36: {  	v40 =	vld [tilespmem:$0xCB8]  }
0x37: {  	[tilespmem:$0xE98] =	vst v0  }
0x38: {  	v0 =	vld.idx.msk [tilespmem:v39+s4+$0x0], $0xffff;
	_ =	sdelay $0x3  }
0x39: {  	v41 =	vld [tilespmem:$0xCC8]  }
0x3a: {  	[tilespmem:$0xEA8] =	vst v0  }
0x3b: {  	v0 =	vld.idx.msk [tilespmem:v40+s4+$0x0], $0xffff;
	_ =	sdelay $0x3  }
0x3c: {  	v42 =	vld [tilespmem:$0xCD8]  }
0x3d: {  	[tilespmem:$0xEB8] =	vst v0  }
0x3e: {  	v0 =	vld.idx.msk [tilespmem:v41+s4+$0x0], $0xffff;
	_ =	sdelay $0x3  }
0x3f: {  	v43 =	vld [tilespmem:$0xCE8]  }
0x40: {  	[tilespmem:$0xEC8] =	vst v0  }
0x41: {  	v0 =	vld.idx.msk [tilespmem:v42+s4+$0x0], $0xffff;
	_ =	sdelay $0x3  }
0x42: {  	v44 =	vld [tilespmem:$0xCF8]  }
0x43: {  	[tilespmem:$0xED8] =	vst v0  }
0x44: {  	v0 =	vld.idx.msk [tilespmem:v43+s4+$0x0], $0xffff;
	_ =	sdelay $0x3  }
0x45: {  	v45 =	vld [tilespmem:$0xD08]  }
0x46: {  	[tilespmem:$0xEE8] =	vst v0  }
0x47: {  	v0 =	vld.idx.msk [tilespmem:v44+s4+$0x0], $0xffff;
	_ =	sdelay $0x3  }
0x48: {  	v46 =	vld [tilespmem:$0xD18]  }
0x49: {  	[tilespmem:$0xEF8] =	vst v0  }
0x4a: {  	v0 =	vld.idx.msk [tilespmem:v45+s4+$0x0], $0xffff;
	_ =	sdelay $0x3  }
0x4b: {  	v47 =	vld [tilespmem:$0xD28]  }
0x4c: {  	[tilespmem:$0xF08] =	vst v0  }
0x4d: {  	v0 =	vld.idx.msk [tilespmem:v46+s4+$0x0], $0xffff;
	_ =	sdelay $0x3  }
0x4e: {  	v48 =	vld [tilespmem:$0xD38]  }
0x4f: {  	[tilespmem:$0xF18] =	vst v0  }
0x50: {  	v0 =	vld.idx.msk [tilespmem:v47+s4+$0x0], $0xffff;
	_ =	sdelay $0x3  }
0x51: {  	v49 =	vld [tilespmem:$0xD48]  }
0x52: {  	[tilespmem:$0xF28] =	vst v0  }
0x53: {  	v0 =	vld.idx.msk [tilespmem:v48+s4+$0x0], $0xffff;
	_ =	sdelay $0x3  }
0x54: {  	v50 =	vld [tilespmem:$0xD58]  }
0x55: {  	[tilespmem:$0xF38] =	vst v0  }
0x56: {  	v0 =	vld.idx.msk [tilespmem:v49+s4+$0x0], $0xffff;
	_ =	sdelay $0x3  }
0x57: {  	v51 =	vld [tilespmem:$0xD68]  }
0x58: {  	[tilespmem:$0xF48] =	vst v0  }
0x59: {  	v0 =	vld.idx.msk [tilespmem:v50+s4+$0x0], $0xffff;
	_ =	sdelay $0x3  }
0x5a: {  	v52 =	vld [tilespmem:$0xD78]  }
0x5b: {  	[tilespmem:$0xF58] =	vst v0  }
0x5c: {  	v0 =	vld.idx.msk [tilespmem:v51+s4+$0x0], $0xffff;
	_ =	sdelay $0x3  }
0x5d: {  	v53 =	vld [tilespmem:$0xD88]  }
0x5e: {  	[tilespmem:$0xF68] =	vst v0  }
0x5f: {  	v0 =	vld.idx.msk [tilespmem:v52+s4+$0x0], $0xffff;
	_ =	sdelay $0x3  }
0x60: {  	v54 =	vld [tilespmem:$0xD98]  }
0x61: {  	[tilespmem:$0xF78] =	vst v0  }
0x62: {  	v0 =	vld.idx.msk [tilespmem:v53+s4+$0x0], $0xffff;
	_ =	sdelay $0x3  }
0x63: {  	v55 =	vld [tilespmem:$0xDA8]  }
0x64: {  	[tilespmem:$0xF88] =	vst v0  }
0x65: {  	v0 =	vld.idx.msk [tilespmem:v54+s4+$0x0], $0xffff;
	_ =	sdelay $0x3  }
0x66: {  	v56 =	vld [tilespmem:$0xDB8]  }
0x67: {  	[tilespmem:$0xF98] =	vst v0  }
0x68: {  	v0 =	vld.idx.msk [tilespmem:v55+s4+$0x0], $0xffff;
	_ =	sdelay $0x3  }
0x69: {  	v57 =	vld [tilespmem:$0xDC8]  }
0x6a: {  	[tilespmem:$0xFA8] =	vst v0  }
0x6b: {  	v0 =	vld.idx.msk [tilespmem:v56+s4+$0x0], $0xffff;
	_ =	sdelay $0x3  }
0x6c: {  	v58 =	vld [tilespmem:$0xDD8]  }
0x6d: {  	[tilespmem:$0xFB8] =	vst v0  }
0x6e: {  	v0 =	vld.idx.msk [tilespmem:v57+s4+$0x0], $0xffff;
	_ =	sdelay $0x3  }
0x6f: {  	v59 =	vld [tilespmem:$0xDE8]  }
0x70: {  	[tilespmem:$0xFC8] =	vst v0  }
0x71: {  	v0 =	vld.idx.msk [tilespmem:v58+s4+$0x0], $0xffff;
	_ =	sdelay $0x3  }
0x72: {  	v60 =	vld [tilespmem:$0xDF8]  }
0x73: {  	[tilespmem:$0xFD8] =	vst v0  }
0x74: {  	v0 =	vld.idx.msk [tilespmem:v59+s4+$0x0], $0xffff;
	_ =	sdelay $0x3  }
0x75: {  	v61 =	vld [tilespmem:$0xE08]  }
0x76: {  	[tilespmem:$0xFE8] =	vst v0  }
0x77: {  	v0 =	vld.idx.msk [tilespmem:v60+s4+$0x0], $0xffff;
	_ =	sdelay $0x3  }
0x78: {  	v62 =	vld [tilespmem:$0xE18]  }
0x79: {  	[tilespmem:$0xFF8] =	vst v0  }
0x7a: {  	v0 =	vld.idx.msk [tilespmem:v61+s4+$0x0], $0xffff;
	_ =	sdelay $0x3  }
0x7b: {  	v63 =	vld [tilespmem:$0xE28]  }
0x7c: {  	[tilespmem:$0x1008] =	vst v0  }
0x7d: {  	v0 =	vld.idx.msk [tilespmem:v62+s4+$0x0], $0xffff;
	_ =	sdelay $0x4  }
0x7e: {  	[tilespmem:$0x1018] =	vst v0  }
0x7f: {  	v0 =	vld.idx.msk [tilespmem:v63+s4+$0x0], $0xffff;
	_ =	sdelay $0x4  }
0x80: {  	[tilespmem:$0x1028] =	vst v0  }
0x81: {  	[tilespmem:s15], [sflag:$0x1] =	stream.indirect.gather [spmem:s3], $0x80, s14, s13, $0xb8;
	[tilespmem:$0x1D838] =	vst v63  }
0x82: {  	_ = 	snop  }
0x83: {  	[tilespmem:s17], [sflag:$0x2] =	stream.indirect.gather [spmem:s3], $0x80, s16, s13, $0xb8;
	[tilespmem:$0x1D838] =	vst v63  }
0x84: {  	_ = 	snop  }
0x85: {  	[tilespmem:s19], [sflag:$0x3] =	stream.indirect.gather [spmem:s3], $0x80, s18, s13, $0xb8;
	[tilespmem:$0x1D838] =	vst v63  }
0x86: {  	_ = 	snop  }
0x87: {  	[tilespmem:s21], [sflag:$0x4] =	stream.indirect.gather [spmem:s3], $0x80, s20, s13, $0xb8;
	[tilespmem:$0x1D838] =	vst v63  }
0x88: {  	_ =	swait.ge [sflag:s22], $0x4000  }
0x89: {  	[sflag:s22] =	ssyncset.done $0x0  }
0x8a: {  	[sflag:s22] =	ssyncadd.s32 $0xFFFFC000  }
0x8b: {  	_ =	swait.ge [sflag:s23], $0x4000  }
0x8c: {  	[sflag:s23] =	ssyncset.done $0x0  }
0x8d: {  	[sflag:s23] =	ssyncadd.s32 $0xFFFFC000  }
0x8e: {  	_ =	swait.ge [sflag:s24], $0x4000  }
0x8f: {  	[sflag:s24] =	ssyncset.done $0x0  }
0x90: {  	[sflag:s24] =	ssyncadd.s32 $0xFFFFC000  }
0x91: {  	_ =	swait.ge [sflag:s25], $0x4000  }
0x92: {  	[sflag:s25] =	ssyncset.done $0x0  }
0x93: {  	[sflag:s25] =	ssyncadd.s32 $0xFFFFC000  }
0x94: {  	[hbm4b:s7+s4] =	stream.linear.scatter [tilespmem:s15], [sflag:$0x5], $0x10000, $0x38;
	[tilespmem:$0x1D838] =	vst v63  }
0x95: {  	_ =	swait.ge [sflag:s9], $0x10000  }
0x96: {  	s29 =	smov.u32 s7;
	s28 =	simm.s32 $0x40;
	[sflag:s9] =	ssyncset.done $0x0  }
.LBB2_2:
0x97: {  	p0 =	sne.s32 s28, $0x80;
	[sflag:s9] =	ssyncadd.s32 $0xFFFF0000;
	s29 =	sadd.s32 $0x2000, s29  }
0x98: {  	s30 =	sadd.s32 s28, s8;
	s28 =	sadd.s32 $0x40, s28  }
0x99: {  	[tilespmem:s12], [sflag:$0x5] =	stream.linear.gather [hbm4b:s30+s4], $0x200, $0x38;
	[tilespmem:$0x1D838] =	vst v63  }
0x9a: {  	_ =	swait.ge [sflag:s9], $0x200  }
0x9b: {  	[sflag:s9] =	ssyncset.done $0x0  }
0x9c: {  	[sflag:s9] =	ssyncadd.s32 $0xFFFFFE00  }
0x9d: {  	v0 =	vld [tilespmem:$0xC38];
	_ =	sdelay $0x6  }
0x9e: {  	v1 =	vld [tilespmem:$0xC48]  }
0x9f: {  	v0 =	vld.idx.msk [tilespmem:v0+s4+$0x0], $0xffff;
	_ =	sdelay $0x5  }
0xa0: {  	[tilespmem:$0xE38] =	vst v0;
	v0 =	vld [tilespmem:$0xC58]  }
0xa1: {  	v1 =	vld.idx.msk [tilespmem:v1+s4+$0x0], $0xffff;
	_ =	sdelay $0x5  }
0xa2: {  	[tilespmem:$0xE48] =	vst v1;
	v1 =	vld [tilespmem:$0xC68]  }
0xa3: {  	v0 =	vld.idx.msk [tilespmem:v0+s4+$0x0], $0xffff;
	_ =	sdelay $0x5  }
0xa4: {  	[tilespmem:$0xE58] =	vst v0;
	v0 =	vld [tilespmem:$0xC78]  }
0xa5: {  	v1 =	vld.idx.msk [tilespmem:v1+s4+$0x0], $0xffff;
	_ =	sdelay $0x5  }
0xa6: {  	[tilespmem:$0xE68] =	vst v1;
	v1 =	vld [tilespmem:$0xC88]  }
0xa7: {  	v0 =	vld.idx.msk [tilespmem:v0+s4+$0x0], $0xffff;
	_ =	sdelay $0x5  }
0xa8: {  	[tilespmem:$0xE78] =	vst v0;
	v0 =	vld [tilespmem:$0xC98]  }
0xa9: {  	v1 =	vld.idx.msk [tilespmem:v1+s4+$0x0], $0xffff;
	_ =	sdelay $0x5  }
0xaa: {  	[tilespmem:$0xE88] =	vst v1;
	v1 =	vld [tilespmem:$0xCA8]  }
0xab: {  	v0 =	vld.idx.msk [tilespmem:v0+s4+$0x0], $0xffff;
	_ =	sdelay $0x5  }
0xac: {  	[tilespmem:$0xE98] =	vst v0;
	v0 =	vld [tilespmem:$0xCB8]  }
0xad: {  	v1 =	vld.idx.msk [tilespmem:v1+s4+$0x0], $0xffff;
	_ =	sdelay $0x5  }
0xae: {  	[tilespmem:$0xEA8] =	vst v1;
	v1 =	vld [tilespmem:$0xCC8]  }
0xaf: {  	v0 =	vld.idx.msk [tilespmem:v0+s4+$0x0], $0xffff;
	_ =	sdelay $0x5  }
0xb0: {  	[tilespmem:$0xEB8] =	vst v0;
	v0 =	vld [tilespmem:$0xCD8]  }
0xb1: {  	v1 =	vld.idx.msk [tilespmem:v1+s4+$0x0], $0xffff;
	_ =	sdelay $0x5  }
0xb2: {  	[tilespmem:$0xEC8] =	vst v1;
	v1 =	vld [tilespmem:$0xCE8]  }
0xb3: {  	v0 =	vld.idx.msk [tilespmem:v0+s4+$0x0], $0xffff;
	_ =	sdelay $0x5  }
0xb4: {  	[tilespmem:$0xED8] =	vst v0;
	v0 =	vld [tilespmem:$0xCF8]  }
0xb5: {  	v1 =	vld.idx.msk [tilespmem:v1+s4+$0x0], $0xffff;
	_ =	sdelay $0x5  }
0xb6: {  	[tilespmem:$0xEE8] =	vst v1;
	v1 =	vld [tilespmem:$0xD08]  }
0xb7: {  	v0 =	vld.idx.msk [tilespmem:v0+s4+$0x0], $0xffff;
	_ =	sdelay $0x5  }
0xb8: {  	[tilespmem:$0xEF8] =	vst v0;
	v0 =	vld [tilespmem:$0xD18]  }
0xb9: {  	v1 =	vld.idx.msk [tilespmem:v1+s4+$0x0], $0xffff;
	_ =	sdelay $0x5  }
0xba: {  	[tilespmem:$0xF08] =	vst v1;
	v1 =	vld [tilespmem:$0xD28]  }
0xbb: {  	v0 =	vld.idx.msk [tilespmem:v0+s4+$0x0], $0xffff;
	_ =	sdelay $0x5  }
0xbc: {  	[tilespmem:$0xF18] =	vst v0;
	v0 =	vld [tilespmem:$0xD38]  }
0xbd: {  	v1 =	vld.idx.msk [tilespmem:v1+s4+$0x0], $0xffff;
	_ =	sdelay $0x5  }
0xbe: {  	[tilespmem:$0xF28] =	vst v1;
	v1 =	vld [tilespmem:$0xD48]  }
0xbf: {  	v0 =	vld.idx.msk [tilespmem:v0+s4+$0x0], $0xffff;
	_ =	sdelay $0x5  }
0xc0: {  	[tilespmem:$0xF38] =	vst v0;
	v0 =	vld [tilespmem:$0xD58]  }
0xc1: {  	v1 =	vld.idx.msk [tilespmem:v1+s4+$0x0], $0xffff;
	_ =	sdelay $0x5  }
0xc2: {  	[tilespmem:$0xF48] =	vst v1;
	v1 =	vld [tilespmem:$0xD68]  }
0xc3: {  	v0 =	vld.idx.msk [tilespmem:v0+s4+$0x0], $0xffff;
	_ =	sdelay $0x5  }
0xc4: {  	[tilespmem:$0xF58] =	vst v0;
	v0 =	vld [tilespmem:$0xD78]  }
0xc5: {  	v1 =	vld.idx.msk [tilespmem:v1+s4+$0x0], $0xffff;
	_ =	sdelay $0x5  }
0xc6: {  	[tilespmem:$0xF68] =	vst v1;
	v1 =	vld [tilespmem:$0xD88]  }
0xc7: {  	v0 =	vld.idx.msk [tilespmem:v0+s4+$0x0], $0xffff;
	_ =	sdelay $0x5  }
0xc8: {  	[tilespmem:$0xF78] =	vst v0;
	v0 =	vld [tilespmem:$0xD98]  }
0xc9: {  	v1 =	vld.idx.msk [tilespmem:v1+s4+$0x0], $0xffff;
	_ =	sdelay $0x5  }
0xca: {  	[tilespmem:$0xF88] =	vst v1;
	v1 =	vld [tilespmem:$0xDA8]  }
0xcb: {  	v0 =	vld.idx.msk [tilespmem:v0+s4+$0x0], $0xffff;
	_ =	sdelay $0x5  }
0xcc: {  	[tilespmem:$0xF98] =	vst v0;
	v0 =	vld [tilespmem:$0xDB8]  }
0xcd: {  	v1 =	vld.idx.msk [tilespmem:v1+s4+$0x0], $0xffff;
	_ =	sdelay $0x5  }
0xce: {  	[tilespmem:$0xFA8] =	vst v1;
	v1 =	vld [tilespmem:$0xDC8]  }
0xcf: {  	v0 =	vld.idx.msk [tilespmem:v0+s4+$0x0], $0xffff;
	_ =	sdelay $0x5  }
0xd0: {  	[tilespmem:$0xFB8] =	vst v0;
	v0 =	vld [tilespmem:$0xDD8]  }
0xd1: {  	v1 =	vld.idx.msk [tilespmem:v1+s4+$0x0], $0xffff;
	_ =	sdelay $0x5  }
0xd2: {  	[tilespmem:$0xFC8] =	vst v1;
	v1 =	vld [tilespmem:$0xDE8]  }
0xd3: {  	v0 =	vld.idx.msk [tilespmem:v0+s4+$0x0], $0xffff;
	_ =	sdelay $0x5  }
0xd4: {  	[tilespmem:$0xFD8] =	vst v0;
	v0 =	vld [tilespmem:$0xDF8]  }
0xd5: {  	v1 =	vld.idx.msk [tilespmem:v1+s4+$0x0], $0xffff;
	_ =	sdelay $0x5  }
0xd6: {  	[tilespmem:$0xFE8] =	vst v1;
	v1 =	vld [tilespmem:$0xE08]  }
0xd7: {  	v0 =	vld.idx.msk [tilespmem:v0+s4+$0x0], $0xffff;
	_ =	sdelay $0x5  }
0xd8: {  	[tilespmem:$0xFF8] =	vst v0;
	v0 =	vld [tilespmem:$0xE18]  }
0xd9: {  	v1 =	vld.idx.msk [tilespmem:v1+s4+$0x0], $0xffff;
	_ =	sdelay $0x5  }
0xda: {  	[tilespmem:$0x1008] =	vst v1;
	v1 =	vld [tilespmem:$0xE28]  }
0xdb: {  	v0 =	vld.idx.msk [tilespmem:v0+s4+$0x0], $0xffff;
	_ =	sdelay $0x5  }
0xdc: {  	[tilespmem:$0x1018] =	vst v0  }
0xdd: {  	v0 =	vld.idx.msk [tilespmem:v1+s4+$0x0], $0xffff;
	_ =	sdelay $0x5  }
0xde: {  	[tilespmem:$0x1028] =	vst v0  }
0xdf: {  	[tilespmem:s15], [sflag:$0x1] =	stream.indirect.gather [spmem:s3], $0x80, s14, s13, $0xb8;
	[tilespmem:$0x1D838] =	vst v63  }
0xe0: {  	_ = 	snop  }
0xe1: {  	[tilespmem:s17], [sflag:$0x2] =	stream.indirect.gather [spmem:s3], $0x80, s16, s13, $0xb8;
	[tilespmem:$0x1D838] =	vst v63  }
0xe2: {  	_ = 	snop  }
0xe3: {  	[tilespmem:s19], [sflag:$0x3] =	stream.indirect.gather [spmem:s3], $0x80, s18, s13, $0xb8;
	[tilespmem:$0x1D838] =	vst v63  }
0xe4: {  	_ = 	snop  }
0xe5: {  	[tilespmem:s21], [sflag:$0x4] =	stream.indirect.gather [spmem:s3], $0x80, s20, s13, $0xb8;
	[tilespmem:$0x1D838] =	vst v63  }
0xe6: {  	_ =	swait.ge [sflag:s22], $0x4000  }
0xe7: {  	[sflag:s22] =	ssyncset.done $0x0  }
0xe8: {  	[sflag:s22] =	ssyncadd.s32 $0xFFFFC000  }
0xe9: {  	_ =	swait.ge [sflag:s23], $0x4000  }
0xea: {  	[sflag:s23] =	ssyncset.done $0x0  }
0xeb: {  	[sflag:s23] =	ssyncadd.s32 $0xFFFFC000  }
0xec: {  	_ =	swait.ge [sflag:s24], $0x4000  }
0xed: {  	[sflag:s24] =	ssyncset.done $0x0  }
0xee: {  	[sflag:s24] =	ssyncadd.s32 $0xFFFFC000  }
0xef: {  	_ =	swait.ge [sflag:s25], $0x4000  }
.Ltmp0:
0xf0: {  	[sflag:s25] =	ssyncset.done $0x0;
	(pc) =	sbr.rel @p0 .LBB2_2-.Ltmp0, $4  }
0xf1: {  	[sflag:s25] =	ssyncadd.s32 $0xFFFFC000  }
0xf2: {  	[hbm4b:s29+s4] =	stream.linear.scatter [tilespmem:s15], [sflag:$0x5], $0x10000, $0x38;
	[tilespmem:$0x1D838] =	vst v63  }
0xf3: {  	_ =	swait.ge [sflag:s9], $0x10000  }
0xf4: {  	[sflag:s9] =	ssyncset.done $0x0  }
0xf5: {  	s26 =	sadd.s32 $0x1, s26  }
0xf6: {  	p0 =	sne.s32 s26, s6  }
.Ltmp1:
0xf7: {  	_ = 	snop;
	(pc) =	sbr.rel @p0 .LBB2_1-.Ltmp1, $2  }
0xf8: {  	_ =	sdelay $0x2  }
0xf9: {  	[sflag:s9] =	ssyncadd.s32 $0xFFFF0000  }
0xfa: {  	_ =	sfence.sel $0x180000  }
0xfb: {  	[bflag:$0x0] =	sbarrier.arrive $0xFFFF  }
0xfc: {  	p0 =	sne.s32 s2, $0x0;
	_ =	strace $0x90000047  }
0xfd: {  	s0 =	sadd.s32 @!p0 $0x100000, s0;
	[bflag:$0x2] =	sbarrier.arrive $0xFFFF  }
0xfe: {  	[sflag:s0] =	ssyncadd.tile.s32 @!p0 $0x1;
	_ =	shalt  }
.Lfunc_end2:
_tile_overlayer_lowered:
.L_overlay_start_2:
0xff: {  	(tag) =	ssettag $0x2  }
0x100: {  	s0 =	rddreg [dreg:$0x0];
	s2 =	stileid.u32  }
0x101: {  	s1 =	rddreg [dreg:$0x1];
	p0 =	sne.s32 s2, $0x0  }
0x102: {  	s3 =	rddreg [dreg:$0x2];
	[bflag:$0x3] =	sbarrier.arrive $0xFFFF;
	s2 =	simm.s32 @!p0 $0x1C05  }
0x103: {  	[timem:s3], [sflag:s2] =	dma.local @!p0 [hbm:s0], s1  }
0x104: {  	s0 =	simm.s32 @!p0 $0x5  }
0x105: {  	_ =	swait.ge @!p0 [sflag:s0], s1  }
0x106: {  	s1 =	ssub.s32 @!p0 $0x0, s1;
	[sflag:s0] =	ssyncset.done @!p0 $0x0  }
0x107: {  	[sflag:s0] =	ssyncadd.s32 @!p0 s1  }
0x108: {  	[bflag:$0x3] =	sbarrier.arrive $0xFFFF  }
0x109: {  	_ =	shalt  }

// kernel: kernel.18.cloned.1.call-start
scs
__scs_entry_jumppad:
0x0: {  	(pc) =	sbr.rel $0x88, $3  }
0x1: {  	(tag) =	ssettag $0x0;
	lr =	simm.s32 $0x1  }
0x2: {  	[smem:$0x3F8B] =	sst lr;
	_ =	strace $0xD0000000  }
0x3: {  	_ = 	snop  }
0x4: {  	_ = 	snop  }
0x5: {  	_ = 	snop  }
0x6: {  	_ = 	snop  }
0x7: {  	_ = 	snop  }
__scs_overlays_trampoline_lowered:
0x8: {  	[smem:$0x3F9A] =	sst s0  }
0x9: {  	[smem:$0x3F9B] =	sst s1  }
0xa: {  	[smem:$0x3F9C] =	sst s2  }
0xb: {  	[smem:$0x3F9D] =	sst s3  }
0xc: {  	[smem:$0x3F9E] =	sst s4  }
0xd: {  	[smem:$0x3F9F] =	sst s5  }
0xe: {  	[smem:$0x3FA0] =	sst s6  }
0xf: {  	[smem:$0x3FA1] =	sst s7  }
0x10: {  	[smem:$0x3FA2] =	sst s8  }
0x11: {  	[smem:$0x3FA3] =	sst s9;
	s0 =	simm.s32 @!p0 $0x0  }
0x12: {  	s1 =	sld [smem:$0x3F89];
	s0 =	simm.s32 @p0 $0x1  }
0x13: {  	[smem:$0x3FA4] =	sst s0;
	s0 =	simm.s32 @!p1 $0x0  }
0x14: {  	s2 =	sld [smem:$0x3F88];
	s0 =	simm.s32 @p1 $0x1  }
0x15: {  	[smem:$0x3FA5] =	sst s0;
	s0 =	simm.s32 @!p2 $0x0  }
0x16: {  	s3 =	sld [smem:$0x3FDB];
	s0 =	simm.s32 @p2 $0x1  }
0x17: {  	s4 =	simm.s32 $0x1BF5;
	[smem:$0x3FA7] =	sst s0  }
0x18: {  	s0 =	sld [smem:$0x3F8A];
	_ =	swait.ge [sflag:s4], $0x0  }
0x19: {  	s7 =	sld [smem:$0x3F8B]  }
0x1a: {  	s8 =	sadd.s32 $0xFFFFE003, lr  }
0x1b: {  	s9 =	sadd.s32 $0xFFFFFEF7, lr;
	s5 =	simm.s32 $0xFFFFFFFF;
	p2 =	slt.u32 s8, $0xFFFFF086  }
0x1c: {  	p1 =	slt.u32 s9, $0xF7A;
	s5 =	simm.s32 @!p2 $0x0  }
0x1d: {  	s5 =	simm.s32 @p1 $0x1;
	p0 =	seq.s32 s7, s2  }
0x1e: {  	s7 =	smul.u32 @!p0 $0xF7A, s2;
	p2 =	seq.s32 @!p0 s5, $0x0  }
0x1f: {  	s9 =	smul.u32 $0xF7A, s1;
	s8 =	simm.s32 @!p0 $0x1BF5;
	p2 =	por !p2, p0  }
0x20: {  	[sflag:s8] =	ssyncset.s32 @!p0 $0xFFFFF086;
	s6 =	sadd.s32 @!p0 s3, s7;
	s7 =	simm.s32 @!p0 $0x108  }
0x21: {  	s3 =	sadd.s32 s3, s9;
	s6 =	sadd.s32 @!p0 $0x88, s6;
	s7 =	simm.s32 @p2 $0x1082  }
0x22: {  	[simem:s7], [sflag:s8] =	dma.local @!p0 [hbm:s6], $0xF7A  }
0x23: {  	s9 =	sor.u32 $0xD0000000, s2;
	s6 =	simm.s32 $0x108;
	_ =	swait.ge @!p0 [sflag:s8], $0x0  }
0x24: {  	s3 =	sadd.s32 $0x88, s3;
	s6 =	simm.s32 @!p1 $0x1082;
	[sflag:s4] =	ssyncset.s32 $0xFFFFF086  }
0x25: {  	[simem:s6], [sflag:s4] =	dma.local [hbm:s3], $0xF7A  }
0x26: {  	[smem:$0x3F8B] =	sst s1;
	(tag) =	ssettag s2;
	_ =	strace s9  }
0x27: {  	s1 =	sld [smem:$0x3F9B]  }
0x28: {  	s2 =	sld [smem:$0x3F9C]  }
0x29: {  	s4 =	sld [smem:$0x3F9E]  }
0x2a: {  	p0 =	seq.s32 s5, $0x0;
	s5 =	sld [smem:$0x3F9F]  }
0x2b: {  	s6 =	sld [smem:$0x3FA0]  }
0x2c: {  	s7 =	sld [smem:$0x3FA1]  }
0x2d: {  	s3 =	simm.s32 $0x108;
	s8 =	sld [smem:$0x3FA2]  }
0x2e: {  	s3 =	simm.s32 @!p0 $0x1082;
	s9 =	sld [smem:$0x3FA3]  }
0x2f: {  	lr =	sadd.s32 s0, s3;
	s0 =	sld [smem:$0x3F9A]  }
0x30: {  	s3 =	sld [smem:$0x3F9D]  }
0x31: {  	[smem:$0x3FA6] =	sst s10  }
0x32: {  	s10 =	sld [smem:$0x3FA4];
	_ =	sdelay $0x3  }
0x33: {  	p0 =	seq.s32 s10, $0x1;
	s10 =	sld [smem:$0x3FA6];
	_ =	sdelay $0x3  }
0x34: {  	[smem:$0x3FA6] =	sst s10  }
0x35: {  	s10 =	sld [smem:$0x3FA5];
	_ =	sdelay $0x3  }
0x36: {  	p1 =	seq.s32 s10, $0x1;
	s10 =	sld [smem:$0x3FA6];
	_ =	sdelay $0x3  }
0x37: {  	[smem:$0x3FA6] =	sst s10  }
0x38: {  	s10 =	sld [smem:$0x3FA7]  }
0x39: {  	_ = 	snop;
	(pc) =	sbr.ind lr, $3  }
0x3a: {  	_ = 	snop  }
0x3b: {  	_ = 	snop  }
0x3c: {  	p2 =	seq.s32 s10, $0x1;
	s10 =	sld [smem:$0x3FA6]  }
0x3d: {  	_ =	shalt  }
0x3e: {  	_ =	shalt  }
0x3f: {  	_ =	shalt  }
0x40: {  	_ =	shalt  }
0x41: {  	_ =	shalt  }
0x42: {  	_ =	shalt  }
0x43: {  	_ =	shalt  }
0x44: {  	_ =	shalt  }
0x45: {  	_ =	shalt  }
0x46: {  	_ =	shalt  }
0x47: {  	_ =	shalt  }
0x48: {  	_ =	shalt  }
0x49: {  	_ =	shalt  }
0x4a: {  	_ =	shalt  }
0x4b: {  	_ =	shalt  }
0x4c: {  	_ =	shalt  }
0x4d: {  	_ =	shalt  }
0x4e: {  	_ =	shalt  }
0x4f: {  	_ =	shalt  }
0x50: {  	_ =	shalt  }
0x51: {  	_ =	shalt  }
0x52: {  	_ =	shalt  }
0x53: {  	_ =	shalt  }
0x54: {  	_ =	shalt  }
0x55: {  	_ =	shalt  }
0x56: {  	_ =	shalt  }
0x57: {  	_ =	shalt  }
0x58: {  	_ =	shalt  }
0x59: {  	_ =	shalt  }
0x5a: {  	_ =	shalt  }
0x5b: {  	_ =	shalt  }
0x5c: {  	_ =	shalt  }
0x5d: {  	_ =	shalt  }
0x5e: {  	_ =	shalt  }
0x5f: {  	_ =	shalt  }
0x60: {  	_ =	shalt  }
0x61: {  	_ =	shalt  }
0x62: {  	_ =	shalt  }
0x63: {  	_ =	shalt  }
0x64: {  	_ =	shalt  }
0x65: {  	_ =	shalt  }
0x66: {  	_ =	shalt  }
0x67: {  	_ =	shalt  }
0x68: {  	_ =	shalt  }
0x69: {  	_ =	shalt  }
0x6a: {  	_ =	shalt  }
0x6b: {  	_ =	shalt  }
0x6c: {  	_ =	shalt  }
0x6d: {  	_ =	shalt  }
0x6e: {  	_ =	shalt  }
0x6f: {  	_ =	shalt  }
0x70: {  	_ =	shalt  }
0x71: {  	_ =	shalt  }
0x72: {  	_ =	shalt  }
0x73: {  	_ =	shalt  }
0x74: {  	_ =	shalt  }
0x75: {  	_ =	shalt  }
0x76: {  	_ =	shalt  }
0x77: {  	_ =	shalt  }
0x78: {  	_ =	shalt  }
0x79: {  	_ =	shalt  }
0x7a: {  	_ =	shalt  }
0x7b: {  	_ =	shalt  }
0x7c: {  	_ =	shalt  }
0x7d: {  	_ =	shalt  }
0x7e: {  	_ =	shalt  }
0x7f: {  	_ =	shalt  }
0x80: {  	_ =	shalt  }
0x81: {  	_ =	shalt  }
0x82: {  	_ =	shalt  }
0x83: {  	_ =	shalt  }
0x84: {  	_ =	shalt  }
0x85: {  	_ =	shalt  }
0x86: {  	_ =	shalt  }
0x87: {  	_ =	shalt  }
.Lfunc_end0:
.L_simem_size_0:
called_computation.1_lowered:
.L_overlay_start_0:
0x88: {  	s2 =	sld [smem:$0x3FD9]  }
0x89: {  	s3 =	sld [smem:$0x3FFE];
	_ =	sdelay $0x1  }
0x8a: {  	s1 =	srdreg.scid  }
0x8b: {  	s0 =	sand.u32 $0x1, s1  }
0x8c: {  	s16 =	sshll.u32 s0, $0xA;
	s2 =	sadd.s32 s3, s2  }
0x8d: {  	s2 =	sadd.s32 s2, s16  }
0x8e: {  	[smem:$0x3FB2] =	sst s2  }
0x8f: {  	_ = 	snop  }
0x90: {  	(tm) =	ssettm $0x1  }
0x91: {  	s17 =	sld [smem:$0x3FFB];
	_ =	sdelay $0x3  }
0x92: {  	_ =	strace s17  }
0x93: {  	s2 =	sld [smem:$0x3FFC];
	_ =	sdelay $0x3  }
0x94: {  	_ =	strace s2  }
0x95: {  	s2 =	sld [smem:$0x3FFD];
	_ =	sdelay $0x3  }
0x96: {  	_ =	strace s2  }
0x97: {  	_ =	strace $0x8FFFFFFF  }
0x98: {  	s18 =	sld [smem:$0x3FDB];
	_ =	sdelay $0x1  }
0x99: {  	s19 =	simm.s32 $_scs_section_size  }
0x9a: {  	s4 =	simm.s32 $_size__tile_overlayer_lowered;
	s5 =	simm.s32 $_tile_overlayer_lowered  }
0x9b: {  	s22 =	simm.s32 $0x1BFF;
	s21 =	sshll.u32 s5, $0x1;
	s2 =	sadd.s32 s19, s18  }
0x9c: {  	s6 =	simm.s32 $0x0;
	s20 =	sshll.u32 s4, $0x1;
	s4 =	sadd.s32 s21, s2  }
0x9d: {  	[timem:s6], [sflag:s22] =	dma.local [hbm:s4], s20  }
0x9e: {  	_ =	swait.ge [sflag:s22], s20  }
0x9f: {  	s3 =	ssub.s32 $0x0, s20;
	[sflag:s22] =	ssyncset.done $0x0  }
0xa0: {  	[sflag:s22] =	ssyncadd.s32 s3;
	_ =	sdelay $0x1  }
0xa1: {  	s23 =	simm.s32 $0x1B8B  }
0xa2: {  	_ =	swait.ge [sflag:s23], $0x1  }
0xa3: {  	[sflag:s23] =	ssyncset.done $0x0  }
0xa4: {  	s25 =	simm.s32 $0x1B8E;
	s24 =	sld [smem:$0x3FFE];
	[sflag:s23] =	ssyncadd.s32 $0xFFFFFFFF  }
0xa5: {  	s26 =	simm.s32 $execute0_lowered;
	[smem:$0x3FD2] =	sst s25  }
0xa6: {  	s4 =	sshll.u32 s26, $0x1;
	_ =	strace $0x80000049;
	[dreg:$0x1] =	wrdreg $0xFFFFFFFF  }
0xa7: {  	s28 =	simm.s32 $_size_execute0_lowered;
	s2 =	sadd.s32 s2, s4;
	[dreg:$0x0] =	wrdreg $0x0  }
0xa8: {  	s4 =	sshll.u32 s28, $0x1;
	[dreg:$0x2] =	wrdreg s2  }
0xa9: {  	[dreg:$0x3] =	wrdreg s4  }
0xaa: {  	[dreg:$0x4] =	wrdreg $0xC0  }
0xab: {  	_ =	task [dreg:s6], $0x5FFFF  }
0xac: {  	[dreg:$0x1] =	wrdreg $0xFFFFFFFF  }
0xad: {  	[dreg:$0x0] =	wrdreg $0x60  }
0xae: {  	[dreg:$0x2] =	wrdreg s24  }
0xaf: {  	[dreg:$0x3] =	wrdreg $0x112000  }
0xb0: {  	[dreg:$0x4] =	wrdreg $0x9  }
0xb1: {  	_ =	task.clear_ibuf [dreg:s6], $0x5FFFF;
	_ =	strace $0x90000049  }
0xb2: {  	s29 =	simm.s32 $0x9;
	_ =	strace $0x8000004B  }
0xb3: {  	_ =	swait.ge [sflag:s29], $0x1  }
0xb4: {  	[sflag:s29] =	ssyncadd.s32 $0xFFFFFFFF  }
0xb5: {  	_ =	strace $0x9000004B  }
0xb6: {  	_ =	sfence  }
0xb7: {  	s30 =	sld [smem:$0x0];
	_ =	sdelay $0x2  }
0xb8: {  	s31 =	sshll.u32 s1, $0xD;
	s1 =	sshrl.u32 s1, $0x2  }
0xb9: {  	s3 =	sand.u32 $0x4000, s31;
	s1 =	sadd.s32 s1, s30  }
0xba: {  	s0 =	sor.u32 s3, s0;
	s1 =	sshll.u32 s1, $0x11  }
0xbb: {  	s0 =	sor.u32 s1, s0  }
0xbc: {  	s0 =	sadd.s32 $0x8F2B, s0  }
0xbd: {  	[sflag:s0] =	ssyncadd.remote.s32 $0x1  }
0xbe: {  	_ =	sfence.sel $0xFFFF  }
0xbf: {  	[dreg:$0x0] =	wrdreg $0xFFFFFFFF;
	(pc) =	sbr.abs _section_cstart, $3  }
0xc0: {  	[dreg:$0x1] =	wrdreg $0xFFFFFFFF  }
0xc1: {  	_ =	task.clear_ibuf [dreg:s6], $0x2FFFF;
	_ =	strace $0x9FFFFFFF  }
0xc2: {  	(tm) =	ssettm $0x7FFFFFFF  }
0xc3: {  	_ =	shalt  }
tec
execute0_lowered:
.L_overlay_start_1:
0x0: {  	(tag) =	ssettag $0x1  }
0x1: {  	s0 =	rddreg [dreg:$0x0]  }
0x2: {  	s1 =	rddreg [dreg:$0x1];
	s3 =	srdreg.scid;
	s2 =	simm.s32 $0x0  }
0x3: {  	s10 =	stileid.u32;
	s28 =	simm.s32 $0x8000;
	s29 =	simm.s32 $0x10180  }
0x4: {  	s30 =	simm.s32 $0xC000;
	s31 =	simm.s32 $0x1;
	s3 =	sand.u32 $0x1, s3  }
0x5: {  	[smem:$0x7FF] =	sst s2;
	s5 =	sadd.s32 $0xDFC00, s0;
	s8 =	smul.u32 $0x1C000, s10  }
0x6: {  	s6 =	sadd.s32 $0xDE400, s0;
	s7 =	sshll.u32 s10, $0x1;
	s17 =	smul.u32 $0x7000, s10  }
0x7: {  	s4 =	smul.u32 $0xE000, s3;
	s16 =	ssub.s32 $0x2, s3;
	s3 =	sor.u32 s3, s7  }
0x8: {  	_ =	strace $0x8000004A;
	s9 =	sshrl.u32 s16, $0x1;
	s19 =	smul.u32 $0x6000, s3  }
0x9: {  	s18 =	sshrl.u32 s8, $0x2;
	s3 =	smul.u32 $0x600, s3;
	s23 =	sshrl.u32 s17, $0x3  }
0xa: {  	s7 =	sadd.s32 s17, s1;
	s0 =	sadd.s32 s4, s0;
	s9 =	ssub.s32 s16, s9  }
0xb: {  	s4 =	sadd.s32 s18, s1;
	s18 =	simm.s32 $0x10200;
	s0 =	sadd.s32 $0x5400, s0  }
0xc: {  	s8 =	sadd.s32 s5, s19;
	s20 =	smax.u32 s9, $0x1;
	s21 =	sadd.s32 $0x1000, s4  }
0xd: {  	s22 =	sadd.s32 $0x2000, s4;
	s9 =	sadd.s32 $0x3000, s4;
	s10 =	sadd.s32 $0x4000, s4  }
0xe: {  	s11 =	sadd.s32 $0x5000, s4;
	s12 =	sadd.s32 $0x6000, s4;
	[dreg:$0x3] =	wrdreg s8  }
0xf: {  	s24 =	sshrl.u32 s3, $0x3;
	s15 =	sadd.s32 $0x200, s3;
	[dreg:$0x4] =	wrdreg s20  }
0x10: {  	s3 =	sadd.s32 $0x400, s3;
	s19 =	simm.s32 $0x5;
	[dreg:$0x5] =	wrdreg s21  }
0x11: {  	[dreg:$0x6] =	wrdreg s22;
	s13 =	sadd.s32 s6, s24;
	s25 =	sshll.u32 s15, $0x4  }
0x12: {  	s26 =	sshrl.u32 s15, $0x3;
	s16 =	sshll.u32 s3, $0x4;
	s3 =	sshrl.u32 s3, $0x3  }
0x13: {  	s20 =	simm.s32 $0x10000;
	s21 =	simm.s32 $0x80;
	s22 =	simm.s32 $0x10080  }
0x14: {  	s23 =	sadd.s32 s23, s0;
	s24 =	simm.s32 $0x4000;
	s0 =	simm.s32 $0x2  }
0x15: {  	s14 =	sadd.s32 s5, s25;
	s15 =	sadd.s32 s6, s26;
	s16 =	sadd.s32 s5, s16  }
0x16: {  	s17 =	sadd.s32 s6, s3;
	s25 =	sshrl.u32 s7, $0x3;
	s26 =	simm.s32 $0x10100  }
0x17: {  	v0 =	vimm.f32 $0.0e+00;
	s3 =	simm.s32 $0x3;
	s5 =	simm.s32 $0x4;
	s6 =	simm.s32 $0x0  }
.LBB2_1:
0x18: {  	s7 =	simm.s32 $0x0;
	s8 =	simm.s32 $0x200  }
.LBB2_2:
0x19: {  	p0 =	sne.s32 s8, $0x3E00;
	[tilespmem:s7+$0x10270] =	vst v0  }
0x1a: {  	[tilespmem:s7+$0x10200] =	vst v0  }
0x1b: {  	[tilespmem:s7+$0x10210] =	vst v0  }
.Ltmp0:
0x1c: {  	[tilespmem:s7+$0x10220] =	vst v0;
	(pc) =	sbr.rel @p0 .LBB2_2-.Ltmp0, $4  }
0x1d: {  	[tilespmem:s7+$0x10230] =	vst v0  }
0x1e: {  	[tilespmem:s7+$0x10240] =	vst v0  }
0x1f: {  	[tilespmem:s7+$0x10250] =	vst v0  }
0x20: {  	[tilespmem:s7+$0x10260] =	vst v0;
	s7 =	sshra.s32 s8, $0x2;
	s8 =	sadd.s32 $0x200, s8  }
0x21: {  	[tilespmem:s7+$0x10270] =	vst v0  }
0x22: {  	[tilespmem:s7+$0x10200] =	vst v0  }
0x23: {  	[tilespmem:s7+$0x10210] =	vst v0  }
0x24: {  	[tilespmem:s7+$0x10220] =	vst v0  }
0x25: {  	[tilespmem:s7+$0x10230] =	vst v0  }
0x26: {  	[tilespmem:s7+$0x10240] =	vst v0  }
0x27: {  	[tilespmem:s7+$0x10250] =	vst v0  }
0x28: {  	[tilespmem:s7+$0x10260] =	vst v0  }
0x29: {  	[spmem:s4] =	stream.linear.scatter [tilespmem:s18], [sflag:$0x5], $0x1000, $0x38;
	[tilespmem:$0x18200] =	vst v63  }
0x2a: {  	_ =	swait.ge [sflag:s19], $0x1000  }
0x2b: {  	[sflag:s19] =	ssyncset.done $0x0  }
0x2c: {  	s8 =	rddreg [dreg:$0x5];
	[sflag:s19] =	ssyncadd.s32 $0xFFFFF000  }
0x2d: {  	[spmem:s8] =	stream.linear.scatter [tilespmem:s18], [sflag:$0x5], $0x1000, $0x38;
	[tilespmem:$0x18200] =	vst v63  }
0x2e: {  	_ =	swait.ge [sflag:s19], $0x1000  }
0x2f: {  	[sflag:s19] =	ssyncset.done $0x0  }
0x30: {  	s8 =	rddreg [dreg:$0x6];
	[sflag:s19] =	ssyncadd.s32 $0xFFFFF000  }
0x31: {  	[spmem:s8] =	stream.linear.scatter [tilespmem:s18], [sflag:$0x5], $0x1000, $0x38;
	[tilespmem:$0x18200] =	vst v63  }
0x32: {  	_ =	swait.ge [sflag:s19], $0x1000  }
0x33: {  	[sflag:s19] =	ssyncset.done $0x0  }
0x34: {  	[sflag:s19] =	ssyncadd.s32 $0xFFFFF000  }
0x35: {  	[spmem:s9] =	stream.linear.scatter [tilespmem:s18], [sflag:$0x5], $0x1000, $0x38;
	[tilespmem:$0x18200] =	vst v63  }
0x36: {  	_ =	swait.ge [sflag:s19], $0x1000  }
0x37: {  	[sflag:s19] =	ssyncset.done $0x0  }
0x38: {  	[sflag:s19] =	ssyncadd.s32 $0xFFFFF000  }
0x39: {  	[spmem:s10] =	stream.linear.scatter [tilespmem:s18], [sflag:$0x5], $0x1000, $0x38;
	[tilespmem:$0x18200] =	vst v63  }
0x3a: {  	_ =	swait.ge [sflag:s19], $0x1000  }
0x3b: {  	[sflag:s19] =	ssyncset.done $0x0  }
0x3c: {  	[sflag:s19] =	ssyncadd.s32 $0xFFFFF000  }
0x3d: {  	[spmem:s11] =	stream.linear.scatter [tilespmem:s18], [sflag:$0x5], $0x1000, $0x38;
	[tilespmem:$0x18200] =	vst v63  }
0x3e: {  	_ =	swait.ge [sflag:s19], $0x1000  }
0x3f: {  	[sflag:s19] =	ssyncset.done $0x0  }
0x40: {  	[sflag:s19] =	ssyncadd.s32 $0xFFFFF000  }
0x41: {  	[spmem:s12] =	stream.linear.scatter [tilespmem:s18], [sflag:$0x5], $0x1000, $0x38;
	[tilespmem:$0x18200] =	vst v63  }
0x42: {  	_ =	swait.ge [sflag:s19], $0x1000  }
0x43: {  	[sflag:s19] =	ssyncset.done $0x0  }
0x44: {  	[sflag:s19] =	ssyncadd.s32 $0xFFFFF000  }
0x45: {  	[bflag:$0x0] =	sbarrier.arrive $0xFFFF  }
0x46: {  	s8 =	rddreg [dreg:$0x3]  }
0x47: {  	[tilespmem:s2], [sflag:$0x5] =	stream.linear.gather [hbm4b:s8+s2], $0x10000, $0x38;
	[tilespmem:$0x18200] =	vst v63  }
0x48: {  	_ =	swait.ge [sflag:s19], $0x10000  }
0x49: {  	[sflag:s19] =	ssyncset.done $0x0  }
0x4a: {  	[sflag:s19] =	ssyncadd.s32 $0xFFFF0000  }
0x4b: {  	[tilespmem:s20], [sflag:$0x5] =	stream.linear.gather [hbm4b:s13+s2], $0x200, $0x38;
	[tilespmem:$0x18200] =	vst v63  }
0x4c: {  	_ =	swait.ge [sflag:s19], $0x200  }
0x4d: {  	[sflag:s19] =	ssyncset.done $0x0  }
0x4e: {  	[sflag:s19] =	ssyncadd.s32 $0xFFFFFE00  }
0x4f: {  	[spmem:s1] =	stream.indirect.scatter.add.f32 [tilespmem:s2], [sflag:$0x1], $0x80, s20, s21, $0xb8;
	[tilespmem:$0x18200] =	vst v63  }
0x50: {  	_ = 	snop  }
0x51: {  	[spmem:s1] =	stream.indirect.scatter.add.f32 [tilespmem:s24], [sflag:$0x2], $0x80, s22, s21, $0xb8;
	[tilespmem:$0x18200] =	vst v63  }
0x52: {  	_ = 	snop  }
0x53: {  	[spmem:s1] =	stream.indirect.scatter.add.f32 [tilespmem:s28], [sflag:$0x3], $0x80, s26, s21, $0xb8;
	[tilespmem:$0x18200] =	vst v63  }
0x54: {  	_ = 	snop  }
0x55: {  	[spmem:s1] =	stream.indirect.scatter.add.f32 [tilespmem:s30], [sflag:$0x4], $0x80, s29, s21, $0xb8;
	[tilespmem:$0x18200] =	vst v63  }
0x56: {  	_ =	swait.ge [sflag:s31], $0x4000  }
0x57: {  	[sflag:s31] =	ssyncset.done $0x0  }
0x58: {  	[sflag:s31] =	ssyncadd.s32 $0xFFFFC000  }
0x59: {  	_ =	swait.ge [sflag:s0], $0x4000  }
0x5a: {  	[sflag:s0] =	ssyncset.done $0x0  }
0x5b: {  	[sflag:s0] =	ssyncadd.s32 $0xFFFFC000  }
0x5c: {  	_ =	swait.ge [sflag:s3], $0x4000  }
0x5d: {  	[sflag:s3] =	ssyncset.done $0x0  }
0x5e: {  	[sflag:s3] =	ssyncadd.s32 $0xFFFFC000  }
0x5f: {  	_ =	swait.ge [sflag:s5], $0x4000  }
0x60: {  	[sflag:s5] =	ssyncset.done $0x0  }
0x61: {  	[sflag:s5] =	ssyncadd.s32 $0xFFFFC000  }
0x62: {  	[tilespmem:s2], [sflag:$0x5] =	stream.linear.gather [hbm4b:s14+s2], $0x10000, $0x38;
	[tilespmem:$0x18200] =	vst v63  }
0x63: {  	_ =	swait.ge [sflag:s19], $0x10000  }
0x64: {  	[sflag:s19] =	ssyncset.done $0x0  }
0x65: {  	[sflag:s19] =	ssyncadd.s32 $0xFFFF0000  }
0x66: {  	[tilespmem:s20], [sflag:$0x5] =	stream.linear.gather [hbm4b:s15+s2], $0x200, $0x38;
	[tilespmem:$0x18200] =	vst v63  }
0x67: {  	_ =	swait.ge [sflag:s19], $0x200  }
0x68: {  	[sflag:s19] =	ssyncset.done $0x0  }
0x69: {  	[sflag:s19] =	ssyncadd.s32 $0xFFFFFE00  }
0x6a: {  	[spmem:s1] =	stream.indirect.scatter.add.f32 [tilespmem:s2], [sflag:$0x1], $0x80, s20, s21, $0xb8;
	[tilespmem:$0x18200] =	vst v63  }
0x6b: {  	_ = 	snop  }
0x6c: {  	[spmem:s1] =	stream.indirect.scatter.add.f32 [tilespmem:s24], [sflag:$0x2], $0x80, s22, s21, $0xb8;
	[tilespmem:$0x18200] =	vst v63  }
0x6d: {  	_ = 	snop  }
0x6e: {  	[spmem:s1] =	stream.indirect.scatter.add.f32 [tilespmem:s28], [sflag:$0x3], $0x80, s26, s21, $0xb8;
	[tilespmem:$0x18200] =	vst v63  }
0x6f: {  	_ = 	snop  }
0x70: {  	[spmem:s1] =	stream.indirect.scatter.add.f32 [tilespmem:s30], [sflag:$0x4], $0x80, s29, s21, $0xb8;
	[tilespmem:$0x18200] =	vst v63  }
0x71: {  	_ =	swait.ge [sflag:s31], $0x4000  }
0x72: {  	[sflag:s31] =	ssyncset.done $0x0  }
0x73: {  	[sflag:s31] =	ssyncadd.s32 $0xFFFFC000  }
0x74: {  	_ =	swait.ge [sflag:s0], $0x4000  }
0x75: {  	[sflag:s0] =	ssyncset.done $0x0  }
0x76: {  	[sflag:s0] =	ssyncadd.s32 $0xFFFFC000  }
0x77: {  	_ =	swait.ge [sflag:s3], $0x4000  }
0x78: {  	[sflag:s3] =	ssyncset.done $0x0  }
0x79: {  	[sflag:s3] =	ssyncadd.s32 $0xFFFFC000  }
0x7a: {  	_ =	swait.ge [sflag:s5], $0x4000  }
0x7b: {  	[sflag:s5] =	ssyncset.done $0x0  }
0x7c: {  	[sflag:s5] =	ssyncadd.s32 $0xFFFFC000  }
0x7d: {  	[tilespmem:s2], [sflag:$0x5] =	stream.linear.gather [hbm4b:s16+s2], $0x10000, $0x38;
	[tilespmem:$0x18200] =	vst v63  }
0x7e: {  	_ =	swait.ge [sflag:s19], $0x10000  }
0x7f: {  	[sflag:s19] =	ssyncset.done $0x0  }
0x80: {  	[sflag:s19] =	ssyncadd.s32 $0xFFFF0000  }
0x81: {  	[tilespmem:s20], [sflag:$0x5] =	stream.linear.gather [hbm4b:s17+s2], $0x200, $0x38;
	[tilespmem:$0x18200] =	vst v63  }
0x82: {  	_ =	swait.ge [sflag:s19], $0x200  }
0x83: {  	[sflag:s19] =	ssyncset.done $0x0  }
0x84: {  	[sflag:s19] =	ssyncadd.s32 $0xFFFFFE00  }
0x85: {  	[spmem:s1] =	stream.indirect.scatter.add.f32 [tilespmem:s2], [sflag:$0x1], $0x80, s20, s21, $0xb8;
	[tilespmem:$0x18200] =	vst v63  }
0x86: {  	_ = 	snop  }
0x87: {  	[spmem:s1] =	stream.indirect.scatter.add.f32 [tilespmem:s24], [sflag:$0x2], $0x80, s22, s21, $0xb8;
	[tilespmem:$0x18200] =	vst v63  }
0x88: {  	_ = 	snop  }
0x89: {  	[spmem:s1] =	stream.indirect.scatter.add.f32 [tilespmem:s28], [sflag:$0x3], $0x80, s26, s21, $0xb8;
	[tilespmem:$0x18200] =	vst v63  }
0x8a: {  	_ = 	snop  }
0x8b: {  	[spmem:s1] =	stream.indirect.scatter.add.f32 [tilespmem:s30], [sflag:$0x4], $0x80, s29, s21, $0xb8;
	[tilespmem:$0x18200] =	vst v63  }
0x8c: {  	_ =	swait.ge [sflag:s31], $0x4000  }
0x8d: {  	[sflag:s31] =	ssyncset.done $0x0  }
0x8e: {  	[sflag:s31] =	ssyncadd.s32 $0xFFFFC000  }
0x8f: {  	_ =	swait.ge [sflag:s0], $0x4000  }
0x90: {  	[sflag:s0] =	ssyncset.done $0x0  }
0x91: {  	[sflag:s0] =	ssyncadd.s32 $0xFFFFC000  }
0x92: {  	_ =	swait.ge [sflag:s3], $0x4000  }
0x93: {  	[sflag:s3] =	ssyncset.done $0x0  }
0x94: {  	[sflag:s3] =	ssyncadd.s32 $0xFFFFC000  }
0x95: {  	_ =	swait.ge [sflag:s5], $0x4000  }
0x96: {  	s8 =	stileid.u32;
	[sflag:s5] =	ssyncset.done $0x0  }
0x97: {  	s7 =	sshll.u32 s8, $0x6;
	[sflag:s5] =	ssyncadd.s32 $0xFFFFC000  }
0x98: {  	s7 =	sor.u32 $0x1C05, s7;
	[bflag:$0x0] =	sbarrier.arrive $0xFFFF  }
0x99: {  	[hbm:s23], [sflag:s7] =	dma.local [spmem:s25], $0xE00  }
0x9a: {  	_ =	swait.ge [sflag:s19], $0xE00  }
0x9b: {  	s6 =	sadd.s32 $0x1, s6;
	s8 =	rddreg [dreg:$0x4]  }
0x9c: {  	p0 =	sne.s32 s6, s8  }
.Ltmp1:
0x9d: {  	_ = 	snop;
	(pc) =	sbr.rel @p0 .LBB2_1-.Ltmp1, $3  }
0x9e: {  	_ =	sdelay $0x1  }
0x9f: {  	[sflag:s19] =	ssyncset.done $0x0  }
0xa0: {  	[sflag:s19] =	ssyncadd.s32 $0xFFFFF200  }
0xa1: {  	_ =	sfence.sel $0x180000  }
0xa2: {  	[bflag:$0x0] =	sbarrier.arrive $0xFFFF  }
0xa3: {  	_ =	strace $0x9000004A  }
0xa4: {  	s0 =	stileid.u32;
	[bflag:$0x2] =	sbarrier.arrive $0xFFFF  }
0xa5: {  	p0 =	sne.s32 s0, $0x0;
	s0 =	rddreg [dreg:$0x2]  }
0xa6: {  	s0 =	sadd.s32 @!p0 $0x100000, s0  }
0xa7: {  	[sflag:s0] =	ssyncadd.tile.s32 @!p0 $0x1;
	_ =	shalt  }
.Lfunc_end2:
_tile_overlayer_lowered:
.L_overlay_start_2:
0xa8: {  	(tag) =	ssettag $0x2  }
0xa9: {  	s0 =	rddreg [dreg:$0x0];
	s2 =	stileid.u32  }
0xaa: {  	s1 =	rddreg [dreg:$0x1];
	p0 =	sne.s32 s2, $0x0  }
0xab: {  	s3 =	rddreg [dreg:$0x2];
	[bflag:$0x3] =	sbarrier.arrive $0xFFFF;
	s2 =	simm.s32 @!p0 $0x1C05  }
0xac: {  	[timem:s3], [sflag:s2] =	dma.local @!p0 [hbm:s0], s1  }
0xad: {  	s0 =	simm.s32 @!p0 $0x5  }
0xae: {  	_ =	swait.ge @!p0 [sflag:s0], s1  }
0xaf: {  	s1 =	ssub.s32 @!p0 $0x0, s1;
	[sflag:s0] =	ssyncset.done @!p0 $0x0  }
0xb0: {  	[sflag:s0] =	ssyncadd.s32 @!p0 s1  }
0xb1: {  	[bflag:$0x3] =	sbarrier.arrive $0xFFFF  }
0xb2: {  	_ =	shalt  }

// kernel: kernel.21.cloned.1.call-start
scs
__scs_entry_jumppad:
0x0: {  	(pc) =	sbr.rel $0x88, $3  }
0x1: {  	(tag) =	ssettag $0x0;
	lr =	simm.s32 $0x1  }
0x2: {  	[smem:$0x3F8B] =	sst lr;
	_ =	strace $0xD0000000  }
0x3: {  	_ = 	snop  }
0x4: {  	_ = 	snop  }
0x5: {  	_ = 	snop  }
0x6: {  	_ = 	snop  }
0x7: {  	_ = 	snop  }
__scs_overlays_trampoline_lowered:
0x8: {  	[smem:$0x3F9A] =	sst s0  }
0x9: {  	[smem:$0x3F9B] =	sst s1  }
0xa: {  	[smem:$0x3F9C] =	sst s2  }
0xb: {  	[smem:$0x3F9D] =	sst s3  }
0xc: {  	[smem:$0x3F9E] =	sst s4  }
0xd: {  	[smem:$0x3F9F] =	sst s5  }
0xe: {  	[smem:$0x3FA0] =	sst s6  }
0xf: {  	[smem:$0x3FA1] =	sst s7  }
0x10: {  	[smem:$0x3FA2] =	sst s8  }
0x11: {  	[smem:$0x3FA3] =	sst s9;
	s0 =	simm.s32 @!p0 $0x0  }
0x12: {  	s1 =	sld [smem:$0x3F89];
	s0 =	simm.s32 @p0 $0x1  }
0x13: {  	[smem:$0x3FA4] =	sst s0;
	s0 =	simm.s32 @!p1 $0x0  }
0x14: {  	s2 =	sld [smem:$0x3F88];
	s0 =	simm.s32 @p1 $0x1  }
0x15: {  	[smem:$0x3FA5] =	sst s0;
	s0 =	simm.s32 @!p2 $0x0  }
0x16: {  	s3 =	sld [smem:$0x3FDB];
	s0 =	simm.s32 @p2 $0x1  }
0x17: {  	s4 =	simm.s32 $0x1BF5;
	[smem:$0x3FA7] =	sst s0  }
0x18: {  	s0 =	sld [smem:$0x3F8A];
	_ =	swait.ge [sflag:s4], $0x0  }
0x19: {  	s7 =	sld [smem:$0x3F8B]  }
0x1a: {  	s8 =	sadd.s32 $0xFFFFE003, lr  }
0x1b: {  	s9 =	sadd.s32 $0xFFFFFEF7, lr;
	s5 =	simm.s32 $0xFFFFFFFF;
	p2 =	slt.u32 s8, $0xFFFFF086  }
0x1c: {  	p1 =	slt.u32 s9, $0xF7A;
	s5 =	simm.s32 @!p2 $0x0  }
0x1d: {  	s5 =	simm.s32 @p1 $0x1;
	p0 =	seq.s32 s7, s2  }
0x1e: {  	s7 =	smul.u32 @!p0 $0xF7A, s2;
	p2 =	seq.s32 @!p0 s5, $0x0  }
0x1f: {  	s9 =	smul.u32 $0xF7A, s1;
	s8 =	simm.s32 @!p0 $0x1BF5;
	p2 =	por !p2, p0  }
0x20: {  	[sflag:s8] =	ssyncset.s32 @!p0 $0xFFFFF086;
	s6 =	sadd.s32 @!p0 s3, s7;
	s7 =	simm.s32 @!p0 $0x108  }
0x21: {  	s3 =	sadd.s32 s3, s9;
	s6 =	sadd.s32 @!p0 $0x88, s6;
	s7 =	simm.s32 @p2 $0x1082  }
0x22: {  	[simem:s7], [sflag:s8] =	dma.local @!p0 [hbm:s6], $0xF7A  }
0x23: {  	s9 =	sor.u32 $0xD0000000, s2;
	s6 =	simm.s32 $0x108;
	_ =	swait.ge @!p0 [sflag:s8], $0x0  }
0x24: {  	s3 =	sadd.s32 $0x88, s3;
	s6 =	simm.s32 @!p1 $0x1082;
	[sflag:s4] =	ssyncset.s32 $0xFFFFF086  }
0x25: {  	[simem:s6], [sflag:s4] =	dma.local [hbm:s3], $0xF7A  }
0x26: {  	[smem:$0x3F8B] =	sst s1;
	(tag) =	ssettag s2;
	_ =	strace s9  }
0x27: {  	s1 =	sld [smem:$0x3F9B]  }
0x28: {  	s2 =	sld [smem:$0x3F9C]  }
0x29: {  	s4 =	sld [smem:$0x3F9E]  }
0x2a: {  	p0 =	seq.s32 s5, $0x0;
	s5 =	sld [smem:$0x3F9F]  }
0x2b: {  	s6 =	sld [smem:$0x3FA0]  }
0x2c: {  	s7 =	sld [smem:$0x3FA1]  }
0x2d: {  	s3 =	simm.s32 $0x108;
	s8 =	sld [smem:$0x3FA2]  }
0x2e: {  	s3 =	simm.s32 @!p0 $0x1082;
	s9 =	sld [smem:$0x3FA3]  }
0x2f: {  	lr =	sadd.s32 s0, s3;
	s0 =	sld [smem:$0x3F9A]  }
0x30: {  	s3 =	sld [smem:$0x3F9D]  }
0x31: {  	[smem:$0x3FA6] =	sst s10  }
0x32: {  	s10 =	sld [smem:$0x3FA4];
	_ =	sdelay $0x3  }
0x33: {  	p0 =	seq.s32 s10, $0x1;
	s10 =	sld [smem:$0x3FA6];
	_ =	sdelay $0x3  }
0x34: {  	[smem:$0x3FA6] =	sst s10  }
0x35: {  	s10 =	sld [smem:$0x3FA5];
	_ =	sdelay $0x3  }
0x36: {  	p1 =	seq.s32 s10, $0x1;
	s10 =	sld [smem:$0x3FA6];
	_ =	sdelay $0x3  }
0x37: {  	[smem:$0x3FA6] =	sst s10  }
0x38: {  	s10 =	sld [smem:$0x3FA7]  }
0x39: {  	_ = 	snop;
	(pc) =	sbr.ind lr, $3  }
0x3a: {  	_ = 	snop  }
0x3b: {  	_ = 	snop  }
0x3c: {  	p2 =	seq.s32 s10, $0x1;
	s10 =	sld [smem:$0x3FA6]  }
0x3d: {  	_ =	shalt  }
0x3e: {  	_ =	shalt  }
0x3f: {  	_ =	shalt  }
0x40: {  	_ =	shalt  }
0x41: {  	_ =	shalt  }
0x42: {  	_ =	shalt  }
0x43: {  	_ =	shalt  }
0x44: {  	_ =	shalt  }
0x45: {  	_ =	shalt  }
0x46: {  	_ =	shalt  }
0x47: {  	_ =	shalt  }
0x48: {  	_ =	shalt  }
0x49: {  	_ =	shalt  }
0x4a: {  	_ =	shalt  }
0x4b: {  	_ =	shalt  }
0x4c: {  	_ =	shalt  }
0x4d: {  	_ =	shalt  }
0x4e: {  	_ =	shalt  }
0x4f: {  	_ =	shalt  }
0x50: {  	_ =	shalt  }
0x51: {  	_ =	shalt  }
0x52: {  	_ =	shalt  }
0x53: {  	_ =	shalt  }
0x54: {  	_ =	shalt  }
0x55: {  	_ =	shalt  }
0x56: {  	_ =	shalt  }
0x57: {  	_ =	shalt  }
0x58: {  	_ =	shalt  }
0x59: {  	_ =	shalt  }
0x5a: {  	_ =	shalt  }
0x5b: {  	_ =	shalt  }
0x5c: {  	_ =	shalt  }
0x5d: {  	_ =	shalt  }
0x5e: {  	_ =	shalt  }
0x5f: {  	_ =	shalt  }
0x60: {  	_ =	shalt  }
0x61: {  	_ =	shalt  }
0x62: {  	_ =	shalt  }
0x63: {  	_ =	shalt  }
0x64: {  	_ =	shalt  }
0x65: {  	_ =	shalt  }
0x66: {  	_ =	shalt  }
0x67: {  	_ =	shalt  }
0x68: {  	_ =	shalt  }
0x69: {  	_ =	shalt  }
0x6a: {  	_ =	shalt  }
0x6b: {  	_ =	shalt  }
0x6c: {  	_ =	shalt  }
0x6d: {  	_ =	shalt  }
0x6e: {  	_ =	shalt  }
0x6f: {  	_ =	shalt  }
0x70: {  	_ =	shalt  }
0x71: {  	_ =	shalt  }
0x72: {  	_ =	shalt  }
0x73: {  	_ =	shalt  }
0x74: {  	_ =	shalt  }
0x75: {  	_ =	shalt  }
0x76: {  	_ =	shalt  }
0x77: {  	_ =	shalt  }
0x78: {  	_ =	shalt  }
0x79: {  	_ =	shalt  }
0x7a: {  	_ =	shalt  }
0x7b: {  	_ =	shalt  }
0x7c: {  	_ =	shalt  }
0x7d: {  	_ =	shalt  }
0x7e: {  	_ =	shalt  }
0x7f: {  	_ =	shalt  }
0x80: {  	_ =	shalt  }
0x81: {  	_ =	shalt  }
0x82: {  	_ =	shalt  }
0x83: {  	_ =	shalt  }
0x84: {  	_ =	shalt  }
0x85: {  	_ =	shalt  }
0x86: {  	_ =	shalt  }
0x87: {  	_ =	shalt  }
.Lfunc_end0:
.L_simem_size_0:
called_computation.2_lowered:
.L_overlay_start_0:
0x88: {  	s2 =	sld [smem:$0x3FD9]  }
0x89: {  	s3 =	sld [smem:$0x3FFE];
	_ =	sdelay $0x1  }
0x8a: {  	s1 =	srdreg.scid  }
0x8b: {  	s0 =	sand.u32 $0x1, s1  }
0x8c: {  	s17 =	sshll.u32 s0, $0xA;
	s2 =	sadd.s32 s3, s2  }
0x8d: {  	s2 =	sadd.s32 s2, s17  }
0x8e: {  	[smem:$0x3FB2] =	sst s2  }
0x8f: {  	_ = 	snop  }
0x90: {  	s2 =	sld [smem:$0x3FBB]  }
0x91: {  	s18 =	sld [smem:$0x3FD0];
	(tm) =	ssettm $0x1  }
0x92: {  	s4 =	sld [smem:$0x3FFB];
	_ =	sdelay $0x3  }
0x93: {  	_ =	strace s4  }
0x94: {  	s4 =	sld [smem:$0x3FFC];
	_ =	sdelay $0x3  }
0x95: {  	_ =	strace s4  }
0x96: {  	s4 =	sld [smem:$0x3FFD];
	_ =	sdelay $0x3  }
0x97: {  	_ =	strace s4  }
0x98: {  	_ =	strace $0x8FFFFFFF  }
0x99: {  	s19 =	sld [smem:$0x3FDB];
	_ =	sdelay $0x1  }
0x9a: {  	s5 =	simm.s32 $_scs_section_size  }
0x9b: {  	s6 =	simm.s32 $_size__tile_overlayer_lowered;
	s7 =	simm.s32 $_tile_overlayer_lowered  }
0x9c: {  	s22 =	simm.s32 $0x1BFF;
	s21 =	sshll.u32 s7, $0x1;
	s4 =	sadd.s32 s5, s19  }
0x9d: {  	s8 =	simm.s32 $0x0;
	s20 =	sshll.u32 s6, $0x1;
	s6 =	sadd.s32 s21, s4  }
0x9e: {  	[timem:s8], [sflag:s22] =	dma.local [hbm:s6], s20  }
0x9f: {  	_ =	swait.ge [sflag:s22], s20  }
0xa0: {  	s5 =	ssub.s32 $0x0, s20;
	[sflag:s22] =	ssyncset.done $0x0  }
0xa1: {  	[sflag:s22] =	ssyncadd.s32 s5;
	_ =	sdelay $0x1  }
0xa2: {  	s23 =	simm.s32 $0x1B8B  }
0xa3: {  	_ =	swait.ge [sflag:s23], $0x1  }
0xa4: {  	[sflag:s23] =	ssyncset.done $0x0  }
0xa5: {  	s25 =	simm.s32 $0x1B8E;
	s24 =	sld [smem:$0x3FFE];
	[sflag:s23] =	ssyncadd.s32 $0xFFFFFFFF  }
0xa6: {  	s26 =	simm.s32 $execute0_lowered;
	[smem:$0x3FD2] =	sst s25  }
0xa7: {  	s6 =	sshll.u32 s26, $0x1;
	_ =	strace $0x8000004C;
	[dreg:$0x1] =	wrdreg $0xFFFFFFFF  }
0xa8: {  	s28 =	simm.s32 $_size_execute0_lowered;
	s4 =	sadd.s32 s4, s6;
	[dreg:$0x0] =	wrdreg $0x0  }
0xa9: {  	s6 =	sshll.u32 s28, $0x1;
	[dreg:$0x2] =	wrdreg s4  }
0xaa: {  	[dreg:$0x3] =	wrdreg s6  }
0xab: {  	[dreg:$0x4] =	wrdreg $0xC0  }
0xac: {  	_ =	task [dreg:s8], $0x5FFFF  }
0xad: {  	[dreg:$0x1] =	wrdreg $0xFFFFFFFF  }
0xae: {  	[dreg:$0x0] =	wrdreg $0x60  }
0xaf: {  	[dreg:$0x2] =	wrdreg s24  }
0xb0: {  	[dreg:$0x3] =	wrdreg s18  }
0xb1: {  	[dreg:$0x4] =	wrdreg s2  }
0xb2: {  	[dreg:$0x5] =	wrdreg $0x51D80  }
0xb3: {  	[dreg:$0x6] =	wrdreg $0x9  }
0xb4: {  	_ =	task.clear_ibuf [dreg:s8], $0x7FFFF;
	_ =	strace $0x9000004C  }
0xb5: {  	s29 =	simm.s32 $0x9;
	_ =	strace $0x8000004E  }
0xb6: {  	_ =	swait.ge [sflag:s29], $0x1  }
0xb7: {  	[sflag:s29] =	ssyncadd.s32 $0xFFFFFFFF  }
0xb8: {  	_ =	strace $0x9000004E  }
0xb9: {  	_ =	sfence  }
0xba: {  	s30 =	sld [smem:$0x0];
	_ =	sdelay $0x2  }
0xbb: {  	s31 =	sshll.u32 s1, $0xD;
	s1 =	sshrl.u32 s1, $0x2  }
0xbc: {  	s3 =	sand.u32 $0x4000, s31;
	s1 =	sadd.s32 s1, s30  }
0xbd: {  	s0 =	sor.u32 s3, s0;
	s1 =	sshll.u32 s1, $0x11  }
0xbe: {  	s0 =	sor.u32 s1, s0  }
0xbf: {  	s0 =	sadd.s32 $0x8F2B, s0  }
0xc0: {  	[sflag:s0] =	ssyncadd.remote.s32 $0x1  }
0xc1: {  	_ =	sfence.sel $0xFFFF  }
0xc2: {  	[dreg:$0x0] =	wrdreg $0xFFFFFFFF;
	(pc) =	sbr.abs _section_cstart, $3  }
0xc3: {  	[dreg:$0x1] =	wrdreg $0xFFFFFFFF  }
0xc4: {  	_ =	task.clear_ibuf [dreg:s8], $0x2FFFF;
	_ =	strace $0x9FFFFFFF  }
0xc5: {  	(tm) =	ssettm $0x7FFFFFFF  }
tec
execute0_lowered:
.L_overlay_start_1:
0x0: {  	(tag) =	ssettag $0x1  }
0x1: {  	s5 =	rddreg [dreg:$0x0]  }
0x2: {  	s8 =	rddreg [dreg:$0x1]  }
0x3: {  	s1 =	rddreg [dreg:$0x2]  }
0x4: {  	s3 =	rddreg [dreg:$0x3]  }
0x5: {  	s0 =	rddreg [dreg:$0x4];
	s4 =	simm.s32 $0x0;
	s2 =	stileid.u32  }
0x6: {  	s7 =	srdreg.scid;
	s15 =	simm.s32 $0x31D8;
	s6 =	smul.u32 $0x18800, s2  }
0x7: {  	s16 =	simm.s32 $0x1;
	s17 =	simm.s32 $0x0;
	s9 =	smul.u32 $0x16000, s2  }
0x8: {  	[smem:$0x7FF] =	sst s4;
	s7 =	sand.u32 $0x1, s7;
	s12 =	smul.u32 $0x2C00, s2  }
0x9: {  	s31 =	sshll.u32 s2, $0x6;
	_ =	strace $0x8000004D;
	s14 =	smul.u32 $0x1600, s7  }
0xa: {  	s11 =	ssub.s32 $0x2, s7;
	s7 =	smul.u32 $0xB000, s7;
	s10 =	sshrl.u32 s6, $0x3  }
0xb: {  	s13 =	sshrl.u32 s11, $0x1;
	s9 =	sadd.s32 s9, s5;
	s28 =	sadd.s32 s6, s3  }
0xc: {  	s10 =	sadd.s32 s10, s5;
	s11 =	ssub.s32 s11, s13;
	s29 =	sadd.s32 s14, s12  }
0xd: {  	s7 =	sadd.s32 s7, s9;
	s9 =	simm.s32 $0x2;
	s12 =	simm.s32 $0x30D8  }
0xe: {  	s13 =	simm.s32 $0x80;
	s14 =	simm.s32 $0x3158;
	s5 =	sadd.s32 $0x5400, s10  }
0xf: {  	s6 =	smax.u32 s11, $0x1;
	s30 =	sshrl.u32 s29, $0x3;
	s7 =	sadd.s32 $0x3D400, s7  }
0x10: {  	s10 =	sor.u32 $0x1C02, s31;
	s11 =	sshrl.u32 s28, $0x3;
	s8 =	sadd.s32 s30, s8  }
.LBB2_1:
0x11: {  	[tilespmem:s4], [sflag:$0x2] =	stream.linear.gather [hbm4b:s1+s4], $0x30D8, $0x38;
	[tilespmem:$0x1D9D8] =	vst v63  }
0x12: {  	_ =	swait.ge [sflag:s9], $0x30D8  }
0x13: {  	[sflag:s9] =	ssyncset.done $0x0  }
0x14: {  	[sflag:s9] =	ssyncadd.s32 $0xFFFFCF28  }
0x15: {  	[spmem:s11], [sflag:s10] =	dma.local [hbm:s5], $0x3100  }
0x16: {  	_ =	swait.ge [sflag:s9], $0x3100  }
0x17: {  	[sflag:s9] =	ssyncset.done $0x0  }
0x18: {  	[sflag:s9] =	ssyncadd.s32 $0xFFFFCF00  }
0x19: {  	s18 =	sadd.s32 $0x0, s8;
	[bflag:$0x0] =	sbarrier.arrive $0xFFFF  }
0x1a: {  	[tilespmem:s12], [sflag:$0x2] =	stream.linear.gather [hbm4b:s18+s4], $0x80, $0x38;
	[tilespmem:$0x1D9D8] =	vst v63  }
0x1b: {  	_ =	swait.ge [sflag:s9], $0x80  }
0x1c: {  	[sflag:s9] =	ssyncset.done $0x0  }
0x1d: {  	[sflag:s9] =	ssyncadd.s32 $0xFFFFFF80  }
0x1e: {  	v0 =	vld [tilespmem:$0x30D8];
	_ =	sdelay $0x5  }
0x1f: {  	v1 =	vld [tilespmem:$0x30E8];
	_ =	sdelay $0x1  }
0x20: {  	v0 =	vld.idx.msk [tilespmem:v0+s4+$0x0], $0xffff;
	_ =	sdelay $0x3  }
0x21: {  	v2 =	vld [tilespmem:$0x30F8]  }
0x22: {  	[tilespmem:$0x3158] =	vst v0  }
0x23: {  	v0 =	vld.idx.msk [tilespmem:v1+s4+$0x0], $0xffff;
	_ =	sdelay $0x3  }
0x24: {  	v59 =	vld [tilespmem:$0x3108]  }
0x25: {  	[tilespmem:$0x3168] =	vst v0  }
0x26: {  	v0 =	vld.idx.msk [tilespmem:v2+s4+$0x0], $0xffff;
	_ =	sdelay $0x3  }
0x27: {  	v60 =	vld [tilespmem:$0x3118]  }
0x28: {  	[tilespmem:$0x3178] =	vst v0  }
0x29: {  	v0 =	vld.idx.msk [tilespmem:v59+s4+$0x0], $0xffff;
	_ =	sdelay $0x3  }
0x2a: {  	v61 =	vld [tilespmem:$0x3128]  }
0x2b: {  	[tilespmem:$0x3188] =	vst v0  }
0x2c: {  	v0 =	vld.idx.msk [tilespmem:v60+s4+$0x0], $0xffff;
	_ =	sdelay $0x3  }
0x2d: {  	v62 =	vld [tilespmem:$0x3138]  }
0x2e: {  	[tilespmem:$0x3198] =	vst v0  }
0x2f: {  	v0 =	vld.idx.msk [tilespmem:v61+s4+$0x0], $0xffff;
	_ =	sdelay $0x3  }
0x30: {  	v63 =	vld [tilespmem:$0x3148]  }
0x31: {  	[tilespmem:$0x31A8] =	vst v0  }
0x32: {  	v0 =	vld.idx.msk [tilespmem:v62+s4+$0x0], $0xffff;
	_ =	sdelay $0x4  }
0x33: {  	[tilespmem:$0x31B8] =	vst v0  }
0x34: {  	v0 =	vld.idx.msk [tilespmem:v63+s4+$0x0], $0xffff;
	_ =	sdelay $0x4  }
0x35: {  	[tilespmem:$0x31C8] =	vst v0  }
0x36: {  	[tilespmem:s15], [sflag:$0x1] =	stream.indirect.gather [spmem:s3], $0x40, s14, s13, $0xb8;
	[tilespmem:$0x1D9D8] =	vst v63  }
0x37: {  	_ =	swait.ge [sflag:s16], $0x2000  }
0x38: {  	[sflag:s16] =	ssyncset.done $0x0  }
0x39: {  	[sflag:s16] =	ssyncadd.s32 $0xFFFFE000  }
0x3a: {  	[hbm4b:s7+s4] =	stream.linear.scatter [tilespmem:s15], [sflag:$0x2], $0x2000, $0x38;
	[tilespmem:$0x1D9D8] =	vst v63  }
0x3b: {  	s19 =	simm.s32 $0x10;
	_ =	swait.ge [sflag:s9], $0x2000  }
0x3c: {  	s21 =	simm.s32 $0x20;
	s18 =	sadd.s32 $0x400, s7;
	[sflag:s9] =	ssyncset.done $0x0  }
.LBB2_2:
0x3d: {  	s22 =	sadd.s32 s19, s8  }
0x3e: {  	[sflag:s9] =	ssyncadd.s32 $0xFFFFE000;
	s19 =	smov.u32 s21;
	s20 =	sadd.s32 $0x10, s21  }
0x3f: {  	[tilespmem:s12], [sflag:$0x2] =	stream.linear.gather [hbm4b:s22+s4], $0x80, $0x38;
	[tilespmem:$0x1D9D8] =	vst v63  }
0x40: {  	p0 =	sne.s32 s21, $0x2B0;
	_ =	swait.ge [sflag:s9], $0x80  }
0x41: {  	[sflag:s9] =	ssyncset.done $0x0  }
0x42: {  	[sflag:s9] =	ssyncadd.s32 $0xFFFFFF80  }
0x43: {  	v0 =	vld [tilespmem:$0x30D8];
	_ =	sdelay $0x6  }
0x44: {  	v1 =	vld [tilespmem:$0x30E8]  }
0x45: {  	v0 =	vld.idx.msk [tilespmem:v0+s4+$0x0], $0xffff;
	_ =	sdelay $0x5  }
0x46: {  	[tilespmem:$0x3158] =	vst v0;
	v0 =	vld [tilespmem:$0x30F8]  }
0x47: {  	v1 =	vld.idx.msk [tilespmem:v1+s4+$0x0], $0xffff;
	_ =	sdelay $0x5  }
0x48: {  	[tilespmem:$0x3168] =	vst v1;
	v1 =	vld [tilespmem:$0x3108]  }
0x49: {  	v0 =	vld.idx.msk [tilespmem:v0+s4+$0x0], $0xffff;
	_ =	sdelay $0x5  }
0x4a: {  	[tilespmem:$0x3178] =	vst v0;
	v0 =	vld [tilespmem:$0x3118]  }
0x4b: {  	v1 =	vld.idx.msk [tilespmem:v1+s4+$0x0], $0xffff;
	_ =	sdelay $0x5  }
0x4c: {  	[tilespmem:$0x3188] =	vst v1;
	v1 =	vld [tilespmem:$0x3128]  }
0x4d: {  	v0 =	vld.idx.msk [tilespmem:v0+s4+$0x0], $0xffff;
	_ =	sdelay $0x5  }
0x4e: {  	[tilespmem:$0x3198] =	vst v0;
	v0 =	vld [tilespmem:$0x3138]  }
0x4f: {  	v1 =	vld.idx.msk [tilespmem:v1+s4+$0x0], $0xffff;
	_ =	sdelay $0x5  }
0x50: {  	[tilespmem:$0x31A8] =	vst v1;
	v1 =	vld [tilespmem:$0x3148]  }
0x51: {  	v0 =	vld.idx.msk [tilespmem:v0+s4+$0x0], $0xffff;
	_ =	sdelay $0x5  }
0x52: {  	[tilespmem:$0x31B8] =	vst v0  }
0x53: {  	v0 =	vld.idx.msk [tilespmem:v1+s4+$0x0], $0xffff;
	_ =	sdelay $0x5  }
0x54: {  	[tilespmem:$0x31C8] =	vst v0  }
0x55: {  	[tilespmem:s15], [sflag:$0x1] =	stream.indirect.gather [spmem:s3], $0x40, s14, s13, $0xb8;
	[tilespmem:$0x1D9D8] =	vst v63  }
0x56: {  	_ =	swait.ge [sflag:s16], $0x2000  }
.Ltmp0:
0x57: {  	[sflag:s16] =	ssyncset.done $0x0;
	(pc) =	sbr.rel @p0 .LBB2_2-.Ltmp0, $4  }
0x58: {  	[sflag:s16] =	ssyncadd.s32 $0xFFFFE000  }
0x59: {  	[hbm4b:s18+s4] =	stream.linear.scatter [tilespmem:s15], [sflag:$0x2], $0x2000, $0x38;
	[tilespmem:$0x1D9D8] =	vst v63  }
0x5a: {  	_ =	swait.ge [sflag:s9], $0x2000  }
0x5b: {  	s21 =	smov.u32 s20;
	s18 =	sadd.s32 $0x400, s18;
	[sflag:s9] =	ssyncset.done $0x0  }
0x5c: {  	s19 =	sadd.s32 s19, s8;
	[sflag:s9] =	ssyncadd.s32 $0xFFFFE000  }
0x5d: {  	[tilespmem:s12], [sflag:$0x2] =	stream.linear.gather [hbm4b:s19+s4], $0x80, $0x38;
	[tilespmem:$0x1D9D8] =	vst v63  }
0x5e: {  	_ =	swait.ge [sflag:s9], $0x80  }
0x5f: {  	[sflag:s9] =	ssyncset.done $0x0  }
0x60: {  	[sflag:s9] =	ssyncadd.s32 $0xFFFFFF80  }
0x61: {  	v0 =	vld [tilespmem:$0x30D8];
	_ =	sdelay $0x5  }
0x62: {  	v1 =	vld [tilespmem:$0x30E8];
	_ =	sdelay $0x1  }
0x63: {  	v0 =	vld.idx.msk [tilespmem:v0+s4+$0x0], $0xffff;
	_ =	sdelay $0x3  }
0x64: {  	v2 =	vld [tilespmem:$0x30F8]  }
0x65: {  	[tilespmem:$0x3158] =	vst v0  }
0x66: {  	v0 =	vld.idx.msk [tilespmem:v1+s4+$0x0], $0xffff;
	_ =	sdelay $0x3  }
0x67: {  	v59 =	vld [tilespmem:$0x3108]  }
0x68: {  	[tilespmem:$0x3168] =	vst v0  }
0x69: {  	v0 =	vld.idx.msk [tilespmem:v2+s4+$0x0], $0xffff;
	_ =	sdelay $0x3  }
0x6a: {  	v60 =	vld [tilespmem:$0x3118]  }
0x6b: {  	[tilespmem:$0x3178] =	vst v0  }
0x6c: {  	v0 =	vld.idx.msk [tilespmem:v59+s4+$0x0], $0xffff;
	_ =	sdelay $0x3  }
0x6d: {  	v61 =	vld [tilespmem:$0x3128]  }
0x6e: {  	[tilespmem:$0x3188] =	vst v0  }
0x6f: {  	v0 =	vld.idx.msk [tilespmem:v60+s4+$0x0], $0xffff;
	_ =	sdelay $0x3  }
0x70: {  	v62 =	vld [tilespmem:$0x3138]  }
0x71: {  	[tilespmem:$0x3198] =	vst v0  }
0x72: {  	v0 =	vld.idx.msk [tilespmem:v61+s4+$0x0], $0xffff;
	_ =	sdelay $0x3  }
0x73: {  	v63 =	vld [tilespmem:$0x3148]  }
0x74: {  	[tilespmem:$0x31A8] =	vst v0  }
0x75: {  	v0 =	vld.idx.msk [tilespmem:v62+s4+$0x0], $0xffff;
	_ =	sdelay $0x4  }
0x76: {  	[tilespmem:$0x31B8] =	vst v0  }
0x77: {  	v0 =	vld.idx.msk [tilespmem:v63+s4+$0x0], $0xffff;
	_ =	sdelay $0x4  }
0x78: {  	[tilespmem:$0x31C8] =	vst v0  }
0x79: {  	[tilespmem:s15], [sflag:$0x1] =	stream.indirect.gather [spmem:s3], $0x40, s14, s13, $0xb8;
	[tilespmem:$0x1D9D8] =	vst v63  }
0x7a: {  	s17 =	sadd.s32 $0x1, s17;
	_ =	swait.ge [sflag:s16], $0x2000  }
0x7b: {  	p0 =	sne.s32 s17, s6;
	[sflag:s16] =	ssyncset.done $0x0  }
.Ltmp1:
0x7c: {  	[sflag:s16] =	ssyncadd.s32 $0xFFFFE000;
	(pc) =	sbr.rel @p0 .LBB2_1-.Ltmp1, $4  }
0x7d: {  	[hbm4b:s18+s4] =	stream.linear.scatter [tilespmem:s15], [sflag:$0x2], $0x2000, $0x38;
	[tilespmem:$0x1D9D8] =	vst v63  }
0x7e: {  	_ =	swait.ge [sflag:s9], $0x2000  }
0x7f: {  	[sflag:s9] =	ssyncset.done $0x0  }
0x80: {  	[sflag:s9] =	ssyncadd.s32 $0xFFFFE000  }
0x81: {  	_ =	sfence.sel $0x180000  }
0x82: {  	[bflag:$0x0] =	sbarrier.arrive $0xFFFF  }
0x83: {  	p0 =	sne.s32 s2, $0x0;
	_ =	strace $0x9000004D  }
0x84: {  	s0 =	sadd.s32 @!p0 $0x100000, s0;
	[bflag:$0x2] =	sbarrier.arrive $0xFFFF  }
0x85: {  	[sflag:s0] =	ssyncadd.tile.s32 @!p0 $0x1;
	_ =	shalt  }
.Lfunc_end2:
_tile_overlayer_lowered:
.L_overlay_start_2:
0x86: {  	(tag) =	ssettag $0x2  }
0x87: {  	s0 =	rddreg [dreg:$0x0];
	s2 =	stileid.u32  }
0x88: {  	s1 =	rddreg [dreg:$0x1];
	p0 =	sne.s32 s2, $0x0  }
0x89: {  	s3 =	rddreg [dreg:$0x2];
	[bflag:$0x3] =	sbarrier.arrive $0xFFFF;
	s2 =	simm.s32 @!p0 $0x1C02  }
0x8a: {  	[timem:s3], [sflag:s2] =	dma.local @!p0 [hbm:s0], s1  }
0x8b: {  	s0 =	simm.s32 @!p0 $0x2  }
0x8c: {  	_ =	swait.ge @!p0 [sflag:s0], s1  }
0x8d: {  	s1 =	ssub.s32 @!p0 $0x0, s1;
	[sflag:s0] =	ssyncset.done @!p0 $0x0  }
0x8e: {  	[sflag:s0] =	ssyncadd.s32 @!p0 s1  }
0x8f: {  	[bflag:$0x3] =	sbarrier.arrive $0xFFFF  }
0x90: {  	_ =	shalt  }

// kernel: kernel.24.cloned.1.call-start
scs
__scs_entry_jumppad:
0x0: {  	(pc) =	sbr.rel $0x88, $3  }
0x1: {  	(tag) =	ssettag $0x0;
	lr =	simm.s32 $0x1  }
0x2: {  	[smem:$0x3F8B] =	sst lr;
	_ =	strace $0xD0000000  }
0x3: {  	_ = 	snop  }
0x4: {  	_ = 	snop  }
0x5: {  	_ = 	snop  }
0x6: {  	_ = 	snop  }
0x7: {  	_ = 	snop  }
__scs_overlays_trampoline_lowered:
0x8: {  	[smem:$0x3F9A] =	sst s0  }
0x9: {  	[smem:$0x3F9B] =	sst s1  }
0xa: {  	[smem:$0x3F9C] =	sst s2  }
0xb: {  	[smem:$0x3F9D] =	sst s3  }
0xc: {  	[smem:$0x3F9E] =	sst s4  }
0xd: {  	[smem:$0x3F9F] =	sst s5  }
0xe: {  	[smem:$0x3FA0] =	sst s6  }
0xf: {  	[smem:$0x3FA1] =	sst s7  }
0x10: {  	[smem:$0x3FA2] =	sst s8  }
0x11: {  	[smem:$0x3FA3] =	sst s9;
	s0 =	simm.s32 @!p0 $0x0  }
0x12: {  	s1 =	sld [smem:$0x3F89];
	s0 =	simm.s32 @p0 $0x1  }
0x13: {  	[smem:$0x3FA4] =	sst s0;
	s0 =	simm.s32 @!p1 $0x0  }
0x14: {  	s2 =	sld [smem:$0x3F88];
	s0 =	simm.s32 @p1 $0x1  }
0x15: {  	[smem:$0x3FA5] =	sst s0;
	s0 =	simm.s32 @!p2 $0x0  }
0x16: {  	s3 =	sld [smem:$0x3FDB];
	s0 =	simm.s32 @p2 $0x1  }
0x17: {  	s4 =	simm.s32 $0x1BF5;
	[smem:$0x3FA7] =	sst s0  }
0x18: {  	s0 =	sld [smem:$0x3F8A];
	_ =	swait.ge [sflag:s4], $0x0  }
0x19: {  	s7 =	sld [smem:$0x3F8B]  }
0x1a: {  	s8 =	sadd.s32 $0xFFFFE003, lr  }
0x1b: {  	s9 =	sadd.s32 $0xFFFFFEF7, lr;
	s5 =	simm.s32 $0xFFFFFFFF;
	p2 =	slt.u32 s8, $0xFFFFF086  }
0x1c: {  	p1 =	slt.u32 s9, $0xF7A;
	s5 =	simm.s32 @!p2 $0x0  }
0x1d: {  	s5 =	simm.s32 @p1 $0x1;
	p0 =	seq.s32 s7, s2  }
0x1e: {  	s7 =	smul.u32 @!p0 $0xF7A, s2;
	p2 =	seq.s32 @!p0 s5, $0x0  }
0x1f: {  	s9 =	smul.u32 $0xF7A, s1;
	s8 =	simm.s32 @!p0 $0x1BF5;
	p2 =	por !p2, p0  }
0x20: {  	[sflag:s8] =	ssyncset.s32 @!p0 $0xFFFFF086;
	s6 =	sadd.s32 @!p0 s3, s7;
	s7 =	simm.s32 @!p0 $0x108  }
0x21: {  	s3 =	sadd.s32 s3, s9;
	s6 =	sadd.s32 @!p0 $0x88, s6;
	s7 =	simm.s32 @p2 $0x1082  }
0x22: {  	[simem:s7], [sflag:s8] =	dma.local @!p0 [hbm:s6], $0xF7A  }
0x23: {  	s9 =	sor.u32 $0xD0000000, s2;
	s6 =	simm.s32 $0x108;
	_ =	swait.ge @!p0 [sflag:s8], $0x0  }
0x24: {  	s3 =	sadd.s32 $0x88, s3;
	s6 =	simm.s32 @!p1 $0x1082;
	[sflag:s4] =	ssyncset.s32 $0xFFFFF086  }
0x25: {  	[simem:s6], [sflag:s4] =	dma.local [hbm:s3], $0xF7A  }
0x26: {  	[smem:$0x3F8B] =	sst s1;
	(tag) =	ssettag s2;
	_ =	strace s9  }
0x27: {  	s1 =	sld [smem:$0x3F9B]  }
0x28: {  	s2 =	sld [smem:$0x3F9C]  }
0x29: {  	s4 =	sld [smem:$0x3F9E]  }
0x2a: {  	p0 =	seq.s32 s5, $0x0;
	s5 =	sld [smem:$0x3F9F]  }
0x2b: {  	s6 =	sld [smem:$0x3FA0]  }
0x2c: {  	s7 =	sld [smem:$0x3FA1]  }
0x2d: {  	s3 =	simm.s32 $0x108;
	s8 =	sld [smem:$0x3FA2]  }
0x2e: {  	s3 =	simm.s32 @!p0 $0x1082;
	s9 =	sld [smem:$0x3FA3]  }
0x2f: {  	lr =	sadd.s32 s0, s3;
	s0 =	sld [smem:$0x3F9A]  }
0x30: {  	s3 =	sld [smem:$0x3F9D]  }
0x31: {  	[smem:$0x3FA6] =	sst s10  }
0x32: {  	s10 =	sld [smem:$0x3FA4];
	_ =	sdelay $0x3  }
0x33: {  	p0 =	seq.s32 s10, $0x1;
	s10 =	sld [smem:$0x3FA6];
	_ =	sdelay $0x3  }
0x34: {  	[smem:$0x3FA6] =	sst s10  }
0x35: {  	s10 =	sld [smem:$0x3FA5];
	_ =	sdelay $0x3  }
0x36: {  	p1 =	seq.s32 s10, $0x1;
	s10 =	sld [smem:$0x3FA6];
	_ =	sdelay $0x3  }
0x37: {  	[smem:$0x3FA6] =	sst s10  }
0x38: {  	s10 =	sld [smem:$0x3FA7]  }
0x39: {  	_ = 	snop;
	(pc) =	sbr.ind lr, $3  }
0x3a: {  	_ = 	snop  }
0x3b: {  	_ = 	snop  }
0x3c: {  	p2 =	seq.s32 s10, $0x1;
	s10 =	sld [smem:$0x3FA6]  }
0x3d: {  	_ =	shalt  }
0x3e: {  	_ =	shalt  }
0x3f: {  	_ =	shalt  }
0x40: {  	_ =	shalt  }
0x41: {  	_ =	shalt  }
0x42: {  	_ =	shalt  }
0x43: {  	_ =	shalt  }
0x44: {  	_ =	shalt  }
0x45: {  	_ =	shalt  }
0x46: {  	_ =	shalt  }
0x47: {  	_ =	shalt  }
0x48: {  	_ =	shalt  }
0x49: {  	_ =	shalt  }
0x4a: {  	_ =	shalt  }
0x4b: {  	_ =	shalt  }
0x4c: {  	_ =	shalt  }
0x4d: {  	_ =	shalt  }
0x4e: {  	_ =	shalt  }
0x4f: {  	_ =	shalt  }
0x50: {  	_ =	shalt  }
0x51: {  	_ =	shalt  }
0x52: {  	_ =	shalt  }
0x53: {  	_ =	shalt  }
0x54: {  	_ =	shalt  }
0x55: {  	_ =	shalt  }
0x56: {  	_ =	shalt  }
0x57: {  	_ =	shalt  }
0x58: {  	_ =	shalt  }
0x59: {  	_ =	shalt  }
0x5a: {  	_ =	shalt  }
0x5b: {  	_ =	shalt  }
0x5c: {  	_ =	shalt  }
0x5d: {  	_ =	shalt  }
0x5e: {  	_ =	shalt  }
0x5f: {  	_ =	shalt  }
0x60: {  	_ =	shalt  }
0x61: {  	_ =	shalt  }
0x62: {  	_ =	shalt  }
0x63: {  	_ =	shalt  }
0x64: {  	_ =	shalt  }
0x65: {  	_ =	shalt  }
0x66: {  	_ =	shalt  }
0x67: {  	_ =	shalt  }
0x68: {  	_ =	shalt  }
0x69: {  	_ =	shalt  }
0x6a: {  	_ =	shalt  }
0x6b: {  	_ =	shalt  }
0x6c: {  	_ =	shalt  }
0x6d: {  	_ =	shalt  }
0x6e: {  	_ =	shalt  }
0x6f: {  	_ =	shalt  }
0x70: {  	_ =	shalt  }
0x71: {  	_ =	shalt  }
0x72: {  	_ =	shalt  }
0x73: {  	_ =	shalt  }
0x74: {  	_ =	shalt  }
0x75: {  	_ =	shalt  }
0x76: {  	_ =	shalt  }
0x77: {  	_ =	shalt  }
0x78: {  	_ =	shalt  }
0x79: {  	_ =	shalt  }
0x7a: {  	_ =	shalt  }
0x7b: {  	_ =	shalt  }
0x7c: {  	_ =	shalt  }
0x7d: {  	_ =	shalt  }
0x7e: {  	_ =	shalt  }
0x7f: {  	_ =	shalt  }
0x80: {  	_ =	shalt  }
0x81: {  	_ =	shalt  }
0x82: {  	_ =	shalt  }
0x83: {  	_ =	shalt  }
0x84: {  	_ =	shalt  }
0x85: {  	_ =	shalt  }
0x86: {  	_ =	shalt  }
0x87: {  	_ =	shalt  }
.Lfunc_end0:
.L_simem_size_0:
called_computation.3_lowered:
.L_overlay_start_0:
0x88: {  	s2 =	sld [smem:$0x3FD9]  }
0x89: {  	s3 =	sld [smem:$0x3FFE];
	_ =	sdelay $0x1  }
0x8a: {  	s1 =	srdreg.scid  }
0x8b: {  	s0 =	sand.u32 $0x1, s1  }
0x8c: {  	s16 =	sshll.u32 s0, $0xA;
	s2 =	sadd.s32 s3, s2  }
0x8d: {  	s2 =	sadd.s32 s2, s16  }
0x8e: {  	[smem:$0x3FB2] =	sst s2  }
0x8f: {  	_ = 	snop  }
0x90: {  	(tm) =	ssettm $0x1  }
0x91: {  	s17 =	sld [smem:$0x3FFB];
	_ =	sdelay $0x3  }
0x92: {  	_ =	strace s17  }
0x93: {  	s2 =	sld [smem:$0x3FFC];
	_ =	sdelay $0x3  }
0x94: {  	_ =	strace s2  }
0x95: {  	s2 =	sld [smem:$0x3FFD];
	_ =	sdelay $0x3  }
0x96: {  	_ =	strace s2  }
0x97: {  	_ =	strace $0x8FFFFFFF  }
0x98: {  	s18 =	sld [smem:$0x3FDB];
	_ =	sdelay $0x1  }
0x99: {  	s19 =	simm.s32 $_scs_section_size  }
0x9a: {  	s4 =	simm.s32 $_size__tile_overlayer_lowered;
	s5 =	simm.s32 $_tile_overlayer_lowered  }
0x9b: {  	s22 =	simm.s32 $0x1BFF;
	s21 =	sshll.u32 s5, $0x1;
	s2 =	sadd.s32 s19, s18  }
0x9c: {  	s6 =	simm.s32 $0x0;
	s20 =	sshll.u32 s4, $0x1;
	s4 =	sadd.s32 s21, s2  }
0x9d: {  	[timem:s6], [sflag:s22] =	dma.local [hbm:s4], s20  }
0x9e: {  	_ =	swait.ge [sflag:s22], s20  }
0x9f: {  	s3 =	ssub.s32 $0x0, s20;
	[sflag:s22] =	ssyncset.done $0x0  }
0xa0: {  	[sflag:s22] =	ssyncadd.s32 s3;
	_ =	sdelay $0x1  }
0xa1: {  	s23 =	simm.s32 $0x1B8B  }
0xa2: {  	_ =	swait.ge [sflag:s23], $0x1  }
0xa3: {  	[sflag:s23] =	ssyncset.done $0x0  }
0xa4: {  	s25 =	simm.s32 $0x1B8E;
	s24 =	sld [smem:$0x3FFE];
	[sflag:s23] =	ssyncadd.s32 $0xFFFFFFFF  }
0xa5: {  	s26 =	simm.s32 $execute0_lowered;
	[smem:$0x3FD2] =	sst s25  }
0xa6: {  	s4 =	sshll.u32 s26, $0x1;
	_ =	strace $0x8000004F;
	[dreg:$0x1] =	wrdreg $0xFFFFFFFF  }
0xa7: {  	s28 =	simm.s32 $_size_execute0_lowered;
	s2 =	sadd.s32 s2, s4;
	[dreg:$0x0] =	wrdreg $0x0  }
0xa8: {  	s4 =	sshll.u32 s28, $0x1;
	[dreg:$0x2] =	wrdreg s2  }
0xa9: {  	[dreg:$0x3] =	wrdreg s4  }
0xaa: {  	[dreg:$0x4] =	wrdreg $0xC0  }
0xab: {  	_ =	task [dreg:s6], $0x5FFFF  }
0xac: {  	[dreg:$0x1] =	wrdreg $0xFFFFFFFF  }
0xad: {  	[dreg:$0x0] =	wrdreg $0x60  }
0xae: {  	[dreg:$0x2] =	wrdreg s24  }
0xaf: {  	[dreg:$0x3] =	wrdreg $0x8A000  }
0xb0: {  	[dreg:$0x4] =	wrdreg $0x9  }
0xb1: {  	_ =	task.clear_ibuf [dreg:s6], $0x5FFFF;
	_ =	strace $0x9000004F  }
0xb2: {  	s29 =	simm.s32 $0x9;
	_ =	strace $0x80000051  }
0xb3: {  	_ =	swait.ge [sflag:s29], $0x1  }
0xb4: {  	[sflag:s29] =	ssyncadd.s32 $0xFFFFFFFF  }
0xb5: {  	_ =	strace $0x90000051  }
0xb6: {  	_ =	sfence  }
0xb7: {  	s30 =	sld [smem:$0x0];
	_ =	sdelay $0x2  }
0xb8: {  	s31 =	sshll.u32 s1, $0xD;
	s1 =	sshrl.u32 s1, $0x2  }
0xb9: {  	s3 =	sand.u32 $0x4000, s31;
	s1 =	sadd.s32 s1, s30  }
0xba: {  	s0 =	sor.u32 s3, s0;
	s1 =	sshll.u32 s1, $0x11  }
0xbb: {  	s0 =	sor.u32 s1, s0  }
0xbc: {  	s0 =	sadd.s32 $0x8F2B, s0  }
0xbd: {  	[sflag:s0] =	ssyncadd.remote.s32 $0x1  }
0xbe: {  	_ =	sfence.sel $0xFFFF  }
0xbf: {  	[dreg:$0x0] =	wrdreg $0xFFFFFFFF;
	(pc) =	sbr.abs _section_cstart, $3  }
0xc0: {  	[dreg:$0x1] =	wrdreg $0xFFFFFFFF  }
0xc1: {  	_ =	task.clear_ibuf [dreg:s6], $0x2FFFF;
	_ =	strace $0x9FFFFFFF  }
0xc2: {  	(tm) =	ssettm $0x7FFFFFFF  }
0xc3: {  	_ =	shalt  }
tec
execute0_lowered:
.L_overlay_start_1:
0x0: {  	(tag) =	ssettag $0x1  }
0x1: {  	s4 =	rddreg [dreg:$0x0];
	s0 =	stileid.u32  }
0x2: {  	s1 =	srdreg.scid;
	s2 =	rddreg [dreg:$0x1];
	s3 =	simm.s32 $0x0  }
0x3: {  	s13 =	simm.s32 $0x2000;
	s14 =	simm.s32 $0x8100;
	s6 =	smul.u32 $0x2C00, s0  }
0x4: {  	s15 =	simm.s32 $0x4000;
	s16 =	simm.s32 $0x8180;
	s8 =	smul.u32 $0x16000, s0  }
0x5: {  	s17 =	simm.s32 $0x6000;
	s18 =	simm.s32 $0x1;
	s9 =	smul.u32 $0x32000, s0  }
0x6: {  	s19 =	simm.s32 $0x2;
	s5 =	sand.u32 $0x1, s1;
	s11 =	smul.u32 $0xC800, s0  }
0x7: {  	s20 =	simm.s32 $0x3;
	s1 =	rddreg [dreg:$0x2];
	s7 =	smul.u32 $0x1600, s5  }
0x8: {  	s21 =	simm.s32 $0x4;
	[smem:$0x7FF] =	sst s3;
	s29 =	smul.u32 $0x19000, s5  }
0x9: {  	_ =	strace $0x80000050;
	s30 =	ssub.s32 $0x2, s5;
	s5 =	smul.u32 $0xB000, s5  }
0xa: {  	s8 =	sadd.s32 s8, s4;
	s12 =	sshrl.u32 s30, $0x1;
	s9 =	sshrl.u32 s9, $0x2  }
0xb: {  	s23 =	sshrl.u32 s11, $0x3;
	s24 =	sadd.s32 s11, s2;
	s11 =	simm.s32 $0x80  }
0xc: {  	s6 =	sadd.s32 s7, s6;
	s7 =	sadd.s32 s29, s4;
	s31 =	sadd.s32 s5, s8  }
0xd: {  	s8 =	simm.s32 $0x8200;
	s6 =	sshrl.u32 s6, $0x3;
	s22 =	sadd.s32 $0x5400, s7  }
0xe: {  	s10 =	sadd.s32 s6, s4;
	s6 =	ssub.s32 s30, s12;
	s4 =	sadd.s32 s9, s2  }
0xf: {  	s9 =	simm.s32 $0x5;
	s12 =	simm.s32 $0x8080;
	s22 =	sadd.s32 s23, s22  }
0x10: {  	s23 =	sshrl.u32 s24, $0x3;
	s5 =	smax.u32 s6, $0x1;
	s6 =	sadd.s32 $0x1A2C00, s31  }
0x11: {  	v0 =	vimm.f32 $0.0e+00;
	s24 =	simm.s32 $0x0;
	s7 =	sadd.s32 $0x19D400, s10;
	s10 =	simm.s32 $0x8000  }
.LBB2_1:
0x12: {  	s25 =	simm.s32 $0x0  }
.LBB2_2:
0x13: {  	p0 =	sne.s32 s25, $0x1F00  }
.Ltmp0:
0x14: {  	s26 =	sshra.s32 s25, $0x2;
	(pc) =	sbr.rel @p0 .LBB2_2-.Ltmp0, $4  }
0x15: {  	[tilespmem:s26+$0x8200] =	vst v0  }
0x16: {  	[tilespmem:s26+$0x8210] =	vst v0  }
0x17: {  	[tilespmem:s26+$0x8220] =	vst v0  }
0x18: {  	s25 =	sadd.s32 $0x100, s25;
	[tilespmem:s26+$0x8230] =	vst v0  }
0x19: {  	s25 =	sadd.s32 $0x0, s4  }
0x1a: {  	[spmem:s25] =	stream.linear.scatter [tilespmem:s8], [sflag:$0x5], $0x800, $0x38;
	[tilespmem:$0x15200] =	vst v63  }
0x1b: {  	s25 =	simm.s32 $0x2000;
	_ =	swait.ge [sflag:s9], $0x800  }
.LBB2_4:
0x1c: {  	s26 =	sshra.s32 s25, $0x2;
	[sflag:s9] =	ssyncset.done $0x0;
	p0 =	sne.s32 s25, $0x30000  }
.Ltmp1:
0x1d: {  	s26 =	sadd.s32 s26, s4;
	[sflag:s9] =	ssyncadd.s32 $0xFFFFF800;
	(pc) =	sbr.rel @p0 .LBB2_4-.Ltmp1, $3  }
0x1e: {  	[spmem:s26] =	stream.linear.scatter [tilespmem:s8], [sflag:$0x5], $0x800, $0x38;
	[tilespmem:$0x15200] =	vst v63  }
0x1f: {  	s25 =	sadd.s32 $0x2000, s25;
	_ =	sdelay $0x1  }
0x20: {  	_ =	swait.ge [sflag:s9], $0x800  }
0x21: {  	[sflag:s9] =	ssyncset.done $0x0  }
0x22: {  	[sflag:s9] =	ssyncadd.s32 $0xFFFFF800  }
0x23: {  	[bflag:$0x0] =	sbarrier.arrive $0xFFFF  }
0x24: {  	[tilespmem:s3], [sflag:$0x5] =	stream.linear.gather [hbm4b:s6+s3], $0x8000, $0x38;
	[tilespmem:$0x15200] =	vst v63  }
0x25: {  	_ =	swait.ge [sflag:s9], $0x8000  }
0x26: {  	[sflag:s9] =	ssyncset.done $0x0  }
0x27: {  	s25 =	sadd.s32 $0x0, s7;
	[sflag:s9] =	ssyncadd.s32 $0xFFFF8000  }
0x28: {  	[tilespmem:s10], [sflag:$0x5] =	stream.linear.gather [hbm4b:s25+s3], $0x200, $0x38;
	[tilespmem:$0x15200] =	vst v63  }
0x29: {  	_ =	swait.ge [sflag:s9], $0x200  }
0x2a: {  	[sflag:s9] =	ssyncset.done $0x0  }
0x2b: {  	[sflag:s9] =	ssyncadd.s32 $0xFFFFFE00  }
0x2c: {  	[spmem:s2] =	stream.indirect.scatter.add.f32 [tilespmem:s3], [sflag:$0x1], $0x40, s10, s11, $0xb8;
	[tilespmem:$0x15200] =	vst v63  }
0x2d: {  	_ = 	snop  }
0x2e: {  	[spmem:s2] =	stream.indirect.scatter.add.f32 [tilespmem:s13], [sflag:$0x2], $0x40, s12, s11, $0xb8;
	[tilespmem:$0x15200] =	vst v63  }
0x2f: {  	_ = 	snop  }
0x30: {  	[spmem:s2] =	stream.indirect.scatter.add.f32 [tilespmem:s15], [sflag:$0x3], $0x40, s14, s11, $0xb8;
	[tilespmem:$0x15200] =	vst v63  }
0x31: {  	_ = 	snop  }
0x32: {  	[spmem:s2] =	stream.indirect.scatter.add.f32 [tilespmem:s17], [sflag:$0x4], $0x40, s16, s11, $0xb8;
	[tilespmem:$0x15200] =	vst v63  }
0x33: {  	_ =	swait.ge [sflag:s18], $0x2000  }
0x34: {  	[sflag:s18] =	ssyncset.done $0x0  }
0x35: {  	[sflag:s18] =	ssyncadd.s32 $0xFFFFE000  }
0x36: {  	_ =	swait.ge [sflag:s19], $0x2000  }
0x37: {  	[sflag:s19] =	ssyncset.done $0x0  }
0x38: {  	[sflag:s19] =	ssyncadd.s32 $0xFFFFE000  }
0x39: {  	_ =	swait.ge [sflag:s20], $0x2000  }
0x3a: {  	[sflag:s20] =	ssyncset.done $0x0  }
0x3b: {  	[sflag:s20] =	ssyncadd.s32 $0xFFFFE000  }
0x3c: {  	_ =	swait.ge [sflag:s21], $0x2000  }
0x3d: {  	s26 =	smov.u32 s6;
	s25 =	simm.s32 $0x40;
	[sflag:s21] =	ssyncset.done $0x0  }
.LBB2_6:
0x3e: {  	p0 =	sne.s32 s25, $0x280;
	[sflag:s21] =	ssyncadd.s32 $0xFFFFE000;
	s26 =	sadd.s32 $0x1000, s26  }
0x3f: {  	[tilespmem:s3], [sflag:$0x5] =	stream.linear.gather [hbm4b:s26+s3], $0x8000, $0x38;
	[tilespmem:$0x15200] =	vst v63  }
0x40: {  	s28 =	smov.u32 s25;
	s25 =	sadd.s32 $0x40, s25;
	_ =	swait.ge [sflag:s9], $0x8000  }
0x41: {  	[sflag:s9] =	ssyncset.done $0x0  }
0x42: {  	s28 =	sadd.s32 s28, s7;
	[sflag:s9] =	ssyncadd.s32 $0xFFFF8000  }
0x43: {  	[tilespmem:s10], [sflag:$0x5] =	stream.linear.gather [hbm4b:s28+s3], $0x200, $0x38;
	[tilespmem:$0x15200] =	vst v63  }
0x44: {  	_ =	swait.ge [sflag:s9], $0x200  }
0x45: {  	[sflag:s9] =	ssyncset.done $0x0  }
0x46: {  	[sflag:s9] =	ssyncadd.s32 $0xFFFFFE00  }
0x47: {  	[spmem:s2] =	stream.indirect.scatter.add.f32 [tilespmem:s3], [sflag:$0x1], $0x40, s10, s11, $0xb8;
	[tilespmem:$0x15200] =	vst v63  }
0x48: {  	_ = 	snop  }
0x49: {  	[spmem:s2] =	stream.indirect.scatter.add.f32 [tilespmem:s13], [sflag:$0x2], $0x40, s12, s11, $0xb8;
	[tilespmem:$0x15200] =	vst v63  }
0x4a: {  	_ = 	snop  }
0x4b: {  	[spmem:s2] =	stream.indirect.scatter.add.f32 [tilespmem:s15], [sflag:$0x3], $0x40, s14, s11, $0xb8;
	[tilespmem:$0x15200] =	vst v63  }
0x4c: {  	_ = 	snop  }
0x4d: {  	[spmem:s2] =	stream.indirect.scatter.add.f32 [tilespmem:s17], [sflag:$0x4], $0x40, s16, s11, $0xb8;
	[tilespmem:$0x15200] =	vst v63  }
0x4e: {  	_ =	swait.ge [sflag:s18], $0x2000  }
0x4f: {  	[sflag:s18] =	ssyncset.done $0x0  }
0x50: {  	[sflag:s18] =	ssyncadd.s32 $0xFFFFE000  }
0x51: {  	_ =	swait.ge [sflag:s19], $0x2000  }
0x52: {  	[sflag:s19] =	ssyncset.done $0x0  }
0x53: {  	[sflag:s19] =	ssyncadd.s32 $0xFFFFE000  }
.Ltmp2:
0x54: {  	_ =	swait.ge [sflag:s20], $0x2000;
	(pc) =	sbr.rel @p0 .LBB2_6-.Ltmp2, $4  }
0x55: {  	[sflag:s20] =	ssyncset.done $0x0  }
0x56: {  	[sflag:s20] =	ssyncadd.s32 $0xFFFFE000  }
0x57: {  	_ =	swait.ge [sflag:s21], $0x2000  }
0x58: {  	[sflag:s21] =	ssyncset.done $0x0  }
0x59: {  	s24 =	sadd.s32 $0x1, s24  }
0x5a: {  	[sflag:s21] =	ssyncadd.s32 $0xFFFFE000;
	s25 =	sshll.u32 s0, $0x6;
	p0 =	sne.s32 s24, s5  }
.Ltmp3:
0x5b: {  	[bflag:$0x0] =	sbarrier.arrive $0xFFFF;
	s25 =	sor.u32 $0x1C05, s25;
	(pc) =	sbr.rel @p0 .LBB2_1-.Ltmp3, $4  }
0x5c: {  	[hbm:s22], [sflag:s25] =	dma.local [spmem:s23], $0x1900  }
0x5d: {  	_ =	swait.ge [sflag:s9], $0x1900  }
0x5e: {  	[sflag:s9] =	ssyncset.done $0x0  }
0x5f: {  	[sflag:s9] =	ssyncadd.s32 $0xFFFFE700  }
0x60: {  	_ =	sfence.sel $0x180000  }
0x61: {  	[bflag:$0x0] =	sbarrier.arrive $0xFFFF  }
0x62: {  	p0 =	sne.s32 s0, $0x0;
	_ =	strace $0x90000050  }
0x63: {  	s0 =	sadd.s32 @!p0 $0x100000, s1;
	[bflag:$0x2] =	sbarrier.arrive $0xFFFF  }
0x64: {  	[sflag:s0] =	ssyncadd.tile.s32 @!p0 $0x1;
	_ =	shalt  }
.Lfunc_end2:
_tile_overlayer_lowered:
.L_overlay_start_2:
0x65: {  	(tag) =	ssettag $0x2  }
0x66: {  	s0 =	rddreg [dreg:$0x0];
	s2 =	stileid.u32  }
0x67: {  	s1 =	rddreg [dreg:$0x1];
	p0 =	sne.s32 s2, $0x0  }
0x68: {  	s3 =	rddreg [dreg:$0x2];
	[bflag:$0x3] =	sbarrier.arrive $0xFFFF;
	s2 =	simm.s32 @!p0 $0x1C05  }
0x69: {  	[timem:s3], [sflag:s2] =	dma.local @!p0 [hbm:s0], s1  }
0x6a: {  	s0 =	simm.s32 @!p0 $0x5  }
0x6b: {  	_ =	swait.ge @!p0 [sflag:s0], s1  }
0x6c: {  	s1 =	ssub.s32 @!p0 $0x0, s1;
	[sflag:s0] =	ssyncset.done @!p0 $0x0  }
0x6d: {  	[sflag:s0] =	ssyncadd.s32 @!p0 s1  }
0x6e: {  	[bflag:$0x3] =	sbarrier.arrive $0xFFFF  }
0x6f: {  	_ =	shalt  }

// kernel: kernel.27.cloned.1.call-start
scs
__scs_entry_jumppad:
0x0: {  	(pc) =	sbr.rel $0x88, $3  }
0x1: {  	(tag) =	ssettag $0x0;
	lr =	simm.s32 $0x1  }
0x2: {  	[smem:$0x3F8B] =	sst lr;
	_ =	strace $0xD0000000  }
0x3: {  	_ = 	snop  }
0x4: {  	_ = 	snop  }
0x5: {  	_ = 	snop  }
0x6: {  	_ = 	snop  }
0x7: {  	_ = 	snop  }
__scs_overlays_trampoline_lowered:
0x8: {  	[smem:$0x3F9A] =	sst s0  }
0x9: {  	[smem:$0x3F9B] =	sst s1  }
0xa: {  	[smem:$0x3F9C] =	sst s2  }
0xb: {  	[smem:$0x3F9D] =	sst s3  }
0xc: {  	[smem:$0x3F9E] =	sst s4  }
0xd: {  	[smem:$0x3F9F] =	sst s5  }
0xe: {  	[smem:$0x3FA0] =	sst s6  }
0xf: {  	[smem:$0x3FA1] =	sst s7  }
0x10: {  	[smem:$0x3FA2] =	sst s8  }
0x11: {  	[smem:$0x3FA3] =	sst s9;
	s0 =	simm.s32 @!p0 $0x0  }
0x12: {  	s1 =	sld [smem:$0x3F89];
	s0 =	simm.s32 @p0 $0x1  }
0x13: {  	[smem:$0x3FA4] =	sst s0;
	s0 =	simm.s32 @!p1 $0x0  }
0x14: {  	s2 =	sld [smem:$0x3F88];
	s0 =	simm.s32 @p1 $0x1  }
0x15: {  	[smem:$0x3FA5] =	sst s0;
	s0 =	simm.s32 @!p2 $0x0  }
0x16: {  	s3 =	sld [smem:$0x3FDB];
	s0 =	simm.s32 @p2 $0x1  }
0x17: {  	s4 =	simm.s32 $0x1BF5;
	[smem:$0x3FA7] =	sst s0  }
0x18: {  	s0 =	sld [smem:$0x3F8A];
	_ =	swait.ge [sflag:s4], $0x0  }
0x19: {  	s7 =	sld [smem:$0x3F8B]  }
0x1a: {  	s8 =	sadd.s32 $0xFFFFE003, lr  }
0x1b: {  	s9 =	sadd.s32 $0xFFFFFEF7, lr;
	s5 =	simm.s32 $0xFFFFFFFF;
	p2 =	slt.u32 s8, $0xFFFFF086  }
0x1c: {  	p1 =	slt.u32 s9, $0xF7A;
	s5 =	simm.s32 @!p2 $0x0  }
0x1d: {  	s5 =	simm.s32 @p1 $0x1;
	p0 =	seq.s32 s7, s2  }
0x1e: {  	s7 =	smul.u32 @!p0 $0xF7A, s2;
	p2 =	seq.s32 @!p0 s5, $0x0  }
0x1f: {  	s9 =	smul.u32 $0xF7A, s1;
	s8 =	simm.s32 @!p0 $0x1BF5;
	p2 =	por !p2, p0  }
0x20: {  	[sflag:s8] =	ssyncset.s32 @!p0 $0xFFFFF086;
	s6 =	sadd.s32 @!p0 s3, s7;
	s7 =	simm.s32 @!p0 $0x108  }
0x21: {  	s3 =	sadd.s32 s3, s9;
	s6 =	sadd.s32 @!p0 $0x88, s6;
	s7 =	simm.s32 @p2 $0x1082  }
0x22: {  	[simem:s7], [sflag:s8] =	dma.local @!p0 [hbm:s6], $0xF7A  }
0x23: {  	s9 =	sor.u32 $0xD0000000, s2;
	s6 =	simm.s32 $0x108;
	_ =	swait.ge @!p0 [sflag:s8], $0x0  }
0x24: {  	s3 =	sadd.s32 $0x88, s3;
	s6 =	simm.s32 @!p1 $0x1082;
	[sflag:s4] =	ssyncset.s32 $0xFFFFF086  }
0x25: {  	[simem:s6], [sflag:s4] =	dma.local [hbm:s3], $0xF7A  }
0x26: {  	[smem:$0x3F8B] =	sst s1;
	(tag) =	ssettag s2;
	_ =	strace s9  }
0x27: {  	s1 =	sld [smem:$0x3F9B]  }
0x28: {  	s2 =	sld [smem:$0x3F9C]  }
0x29: {  	s4 =	sld [smem:$0x3F9E]  }
0x2a: {  	p0 =	seq.s32 s5, $0x0;
	s5 =	sld [smem:$0x3F9F]  }
0x2b: {  	s6 =	sld [smem:$0x3FA0]  }
0x2c: {  	s7 =	sld [smem:$0x3FA1]  }
0x2d: {  	s3 =	simm.s32 $0x108;
	s8 =	sld [smem:$0x3FA2]  }
0x2e: {  	s3 =	simm.s32 @!p0 $0x1082;
	s9 =	sld [smem:$0x3FA3]  }
0x2f: {  	lr =	sadd.s32 s0, s3;
	s0 =	sld [smem:$0x3F9A]  }
0x30: {  	s3 =	sld [smem:$0x3F9D]  }
0x31: {  	[smem:$0x3FA6] =	sst s10  }
0x32: {  	s10 =	sld [smem:$0x3FA4];
	_ =	sdelay $0x3  }
0x33: {  	p0 =	seq.s32 s10, $0x1;
	s10 =	sld [smem:$0x3FA6];
	_ =	sdelay $0x3  }
0x34: {  	[smem:$0x3FA6] =	sst s10  }
0x35: {  	s10 =	sld [smem:$0x3FA5];
	_ =	sdelay $0x3  }
0x36: {  	p1 =	seq.s32 s10, $0x1;
	s10 =	sld [smem:$0x3FA6];
	_ =	sdelay $0x3  }
0x37: {  	[smem:$0x3FA6] =	sst s10  }
0x38: {  	s10 =	sld [smem:$0x3FA7]  }
0x39: {  	_ = 	snop;
	(pc) =	sbr.ind lr, $3  }
0x3a: {  	_ = 	snop  }
0x3b: {  	_ = 	snop  }
0x3c: {  	p2 =	seq.s32 s10, $0x1;
	s10 =	sld [smem:$0x3FA6]  }
0x3d: {  	_ =	shalt  }
0x3e: {  	_ =	shalt  }
0x3f: {  	_ =	shalt  }
0x40: {  	_ =	shalt  }
0x41: {  	_ =	shalt  }
0x42: {  	_ =	shalt  }
0x43: {  	_ =	shalt  }
0x44: {  	_ =	shalt  }
0x45: {  	_ =	shalt  }
0x46: {  	_ =	shalt  }
0x47: {  	_ =	shalt  }
0x48: {  	_ =	shalt  }
0x49: {  	_ =	shalt  }
0x4a: {  	_ =	shalt  }
0x4b: {  	_ =	shalt  }
0x4c: {  	_ =	shalt  }
0x4d: {  	_ =	shalt  }
0x4e: {  	_ =	shalt  }
0x4f: {  	_ =	shalt  }
0x50: {  	_ =	shalt  }
0x51: {  	_ =	shalt  }
0x52: {  	_ =	shalt  }
0x53: {  	_ =	shalt  }
0x54: {  	_ =	shalt  }
0x55: {  	_ =	shalt  }
0x56: {  	_ =	shalt  }
0x57: {  	_ =	shalt  }
0x58: {  	_ =	shalt  }
0x59: {  	_ =	shalt  }
0x5a: {  	_ =	shalt  }
0x5b: {  	_ =	shalt  }
0x5c: {  	_ =	shalt  }
0x5d: {  	_ =	shalt  }
0x5e: {  	_ =	shalt  }
0x5f: {  	_ =	shalt  }
0x60: {  	_ =	shalt  }
0x61: {  	_ =	shalt  }
0x62: {  	_ =	shalt  }
0x63: {  	_ =	shalt  }
0x64: {  	_ =	shalt  }
0x65: {  	_ =	shalt  }
0x66: {  	_ =	shalt  }
0x67: {  	_ =	shalt  }
0x68: {  	_ =	shalt  }
0x69: {  	_ =	shalt  }
0x6a: {  	_ =	shalt  }
0x6b: {  	_ =	shalt  }
0x6c: {  	_ =	shalt  }
0x6d: {  	_ =	shalt  }
0x6e: {  	_ =	shalt  }
0x6f: {  	_ =	shalt  }
0x70: {  	_ =	shalt  }
0x71: {  	_ =	shalt  }
0x72: {  	_ =	shalt  }
0x73: {  	_ =	shalt  }
0x74: {  	_ =	shalt  }
0x75: {  	_ =	shalt  }
0x76: {  	_ =	shalt  }
0x77: {  	_ =	shalt  }
0x78: {  	_ =	shalt  }
0x79: {  	_ =	shalt  }
0x7a: {  	_ =	shalt  }
0x7b: {  	_ =	shalt  }
0x7c: {  	_ =	shalt  }
0x7d: {  	_ =	shalt  }
0x7e: {  	_ =	shalt  }
0x7f: {  	_ =	shalt  }
0x80: {  	_ =	shalt  }
0x81: {  	_ =	shalt  }
0x82: {  	_ =	shalt  }
0x83: {  	_ =	shalt  }
0x84: {  	_ =	shalt  }
0x85: {  	_ =	shalt  }
0x86: {  	_ =	shalt  }
0x87: {  	_ =	shalt  }
.Lfunc_end0:
.L_simem_size_0:
called_computation.4_lowered:
.L_overlay_start_0:
0x88: {  	s2 =	sld [smem:$0x3FD9]  }
0x89: {  	s3 =	sld [smem:$0x3FFE];
	_ =	sdelay $0x1  }
0x8a: {  	s1 =	srdreg.scid  }
0x8b: {  	s0 =	sand.u32 $0x1, s1  }
0x8c: {  	s17 =	sshll.u32 s0, $0xA;
	s2 =	sadd.s32 s3, s2  }
0x8d: {  	s2 =	sadd.s32 s2, s17  }
0x8e: {  	[smem:$0x3FB2] =	sst s2  }
0x8f: {  	_ = 	snop  }
0x90: {  	s2 =	sld [smem:$0x3FBA];
	(tm) =	ssettm $0x1  }
0x91: {  	s18 =	sld [smem:$0x3FFB];
	_ =	sdelay $0x3  }
0x92: {  	_ =	strace s18  }
0x93: {  	s3 =	sld [smem:$0x3FFC];
	_ =	sdelay $0x3  }
0x94: {  	_ =	strace s3  }
0x95: {  	s3 =	sld [smem:$0x3FFD];
	_ =	sdelay $0x3  }
0x96: {  	_ =	strace s3  }
0x97: {  	_ =	strace $0x8FFFFFFF  }
0x98: {  	s19 =	sld [smem:$0x3FDB];
	_ =	sdelay $0x1  }
0x99: {  	s4 =	simm.s32 $_scs_section_size  }
0x9a: {  	s5 =	simm.s32 $_size__tile_overlayer_lowered;
	s6 =	simm.s32 $_tile_overlayer_lowered  }
0x9b: {  	s22 =	simm.s32 $0x1BFF;
	s21 =	sshll.u32 s6, $0x1;
	s3 =	sadd.s32 s4, s19  }
0x9c: {  	s7 =	simm.s32 $0x0;
	s20 =	sshll.u32 s5, $0x1;
	s5 =	sadd.s32 s21, s3  }
0x9d: {  	[timem:s7], [sflag:s22] =	dma.local [hbm:s5], s20  }
0x9e: {  	_ =	swait.ge [sflag:s22], s20  }
0x9f: {  	s4 =	ssub.s32 $0x0, s20;
	[sflag:s22] =	ssyncset.done $0x0  }
0xa0: {  	[sflag:s22] =	ssyncadd.s32 s4;
	_ =	sdelay $0x1  }
0xa1: {  	s23 =	simm.s32 $0x1B8B  }
0xa2: {  	_ =	swait.ge [sflag:s23], $0x1  }
0xa3: {  	[sflag:s23] =	ssyncset.done $0x0  }
0xa4: {  	s25 =	simm.s32 $0x1B8E;
	s24 =	sld [smem:$0x3FFE];
	[sflag:s23] =	ssyncadd.s32 $0xFFFFFFFF  }
0xa5: {  	s26 =	simm.s32 $execute0_lowered;
	[smem:$0x3FD2] =	sst s25  }
0xa6: {  	s5 =	sshll.u32 s26, $0x1;
	_ =	strace $0x80000052;
	[dreg:$0x1] =	wrdreg $0xFFFFFFFF  }
0xa7: {  	s28 =	simm.s32 $_size_execute0_lowered;
	s3 =	sadd.s32 s3, s5;
	[dreg:$0x0] =	wrdreg $0x0  }
0xa8: {  	s5 =	sshll.u32 s28, $0x1;
	[dreg:$0x2] =	wrdreg s3  }
0xa9: {  	[dreg:$0x3] =	wrdreg s5  }
0xaa: {  	[dreg:$0x4] =	wrdreg $0xC0  }
0xab: {  	_ =	task [dreg:s7], $0x5FFFF  }
0xac: {  	[dreg:$0x1] =	wrdreg $0xFFFFFFFF  }
0xad: {  	[dreg:$0x0] =	wrdreg $0x60  }
0xae: {  	[dreg:$0x2] =	wrdreg s24  }
0xaf: {  	[dreg:$0x3] =	wrdreg s2  }
0xb0: {  	[dreg:$0x4] =	wrdreg $0x9  }
0xb1: {  	_ =	task.clear_ibuf [dreg:s7], $0x5FFFF;
	_ =	strace $0x90000052  }
0xb2: {  	s29 =	simm.s32 $0x9;
	_ =	strace $0x80000054  }
0xb3: {  	_ =	swait.ge [sflag:s29], $0x1  }
0xb4: {  	[sflag:s29] =	ssyncadd.s32 $0xFFFFFFFF  }
0xb5: {  	_ =	strace $0x90000054  }
0xb6: {  	_ =	sfence  }
0xb7: {  	s30 =	sld [smem:$0x0];
	_ =	sdelay $0x2  }
0xb8: {  	s31 =	sshll.u32 s1, $0xD;
	s1 =	sshrl.u32 s1, $0x2  }
0xb9: {  	s3 =	sand.u32 $0x4000, s31;
	s1 =	sadd.s32 s1, s30  }
0xba: {  	s0 =	sor.u32 s3, s0;
	s1 =	sshll.u32 s1, $0x11  }
0xbb: {  	s0 =	sor.u32 s1, s0  }
0xbc: {  	s0 =	sadd.s32 $0x8F2B, s0  }
0xbd: {  	[sflag:s0] =	ssyncadd.remote.s32 $0x1  }
0xbe: {  	_ =	sfence.sel $0xFFFF  }
0xbf: {  	[dreg:$0x0] =	wrdreg $0xFFFFFFFF;
	(pc) =	sbr.abs _section_cstart, $3  }
0xc0: {  	[dreg:$0x1] =	wrdreg $0xFFFFFFFF  }
0xc1: {  	_ =	task.clear_ibuf [dreg:s7], $0x2FFFF;
	_ =	strace $0x9FFFFFFF  }
0xc2: {  	(tm) =	ssettm $0x7FFFFFFF  }
0xc3: {  	_ =	shalt  }
tec
execute0_lowered:
.L_overlay_start_1:
0x0: {  	(tag) =	ssettag $0x1  }
0x1: {  	s5 =	rddreg [dreg:$0x0];
	s3 =	simm.s32 $0x0  }
0x2: {  	s20 =	simm.s32 $0xC350;
	[smem:$0x7FF] =	sst s3  }
0x3: {  	s21 =	simm.s32 $0xCB50;
	_ =	strace $0x80000053;
	[dreg:$0x4] =	wrdreg s20  }
0x4: {  	s22 =	simm.s32 $0xCBD0;
	[dreg:$0x5] =	wrdreg s21  }
0x5: {  	s23 =	simm.s32 $0xE350;
	[dreg:$0x6] =	wrdreg s22  }
0x6: {  	s24 =	simm.s32 $0xCC50;
	[dreg:$0x7] =	wrdreg s23  }
0x7: {  	s25 =	simm.s32 $0xF350;
	[dreg:$0x8] =	wrdreg s24  }
0x8: {  	s26 =	simm.s32 $0xCCD0;
	[dreg:$0x9] =	wrdreg s25  }
0x9: {  	s0 =	srdreg.scid;
	s6 =	simm.s32 $0xCD50;
	[dreg:$0xa] =	wrdreg s26  }
0xa: {  	s4 =	stileid.u32;
	s7 =	simm.s32 $0x11350;
	[dreg:$0xc] =	wrdreg s6  }
0xb: {  	s8 =	simm.s32 $0xCDD0;
	s9 =	simm.s32 $0x12350;
	[dreg:$0xd] =	wrdreg s7  }
0xc: {  	s10 =	simm.s32 $0xCE50;
	s11 =	simm.s32 $0x13350;
	[dreg:$0xe] =	wrdreg s8  }
0xd: {  	s12 =	simm.s32 $0xCED0;
	s14 =	simm.s32 $0x14350;
	[dreg:$0xf] =	wrdreg s9  }
0xe: {  	s15 =	simm.s32 $0xCF50;
	s16 =	simm.s32 $0x15350;
	[dreg:$0x10] =	wrdreg s10  }
0xf: {  	s18 =	simm.s32 $0xCFD0;
	s19 =	simm.s32 $0x16350;
	[dreg:$0x11] =	wrdreg s11  }
0x10: {  	s28 =	simm.s32 $0xD;
	s29 =	simm.s32 $0xE;
	[dreg:$0x12] =	wrdreg s12  }
0x11: {  	s30 =	simm.s32 $0xF;
	s31 =	simm.s32 $0x10;
	[dreg:$0x13] =	wrdreg s14  }
0x12: {  	s0 =	sand.u32 $0x1, s0;
	s1 =	smul.u32 $0xB000, s4;
	[dreg:$0x14] =	wrdreg s15  }
0x13: {  	s13 =	smul.u32 $0x2C000, s4;
	s4 =	sadd.s32 $0x4D400, s5;
	[dreg:$0x15] =	wrdreg s16  }
0x14: {  	s2 =	smul.u32 $0x5800, s0;
	s17 =	ssub.s32 $0x2, s0;
	[dreg:$0x16] =	wrdreg s18  }
0x15: {  	[dreg:$0x17] =	wrdreg s19;
	s20 =	simm.s32 $0xD050;
	s0 =	smul.u32 $0x16000, s0  }
0x16: {  	s21 =	simm.s32 $0x17350;
	s22 =	simm.s32 $0xD0D0;
	s23 =	simm.s32 $0x18350  }
0x17: {  	s24 =	simm.s32 $0xD150;
	s7 =	simm.s32 $0x11;
	[dreg:$0x18] =	wrdreg s20  }
0x18: {  	s25 =	simm.s32 $0x19350;
	s8 =	simm.s32 $0x80;
	[dreg:$0x19] =	wrdreg s21  }
0x19: {  	s26 =	simm.s32 $0xD1D0;
	s9 =	simm.s32 $0xD350;
	[dreg:$0x1a] =	wrdreg s22  }
0x1a: {  	s11 =	simm.s32 $0xD250;
	s12 =	simm.s32 $0x1B350;
	[dreg:$0x1b] =	wrdreg s23  }
0x1b: {  	s14 =	simm.s32 $0x1C350;
	s15 =	simm.s32 $0x1;
	[dreg:$0x1c] =	wrdreg s24  }
0x1c: {  	s16 =	simm.s32 $0x2;
	s18 =	simm.s32 $0x4;
	[dreg:$0x1d] =	wrdreg s25  }
0x1d: {  	s19 =	simm.s32 $0x5;
	s6 =	sshrl.u32 s17, $0x1;
	[dreg:$0x1e] =	wrdreg s26  }
0x1e: {  	s20 =	simm.s32 $0x6;
	s21 =	simm.s32 $0x7;
	s22 =	simm.s32 $0x8  }
0x1f: {  	s23 =	simm.s32 $0x9;
	s24 =	simm.s32 $0xA;
	s1 =	sadd.s32 s2, s1  }
0x20: {  	s25 =	simm.s32 $0xB;
	s2 =	simm.s32 $0x10350;
	s1 =	sshrl.u32 s1, $0x3  }
0x21: {  	s26 =	simm.s32 $0xC;
	[dreg:$0xb] =	wrdreg s2;
	s1 =	sadd.s32 s1, s5  }
0x22: {  	s2 =	sadd.s32 s13, s5;
	s5 =	ssub.s32 s17, s6;
	s1 =	sadd.s32 $0x37400, s1  }
0x23: {  	s0 =	sadd.s32 s0, s2;
	s5 =	smax.u32 s5, $0x1;
	[dreg:$0x3] =	wrdreg s1  }
0x24: {  	s13 =	simm.s32 $0xD2D0;
	s0 =	sadd.s32 $0xB1400, s0;
	[dreg:$0x1f] =	wrdreg s5  }
0x25: {  	s17 =	simm.s32 $0x3;
	[smem:$0x7FD] =	sst s0;
	s1 =	simm.s32 $0x0  }
.LBB2_1:
0x26: {  	[smem:$0x7FC] =	sst s1  }
0x27: {  	s0 =	rddreg [dreg:$0x1]  }
0x28: {  	[tilespmem:s3], [sflag:$0x11] =	stream.linear.gather [hbm4b:s0+s3], $0xC350, $0x38;
	[tilespmem:$0x1D350] =	vst v63  }
0x29: {  	_ =	swait.ge [sflag:s7], $0xC350  }
0x2a: {  	[sflag:s7] =	ssyncset.done $0x0  }
0x2b: {  	s2 =	simm.s32 $0x0;
	s6 =	sld [smem:$0x7FD];
	[sflag:s7] =	ssyncadd.s32 $0xFFFF3CB0  }
.LBB2_2:
0x2c: {  	s5 =	rddreg [dreg:$0x3]  }
0x2d: {  	s0 =	rddreg [dreg:$0x4];
	s5 =	sadd.s32 s2, s5  }
0x2e: {  	[tilespmem:s0], [sflag:$0x11] =	stream.linear.gather [hbm4b:s5+s3], $0x800, $0x38;
	[tilespmem:$0x1D350] =	vst v63  }
0x2f: {  	_ =	swait.ge [sflag:s7], $0x800  }
0x30: {  	[sflag:s7] =	ssyncset.done $0x0  }
0x31: {  	[sflag:s7] =	ssyncadd.s32 $0xFFFFF800  }
0x32: {  	v0 =	vld [tilespmem:$0xC350];
	_ =	sdelay $0x5  }
0x33: {  	v1 =	vld [tilespmem:$0xC360];
	_ =	sdelay $0x1  }
0x34: {  	v0 =	vld.idx.msk [tilespmem:v0+s3+$0x0], $0xffff;
	_ =	sdelay $0x3  }
0x35: {  	v2 =	vld [tilespmem:$0xC370]  }
0x36: {  	[tilespmem:$0xCB50] =	vst v0  }
0x37: {  	v0 =	vld.idx.msk [tilespmem:v1+s3+$0x0], $0xffff;
	_ =	sdelay $0x3  }
0x38: {  	v59 =	vld [tilespmem:$0xC380]  }
0x39: {  	[tilespmem:$0xCB60] =	vst v0  }
0x3a: {  	v0 =	vld.idx.msk [tilespmem:v2+s3+$0x0], $0xffff;
	_ =	sdelay $0x3  }
0x3b: {  	v60 =	vld [tilespmem:$0xC390]  }
0x3c: {  	[tilespmem:$0xCB70] =	vst v0  }
0x3d: {  	v0 =	vld.idx.msk [tilespmem:v59+s3+$0x0], $0xffff;
	_ =	sdelay $0x3  }
0x3e: {  	v61 =	vld [tilespmem:$0xC3A0]  }
0x3f: {  	[tilespmem:$0xCB80] =	vst v0  }
0x40: {  	v0 =	vld.idx.msk [tilespmem:v60+s3+$0x0], $0xffff;
	_ =	sdelay $0x3  }
0x41: {  	v62 =	vld [tilespmem:$0xC3B0]  }
0x42: {  	[tilespmem:$0xCB90] =	vst v0  }
0x43: {  	v0 =	vld.idx.msk [tilespmem:v61+s3+$0x0], $0xffff;
	_ =	sdelay $0x3  }
0x44: {  	v63 =	vld [tilespmem:$0xC3C0]  }
0x45: {  	[tilespmem:$0xCBA0] =	vst v0  }
0x46: {  	v0 =	vld.idx.msk [tilespmem:v62+s3+$0x0], $0xffff;
	_ =	sdelay $0x3  }
0x47: {  	v4 =	vld [tilespmem:$0xC3D0]  }
0x48: {  	[tilespmem:$0xCBB0] =	vst v0  }
0x49: {  	v0 =	vld.idx.msk [tilespmem:v63+s3+$0x0], $0xffff;
	_ =	sdelay $0x3  }
0x4a: {  	v5 =	vld [tilespmem:$0xC3E0]  }
0x4b: {  	[tilespmem:$0xCBC0] =	vst v0  }
0x4c: {  	v0 =	vld.idx.msk [tilespmem:v4+s3+$0x0], $0xffff;
	_ =	sdelay $0x3  }
0x4d: {  	v6 =	vld [tilespmem:$0xC3F0]  }
0x4e: {  	[tilespmem:$0xCBD0] =	vst v0  }
0x4f: {  	v0 =	vld.idx.msk [tilespmem:v5+s3+$0x0], $0xffff;
	_ =	sdelay $0x3  }
0x50: {  	v7 =	vld [tilespmem:$0xC400]  }
0x51: {  	[tilespmem:$0xCBE0] =	vst v0  }
0x52: {  	v0 =	vld.idx.msk [tilespmem:v6+s3+$0x0], $0xffff;
	_ =	sdelay $0x3  }
0x53: {  	v8 =	vld [tilespmem:$0xC410]  }
0x54: {  	[tilespmem:$0xCBF0] =	vst v0  }
0x55: {  	v0 =	vld.idx.msk [tilespmem:v7+s3+$0x0], $0xffff;
	_ =	sdelay $0x3  }
0x56: {  	v9 =	vld [tilespmem:$0xC420]  }
0x57: {  	[tilespmem:$0xCC00] =	vst v0  }
0x58: {  	v0 =	vld.idx.msk [tilespmem:v8+s3+$0x0], $0xffff;
	_ =	sdelay $0x3  }
0x59: {  	v10 =	vld [tilespmem:$0xC430]  }
0x5a: {  	[tilespmem:$0xCC10] =	vst v0  }
0x5b: {  	v0 =	vld.idx.msk [tilespmem:v9+s3+$0x0], $0xffff;
	_ =	sdelay $0x3  }
0x5c: {  	v11 =	vld [tilespmem:$0xC440]  }
0x5d: {  	[tilespmem:$0xCC20] =	vst v0  }
0x5e: {  	v0 =	vld.idx.msk [tilespmem:v10+s3+$0x0], $0xffff;
	_ =	sdelay $0x3  }
0x5f: {  	v12 =	vld [tilespmem:$0xC450]  }
0x60: {  	[tilespmem:$0xCC30] =	vst v0  }
0x61: {  	v0 =	vld.idx.msk [tilespmem:v11+s3+$0x0], $0xffff;
	_ =	sdelay $0x3  }
0x62: {  	v13 =	vld [tilespmem:$0xC460]  }
0x63: {  	[tilespmem:$0xCC40] =	vst v0  }
0x64: {  	v0 =	vld.idx.msk [tilespmem:v12+s3+$0x0], $0xffff;
	_ =	sdelay $0x3  }
0x65: {  	v14 =	vld [tilespmem:$0xC470]  }
0x66: {  	[tilespmem:$0xCC50] =	vst v0  }
0x67: {  	v0 =	vld.idx.msk [tilespmem:v13+s3+$0x0], $0xffff;
	_ =	sdelay $0x3  }
0x68: {  	v15 =	vld [tilespmem:$0xC480]  }
0x69: {  	[tilespmem:$0xCC60] =	vst v0  }
0x6a: {  	v0 =	vld.idx.msk [tilespmem:v14+s3+$0x0], $0xffff;
	_ =	sdelay $0x3  }
0x6b: {  	v16 =	vld [tilespmem:$0xC490]  }
0x6c: {  	[tilespmem:$0xCC70] =	vst v0  }
0x6d: {  	v0 =	vld.idx.msk [tilespmem:v15+s3+$0x0], $0xffff;
	_ =	sdelay $0x3  }
0x6e: {  	v17 =	vld [tilespmem:$0xC4A0]  }
0x6f: {  	[tilespmem:$0xCC80] =	vst v0  }
0x70: {  	v0 =	vld.idx.msk [tilespmem:v16+s3+$0x0], $0xffff;
	_ =	sdelay $0x3  }
0x71: {  	v18 =	vld [tilespmem:$0xC4B0]  }
0x72: {  	[tilespmem:$0xCC90] =	vst v0  }
0x73: {  	v0 =	vld.idx.msk [tilespmem:v17+s3+$0x0], $0xffff;
	_ =	sdelay $0x3  }
0x74: {  	v19 =	vld [tilespmem:$0xC4C0]  }
0x75: {  	[tilespmem:$0xCCA0] =	vst v0  }
0x76: {  	v0 =	vld.idx.msk [tilespmem:v18+s3+$0x0], $0xffff;
	_ =	sdelay $0x3  }
0x77: {  	v20 =	vld [tilespmem:$0xC4D0]  }
0x78: {  	[tilespmem:$0xCCB0] =	vst v0  }
0x79: {  	v0 =	vld.idx.msk [tilespmem:v19+s3+$0x0], $0xffff;
	_ =	sdelay $0x3  }
0x7a: {  	v21 =	vld [tilespmem:$0xC4E0]  }
0x7b: {  	[tilespmem:$0xCCC0] =	vst v0  }
0x7c: {  	v0 =	vld.idx.msk [tilespmem:v20+s3+$0x0], $0xffff;
	_ =	sdelay $0x3  }
0x7d: {  	v22 =	vld [tilespmem:$0xC4F0]  }
0x7e: {  	[tilespmem:$0xCCD0] =	vst v0  }
0x7f: {  	v0 =	vld.idx.msk [tilespmem:v21+s3+$0x0], $0xffff;
	_ =	sdelay $0x3  }
0x80: {  	v23 =	vld [tilespmem:$0xC500]  }
0x81: {  	[tilespmem:$0xCCE0] =	vst v0  }
0x82: {  	v0 =	vld.idx.msk [tilespmem:v22+s3+$0x0], $0xffff;
	_ =	sdelay $0x3  }
0x83: {  	v24 =	vld [tilespmem:$0xC510]  }
0x84: {  	[tilespmem:$0xCCF0] =	vst v0  }
0x85: {  	v0 =	vld.idx.msk [tilespmem:v23+s3+$0x0], $0xffff;
	_ =	sdelay $0x3  }
0x86: {  	v25 =	vld [tilespmem:$0xC520]  }
0x87: {  	[tilespmem:$0xCD00] =	vst v0  }
0x88: {  	v0 =	vld.idx.msk [tilespmem:v24+s3+$0x0], $0xffff;
	_ =	sdelay $0x3  }
0x89: {  	v26 =	vld [tilespmem:$0xC530]  }
0x8a: {  	[tilespmem:$0xCD10] =	vst v0  }
0x8b: {  	v0 =	vld.idx.msk [tilespmem:v25+s3+$0x0], $0xffff;
	_ =	sdelay $0x3  }
0x8c: {  	v27 =	vld [tilespmem:$0xC540]  }
0x8d: {  	[tilespmem:$0xCD20] =	vst v0  }
0x8e: {  	v0 =	vld.idx.msk [tilespmem:v26+s3+$0x0], $0xffff;
	_ =	sdelay $0x3  }
0x8f: {  	v28 =	vld [tilespmem:$0xC550]  }
0x90: {  	[tilespmem:$0xCD30] =	vst v0  }
0x91: {  	v0 =	vld.idx.msk [tilespmem:v27+s3+$0x0], $0xffff;
	_ =	sdelay $0x3  }
0x92: {  	v29 =	vld [tilespmem:$0xC560]  }
0x93: {  	[tilespmem:$0xCD40] =	vst v0  }
0x94: {  	v0 =	vld.idx.msk [tilespmem:v28+s3+$0x0], $0xffff;
	_ =	sdelay $0x3  }
0x95: {  	v30 =	vld [tilespmem:$0xC570]  }
0x96: {  	[tilespmem:$0xCD50] =	vst v0  }
0x97: {  	v0 =	vld.idx.msk [tilespmem:v29+s3+$0x0], $0xffff;
	_ =	sdelay $0x3  }
0x98: {  	v31 =	vld [tilespmem:$0xC580]  }
0x99: {  	[tilespmem:$0xCD60] =	vst v0  }
0x9a: {  	v0 =	vld.idx.msk [tilespmem:v30+s3+$0x0], $0xffff;
	_ =	sdelay $0x3  }
0x9b: {  	v32 =	vld [tilespmem:$0xC590]  }
0x9c: {  	[tilespmem:$0xCD70] =	vst v0  }
0x9d: {  	v0 =	vld.idx.msk [tilespmem:v31+s3+$0x0], $0xffff;
	_ =	sdelay $0x3  }
0x9e: {  	v33 =	vld [tilespmem:$0xC5A0]  }
0x9f: {  	[tilespmem:$0xCD80] =	vst v0  }
0xa0: {  	v0 =	vld.idx.msk [tilespmem:v32+s3+$0x0], $0xffff;
	_ =	sdelay $0x3  }
0xa1: {  	v34 =	vld [tilespmem:$0xC5B0]  }
0xa2: {  	[tilespmem:$0xCD90] =	vst v0  }
0xa3: {  	v0 =	vld.idx.msk [tilespmem:v33+s3+$0x0], $0xffff;
	_ =	sdelay $0x3  }
0xa4: {  	v35 =	vld [tilespmem:$0xC5C0]  }
0xa5: {  	[tilespmem:$0xCDA0] =	vst v0  }
0xa6: {  	v0 =	vld.idx.msk [tilespmem:v34+s3+$0x0], $0xffff;
	_ =	sdelay $0x3  }
0xa7: {  	v36 =	vld [tilespmem:$0xC5D0]  }
0xa8: {  	[tilespmem:$0xCDB0] =	vst v0  }
0xa9: {  	v0 =	vld.idx.msk [tilespmem:v35+s3+$0x0], $0xffff;
	_ =	sdelay $0x3  }
0xaa: {  	v37 =	vld [tilespmem:$0xC5E0]  }
0xab: {  	[tilespmem:$0xCDC0] =	vst v0  }
0xac: {  	v0 =	vld.idx.msk [tilespmem:v36+s3+$0x0], $0xffff;
	_ =	sdelay $0x3  }
0xad: {  	v38 =	vld [tilespmem:$0xC5F0]  }
0xae: {  	[tilespmem:$0xCDD0] =	vst v0  }
0xaf: {  	v0 =	vld.idx.msk [tilespmem:v37+s3+$0x0], $0xffff;
	_ =	sdelay $0x3  }
0xb0: {  	v39 =	vld [tilespmem:$0xC600]  }
0xb1: {  	[tilespmem:$0xCDE0] =	vst v0  }
0xb2: {  	v0 =	vld.idx.msk [tilespmem:v38+s3+$0x0], $0xffff;
	_ =	sdelay $0x3  }
0xb3: {  	v40 =	vld [tilespmem:$0xC610]  }
0xb4: {  	[tilespmem:$0xCDF0] =	vst v0  }
0xb5: {  	v0 =	vld.idx.msk [tilespmem:v39+s3+$0x0], $0xffff;
	_ =	sdelay $0x3  }
0xb6: {  	v41 =	vld [tilespmem:$0xC620]  }
0xb7: {  	[tilespmem:$0xCE00] =	vst v0  }
0xb8: {  	v0 =	vld.idx.msk [tilespmem:v40+s3+$0x0], $0xffff;
	_ =	sdelay $0x3  }
0xb9: {  	v42 =	vld [tilespmem:$0xC630]  }
0xba: {  	[tilespmem:$0xCE10] =	vst v0  }
0xbb: {  	v0 =	vld.idx.msk [tilespmem:v41+s3+$0x0], $0xffff;
	_ =	sdelay $0x3  }
0xbc: {  	v43 =	vld [tilespmem:$0xC640]  }
0xbd: {  	[tilespmem:$0xCE20] =	vst v0  }
0xbe: {  	v0 =	vld.idx.msk [tilespmem:v42+s3+$0x0], $0xffff;
	_ =	sdelay $0x3  }
0xbf: {  	v44 =	vld [tilespmem:$0xC650]  }
0xc0: {  	[tilespmem:$0xCE30] =	vst v0  }
0xc1: {  	v0 =	vld.idx.msk [tilespmem:v43+s3+$0x0], $0xffff;
	_ =	sdelay $0x3  }
0xc2: {  	v45 =	vld [tilespmem:$0xC660]  }
0xc3: {  	[tilespmem:$0xCE40] =	vst v0  }
0xc4: {  	v0 =	vld.idx.msk [tilespmem:v44+s3+$0x0], $0xffff;
	_ =	sdelay $0x3  }
0xc5: {  	v46 =	vld [tilespmem:$0xC670]  }
0xc6: {  	[tilespmem:$0xCE50] =	vst v0  }
0xc7: {  	v0 =	vld.idx.msk [tilespmem:v45+s3+$0x0], $0xffff;
	_ =	sdelay $0x3  }
0xc8: {  	v47 =	vld [tilespmem:$0xC680]  }
0xc9: {  	[tilespmem:$0xCE60] =	vst v0  }
0xca: {  	v0 =	vld.idx.msk [tilespmem:v46+s3+$0x0], $0xffff;
	_ =	sdelay $0x3  }
0xcb: {  	v48 =	vld [tilespmem:$0xC690]  }
0xcc: {  	[tilespmem:$0xCE70] =	vst v0  }
0xcd: {  	v0 =	vld.idx.msk [tilespmem:v47+s3+$0x0], $0xffff;
	_ =	sdelay $0x3  }
0xce: {  	v49 =	vld [tilespmem:$0xC6A0]  }
0xcf: {  	[tilespmem:$0xCE80] =	vst v0  }
0xd0: {  	v0 =	vld.idx.msk [tilespmem:v48+s3+$0x0], $0xffff;
	_ =	sdelay $0x3  }
0xd1: {  	v50 =	vld [tilespmem:$0xC6B0]  }
0xd2: {  	[tilespmem:$0xCE90] =	vst v0  }
0xd3: {  	v0 =	vld.idx.msk [tilespmem:v49+s3+$0x0], $0xffff;
	_ =	sdelay $0x3  }
0xd4: {  	v51 =	vld [tilespmem:$0xC6C0]  }
0xd5: {  	[tilespmem:$0xCEA0] =	vst v0  }
0xd6: {  	v0 =	vld.idx.msk [tilespmem:v50+s3+$0x0], $0xffff;
	_ =	sdelay $0x3  }
0xd7: {  	v52 =	vld [tilespmem:$0xC6D0]  }
0xd8: {  	[tilespmem:$0xCEB0] =	vst v0  }
0xd9: {  	v0 =	vld.idx.msk [tilespmem:v51+s3+$0x0], $0xffff;
	_ =	sdelay $0x3  }
0xda: {  	v53 =	vld [tilespmem:$0xC6E0]  }
0xdb: {  	[tilespmem:$0xCEC0] =	vst v0  }
0xdc: {  	v0 =	vld.idx.msk [tilespmem:v52+s3+$0x0], $0xffff;
	_ =	sdelay $0x3  }
0xdd: {  	v54 =	vld [tilespmem:$0xC6F0]  }
0xde: {  	[tilespmem:$0xCED0] =	vst v0  }
0xdf: {  	v0 =	vld.idx.msk [tilespmem:v53+s3+$0x0], $0xffff;
	_ =	sdelay $0x3  }
0xe0: {  	v55 =	vld [tilespmem:$0xC700]  }
0xe1: {  	[tilespmem:$0xCEE0] =	vst v0  }
0xe2: {  	v0 =	vld.idx.msk [tilespmem:v54+s3+$0x0], $0xffff;
	_ =	sdelay $0x3  }
0xe3: {  	v56 =	vld [tilespmem:$0xC710]  }
0xe4: {  	[tilespmem:$0xCEF0] =	vst v0  }
0xe5: {  	v0 =	vld.idx.msk [tilespmem:v55+s3+$0x0], $0xffff;
	_ =	sdelay $0x3  }
0xe6: {  	v57 =	vld [tilespmem:$0xC720]  }
0xe7: {  	[tilespmem:$0xCF00] =	vst v0  }
0xe8: {  	v0 =	vld.idx.msk [tilespmem:v56+s3+$0x0], $0xffff;
	_ =	sdelay $0x3  }
0xe9: {  	v58 =	vld [tilespmem:$0xC730]  }
0xea: {  	[tilespmem:$0xCF10] =	vst v0  }
0xeb: {  	v0 =	vld.idx.msk [tilespmem:v57+s3+$0x0], $0xffff;
	_ =	sdelay $0x3  }
0xec: {  	v59 =	vld [tilespmem:$0xC740]  }
0xed: {  	[tilespmem:$0xCF20] =	vst v0  }
0xee: {  	v0 =	vld.idx.msk [tilespmem:v58+s3+$0x0], $0xffff;
	_ =	sdelay $0x3  }
0xef: {  	v60 =	vld [tilespmem:$0xC750]  }
0xf0: {  	[tilespmem:$0xCF30] =	vst v0  }
0xf1: {  	v0 =	vld.idx.msk [tilespmem:v59+s3+$0x0], $0xffff;
	_ =	sdelay $0x3  }
0xf2: {  	v61 =	vld [tilespmem:$0xC760]  }
0xf3: {  	[tilespmem:$0xCF40] =	vst v0  }
0xf4: {  	v0 =	vld.idx.msk [tilespmem:v60+s3+$0x0], $0xffff;
	_ =	sdelay $0x3  }
0xf5: {  	v62 =	vld [tilespmem:$0xC770]  }
0xf6: {  	[tilespmem:$0xCF50] =	vst v0  }
0xf7: {  	v0 =	vld.idx.msk [tilespmem:v61+s3+$0x0], $0xffff;
	_ =	sdelay $0x3  }
0xf8: {  	v63 =	vld [tilespmem:$0xC780]  }
0xf9: {  	[tilespmem:$0xCF60] =	vst v0  }
0xfa: {  	v0 =	vld.idx.msk [tilespmem:v62+s3+$0x0], $0xffff;
	_ =	sdelay $0x3  }
0xfb: {  	v4 =	vld [tilespmem:$0xC790]  }
0xfc: {  	[tilespmem:$0xCF70] =	vst v0  }
0xfd: {  	v0 =	vld.idx.msk [tilespmem:v63+s3+$0x0], $0xffff;
	_ =	sdelay $0x3  }
0xfe: {  	v5 =	vld [tilespmem:$0xC7A0]  }
0xff: {  	[tilespmem:$0xCF80] =	vst v0  }
0x100: {  	v0 =	vld.idx.msk [tilespmem:v4+s3+$0x0], $0xffff;
	_ =	sdelay $0x3  }
0x101: {  	v6 =	vld [tilespmem:$0xC7B0]  }
0x102: {  	[tilespmem:$0xCF90] =	vst v0  }
0x103: {  	v0 =	vld.idx.msk [tilespmem:v5+s3+$0x0], $0xffff;
	_ =	sdelay $0x3  }
0x104: {  	v7 =	vld [tilespmem:$0xC7C0]  }
0x105: {  	[tilespmem:$0xCFA0] =	vst v0  }
0x106: {  	v0 =	vld.idx.msk [tilespmem:v6+s3+$0x0], $0xffff;
	_ =	sdelay $0x3  }
0x107: {  	v8 =	vld [tilespmem:$0xC7D0]  }
0x108: {  	[tilespmem:$0xCFB0] =	vst v0  }
0x109: {  	v0 =	vld.idx.msk [tilespmem:v7+s3+$0x0], $0xffff;
	_ =	sdelay $0x3  }
0x10a: {  	v9 =	vld [tilespmem:$0xC7E0]  }
0x10b: {  	[tilespmem:$0xCFC0] =	vst v0  }
0x10c: {  	v0 =	vld.idx.msk [tilespmem:v8+s3+$0x0], $0xffff;
	_ =	sdelay $0x3  }
0x10d: {  	v10 =	vld [tilespmem:$0xC7F0]  }
0x10e: {  	[tilespmem:$0xCFD0] =	vst v0  }
0x10f: {  	v0 =	vld.idx.msk [tilespmem:v9+s3+$0x0], $0xffff;
	_ =	sdelay $0x3  }
0x110: {  	v11 =	vld [tilespmem:$0xC800]  }
0x111: {  	[tilespmem:$0xCFE0] =	vst v0  }
0x112: {  	v0 =	vld.idx.msk [tilespmem:v10+s3+$0x0], $0xffff;
	_ =	sdelay $0x3  }
0x113: {  	v12 =	vld [tilespmem:$0xC810]  }
0x114: {  	[tilespmem:$0xCFF0] =	vst v0  }
0x115: {  	v0 =	vld.idx.msk [tilespmem:v11+s3+$0x0], $0xffff;
	_ =	sdelay $0x3  }
0x116: {  	v13 =	vld [tilespmem:$0xC820]  }
0x117: {  	[tilespmem:$0xD000] =	vst v0  }
0x118: {  	v0 =	vld.idx.msk [tilespmem:v12+s3+$0x0], $0xffff;
	_ =	sdelay $0x3  }
0x119: {  	v14 =	vld [tilespmem:$0xC830]  }
0x11a: {  	[tilespmem:$0xD010] =	vst v0  }
0x11b: {  	v0 =	vld.idx.msk [tilespmem:v13+s3+$0x0], $0xffff;
	_ =	sdelay $0x3  }
0x11c: {  	v15 =	vld [tilespmem:$0xC840]  }
0x11d: {  	[tilespmem:$0xD020] =	vst v0  }
0x11e: {  	v0 =	vld.idx.msk [tilespmem:v14+s3+$0x0], $0xffff;
	_ =	sdelay $0x3  }
0x11f: {  	v16 =	vld [tilespmem:$0xC850]  }
0x120: {  	[tilespmem:$0xD030] =	vst v0  }
0x121: {  	v0 =	vld.idx.msk [tilespmem:v15+s3+$0x0], $0xffff;
	_ =	sdelay $0x3  }
0x122: {  	v17 =	vld [tilespmem:$0xC860]  }
0x123: {  	[tilespmem:$0xD040] =	vst v0  }
0x124: {  	v0 =	vld.idx.msk [tilespmem:v16+s3+$0x0], $0xffff;
	_ =	sdelay $0x3  }
0x125: {  	v18 =	vld [tilespmem:$0xC870]  }
0x126: {  	[tilespmem:$0xD050] =	vst v0  }
0x127: {  	v0 =	vld.idx.msk [tilespmem:v17+s3+$0x0], $0xffff;
	_ =	sdelay $0x3  }
0x128: {  	v19 =	vld [tilespmem:$0xC880]  }
0x129: {  	[tilespmem:$0xD060] =	vst v0  }
0x12a: {  	v0 =	vld.idx.msk [tilespmem:v18+s3+$0x0], $0xffff;
	_ =	sdelay $0x3  }
0x12b: {  	v20 =	vld [tilespmem:$0xC890]  }
0x12c: {  	[tilespmem:$0xD070] =	vst v0  }
0x12d: {  	v0 =	vld.idx.msk [tilespmem:v19+s3+$0x0], $0xffff;
	_ =	sdelay $0x3  }
0x12e: {  	v21 =	vld [tilespmem:$0xC8A0]  }
0x12f: {  	[tilespmem:$0xD080] =	vst v0  }
0x130: {  	v0 =	vld.idx.msk [tilespmem:v20+s3+$0x0], $0xffff;
	_ =	sdelay $0x3  }
0x131: {  	v22 =	vld [tilespmem:$0xC8B0]  }
0x132: {  	[tilespmem:$0xD090] =	vst v0  }
0x133: {  	v0 =	vld.idx.msk [tilespmem:v21+s3+$0x0], $0xffff;
	_ =	sdelay $0x3  }
0x134: {  	v23 =	vld [tilespmem:$0xC8C0]  }
0x135: {  	[tilespmem:$0xD0A0] =	vst v0  }
0x136: {  	v0 =	vld.idx.msk [tilespmem:v22+s3+$0x0], $0xffff;
	_ =	sdelay $0x3  }
0x137: {  	v24 =	vld [tilespmem:$0xC8D0]  }
0x138: {  	[tilespmem:$0xD0B0] =	vst v0  }
0x139: {  	v0 =	vld.idx.msk [tilespmem:v23+s3+$0x0], $0xffff;
	_ =	sdelay $0x3  }
0x13a: {  	v25 =	vld [tilespmem:$0xC8E0]  }
0x13b: {  	[tilespmem:$0xD0C0] =	vst v0  }
0x13c: {  	v0 =	vld.idx.msk [tilespmem:v24+s3+$0x0], $0xffff;
	_ =	sdelay $0x3  }
0x13d: {  	v26 =	vld [tilespmem:$0xC8F0]  }
0x13e: {  	[tilespmem:$0xD0D0] =	vst v0  }
0x13f: {  	v0 =	vld.idx.msk [tilespmem:v25+s3+$0x0], $0xffff;
	_ =	sdelay $0x3  }
0x140: {  	v27 =	vld [tilespmem:$0xC900]  }
0x141: {  	[tilespmem:$0xD0E0] =	vst v0  }
0x142: {  	v0 =	vld.idx.msk [tilespmem:v26+s3+$0x0], $0xffff;
	_ =	sdelay $0x3  }
0x143: {  	v28 =	vld [tilespmem:$0xC910]  }
0x144: {  	[tilespmem:$0xD0F0] =	vst v0  }
0x145: {  	v0 =	vld.idx.msk [tilespmem:v27+s3+$0x0], $0xffff;
	_ =	sdelay $0x3  }
0x146: {  	v29 =	vld [tilespmem:$0xC920]  }
0x147: {  	[tilespmem:$0xD100] =	vst v0  }
0x148: {  	v0 =	vld.idx.msk [tilespmem:v28+s3+$0x0], $0xffff;
	_ =	sdelay $0x3  }
0x149: {  	v30 =	vld [tilespmem:$0xC930]  }
0x14a: {  	[tilespmem:$0xD110] =	vst v0  }
0x14b: {  	v0 =	vld.idx.msk [tilespmem:v29+s3+$0x0], $0xffff;
	_ =	sdelay $0x3  }
0x14c: {  	v31 =	vld [tilespmem:$0xC940]  }
0x14d: {  	[tilespmem:$0xD120] =	vst v0  }
0x14e: {  	v0 =	vld.idx.msk [tilespmem:v30+s3+$0x0], $0xffff;
	_ =	sdelay $0x3  }
0x14f: {  	v32 =	vld [tilespmem:$0xC950]  }
0x150: {  	[tilespmem:$0xD130] =	vst v0  }
0x151: {  	v0 =	vld.idx.msk [tilespmem:v31+s3+$0x0], $0xffff;
	_ =	sdelay $0x3  }
0x152: {  	v33 =	vld [tilespmem:$0xC960]  }
0x153: {  	[tilespmem:$0xD140] =	vst v0  }
0x154: {  	v0 =	vld.idx.msk [tilespmem:v32+s3+$0x0], $0xffff;
	_ =	sdelay $0x3  }
0x155: {  	v34 =	vld [tilespmem:$0xC970]  }
0x156: {  	[tilespmem:$0xD150] =	vst v0  }
0x157: {  	v0 =	vld.idx.msk [tilespmem:v33+s3+$0x0], $0xffff;
	_ =	sdelay $0x3  }
0x158: {  	v35 =	vld [tilespmem:$0xC980]  }
0x159: {  	[tilespmem:$0xD160] =	vst v0  }
0x15a: {  	v0 =	vld.idx.msk [tilespmem:v34+s3+$0x0], $0xffff;
	_ =	sdelay $0x3  }
0x15b: {  	v36 =	vld [tilespmem:$0xC990]  }
0x15c: {  	[tilespmem:$0xD170] =	vst v0  }
0x15d: {  	v0 =	vld.idx.msk [tilespmem:v35+s3+$0x0], $0xffff;
	_ =	sdelay $0x3  }
0x15e: {  	v37 =	vld [tilespmem:$0xC9A0]  }
0x15f: {  	[tilespmem:$0xD180] =	vst v0  }
0x160: {  	v0 =	vld.idx.msk [tilespmem:v36+s3+$0x0], $0xffff;
	_ =	sdelay $0x3  }
0x161: {  	v38 =	vld [tilespmem:$0xC9B0]  }
0x162: {  	[tilespmem:$0xD190] =	vst v0  }
0x163: {  	v0 =	vld.idx.msk [tilespmem:v37+s3+$0x0], $0xffff;
	_ =	sdelay $0x3  }
0x164: {  	v39 =	vld [tilespmem:$0xC9C0]  }
0x165: {  	[tilespmem:$0xD1A0] =	vst v0  }
0x166: {  	v0 =	vld.idx.msk [tilespmem:v38+s3+$0x0], $0xffff;
	_ =	sdelay $0x3  }
0x167: {  	v40 =	vld [tilespmem:$0xC9D0]  }
0x168: {  	[tilespmem:$0xD1B0] =	vst v0  }
0x169: {  	v0 =	vld.idx.msk [tilespmem:v39+s3+$0x0], $0xffff;
	_ =	sdelay $0x3  }
0x16a: {  	v41 =	vld [tilespmem:$0xC9E0]  }
0x16b: {  	[tilespmem:$0xD1C0] =	vst v0  }
0x16c: {  	v0 =	vld.idx.msk [tilespmem:v40+s3+$0x0], $0xffff;
	_ =	sdelay $0x3  }
0x16d: {  	v42 =	vld [tilespmem:$0xC9F0]  }
0x16e: {  	[tilespmem:$0xD1D0] =	vst v0  }
0x16f: {  	v0 =	vld.idx.msk [tilespmem:v41+s3+$0x0], $0xffff;
	_ =	sdelay $0x3  }
0x170: {  	v43 =	vld [tilespmem:$0xCA00]  }
0x171: {  	[tilespmem:$0xD1E0] =	vst v0  }
0x172: {  	v0 =	vld.idx.msk [tilespmem:v42+s3+$0x0], $0xffff;
	_ =	sdelay $0x3  }
0x173: {  	v44 =	vld [tilespmem:$0xCA10]  }
0x174: {  	[tilespmem:$0xD1F0] =	vst v0  }
0x175: {  	v0 =	vld.idx.msk [tilespmem:v43+s3+$0x0], $0xffff;
	_ =	sdelay $0x3  }
0x176: {  	v45 =	vld [tilespmem:$0xCA20]  }
0x177: {  	[tilespmem:$0xD200] =	vst v0  }
0x178: {  	v0 =	vld.idx.msk [tilespmem:v44+s3+$0x0], $0xffff;
	_ =	sdelay $0x3  }
0x179: {  	v46 =	vld [tilespmem:$0xCA30]  }
0x17a: {  	[tilespmem:$0xD210] =	vst v0  }
0x17b: {  	v0 =	vld.idx.msk [tilespmem:v45+s3+$0x0], $0xffff;
	_ =	sdelay $0x3  }
0x17c: {  	v47 =	vld [tilespmem:$0xCA40]  }
0x17d: {  	[tilespmem:$0xD220] =	vst v0  }
0x17e: {  	v0 =	vld.idx.msk [tilespmem:v46+s3+$0x0], $0xffff;
	_ =	sdelay $0x3  }
0x17f: {  	v48 =	vld [tilespmem:$0xCA50]  }
0x180: {  	[tilespmem:$0xD230] =	vst v0  }
0x181: {  	v0 =	vld.idx.msk [tilespmem:v47+s3+$0x0], $0xffff;
	_ =	sdelay $0x3  }
0x182: {  	v49 =	vld [tilespmem:$0xCA60]  }
0x183: {  	[tilespmem:$0xD240] =	vst v0  }
0x184: {  	v0 =	vld.idx.msk [tilespmem:v48+s3+$0x0], $0xffff;
	_ =	sdelay $0x3  }
0x185: {  	v50 =	vld [tilespmem:$0xCA70]  }
0x186: {  	[tilespmem:$0xD250] =	vst v0  }
0x187: {  	v0 =	vld.idx.msk [tilespmem:v49+s3+$0x0], $0xffff;
	_ =	sdelay $0x3  }
0x188: {  	v51 =	vld [tilespmem:$0xCA80]  }
0x189: {  	[tilespmem:$0xD260] =	vst v0  }
0x18a: {  	v0 =	vld.idx.msk [tilespmem:v50+s3+$0x0], $0xffff;
	_ =	sdelay $0x3  }
0x18b: {  	v52 =	vld [tilespmem:$0xCA90]  }
0x18c: {  	[tilespmem:$0xD270] =	vst v0  }
0x18d: {  	v0 =	vld.idx.msk [tilespmem:v51+s3+$0x0], $0xffff;
	_ =	sdelay $0x3  }
0x18e: {  	v53 =	vld [tilespmem:$0xCAA0]  }
0x18f: {  	[tilespmem:$0xD280] =	vst v0  }
0x190: {  	v0 =	vld.idx.msk [tilespmem:v52+s3+$0x0], $0xffff;
	_ =	sdelay $0x3  }
0x191: {  	v54 =	vld [tilespmem:$0xCAB0]  }
0x192: {  	[tilespmem:$0xD290] =	vst v0  }
0x193: {  	v0 =	vld.idx.msk [tilespmem:v53+s3+$0x0], $0xffff;
	_ =	sdelay $0x3  }
0x194: {  	v55 =	vld [tilespmem:$0xCAC0]  }
0x195: {  	[tilespmem:$0xD2A0] =	vst v0  }
0x196: {  	v0 =	vld.idx.msk [tilespmem:v54+s3+$0x0], $0xffff;
	_ =	sdelay $0x3  }
0x197: {  	v56 =	vld [tilespmem:$0xCAD0]  }
0x198: {  	[tilespmem:$0xD2B0] =	vst v0  }
0x199: {  	v0 =	vld.idx.msk [tilespmem:v55+s3+$0x0], $0xffff;
	_ =	sdelay $0x3  }
0x19a: {  	v57 =	vld [tilespmem:$0xCAE0]  }
0x19b: {  	[tilespmem:$0xD2C0] =	vst v0  }
0x19c: {  	v0 =	vld.idx.msk [tilespmem:v56+s3+$0x0], $0xffff;
	_ =	sdelay $0x3  }
0x19d: {  	v58 =	vld [tilespmem:$0xCAF0]  }
0x19e: {  	[tilespmem:$0xD2D0] =	vst v0  }
0x19f: {  	v0 =	vld.idx.msk [tilespmem:v57+s3+$0x0], $0xffff;
	_ =	sdelay $0x3  }
0x1a0: {  	v59 =	vld [tilespmem:$0xCB00]  }
0x1a1: {  	[tilespmem:$0xD2E0] =	vst v0  }
0x1a2: {  	v0 =	vld.idx.msk [tilespmem:v58+s3+$0x0], $0xffff;
	_ =	sdelay $0x3  }
0x1a3: {  	v60 =	vld [tilespmem:$0xCB10]  }
0x1a4: {  	[tilespmem:$0xD2F0] =	vst v0  }
0x1a5: {  	v0 =	vld.idx.msk [tilespmem:v59+s3+$0x0], $0xffff;
	_ =	sdelay $0x3  }
0x1a6: {  	v61 =	vld [tilespmem:$0xCB20]  }
0x1a7: {  	[tilespmem:$0xD300] =	vst v0  }
0x1a8: {  	v0 =	vld.idx.msk [tilespmem:v60+s3+$0x0], $0xffff;
	_ =	sdelay $0x3  }
0x1a9: {  	v62 =	vld [tilespmem:$0xCB30]  }
0x1aa: {  	[tilespmem:$0xD310] =	vst v0  }
0x1ab: {  	v0 =	vld.idx.msk [tilespmem:v61+s3+$0x0], $0xffff;
	_ =	sdelay $0x3  }
0x1ac: {  	v63 =	vld [tilespmem:$0xCB40]  }
0x1ad: {  	[tilespmem:$0xD320] =	vst v0  }
0x1ae: {  	v0 =	vld.idx.msk [tilespmem:v62+s3+$0x0], $0xffff;
	_ =	sdelay $0x4  }
0x1af: {  	[tilespmem:$0xD330] =	vst v0  }
0x1b0: {  	v0 =	vld.idx.msk [tilespmem:v63+s3+$0x0], $0xffff;
	_ =	sdelay $0x1  }
0x1b1: {  	s10 =	rddreg [dreg:$0x5]  }
0x1b2: {  	s0 =	rddreg [dreg:$0x6]  }
0x1b3: {  	s5 =	rddreg [dreg:$0x7]  }
0x1b4: {  	s1 =	rddreg [dreg:$0x8];
	[tilespmem:$0xD340] =	vst v0  }
0x1b5: {  	[tilespmem:s9], [sflag:$0x1] =	stream.indirect.gather [hbm4b:s4+s8], $0x20, s10, s8, $0xb8;
	[tilespmem:$0x1D350] =	vst v63  }
0x1b6: {  	s10 =	rddreg [dreg:$0x9]  }
0x1b7: {  	[tilespmem:s5], [sflag:$0x2] =	stream.indirect.gather [hbm4b:s4+s8], $0x20, s0, s8, $0xb8;
	[tilespmem:$0x1D350] =	vst v63  }
0x1b8: {  	s0 =	rddreg [dreg:$0xa]  }
0x1b9: {  	s5 =	rddreg [dreg:$0xc]  }
0x1ba: {  	[tilespmem:s10], [sflag:$0x3] =	stream.indirect.gather [hbm4b:s4+s8], $0x20, s1, s8, $0xb8;
	[tilespmem:$0x1D350] =	vst v63  }
0x1bb: {  	s1 =	rddreg [dreg:$0xb]  }
0x1bc: {  	s10 =	rddreg [dreg:$0xd]  }
0x1bd: {  	[tilespmem:s1], [sflag:$0x4] =	stream.indirect.gather [hbm4b:s4+s8], $0x20, s0, s8, $0xb8;
	[tilespmem:$0x1D350] =	vst v63  }
0x1be: {  	s0 =	rddreg [dreg:$0xe]  }
0x1bf: {  	s1 =	rddreg [dreg:$0xf]  }
0x1c0: {  	[tilespmem:s10], [sflag:$0x5] =	stream.indirect.gather [hbm4b:s4+s8], $0x20, s5, s8, $0xb8;
	[tilespmem:$0x1D350] =	vst v63  }
0x1c1: {  	s5 =	rddreg [dreg:$0x10]  }
0x1c2: {  	s10 =	rddreg [dreg:$0x11]  }
0x1c3: {  	[tilespmem:s1], [sflag:$0x6] =	stream.indirect.gather [hbm4b:s4+s8], $0x20, s0, s8, $0xb8;
	[tilespmem:$0x1D350] =	vst v63  }
0x1c4: {  	s0 =	rddreg [dreg:$0x12]  }
0x1c5: {  	s1 =	rddreg [dreg:$0x13]  }
0x1c6: {  	[tilespmem:s10], [sflag:$0x7] =	stream.indirect.gather [hbm4b:s4+s8], $0x20, s5, s8, $0xb8;
	[tilespmem:$0x1D350] =	vst v63  }
0x1c7: {  	s5 =	rddreg [dreg:$0x14]  }
0x1c8: {  	s10 =	rddreg [dreg:$0x15]  }
0x1c9: {  	[tilespmem:s1], [sflag:$0x8] =	stream.indirect.gather [hbm4b:s4+s8], $0x20, s0, s8, $0xb8;
	[tilespmem:$0x1D350] =	vst v63  }
0x1ca: {  	s0 =	rddreg [dreg:$0x16]  }
0x1cb: {  	s1 =	rddreg [dreg:$0x17]  }
0x1cc: {  	[tilespmem:s10], [sflag:$0x9] =	stream.indirect.gather [hbm4b:s4+s8], $0x20, s5, s8, $0xb8;
	[tilespmem:$0x1D350] =	vst v63  }
0x1cd: {  	s5 =	rddreg [dreg:$0x18]  }
0x1ce: {  	s10 =	rddreg [dreg:$0x19]  }
0x1cf: {  	[tilespmem:s1], [sflag:$0xA] =	stream.indirect.gather [hbm4b:s4+s8], $0x20, s0, s8, $0xb8;
	[tilespmem:$0x1D350] =	vst v63  }
0x1d0: {  	s0 =	rddreg [dreg:$0x1a]  }
0x1d1: {  	s1 =	rddreg [dreg:$0x1b]  }
0x1d2: {  	[tilespmem:s10], [sflag:$0xB] =	stream.indirect.gather [hbm4b:s4+s8], $0x20, s5, s8, $0xb8;
	[tilespmem:$0x1D350] =	vst v63  }
0x1d3: {  	s5 =	rddreg [dreg:$0x1c]  }
0x1d4: {  	[tilespmem:s1], [sflag:$0xC] =	stream.indirect.gather [hbm4b:s4+s8], $0x20, s0, s8, $0xb8;
	[tilespmem:$0x1D350] =	vst v63  }
0x1d5: {  	s10 =	rddreg [dreg:$0x1d]  }
0x1d6: {  	[tilespmem:s10], [sflag:$0xD] =	stream.indirect.gather [hbm4b:s4+s8], $0x20, s5, s8, $0xb8;
	[tilespmem:$0x1D350] =	vst v63  }
0x1d7: {  	s1 =	simm.s32 $0x1A350;
	s0 =	rddreg [dreg:$0x1e]  }
0x1d8: {  	[tilespmem:s1], [sflag:$0xE] =	stream.indirect.gather [hbm4b:s4+s8], $0x20, s0, s8, $0xb8;
	[tilespmem:$0x1D350] =	vst v63  }
0x1d9: {  	_ = 	snop  }
0x1da: {  	[tilespmem:s12], [sflag:$0xF] =	stream.indirect.gather [hbm4b:s4+s8], $0x20, s11, s8, $0xb8;
	[tilespmem:$0x1D350] =	vst v63  }
0x1db: {  	_ = 	snop  }
0x1dc: {  	[tilespmem:s14], [sflag:$0x10] =	stream.indirect.gather [hbm4b:s4+s8], $0x20, s13, s8, $0xb8;
	[tilespmem:$0x1D350] =	vst v63  }
0x1dd: {  	_ =	swait.ge [sflag:s15], $0x1000  }
0x1de: {  	[sflag:s15] =	ssyncset.done $0x0  }
0x1df: {  	[sflag:s15] =	ssyncadd.s32 $0xFFFFF000  }
0x1e0: {  	_ =	swait.ge [sflag:s16], $0x1000  }
0x1e1: {  	[sflag:s16] =	ssyncset.done $0x0  }
0x1e2: {  	[sflag:s16] =	ssyncadd.s32 $0xFFFFF000  }
0x1e3: {  	_ =	swait.ge [sflag:s17], $0x1000  }
0x1e4: {  	[sflag:s17] =	ssyncset.done $0x0  }
0x1e5: {  	[sflag:s17] =	ssyncadd.s32 $0xFFFFF000  }
0x1e6: {  	_ =	swait.ge [sflag:s18], $0x1000  }
0x1e7: {  	[sflag:s18] =	ssyncset.done $0x0  }
0x1e8: {  	[sflag:s18] =	ssyncadd.s32 $0xFFFFF000  }
0x1e9: {  	_ =	swait.ge [sflag:s19], $0x1000  }
0x1ea: {  	[sflag:s19] =	ssyncset.done $0x0  }
0x1eb: {  	[sflag:s19] =	ssyncadd.s32 $0xFFFFF000  }
0x1ec: {  	_ =	swait.ge [sflag:s20], $0x1000  }
0x1ed: {  	[sflag:s20] =	ssyncset.done $0x0  }
0x1ee: {  	[sflag:s20] =	ssyncadd.s32 $0xFFFFF000  }
0x1ef: {  	_ =	swait.ge [sflag:s21], $0x1000  }
0x1f0: {  	[sflag:s21] =	ssyncset.done $0x0  }
0x1f1: {  	[sflag:s21] =	ssyncadd.s32 $0xFFFFF000  }
0x1f2: {  	_ =	swait.ge [sflag:s22], $0x1000  }
0x1f3: {  	[sflag:s22] =	ssyncset.done $0x0  }
0x1f4: {  	[sflag:s22] =	ssyncadd.s32 $0xFFFFF000  }
0x1f5: {  	_ =	swait.ge [sflag:s23], $0x1000  }
0x1f6: {  	[sflag:s23] =	ssyncset.done $0x0  }
0x1f7: {  	[sflag:s23] =	ssyncadd.s32 $0xFFFFF000  }
0x1f8: {  	_ =	swait.ge [sflag:s24], $0x1000  }
0x1f9: {  	[sflag:s24] =	ssyncset.done $0x0  }
0x1fa: {  	[sflag:s24] =	ssyncadd.s32 $0xFFFFF000  }
0x1fb: {  	_ =	swait.ge [sflag:s25], $0x1000  }
0x1fc: {  	[sflag:s25] =	ssyncset.done $0x0  }
0x1fd: {  	[sflag:s25] =	ssyncadd.s32 $0xFFFFF000  }
0x1fe: {  	_ =	swait.ge [sflag:s26], $0x1000  }
0x1ff: {  	[sflag:s26] =	ssyncset.done $0x0  }
0x200: {  	[sflag:s26] =	ssyncadd.s32 $0xFFFFF000  }
0x201: {  	_ =	swait.ge [sflag:s28], $0x1000  }
0x202: {  	[sflag:s28] =	ssyncset.done $0x0  }
0x203: {  	[sflag:s28] =	ssyncadd.s32 $0xFFFFF000  }
0x204: {  	_ =	swait.ge [sflag:s29], $0x1000  }
0x205: {  	[sflag:s29] =	ssyncset.done $0x0  }
0x206: {  	[sflag:s29] =	ssyncadd.s32 $0xFFFFF000  }
0x207: {  	_ =	swait.ge [sflag:s30], $0x1000  }
0x208: {  	[sflag:s30] =	ssyncset.done $0x0  }
0x209: {  	[sflag:s30] =	ssyncadd.s32 $0xFFFFF000  }
0x20a: {  	_ =	swait.ge [sflag:s31], $0x1000  }
0x20b: {  	p0 =	sne.s32 s2, $0xA00;
	[sflag:s31] =	ssyncset.done $0x0  }
.Ltmp0:
0x20c: {  	[sflag:s31] =	ssyncadd.s32 $0xFFFFF000;
	(pc) =	sbr.rel @p0 .LBB2_2-.Ltmp0, $4  }
0x20d: {  	[hbm4b:s6+s3] =	stream.linear.scatter [tilespmem:s9], [sflag:$0x11], $0x10000, $0x38;
	[tilespmem:$0x1D350] =	vst v63  }
0x20e: {  	_ =	swait.ge [sflag:s7], $0x10000  }
0x20f: {  	[sflag:s7] =	ssyncset.done $0x0  }
0x210: {  	s2 =	sadd.s32 $0x100, s2;
	s6 =	sadd.s32 $0x2000, s6;
	[sflag:s7] =	ssyncadd.s32 $0xFFFF0000  }
0x211: {  	s1 =	sld [smem:$0x7FC];
	_ =	sdelay $0x2  }
0x212: {  	s0 =	rddreg [dreg:$0x1f];
	s1 =	sadd.s32 $0x1, s1  }
0x213: {  	p0 =	sne.s32 s1, s0  }
.Ltmp1:
0x214: {  	_ = 	snop;
	(pc) =	sbr.rel @p0 .LBB2_1-.Ltmp1, $1  }
0x215: {  	_ =	sdelay $0x3  }
0x216: {  	_ =	sfence.sel $0x180000  }
0x217: {  	[bflag:$0x0] =	sbarrier.arrive $0xFFFF  }
0x218: {  	_ =	strace $0x90000053  }
0x219: {  	s0 =	stileid.u32;
	[bflag:$0x2] =	sbarrier.arrive $0xFFFF  }
0x21a: {  	p0 =	sne.s32 s0, $0x0;
	s0 =	rddreg [dreg:$0x2]  }
0x21b: {  	s0 =	sadd.s32 @!p0 $0x100000, s0  }
0x21c: {  	[sflag:s0] =	ssyncadd.tile.s32 @!p0 $0x1;
	_ =	shalt  }
.Lfunc_end2:
_tile_overlayer_lowered:
.L_overlay_start_2:
0x21d: {  	(tag) =	ssettag $0x2  }
0x21e: {  	s0 =	rddreg [dreg:$0x0];
	s2 =	stileid.u32  }
0x21f: {  	s1 =	rddreg [dreg:$0x1];
	p0 =	sne.s32 s2, $0x0  }
0x220: {  	s3 =	rddreg [dreg:$0x2];
	[bflag:$0x3] =	sbarrier.arrive $0xFFFF;
	s2 =	simm.s32 @!p0 $0x1C11  }
0x221: {  	[timem:s3], [sflag:s2] =	dma.local @!p0 [hbm:s0], s1  }
0x222: {  	s0 =	simm.s32 @!p0 $0x11  }
0x223: {  	_ =	swait.ge @!p0 [sflag:s0], s1  }
0x224: {  	s1 =	ssub.s32 @!p0 $0x0, s1;
	[sflag:s0] =	ssyncset.done @!p0 $0x0  }
0x225: {  	[sflag:s0] =	ssyncadd.s32 @!p0 s1  }
0x226: {  	[bflag:$0x3] =	sbarrier.arrive $0xFFFF  }
0x227: {  	_ =	shalt  }

// kernel: kernel.30.cloned.1.call-start
scs
__scs_entry_jumppad:
0x0: {  	(pc) =	sbr.rel $0x88, $3  }
0x1: {  	(tag) =	ssettag $0x0;
	lr =	simm.s32 $0x1  }
0x2: {  	[smem:$0x3F8B] =	sst lr;
	_ =	strace $0xD0000000  }
0x3: {  	_ = 	snop  }
0x4: {  	_ = 	snop  }
0x5: {  	_ = 	snop  }
0x6: {  	_ = 	snop  }
0x7: {  	_ = 	snop  }
__scs_overlays_trampoline_lowered:
0x8: {  	[smem:$0x3F9A] =	sst s0  }
0x9: {  	[smem:$0x3F9B] =	sst s1  }
0xa: {  	[smem:$0x3F9C] =	sst s2  }
0xb: {  	[smem:$0x3F9D] =	sst s3  }
0xc: {  	[smem:$0x3F9E] =	sst s4  }
0xd: {  	[smem:$0x3F9F] =	sst s5  }
0xe: {  	[smem:$0x3FA0] =	sst s6  }
0xf: {  	[smem:$0x3FA1] =	sst s7  }
0x10: {  	[smem:$0x3FA2] =	sst s8  }
0x11: {  	[smem:$0x3FA3] =	sst s9;
	s0 =	simm.s32 @!p0 $0x0  }
0x12: {  	s1 =	sld [smem:$0x3F89];
	s0 =	simm.s32 @p0 $0x1  }
0x13: {  	[smem:$0x3FA4] =	sst s0;
	s0 =	simm.s32 @!p1 $0x0  }
0x14: {  	s2 =	sld [smem:$0x3F88];
	s0 =	simm.s32 @p1 $0x1  }
0x15: {  	[smem:$0x3FA5] =	sst s0;
	s0 =	simm.s32 @!p2 $0x0  }
0x16: {  	s3 =	sld [smem:$0x3FDB];
	s0 =	simm.s32 @p2 $0x1  }
0x17: {  	s4 =	simm.s32 $0x1BF5;
	[smem:$0x3FA7] =	sst s0  }
0x18: {  	s0 =	sld [smem:$0x3F8A];
	_ =	swait.ge [sflag:s4], $0x0  }
0x19: {  	s7 =	sld [smem:$0x3F8B]  }
0x1a: {  	s8 =	sadd.s32 $0xFFFFE003, lr  }
0x1b: {  	s9 =	sadd.s32 $0xFFFFFEF7, lr;
	s5 =	simm.s32 $0xFFFFFFFF;
	p2 =	slt.u32 s8, $0xFFFFF086  }
0x1c: {  	p1 =	slt.u32 s9, $0xF7A;
	s5 =	simm.s32 @!p2 $0x0  }
0x1d: {  	s5 =	simm.s32 @p1 $0x1;
	p0 =	seq.s32 s7, s2  }
0x1e: {  	s7 =	smul.u32 @!p0 $0xF7A, s2;
	p2 =	seq.s32 @!p0 s5, $0x0  }
0x1f: {  	s9 =	smul.u32 $0xF7A, s1;
	s8 =	simm.s32 @!p0 $0x1BF5;
	p2 =	por !p2, p0  }
0x20: {  	[sflag:s8] =	ssyncset.s32 @!p0 $0xFFFFF086;
	s6 =	sadd.s32 @!p0 s3, s7;
	s7 =	simm.s32 @!p0 $0x108  }
0x21: {  	s3 =	sadd.s32 s3, s9;
	s6 =	sadd.s32 @!p0 $0x88, s6;
	s7 =	simm.s32 @p2 $0x1082  }
0x22: {  	[simem:s7], [sflag:s8] =	dma.local @!p0 [hbm:s6], $0xF7A  }
0x23: {  	s9 =	sor.u32 $0xD0000000, s2;
	s6 =	simm.s32 $0x108;
	_ =	swait.ge @!p0 [sflag:s8], $0x0  }
0x24: {  	s3 =	sadd.s32 $0x88, s3;
	s6 =	simm.s32 @!p1 $0x1082;
	[sflag:s4] =	ssyncset.s32 $0xFFFFF086  }
0x25: {  	[simem:s6], [sflag:s4] =	dma.local [hbm:s3], $0xF7A  }
0x26: {  	[smem:$0x3F8B] =	sst s1;
	(tag) =	ssettag s2;
	_ =	strace s9  }
0x27: {  	s1 =	sld [smem:$0x3F9B]  }
0x28: {  	s2 =	sld [smem:$0x3F9C]  }
0x29: {  	s4 =	sld [smem:$0x3F9E]  }
0x2a: {  	p0 =	seq.s32 s5, $0x0;
	s5 =	sld [smem:$0x3F9F]  }
0x2b: {  	s6 =	sld [smem:$0x3FA0]  }
0x2c: {  	s7 =	sld [smem:$0x3FA1]  }
0x2d: {  	s3 =	simm.s32 $0x108;
	s8 =	sld [smem:$0x3FA2]  }
0x2e: {  	s3 =	simm.s32 @!p0 $0x1082;
	s9 =	sld [smem:$0x3FA3]  }
0x2f: {  	lr =	sadd.s32 s0, s3;
	s0 =	sld [smem:$0x3F9A]  }
0x30: {  	s3 =	sld [smem:$0x3F9D]  }
0x31: {  	[smem:$0x3FA6] =	sst s10  }
0x32: {  	s10 =	sld [smem:$0x3FA4];
	_ =	sdelay $0x3  }
0x33: {  	p0 =	seq.s32 s10, $0x1;
	s10 =	sld [smem:$0x3FA6];
	_ =	sdelay $0x3  }
0x34: {  	[smem:$0x3FA6] =	sst s10  }
0x35: {  	s10 =	sld [smem:$0x3FA5];
	_ =	sdelay $0x3  }
0x36: {  	p1 =	seq.s32 s10, $0x1;
	s10 =	sld [smem:$0x3FA6];
	_ =	sdelay $0x3  }
0x37: {  	[smem:$0x3FA6] =	sst s10  }
0x38: {  	s10 =	sld [smem:$0x3FA7]  }
0x39: {  	_ = 	snop;
	(pc) =	sbr.ind lr, $3  }
0x3a: {  	_ = 	snop  }
0x3b: {  	_ = 	snop  }
0x3c: {  	p2 =	seq.s32 s10, $0x1;
	s10 =	sld [smem:$0x3FA6]  }
0x3d: {  	_ =	shalt  }
0x3e: {  	_ =	shalt  }
0x3f: {  	_ =	shalt  }
0x40: {  	_ =	shalt  }
0x41: {  	_ =	shalt  }
0x42: {  	_ =	shalt  }
0x43: {  	_ =	shalt  }
0x44: {  	_ =	shalt  }
0x45: {  	_ =	shalt  }
0x46: {  	_ =	shalt  }
0x47: {  	_ =	shalt  }
0x48: {  	_ =	shalt  }
0x49: {  	_ =	shalt  }
0x4a: {  	_ =	shalt  }
0x4b: {  	_ =	shalt  }
0x4c: {  	_ =	shalt  }
0x4d: {  	_ =	shalt  }
0x4e: {  	_ =	shalt  }
0x4f: {  	_ =	shalt  }
0x50: {  	_ =	shalt  }
0x51: {  	_ =	shalt  }
0x52: {  	_ =	shalt  }
0x53: {  	_ =	shalt  }
0x54: {  	_ =	shalt  }
0x55: {  	_ =	shalt  }
0x56: {  	_ =	shalt  }
0x57: {  	_ =	shalt  }
0x58: {  	_ =	shalt  }
0x59: {  	_ =	shalt  }
0x5a: {  	_ =	shalt  }
0x5b: {  	_ =	shalt  }
0x5c: {  	_ =	shalt  }
0x5d: {  	_ =	shalt  }
0x5e: {  	_ =	shalt  }
0x5f: {  	_ =	shalt  }
0x60: {  	_ =	shalt  }
0x61: {  	_ =	shalt  }
0x62: {  	_ =	shalt  }
0x63: {  	_ =	shalt  }
0x64: {  	_ =	shalt  }
0x65: {  	_ =	shalt  }
0x66: {  	_ =	shalt  }
0x67: {  	_ =	shalt  }
0x68: {  	_ =	shalt  }
0x69: {  	_ =	shalt  }
0x6a: {  	_ =	shalt  }
0x6b: {  	_ =	shalt  }
0x6c: {  	_ =	shalt  }
0x6d: {  	_ =	shalt  }
0x6e: {  	_ =	shalt  }
0x6f: {  	_ =	shalt  }
0x70: {  	_ =	shalt  }
0x71: {  	_ =	shalt  }
0x72: {  	_ =	shalt  }
0x73: {  	_ =	shalt  }
0x74: {  	_ =	shalt  }
0x75: {  	_ =	shalt  }
0x76: {  	_ =	shalt  }
0x77: {  	_ =	shalt  }
0x78: {  	_ =	shalt  }
0x79: {  	_ =	shalt  }
0x7a: {  	_ =	shalt  }
0x7b: {  	_ =	shalt  }
0x7c: {  	_ =	shalt  }
0x7d: {  	_ =	shalt  }
0x7e: {  	_ =	shalt  }
0x7f: {  	_ =	shalt  }
0x80: {  	_ =	shalt  }
0x81: {  	_ =	shalt  }
0x82: {  	_ =	shalt  }
0x83: {  	_ =	shalt  }
0x84: {  	_ =	shalt  }
0x85: {  	_ =	shalt  }
0x86: {  	_ =	shalt  }
0x87: {  	_ =	shalt  }
.Lfunc_end0:
.L_simem_size_0:
called_computation.5_lowered:
.L_overlay_start_0:
0x88: {  	s2 =	sld [smem:$0x3FD9]  }
0x89: {  	s3 =	sld [smem:$0x3FFE];
	_ =	sdelay $0x1  }
0x8a: {  	s1 =	srdreg.scid  }
0x8b: {  	s0 =	sand.u32 $0x1, s1  }
0x8c: {  	s16 =	sshll.u32 s0, $0xA;
	s2 =	sadd.s32 s3, s2  }
0x8d: {  	s2 =	sadd.s32 s2, s16  }
0x8e: {  	[smem:$0x3FB2] =	sst s2  }
0x8f: {  	_ = 	snop  }
0x90: {  	(tm) =	ssettm $0x1  }
0x91: {  	s17 =	sld [smem:$0x3FFB];
	_ =	sdelay $0x3  }
0x92: {  	_ =	strace s17  }
0x93: {  	s2 =	sld [smem:$0x3FFC];
	_ =	sdelay $0x3  }
0x94: {  	_ =	strace s2  }
0x95: {  	s2 =	sld [smem:$0x3FFD];
	_ =	sdelay $0x3  }
0x96: {  	_ =	strace s2  }
0x97: {  	_ =	strace $0x8FFFFFFF  }
0x98: {  	s18 =	sld [smem:$0x3FDB];
	_ =	sdelay $0x1  }
0x99: {  	s19 =	simm.s32 $_scs_section_size  }
0x9a: {  	s4 =	simm.s32 $_size__tile_overlayer_lowered;
	s5 =	simm.s32 $_tile_overlayer_lowered  }
0x9b: {  	s22 =	simm.s32 $0x1BFF;
	s21 =	sshll.u32 s5, $0x1;
	s2 =	sadd.s32 s19, s18  }
0x9c: {  	s6 =	simm.s32 $0x0;
	s20 =	sshll.u32 s4, $0x1;
	s4 =	sadd.s32 s21, s2  }
0x9d: {  	[timem:s6], [sflag:s22] =	dma.local [hbm:s4], s20  }
0x9e: {  	_ =	swait.ge [sflag:s22], s20  }
0x9f: {  	s3 =	ssub.s32 $0x0, s20;
	[sflag:s22] =	ssyncset.done $0x0  }
0xa0: {  	[sflag:s22] =	ssyncadd.s32 s3;
	_ =	sdelay $0x1  }
0xa1: {  	s23 =	simm.s32 $0x1B8B  }
0xa2: {  	_ =	swait.ge [sflag:s23], $0x1  }
0xa3: {  	[sflag:s23] =	ssyncset.done $0x0  }
0xa4: {  	s25 =	simm.s32 $0x1B8E;
	s24 =	sld [smem:$0x3FFE];
	[sflag:s23] =	ssyncadd.s32 $0xFFFFFFFF  }
0xa5: {  	s26 =	simm.s32 $execute0_lowered;
	[smem:$0x3FD2] =	sst s25  }
0xa6: {  	s4 =	sshll.u32 s26, $0x1;
	_ =	strace $0x80000055;
	[dreg:$0x1] =	wrdreg $0xFFFFFFFF  }
0xa7: {  	s28 =	simm.s32 $_size_execute0_lowered;
	s2 =	sadd.s32 s2, s4;
	[dreg:$0x0] =	wrdreg $0x0  }
0xa8: {  	s4 =	sshll.u32 s28, $0x1;
	[dreg:$0x2] =	wrdreg s2  }
0xa9: {  	[dreg:$0x3] =	wrdreg s4  }
0xaa: {  	[dreg:$0x4] =	wrdreg $0xC0  }
0xab: {  	_ =	task [dreg:s6], $0x5FFFF  }
0xac: {  	[dreg:$0x1] =	wrdreg $0xFFFFFFFF  }
0xad: {  	[dreg:$0x0] =	wrdreg $0x60  }
0xae: {  	[dreg:$0x2] =	wrdreg s24  }
0xaf: {  	[dreg:$0x3] =	wrdreg $0x8A000  }
0xb0: {  	[dreg:$0x4] =	wrdreg $0x9  }
0xb1: {  	_ =	task.clear_ibuf [dreg:s6], $0x5FFFF;
	_ =	strace $0x90000055  }
0xb2: {  	s29 =	simm.s32 $0x9;
	_ =	strace $0x80000057  }
0xb3: {  	_ =	swait.ge [sflag:s29], $0x1  }
0xb4: {  	[sflag:s29] =	ssyncadd.s32 $0xFFFFFFFF  }
0xb5: {  	_ =	strace $0x90000057  }
0xb6: {  	_ =	sfence  }
0xb7: {  	s30 =	sld [smem:$0x0];
	_ =	sdelay $0x2  }
0xb8: {  	s31 =	sshll.u32 s1, $0xD;
	s1 =	sshrl.u32 s1, $0x2  }
0xb9: {  	s3 =	sand.u32 $0x4000, s31;
	s1 =	sadd.s32 s1, s30  }
0xba: {  	s0 =	sor.u32 s3, s0;
	s1 =	sshll.u32 s1, $0x11  }
0xbb: {  	s0 =	sor.u32 s1, s0  }
0xbc: {  	s0 =	sadd.s32 $0x8F2B, s0  }
0xbd: {  	[sflag:s0] =	ssyncadd.remote.s32 $0x1  }
0xbe: {  	_ =	sfence.sel $0xFFFF  }
0xbf: {  	[dreg:$0x0] =	wrdreg $0xFFFFFFFF;
	(pc) =	sbr.abs _section_cstart, $3  }
0xc0: {  	[dreg:$0x1] =	wrdreg $0xFFFFFFFF  }
0xc1: {  	_ =	task.clear_ibuf [dreg:s6], $0x2FFFF;
	_ =	strace $0x9FFFFFFF  }
0xc2: {  	(tm) =	ssettm $0x7FFFFFFF  }
0xc3: {  	_ =	shalt  }
tec
execute0_lowered:
.L_overlay_start_1:
0x0: {  	(tag) =	ssettag $0x1  }
0x1: {  	s4 =	rddreg [dreg:$0x0]  }
0x2: {  	s2 =	rddreg [dreg:$0x1];
	s19 =	simm.s32 $0x0  }
0x3: {  	s10 =	simm.s32 $0x8080;
	[smem:$0x7FF] =	sst s19  }
0x4: {  	s11 =	simm.s32 $0x800;
	_ =	strace $0x80000056;
	[dreg:$0x4] =	wrdreg s10  }
0x5: {  	s12 =	simm.s32 $0x8100;
	[dreg:$0x5] =	wrdreg s11  }
0x6: {  	s9 =	stileid.u32;
	s13 =	simm.s32 $0x1000;
	[dreg:$0x6] =	wrdreg s12  }
0x7: {  	s0 =	srdreg.scid;
	s14 =	simm.s32 $0x8180;
	[dreg:$0x7] =	wrdreg s13  }
0x8: {  	s15 =	simm.s32 $0x1800;
	s16 =	simm.s32 $0x8200;
	[dreg:$0x8] =	wrdreg s14  }
0x9: {  	s17 =	simm.s32 $0x2000;
	s18 =	simm.s32 $0x8280;
	[dreg:$0x9] =	wrdreg s15  }
0xa: {  	s21 =	simm.s32 $0x2800;
	s22 =	simm.s32 $0x8300;
	[dreg:$0xa] =	wrdreg s16  }
0xb: {  	s23 =	simm.s32 $0x3000;
	s24 =	simm.s32 $0x8380;
	[dreg:$0xb] =	wrdreg s17  }
0xc: {  	s26 =	simm.s32 $0x3800;
	s28 =	simm.s32 $0xA;
	[dreg:$0xc] =	wrdreg s18  }
0xd: {  	s29 =	simm.s32 $0xB;
	s1 =	smul.u32 $0xB000, s9;
	[dreg:$0xd] =	wrdreg s21  }
0xe: {  	s30 =	simm.s32 $0xC;
	s5 =	smul.u32 $0x16000, s9;
	[dreg:$0xe] =	wrdreg s22  }
0xf: {  	s0 =	sand.u32 $0x1, s0;
	s8 =	smul.u32 $0x31000, s9;
	[dreg:$0xf] =	wrdreg s23  }
0x10: {  	s31 =	simm.s32 $0xD;
	s3 =	smul.u32 $0x5800, s0;
	[dreg:$0x10] =	wrdreg s24  }
0x11: {  	s6 =	smul.u32 $0x18800, s0;
	[dreg:$0x11] =	wrdreg s26;
	s11 =	simm.s32 $0x4000  }
0x12: {  	s20 =	ssub.s32 $0x2, s0;
	s12 =	simm.s32 $0x8480;
	[dreg:$0x13] =	wrdreg s11  }
0x13: {  	s10 =	smul.u32 $0xC400, s9;
	s13 =	simm.s32 $0x4800;
	[dreg:$0x14] =	wrdreg s12  }
0x14: {  	s14 =	simm.s32 $0x8500;
	s0 =	smul.u32 $0xB000, s0;
	[dreg:$0x15] =	wrdreg s13  }
0x15: {  	s15 =	simm.s32 $0x5000;
	s17 =	simm.s32 $0x8580;
	[dreg:$0x16] =	wrdreg s14  }
0x16: {  	s18 =	simm.s32 $0x5800;
	s21 =	simm.s32 $0x6000;
	[dreg:$0x17] =	wrdreg s15  }
0x17: {  	s22 =	simm.s32 $0x8680;
	s9 =	simm.s32 $0x8000;
	[dreg:$0x18] =	wrdreg s17  }
0x18: {  	s5 =	sadd.s32 s5, s4;
	s7 =	sshrl.u32 s20, $0x1;
	[dreg:$0x19] =	wrdreg s18  }
0x19: {  	s25 =	sshrl.u32 s8, $0x2;
	s8 =	simm.s32 $0x8400;
	[dreg:$0x1b] =	wrdreg s21  }
0x1a: {  	[dreg:$0x1c] =	wrdreg s22;
	s11 =	simm.s32 $0x6800;
	s12 =	simm.s32 $0x8700  }
0x1b: {  	s13 =	simm.s32 $0x7000;
	s14 =	simm.s32 $0x8780;
	s15 =	simm.s32 $0x7800  }
0x1c: {  	s17 =	simm.s32 $0x2;
	s18 =	simm.s32 $0x3;
	s21 =	simm.s32 $0x6  }
0x1d: {  	s22 =	simm.s32 $0x7;
	s1 =	sadd.s32 s3, s1;
	s6 =	sadd.s32 s6, s4  }
0x1e: {  	s7 =	ssub.s32 s20, s7;
	s3 =	sadd.s32 s25, s2;
	[dreg:$0x12] =	wrdreg s8  }
0x1f: {  	s23 =	sshrl.u32 s10, $0x3;
	s25 =	sadd.s32 s10, s2;
	s0 =	sadd.s32 s0, s5  }
0x20: {  	s20 =	simm.s32 $0x8600;
	s8 =	simm.s32 $0x11;
	s10 =	simm.s32 $0x80  }
0x21: {  	s5 =	simm.s32 $0x10;
	s1 =	sshrl.u32 s1, $0x3;
	[dreg:$0x1a] =	wrdreg s20  }
0x22: {  	s6 =	sadd.s32 $0x17B400, s6;
	s16 =	smax.u32 s7, $0x1;
	[dreg:$0x1d] =	wrdreg s3  }
0x23: {  	s0 =	sadd.s32 $0x1B400, s0;
	s20 =	simm.s32 $0x4;
	[dreg:$0x1e] =	wrdreg s16  }
0x24: {  	s26 =	sshrl.u32 s25, $0x3;
	s1 =	sadd.s32 s1, s4;
	[dreg:$0x1f] =	wrdreg s0  }
0x25: {  	s4 =	simm.s32 $0x8800;
	s16 =	simm.s32 $0x1;
	s24 =	sadd.s32 s23, s6  }
0x26: {  	[smem:$0x7FD] =	sst s26;
	s26 =	simm.s32 $0x9;
	s0 =	simm.s32 $0xF  }
0x27: {  	s6 =	simm.s32 $0x0;
	s1 =	sadd.s32 $0x5400, s1;
	[smem:$0x7FC] =	sst s24  }
0x28: {  	v0 =	vimm.f32 $0.0e+00;
	s24 =	simm.s32 $0x8;
	[dreg:$0x3] =	wrdreg s1;
	s1 =	simm.s32 $0xE  }
.LBB2_1:
0x29: {  	[tilespmem:$0x8800] =	vst v0  }
0x2a: {  	[tilespmem:$0x8810] =	vst v0  }
0x2b: {  	[tilespmem:$0x8820] =	vst v0  }
0x2c: {  	[tilespmem:$0x8830] =	vst v0  }
0x2d: {  	[tilespmem:$0x8840] =	vst v0  }
0x2e: {  	[tilespmem:$0x8850] =	vst v0  }
0x2f: {  	[tilespmem:$0x8860] =	vst v0  }
0x30: {  	[tilespmem:$0x8870] =	vst v0  }
0x31: {  	[tilespmem:$0x8880] =	vst v0  }
0x32: {  	[tilespmem:$0x8890] =	vst v0  }
0x33: {  	[tilespmem:$0x88A0] =	vst v0  }
0x34: {  	[tilespmem:$0x88B0] =	vst v0  }
0x35: {  	[tilespmem:$0x88C0] =	vst v0  }
0x36: {  	[tilespmem:$0x88D0] =	vst v0  }
0x37: {  	[tilespmem:$0x88E0] =	vst v0  }
0x38: {  	[tilespmem:$0x88F0] =	vst v0  }
0x39: {  	[tilespmem:$0x8900] =	vst v0  }
0x3a: {  	[tilespmem:$0x8910] =	vst v0  }
0x3b: {  	[tilespmem:$0x8920] =	vst v0  }
0x3c: {  	[tilespmem:$0x8930] =	vst v0  }
0x3d: {  	[tilespmem:$0x8940] =	vst v0  }
0x3e: {  	[tilespmem:$0x8950] =	vst v0  }
0x3f: {  	[tilespmem:$0x8960] =	vst v0  }
0x40: {  	[tilespmem:$0x8970] =	vst v0  }
0x41: {  	[tilespmem:$0x8980] =	vst v0  }
0x42: {  	[tilespmem:$0x8990] =	vst v0  }
0x43: {  	[tilespmem:$0x89A0] =	vst v0  }
0x44: {  	[tilespmem:$0x89B0] =	vst v0  }
0x45: {  	[tilespmem:$0x89C0] =	vst v0  }
0x46: {  	[tilespmem:$0x89D0] =	vst v0  }
0x47: {  	[tilespmem:$0x89E0] =	vst v0  }
0x48: {  	[smem:$0x7FB] =	sst s6;
	[tilespmem:$0x89F0] =	vst v0;
	s25 =	sadd.s32 $0x0, s3  }
0x49: {  	[spmem:s25] =	stream.linear.scatter [tilespmem:s4], [sflag:$0x11], $0x200, $0x38;
	[tilespmem:$0x14E00] =	vst v63  }
0x4a: {  	s6 =	simm.s32 $0x800;
	_ =	swait.ge [sflag:s8], $0x200  }
.LBB2_2:
0x4b: {  	s7 =	sshra.s32 s6, $0x2;
	[sflag:s8] =	ssyncset.done $0x0;
	p0 =	sne.s32 s6, $0x30800  }
.Ltmp0:
0x4c: {  	s7 =	sadd.s32 s7, s3;
	[sflag:s8] =	ssyncadd.s32 $0xFFFFFE00;
	(pc) =	sbr.rel @p0 .LBB2_2-.Ltmp0, $3  }
0x4d: {  	[spmem:s7] =	stream.linear.scatter [tilespmem:s4], [sflag:$0x11], $0x200, $0x38;
	[tilespmem:$0x14E00] =	vst v63  }
0x4e: {  	s6 =	sadd.s32 $0x800, s6;
	_ =	sdelay $0x1  }
0x4f: {  	_ =	swait.ge [sflag:s8], $0x200  }
0x50: {  	[sflag:s8] =	ssyncset.done $0x0  }
0x51: {  	[sflag:s8] =	ssyncadd.s32 $0xFFFFFE00  }
0x52: {  	[bflag:$0x0] =	sbarrier.arrive $0xFFFF  }
0x53: {  	s3 =	rddreg [dreg:$0x1f]  }
0x54: {  	[tilespmem:s19], [sflag:$0x11] =	stream.linear.gather [hbm4b:s3+s19], $0x8000, $0x38;
	[tilespmem:$0x14E00] =	vst v63  }
0x55: {  	_ =	swait.ge [sflag:s8], $0x8000  }
0x56: {  	s6 =	rddreg [dreg:$0x3];
	[sflag:s8] =	ssyncset.done $0x0  }
0x57: {  	[sflag:s8] =	ssyncadd.s32 $0xFFFF8000;
	s6 =	sadd.s32 $0x0, s6  }
0x58: {  	[tilespmem:s9], [sflag:$0x11] =	stream.linear.gather [hbm4b:s6+s19], $0x800, $0x38;
	[tilespmem:$0x14E00] =	vst v63  }
0x59: {  	_ =	swait.ge [sflag:s8], $0x800  }
0x5a: {  	s4 =	rddreg [dreg:$0x6]  }
0x5b: {  	[sflag:s8] =	ssyncset.done $0x0;
	s7 =	rddreg [dreg:$0x4]  }
0x5c: {  	s23 =	rddreg [dreg:$0x5];
	[sflag:s8] =	ssyncadd.s32 $0xFFFFF800  }
0x5d: {  	[spmem:s2] =	stream.indirect.scatter.add.f32 [tilespmem:s19], [sflag:$0x1], $0x10, s9, s10, $0xb8;
	[tilespmem:$0x14E00] =	vst v63  }
0x5e: {  	s25 =	rddreg [dreg:$0x7]  }
0x5f: {  	[spmem:s2] =	stream.indirect.scatter.add.f32 [tilespmem:s23], [sflag:$0x2], $0x10, s7, s10, $0xb8;
	[tilespmem:$0x14E00] =	vst v63  }
0x60: {  	s7 =	rddreg [dreg:$0x8]  }
0x61: {  	s23 =	rddreg [dreg:$0x9]  }
0x62: {  	[spmem:s2] =	stream.indirect.scatter.add.f32 [tilespmem:s25], [sflag:$0x3], $0x10, s4, s10, $0xb8;
	[tilespmem:$0x14E00] =	vst v63  }
0x63: {  	s25 =	rddreg [dreg:$0xb]  }
0x64: {  	s4 =	rddreg [dreg:$0xa]  }
0x65: {  	[spmem:s2] =	stream.indirect.scatter.add.f32 [tilespmem:s23], [sflag:$0x4], $0x10, s7, s10, $0xb8;
	[tilespmem:$0x14E00] =	vst v63  }
0x66: {  	s7 =	rddreg [dreg:$0xd]  }
0x67: {  	s23 =	rddreg [dreg:$0xc]  }
0x68: {  	[spmem:s2] =	stream.indirect.scatter.add.f32 [tilespmem:s25], [sflag:$0x5], $0x10, s4, s10, $0xb8;
	[tilespmem:$0x14E00] =	vst v63  }
0x69: {  	s25 =	rddreg [dreg:$0xf]  }
0x6a: {  	s4 =	rddreg [dreg:$0xe]  }
0x6b: {  	[spmem:s2] =	stream.indirect.scatter.add.f32 [tilespmem:s7], [sflag:$0x6], $0x10, s23, s10, $0xb8;
	[tilespmem:$0x14E00] =	vst v63  }
0x6c: {  	s7 =	rddreg [dreg:$0x11]  }
0x6d: {  	s23 =	rddreg [dreg:$0x10]  }
0x6e: {  	[spmem:s2] =	stream.indirect.scatter.add.f32 [tilespmem:s25], [sflag:$0x7], $0x10, s4, s10, $0xb8;
	[tilespmem:$0x14E00] =	vst v63  }
0x6f: {  	s25 =	rddreg [dreg:$0x13]  }
0x70: {  	s4 =	rddreg [dreg:$0x12]  }
0x71: {  	[spmem:s2] =	stream.indirect.scatter.add.f32 [tilespmem:s7], [sflag:$0x8], $0x10, s23, s10, $0xb8;
	[tilespmem:$0x14E00] =	vst v63  }
0x72: {  	s7 =	rddreg [dreg:$0x15]  }
0x73: {  	s23 =	rddreg [dreg:$0x14]  }
0x74: {  	[spmem:s2] =	stream.indirect.scatter.add.f32 [tilespmem:s25], [sflag:$0x9], $0x10, s4, s10, $0xb8;
	[tilespmem:$0x14E00] =	vst v63  }
0x75: {  	s25 =	rddreg [dreg:$0x17]  }
0x76: {  	s4 =	rddreg [dreg:$0x16]  }
0x77: {  	[spmem:s2] =	stream.indirect.scatter.add.f32 [tilespmem:s7], [sflag:$0xA], $0x10, s23, s10, $0xb8;
	[tilespmem:$0x14E00] =	vst v63  }
0x78: {  	s7 =	rddreg [dreg:$0x19]  }
0x79: {  	s23 =	rddreg [dreg:$0x18]  }
0x7a: {  	[spmem:s2] =	stream.indirect.scatter.add.f32 [tilespmem:s25], [sflag:$0xB], $0x10, s4, s10, $0xb8;
	[tilespmem:$0x14E00] =	vst v63  }
0x7b: {  	s25 =	rddreg [dreg:$0x1b]  }
0x7c: {  	[spmem:s2] =	stream.indirect.scatter.add.f32 [tilespmem:s7], [sflag:$0xC], $0x10, s23, s10, $0xb8;
	[tilespmem:$0x14E00] =	vst v63  }
0x7d: {  	s4 =	rddreg [dreg:$0x1a]  }
0x7e: {  	[spmem:s2] =	stream.indirect.scatter.add.f32 [tilespmem:s25], [sflag:$0xD], $0x10, s4, s10, $0xb8;
	[tilespmem:$0x14E00] =	vst v63  }
0x7f: {  	s23 =	rddreg [dreg:$0x1c]  }
0x80: {  	[spmem:s2] =	stream.indirect.scatter.add.f32 [tilespmem:s11], [sflag:$0xE], $0x10, s23, s10, $0xb8;
	[tilespmem:$0x14E00] =	vst v63  }
0x81: {  	_ = 	snop  }
0x82: {  	[spmem:s2] =	stream.indirect.scatter.add.f32 [tilespmem:s13], [sflag:$0xF], $0x10, s12, s10, $0xb8;
	[tilespmem:$0x14E00] =	vst v63  }
0x83: {  	_ = 	snop  }
0x84: {  	[spmem:s2] =	stream.indirect.scatter.add.f32 [tilespmem:s15], [sflag:$0x10], $0x10, s14, s10, $0xb8;
	[tilespmem:$0x14E00] =	vst v63  }
0x85: {  	_ =	swait.ge [sflag:s16], $0x800  }
0x86: {  	[sflag:s16] =	ssyncset.done $0x0  }
0x87: {  	[sflag:s16] =	ssyncadd.s32 $0xFFFFF800  }
0x88: {  	_ =	swait.ge [sflag:s17], $0x800  }
0x89: {  	[sflag:s17] =	ssyncset.done $0x0  }
0x8a: {  	[sflag:s17] =	ssyncadd.s32 $0xFFFFF800  }
0x8b: {  	_ =	swait.ge [sflag:s18], $0x800  }
0x8c: {  	[sflag:s18] =	ssyncset.done $0x0  }
0x8d: {  	[sflag:s18] =	ssyncadd.s32 $0xFFFFF800  }
0x8e: {  	_ =	swait.ge [sflag:s20], $0x800  }
0x8f: {  	[sflag:s20] =	ssyncset.done $0x0  }
0x90: {  	s4 =	simm.s32 $0x5;
	[sflag:s20] =	ssyncadd.s32 $0xFFFFF800  }
0x91: {  	_ =	swait.ge [sflag:s4], $0x800  }
0x92: {  	[sflag:s4] =	ssyncset.done $0x0  }
0x93: {  	[sflag:s4] =	ssyncadd.s32 $0xFFFFF800  }
0x94: {  	_ =	swait.ge [sflag:s21], $0x800  }
0x95: {  	[sflag:s21] =	ssyncset.done $0x0  }
0x96: {  	[sflag:s21] =	ssyncadd.s32 $0xFFFFF800  }
0x97: {  	_ =	swait.ge [sflag:s22], $0x800  }
0x98: {  	[sflag:s22] =	ssyncset.done $0x0  }
0x99: {  	[sflag:s22] =	ssyncadd.s32 $0xFFFFF800  }
0x9a: {  	_ =	swait.ge [sflag:s24], $0x800  }
0x9b: {  	[sflag:s24] =	ssyncset.done $0x0  }
0x9c: {  	[sflag:s24] =	ssyncadd.s32 $0xFFFFF800  }
0x9d: {  	_ =	swait.ge [sflag:s26], $0x800  }
0x9e: {  	[sflag:s26] =	ssyncset.done $0x0  }
0x9f: {  	[sflag:s26] =	ssyncadd.s32 $0xFFFFF800  }
0xa0: {  	_ =	swait.ge [sflag:s28], $0x800  }
0xa1: {  	[sflag:s28] =	ssyncset.done $0x0  }
0xa2: {  	[sflag:s28] =	ssyncadd.s32 $0xFFFFF800  }
0xa3: {  	_ =	swait.ge [sflag:s29], $0x800  }
0xa4: {  	[sflag:s29] =	ssyncset.done $0x0  }
0xa5: {  	[sflag:s29] =	ssyncadd.s32 $0xFFFFF800  }
0xa6: {  	_ =	swait.ge [sflag:s30], $0x800  }
0xa7: {  	[sflag:s30] =	ssyncset.done $0x0  }
0xa8: {  	s6 =	smov.u32 s3;
	s25 =	simm.s32 $0x100;
	[sflag:s30] =	ssyncadd.s32 $0xFFFFF800  }
.LBB2_4:
0xa9: {  	_ =	swait.ge [sflag:s31], $0x800  }
0xaa: {  	[sflag:s31] =	ssyncset.done $0x0  }
0xab: {  	[sflag:s31] =	ssyncadd.s32 $0xFFFFF800  }
0xac: {  	_ =	swait.ge [sflag:s1], $0x800  }
0xad: {  	[sflag:s1] =	ssyncset.done $0x0  }
0xae: {  	[sflag:s1] =	ssyncadd.s32 $0xFFFFF800  }
0xaf: {  	_ =	swait.ge [sflag:s0], $0x800  }
0xb0: {  	[sflag:s0] =	ssyncset.done $0x0  }
0xb1: {  	[sflag:s0] =	ssyncadd.s32 $0xFFFFF800  }
0xb2: {  	_ =	swait.ge [sflag:s5], $0x800  }
0xb3: {  	[sflag:s5] =	ssyncset.done $0x0  }
0xb4: {  	s6 =	sadd.s32 $0x1000, s6;
	[sflag:s5] =	ssyncadd.s32 $0xFFFFF800  }
0xb5: {  	[tilespmem:s19], [sflag:$0x11] =	stream.linear.gather [hbm4b:s6+s19], $0x8000, $0x38;
	[tilespmem:$0x14E00] =	vst v63  }
0xb6: {  	_ =	swait.ge [sflag:s8], $0x8000  }
0xb7: {  	s7 =	smov.u32 s25;
	s23 =	rddreg [dreg:$0x3];
	[sflag:s8] =	ssyncset.done $0x0  }
0xb8: {  	[sflag:s8] =	ssyncadd.s32 $0xFFFF8000;
	s7 =	sadd.s32 s7, s23  }
0xb9: {  	[tilespmem:s9], [sflag:$0x11] =	stream.linear.gather [hbm4b:s7+s19], $0x800, $0x38;
	[tilespmem:$0x14E00] =	vst v63  }
0xba: {  	_ =	swait.ge [sflag:s8], $0x800  }
0xbb: {  	s23 =	rddreg [dreg:$0x1b]  }
0xbc: {  	s7 =	rddreg [dreg:$0x19]  }
0xbd: {  	s11 =	rddreg [dreg:$0x17]  }
0xbe: {  	s12 =	rddreg [dreg:$0x15]  }
0xbf: {  	s13 =	rddreg [dreg:$0x13]  }
0xc0: {  	s14 =	rddreg [dreg:$0x11]  }
0xc1: {  	s15 =	rddreg [dreg:$0xf]  }
0xc2: {  	s4 =	rddreg [dreg:$0xd]  }
0xc3: {  	s9 =	rddreg [dreg:$0xb]  }
0xc4: {  	s3 =	rddreg [dreg:$0x8]  }
0xc5: {  	[sflag:s8] =	ssyncset.done $0x0;
	s16 =	rddreg [dreg:$0x6]  }
0xc6: {  	s20 =	simm.s32 $0x8000;
	s17 =	rddreg [dreg:$0x4];
	[sflag:s8] =	ssyncadd.s32 $0xFFFFF800  }
0xc7: {  	[spmem:s2] =	stream.indirect.scatter.add.f32 [tilespmem:s19], [sflag:$0x1], $0x10, s20, s10, $0xb8;
	[tilespmem:$0x14E00] =	vst v63  }
0xc8: {  	s18 =	rddreg [dreg:$0x5]  }
0xc9: {  	[spmem:s2] =	stream.indirect.scatter.add.f32 [tilespmem:s18], [sflag:$0x2], $0x10, s17, s10, $0xb8;
	[tilespmem:$0x14E00] =	vst v63  }
0xca: {  	s19 =	rddreg [dreg:$0x7]  }
0xcb: {  	[spmem:s2] =	stream.indirect.scatter.add.f32 [tilespmem:s19], [sflag:$0x3], $0x10, s16, s10, $0xb8;
	[tilespmem:$0x14E00] =	vst v63  }
0xcc: {  	s17 =	rddreg [dreg:$0x9]  }
0xcd: {  	[spmem:s2] =	stream.indirect.scatter.add.f32 [tilespmem:s17], [sflag:$0x4], $0x10, s3, s10, $0xb8;
	[tilespmem:$0x14E00] =	vst v63  }
0xce: {  	s16 =	rddreg [dreg:$0xa]  }
0xcf: {  	[spmem:s2] =	stream.indirect.scatter.add.f32 [tilespmem:s9], [sflag:$0x5], $0x10, s16, s10, $0xb8;
	[tilespmem:$0x14E00] =	vst v63  }
0xd0: {  	s3 =	rddreg [dreg:$0xc]  }
0xd1: {  	[spmem:s2] =	stream.indirect.scatter.add.f32 [tilespmem:s4], [sflag:$0x6], $0x10, s3, s10, $0xb8;
	[tilespmem:$0x14E00] =	vst v63  }
0xd2: {  	s9 =	rddreg [dreg:$0xe]  }
0xd3: {  	[spmem:s2] =	stream.indirect.scatter.add.f32 [tilespmem:s15], [sflag:$0x7], $0x10, s9, s10, $0xb8;
	[tilespmem:$0x14E00] =	vst v63  }
0xd4: {  	s3 =	rddreg [dreg:$0x10]  }
0xd5: {  	[spmem:s2] =	stream.indirect.scatter.add.f32 [tilespmem:s14], [sflag:$0x8], $0x10, s3, s10, $0xb8;
	[tilespmem:$0x14E00] =	vst v63  }
0xd6: {  	s4 =	rddreg [dreg:$0x12]  }
0xd7: {  	[spmem:s2] =	stream.indirect.scatter.add.f32 [tilespmem:s13], [sflag:$0x9], $0x10, s4, s10, $0xb8;
	[tilespmem:$0x14E00] =	vst v63  }
0xd8: {  	s3 =	rddreg [dreg:$0x14]  }
0xd9: {  	[spmem:s2] =	stream.indirect.scatter.add.f32 [tilespmem:s12], [sflag:$0xA], $0x10, s3, s10, $0xb8;
	[tilespmem:$0x14E00] =	vst v63  }
0xda: {  	s4 =	rddreg [dreg:$0x16]  }
0xdb: {  	[spmem:s2] =	stream.indirect.scatter.add.f32 [tilespmem:s11], [sflag:$0xB], $0x10, s4, s10, $0xb8;
	[tilespmem:$0x14E00] =	vst v63  }
0xdc: {  	s3 =	rddreg [dreg:$0x18]  }
0xdd: {  	[spmem:s2] =	stream.indirect.scatter.add.f32 [tilespmem:s7], [sflag:$0xC], $0x10, s3, s10, $0xb8;
	[tilespmem:$0x14E00] =	vst v63  }
0xde: {  	s4 =	rddreg [dreg:$0x1a]  }
0xdf: {  	[spmem:s2] =	stream.indirect.scatter.add.f32 [tilespmem:s23], [sflag:$0xD], $0x10, s4, s10, $0xb8;
	[tilespmem:$0x14E00] =	vst v63  }
0xe0: {  	s11 =	simm.s32 $0x6800;
	s3 =	rddreg [dreg:$0x1c]  }
0xe1: {  	[spmem:s2] =	stream.indirect.scatter.add.f32 [tilespmem:s11], [sflag:$0xE], $0x10, s3, s10, $0xb8;
	[tilespmem:$0x14E00] =	vst v63  }
0xe2: {  	s13 =	simm.s32 $0x7000;
	s12 =	simm.s32 $0x8700  }
0xe3: {  	[spmem:s2] =	stream.indirect.scatter.add.f32 [tilespmem:s13], [sflag:$0xF], $0x10, s12, s10, $0xb8;
	[tilespmem:$0x14E00] =	vst v63  }
0xe4: {  	s16 =	simm.s32 $0x1;
	s15 =	simm.s32 $0x7800;
	s14 =	simm.s32 $0x8780  }
0xe5: {  	[spmem:s2] =	stream.indirect.scatter.add.f32 [tilespmem:s15], [sflag:$0x10], $0x10, s14, s10, $0xb8;
	[tilespmem:$0x14E00] =	vst v63  }
0xe6: {  	_ =	swait.ge [sflag:s16], $0x800  }
0xe7: {  	[sflag:s16] =	ssyncset.done $0x0  }
0xe8: {  	s17 =	simm.s32 $0x2;
	[sflag:s16] =	ssyncadd.s32 $0xFFFFF800  }
0xe9: {  	_ =	swait.ge [sflag:s17], $0x800  }
0xea: {  	[sflag:s17] =	ssyncset.done $0x0  }
0xeb: {  	s18 =	simm.s32 $0x3;
	[sflag:s17] =	ssyncadd.s32 $0xFFFFF800  }
0xec: {  	_ =	swait.ge [sflag:s18], $0x800  }
0xed: {  	[sflag:s18] =	ssyncset.done $0x0  }
0xee: {  	s20 =	simm.s32 $0x4;
	[sflag:s18] =	ssyncadd.s32 $0xFFFFF800  }
0xef: {  	_ =	swait.ge [sflag:s20], $0x800  }
0xf0: {  	[sflag:s20] =	ssyncset.done $0x0  }
0xf1: {  	s7 =	simm.s32 $0x5;
	[sflag:s20] =	ssyncadd.s32 $0xFFFFF800  }
0xf2: {  	_ =	swait.ge [sflag:s7], $0x800  }
0xf3: {  	[sflag:s7] =	ssyncset.done $0x0  }
0xf4: {  	[sflag:s7] =	ssyncadd.s32 $0xFFFFF800  }
0xf5: {  	_ =	swait.ge [sflag:s21], $0x800  }
0xf6: {  	[sflag:s21] =	ssyncset.done $0x0  }
0xf7: {  	[sflag:s21] =	ssyncadd.s32 $0xFFFFF800  }
0xf8: {  	_ =	swait.ge [sflag:s22], $0x800  }
0xf9: {  	[sflag:s22] =	ssyncset.done $0x0  }
0xfa: {  	[sflag:s22] =	ssyncadd.s32 $0xFFFFF800  }
0xfb: {  	_ =	swait.ge [sflag:s24], $0x800  }
0xfc: {  	[sflag:s24] =	ssyncset.done $0x0  }
0xfd: {  	[sflag:s24] =	ssyncadd.s32 $0xFFFFF800  }
0xfe: {  	_ =	swait.ge [sflag:s26], $0x800  }
0xff: {  	[sflag:s26] =	ssyncset.done $0x0  }
0x100: {  	[sflag:s26] =	ssyncadd.s32 $0xFFFFF800  }
0x101: {  	_ =	swait.ge [sflag:s28], $0x800  }
0x102: {  	[sflag:s28] =	ssyncset.done $0x0  }
0x103: {  	[sflag:s28] =	ssyncadd.s32 $0xFFFFF800  }
0x104: {  	p0 =	sne.s32 s25, $0xA00;
	_ =	swait.ge [sflag:s29], $0x800  }
.Ltmp1:
0x105: {  	[sflag:s29] =	ssyncset.done $0x0;
	(pc) =	sbr.rel @p0 .LBB2_4-.Ltmp1, $4  }
0x106: {  	[sflag:s29] =	ssyncadd.s32 $0xFFFFF800  }
0x107: {  	_ =	swait.ge [sflag:s30], $0x800  }
0x108: {  	s25 =	sadd.s32 $0x100, s25;
	[sflag:s30] =	ssyncset.done $0x0  }
0x109: {  	s19 =	simm.s32 $0x0;
	s9 =	simm.s32 $0x8000;
	[sflag:s30] =	ssyncadd.s32 $0xFFFFF800  }
0x10a: {  	_ =	swait.ge [sflag:s31], $0x800  }
0x10b: {  	[sflag:s31] =	ssyncset.done $0x0  }
0x10c: {  	[sflag:s31] =	ssyncadd.s32 $0xFFFFF800  }
0x10d: {  	_ =	swait.ge [sflag:s1], $0x800  }
0x10e: {  	[sflag:s1] =	ssyncset.done $0x0  }
0x10f: {  	[sflag:s1] =	ssyncadd.s32 $0xFFFFF800  }
0x110: {  	_ =	swait.ge [sflag:s0], $0x800  }
0x111: {  	[sflag:s0] =	ssyncset.done $0x0  }
0x112: {  	[sflag:s0] =	ssyncadd.s32 $0xFFFFF800  }
0x113: {  	_ =	swait.ge [sflag:s5], $0x800  }
0x114: {  	[sflag:s5] =	ssyncset.done $0x0  }
0x115: {  	[sflag:s5] =	ssyncadd.s32 $0xFFFFF800  }
0x116: {  	[bflag:$0x0] =	sbarrier.arrive $0xFFFF  }
0x117: {  	s4 =	sld [smem:$0x7FC]  }
0x118: {  	s3 =	stileid.u32;
	s6 =	sld [smem:$0x7FD]  }
0x119: {  	s3 =	sshll.u32 s3, $0x6  }
0x11a: {  	s3 =	sor.u32 $0x1C11, s3  }
0x11b: {  	[hbm:s4], [sflag:s3] =	dma.local [spmem:s6], $0x1880  }
0x11c: {  	_ =	swait.ge [sflag:s8], $0x1880  }
0x11d: {  	s23 =	sld [smem:$0x7FB];
	_ =	sdelay $0x2  }
0x11e: {  	s25 =	rddreg [dreg:$0x1e];
	s6 =	sadd.s32 $0x1, s23  }
0x11f: {  	p0 =	sne.s32 s6, s25  }
.Ltmp2:
0x120: {  	_ = 	snop;
	(pc) =	sbr.rel @p0 .LBB2_1-.Ltmp2, $3  }
0x121: {  	_ =	sdelay $0x1  }
0x122: {  	[sflag:s8] =	ssyncset.done $0x0  }
0x123: {  	s4 =	simm.s32 $0x8800;
	s3 =	rddreg [dreg:$0x1d];
	[sflag:s8] =	ssyncadd.s32 $0xFFFFE780  }
0x124: {  	_ =	sfence.sel $0x180000  }
0x125: {  	[bflag:$0x0] =	sbarrier.arrive $0xFFFF  }
0x126: {  	_ =	strace $0x90000056  }
0x127: {  	s0 =	stileid.u32;
	[bflag:$0x2] =	sbarrier.arrive $0xFFFF  }
0x128: {  	p0 =	sne.s32 s0, $0x0;
	s0 =	rddreg [dreg:$0x2]  }
0x129: {  	s0 =	sadd.s32 @!p0 $0x100000, s0  }
0x12a: {  	[sflag:s0] =	ssyncadd.tile.s32 @!p0 $0x1;
	_ =	shalt  }
.Lfunc_end2:
_tile_overlayer_lowered:
.L_overlay_start_2:
0x12b: {  	(tag) =	ssettag $0x2  }
0x12c: {  	s0 =	rddreg [dreg:$0x0];
	s2 =	stileid.u32  }
0x12d: {  	s1 =	rddreg [dreg:$0x1];
	p0 =	sne.s32 s2, $0x0  }
0x12e: {  	s3 =	rddreg [dreg:$0x2];
	[bflag:$0x3] =	sbarrier.arrive $0xFFFF;
	s2 =	simm.s32 @!p0 $0x1C11  }
0x12f: {  	[timem:s3], [sflag:s2] =	dma.local @!p0 [hbm:s0], s1  }
0x130: {  	s0 =	simm.s32 @!p0 $0x11  }
0x131: {  	_ =	swait.ge @!p0 [sflag:s0], s1  }
0x132: {  	s1 =	ssub.s32 @!p0 $0x0, s1;
	[sflag:s0] =	ssyncset.done @!p0 $0x0  }
0x133: {  	[sflag:s0] =	ssyncadd.s32 @!p0 s1  }
0x134: {  	[bflag:$0x3] =	sbarrier.arrive $0xFFFF  }
0x135: {  	_ =	shalt  }

</sc_bundles>
